<compile_context>
chip_gen: v7x
topology: tpu7x:2x2x1
jax: 0.10.2.dev20260603
libtpu: 0.0.44.dev20260713+nightly
codegen_flags: <defaults>
</compile_context>

<pallas_src>
import jax
import jax.numpy as jnp
from jax import lax
from jax.experimental import pallas as pl
from jax.experimental.pallas import tpu as pltpu
from jax.experimental.pallas import tpu_sc as plsc

N_NODES = 10000
N_PAD = 10240
D_FEAT = 128
D1, D2, D3 = 64, 32, 16
N_EDGES = 320000
NW = 32
E_W = 10240
E_PAD = NW * E_W
N_PAIRS = 50000
P_W = 3328
P_PAD = NW * P_W // 2
PW_BLK = 256
ROWS_PER_TILE = N_PAD // 16
ZROWS = 640
CHB = 4


def _mesh():
    return plsc.VectorSubcoreMesh(core_axis_name="c", subcore_axis_name="s")


def _make_agg(d, w, with_deg, chb=CHB):
    blocks = E_W // w
    nch = blocks // chb
    cw = chb * w
    sb = w // 128
    out_type = [jax.ShapeDtypeStruct((2, N_PAD, d), jnp.float32)]
    scratch = [
        pltpu.VMEM((2 * cw,), jnp.int32),
        pltpu.VMEM((2 * chb * sb, 128), jnp.int32),
        pltpu.VMEM((2 * w, d), jnp.float32),
        pltpu.VMEM_SHARED((N_PAD, d), jnp.float32),
        pltpu.SemaphoreType.DMA,
        pltpu.SemaphoreType.DMA,
        pltpu.SemaphoreType.DMA,
    ]
    if with_deg:
        out_type.append(jax.ShapeDtypeStruct((2, N_PAD), jnp.float32))
        scratch += [
            pltpu.VMEM((128,), jnp.float32),
            pltpu.VMEM_SHARED((N_PAD,), jnp.float32),
            pltpu.SemaphoreType.DMA,
        ]

    def body(*refs):
        if with_deg:
            (t_hbm, srcm, dstm, zf, zd, part, degp,
             idx_s, idx_d, rows, acc, gsem0, gsem1, stsem,
             ones, dega, dsem) = refs
        else:
            (t_hbm, srcm, dstm, zf, part,
             idx_s, idx_d, rows, acc, gsem0, gsem1, stsem) = refs
        gsem = (gsem0, gsem1)
        c = lax.axis_index("c")
        s = lax.axis_index("s")
        wid = s * 2 + c
        r0 = s * ROWS_PER_TILE
        for k in range(ROWS_PER_TILE // ZROWS):
            pltpu.sync_copy(zf, acc.at[pl.ds(r0 + k * ZROWS, ZROWS)])
            if with_deg:
                pltpu.sync_copy(zd, dega.at[pl.ds(r0 + k * ZROWS, ZROWS)])
        if with_deg:
            for i in range(128 // 16):
                ones[pl.ds(i * 16, 16)] = jnp.full((16,), 1.0, jnp.float32)
        plsc.subcore_barrier()

        def buf(b):
            return rows.at[pl.ds(b * w, w)]

        def _stage_copies(ch, half):
            return (
                pltpu.make_async_copy(
                    srcm.at[pl.ds(wid * E_W + ch * cw, cw)],
                    idx_s.at[pl.ds(half * cw, cw)], stsem),
                pltpu.make_async_copy(
                    dstm.at[pl.ds((wid * E_W + ch * cw) // 128, chb * sb)],
                    idx_d.at[pl.ds(half * chb * sb, chb * sb)], stsem),
            )

        def stage(ch, half):
            for cp in _stage_copies(ch, half):
                cp.start()

        def stage_wait(ch, half):
            for cp in _stage_copies(ch, half):
                cp.wait()

        def gather(pos, b):
            pltpu.async_copy(t_hbm.at[idx_s.at[pl.ds(pos, w)]], buf(b),
                             gsem[b])

        def gather_wait(pos, b):
            pltpu.make_async_copy(t_hbm.at[idx_s.at[pl.ds(pos, w)]], buf(b),
                                  gsem[b]).wait()

        def scatter(half, j, b):
            for q in range(sb):
                drow = half * chb * sb + j * sb + q
                pltpu.sync_copy(rows.at[pl.ds(b * w + q * 128, 128)],
                                acc.at[idx_d.at[drow]], add=True)
                if with_deg:
                    pltpu.async_copy(ones, dega.at[idx_d.at[drow]], dsem,
                                     add=True)

        stage(0, 0)
        stage_wait(0, 0)
        gather(0, 0)

        def chunk_step(i, carry):
            half = lax.rem(i, 2)
            nxt = lax.rem(i + 1, 2)
            nch_i = lax.rem(i + 1, nch)
            stage(nch_i, nxt)
            for j in range(chb):
                b = j % 2
                pos = half * cw + j * w
                npos = pos + w if j + 1 < chb else nxt * cw
                gather_wait(pos, b)
                if j == chb - 1:
                    stage_wait(nch_i, nxt)
                gather(npos, 1 - b)
                scatter(half, j, b)
            return carry

        lax.fori_loop(0, nch, chunk_step, 0)
        gather_wait(0, 0)
        if with_deg:
            def deg_drain(i, carry):
                pltpu.make_async_copy(ones, dega.at[idx_d.at[0]],
                                      dsem).wait()
                return carry
            lax.fori_loop(0, blocks * sb, deg_drain, 0)
        plsc.subcore_barrier()
        pltpu.sync_copy(acc.at[pl.ds(r0, ROWS_PER_TILE)],
                        part.at[c].at[pl.ds(r0, ROWS_PER_TILE)])
        if with_deg:
            pltpu.sync_copy(dega.at[pl.ds(r0, ROWS_PER_TILE)],
                            degp.at[c].at[pl.ds(r0, ROWS_PER_TILE)])

    def agg(*args):
        return pl.kernel(body, out_type=tuple(out_type), mesh=_mesh(),
                         compiler_params=pltpu.CompilerParams(
                             use_tc_tiling_on_sc=False),
                         scratch_types=tuple(scratch))(*args)
    return agg


def _pair_gather_body(h3, pm, gout, idx, rows, sem0, sem1):
    c = lax.axis_index("c")
    s = lax.axis_index("s")
    wid = s * 2 + c
    pltpu.sync_copy(pm.at[pl.ds(wid * P_W, P_W)], idx)
    base = wid * P_W
    sems = (sem0, sem1)
    nb = P_W // PW_BLK

    def ib(j):
        return idx.at[pl.ds(j * PW_BLK, PW_BLK)]

    def buf(b):
        return rows.at[pl.ds(b * PW_BLK, PW_BLK)]

    def gather(j, b):
        pltpu.async_copy(h3.at[ib(j)], buf(b), sems[b])

    def emit(j, b):
        pltpu.make_async_copy(h3.at[ib(j)], buf(b), sems[b]).wait()
        pltpu.sync_copy(buf(b), gout.at[pl.ds(base + j * PW_BLK, PW_BLK)])

    gather(0, 0)
    gather(1, 1)

    def step(i, carry):
        j = i * 2
        emit(j, 0)
        gather(j + 2, 0)
        emit(j + 1, 1)
        gather(j + 3, 1)
        return carry

    lax.fori_loop(0, (nb - 3) // 2, step, 0)
    emit(nb - 3, 0)
    gather(nb - 1, 0)
    emit(nb - 2, 1)
    emit(nb - 1, 0)


def _pair_gather(h3, pm):
    out_type = jax.ShapeDtypeStruct((NW * P_W, D3), jnp.float32)
    scratch = (
        pltpu.VMEM((P_W,), jnp.int32),
        pltpu.VMEM((2 * PW_BLK, D3), jnp.float32),
        pltpu.SemaphoreType.DMA,
        pltpu.SemaphoreType.DMA,
    )
    return pl.kernel(_pair_gather_body, out_type=out_type, mesh=_mesh(),
                     compiler_params=pltpu.CompilerParams(
                         use_tc_tiling_on_sc=False),
                     scratch_types=scratch)(h3, pm)


def _make_layer_body(act):
    def body(p_ref, degt_ref, w_ref, b_ref, o_ref):
        acc = p_ref[0] + p_ref[1]
        dsum = degt_ref[:, 0:1] + degt_ref[:, 1:2]
        aggn = acc / jnp.maximum(dsum, 1.0)
        out = jnp.dot(aggn, w_ref[...],
                      preferred_element_type=jnp.float32) + b_ref[...]
        o_ref[...] = jnp.maximum(out, 0.0) if act else out
    return body


def _head_body(ga_ref, gb_ref, w1_ref, b1_ref, w2_ref, b2_ref, o_ref):
    feat = jnp.abs(ga_ref[...] - gb_ref[...])
    z = jnp.maximum(
        jnp.dot(feat, w1_ref[...],
                preferred_element_type=jnp.float32) + b1_ref[...], 0.0)
    o_ref[...] = jnp.dot(z, w2_ref[...],
                         preferred_element_type=jnp.float32) + b2_ref[...]


def _tc_call(body, out_shape, *args):
    return pl.pallas_call(
        body, out_shape=jax.ShapeDtypeStruct(out_shape, jnp.float32))(*args)


@jax.jit
def kernel(x, edge_index, pairs, W1, b1, W2, b2, W3, b3, Wh1, bh1, Wh2, bh2):
    x_pad = jnp.pad(x, ((0, N_PAD - N_NODES), (0, 0)))

    n_epad = E_PAD - N_EDGES
    pad_e = (N_NODES + (jnp.arange(n_epad, dtype=jnp.int32) % 128))
    srcm = jnp.concatenate([edge_index[0].astype(jnp.int32), pad_e])
    dstm = jnp.concatenate([edge_index[1].astype(jnp.int32), pad_e]
                           ).reshape(E_PAD // 128, 128)

    n_ppad = P_PAD - N_PAIRS
    pad_p = (N_NODES + (jnp.arange(n_ppad, dtype=jnp.int32) % 128))
    pcat = jnp.concatenate([pairs[:, 0].astype(jnp.int32), pad_p,
                            pairs[:, 1].astype(jnp.int32), pad_p])

    zd = jnp.zeros((ZROWS,), jnp.float32)
    z128 = jnp.zeros((ZROWS, D_FEAT), jnp.float32)
    z64 = jnp.zeros((ZROWS, D1), jnp.float32)
    z32 = jnp.zeros((ZROWS, D2), jnp.float32)

    agg128 = _make_agg(D_FEAT, 128, with_deg=True, chb=8)
    agg64 = _make_agg(D1, 512, with_deg=False)
    agg32 = _make_agg(D2, 512, with_deg=False)

    p1, degp = agg128(x_pad, srcm, dstm, z128, zd)
    degt = degp.T

    h1 = _tc_call(_make_layer_body(True), (N_PAD, D1), p1, degt, W1,
                  b1.reshape(1, D1))
    p2 = agg64(h1, srcm, dstm, z64)[0]

    h2 = _tc_call(_make_layer_body(True), (N_PAD, D2), p2, degt, W2,
                  b2.reshape(1, D2))
    p3 = agg32(h2, srcm, dstm, z32)[0]

    h3 = _tc_call(_make_layer_body(False), (N_PAD, D3), p3, degt, W3,
                  b3.reshape(1, D3))

    gout = _pair_gather(h3, pcat)

    ga = gout[:P_PAD]
    gb = gout[P_PAD:]

    hb = 4096
    logits = pl.pallas_call(
        _head_body,
        grid=(P_PAD // hb,),
        in_specs=[
            pl.BlockSpec((hb, D3), lambda i: (i, 0)),
            pl.BlockSpec((hb, D3), lambda i: (i, 0)),
            pl.BlockSpec((D3, 32), lambda i: (0, 0)),
            pl.BlockSpec((1, 32), lambda i: (0, 0)),
            pl.BlockSpec((32, 1), lambda i: (0, 0)),
            pl.BlockSpec((1, 1), lambda i: (0, 0)),
        ],
        out_specs=pl.BlockSpec((hb, 1), lambda i: (i, 0)),
        out_shape=jax.ShapeDtypeStruct((P_PAD, 1), jnp.float32),
    )(ga, gb, Wh1, bh1.reshape(1, -1), Wh2, bh2.reshape(1, 1))
    return logits.reshape(-1)[:N_PAIRS]

# --- scband reference (transcript-rebuilt; emitter-appended) ---
"""Pipeline reference for scband-vex-mout-net-46995532153504 (READ-ONLY COPY).

The authoritative reference and input builder live on the scoring server;
editing this copy changes nothing except your own understanding.
"""

import jax, jax.numpy as jnp
import numpy as np

N_NODES = 10000
N_EDGES = 320000
D_FEAT = 128
D_H1 = 64
D_H2 = 32
GCNN_OUT = 16
HEAD_H = 32
N_PAIRS = 50000


def setup_inputs(seed: int = 0) -> dict:
    key = jax.random.key(seed)
    ks = jax.random.split(key, 16)
    x = jax.random.normal(ks[0], (N_NODES, D_FEAT), dtype=jnp.float32)
    edge_index = jax.random.randint(ks[1], (2, N_EDGES), 0, N_NODES, dtype=jnp.int64)
    pairs = jax.random.randint(ks[2], (N_PAIRS, 2), 0, N_NODES, dtype=jnp.int64)
    # SimpleNetDeep (3-layer GCN): 128 -> 64 -> 32 -> 16
    W1 = jax.random.normal(ks[3], (D_FEAT, D_H1), dtype=jnp.float32) * 0.05
    b1 = jnp.zeros((D_H1,), dtype=jnp.float32)
    W2 = jax.random.normal(ks[4], (D_H1, D_H2), dtype=jnp.float32) * 0.05
    b2 = jnp.zeros((D_H2,), dtype=jnp.float32)
    W3 = jax.random.normal(ks[5], (D_H2, GCNN_OUT), dtype=jnp.float32) * 0.05
    b3 = jnp.zeros((GCNN_OUT,), dtype=jnp.float32)
    # head_v1: 16 -> 32 -> 1
    Wh1 = jax.random.normal(ks[6], (GCNN_OUT, HEAD_H), dtype=jnp.float32) * 0.05
    bh1 = jnp.zeros((HEAD_H,), dtype=jnp.float32)
    Wh2 = jax.random.normal(ks[7], (HEAD_H, 1), dtype=jnp.float32) * 0.05
    bh2 = jnp.zeros((1,), dtype=jnp.float32)
    return {"x": x, "edge_index": edge_index, "pairs": pairs,
            "W1": W1, "b1": b1, "W2": W2, "b2": b2, "W3": W3, "b3": b3,
            "Wh1": Wh1, "bh1": bh1, "Wh2": Wh2, "bh2": bh2}


def _gcn_layer(h, src, dst, n_nodes, W, b, act=True):
    # message passing: gather from src, scatter-mean onto dst, then linear
    msgs = jnp.take(h, src, axis=0)
    agg = jax.ops.segment_sum(msgs, dst, num_segments=n_nodes)
    deg = jax.ops.segment_sum(jnp.ones((src.shape[0],), dtype=h.dtype), dst, num_segments=n_nodes)
    agg = agg / jnp.maximum(deg, 1.0)[:, None]
    out = agg @ W + b
    if act:
        out = jax.nn.relu(out)
    return out


def reference(x, edge_index, pairs, W1, b1, W2, b2, W3, b3, Wh1, bh1, Wh2, bh2):
    src = edge_index[0]
    dst = edge_index[1]
    n_nodes = x.shape[0]
    # self.gcnn(gcnn_input_features, edge_index)  -- simplest_gather is identity
    h = _gcn_layer(x, src, dst, n_nodes, W1, b1, act=True)
    h = _gcn_layer(h, src, dst, n_nodes, W2, b2, act=True)
    h = _gcn_layer(h, src, dst, n_nodes, W3, b3, act=False)
    # get_sample_features: distance_func = abs_dist on sampled vertex pairs
    feat = jnp.abs(jnp.take(h, pairs[:, 0], axis=0) - jnp.take(h, pairs[:, 1], axis=0))
    # classification head (head_v1): MLP -> scalar logit per pair
    logits = jax.nn.relu(feat @ Wh1 + bh1) @ Wh2 + bh2
    return logits.reshape(-1)

if __name__ == "__main__":
    import jax
    _d = setup_inputs()
    print(jax.jit(kernel)(*tuple(_d.values())))

</pallas_src>

<mosaic_0001>
#map = affine_map<(d0, d1) -> (0, 0)>
#map1 = affine_map<(d0, d1) -> (0)>
#map2 = affine_map<(d0, d1) -> (0, 0, 0)>
module attributes {stable_mosaic.version = 14 : i64} {
  func.func @body(%arg0: i32, %arg1: i32, %arg2: memref<10240x32xf32, #tpu.memory_space<hbm>>, %arg3: memref<327680xi32, #tpu.memory_space<hbm>>, %arg4: memref<2560x128xi32, #tpu.memory_space<hbm>>, %arg5: memref<640x32xf32, #tpu.memory_space<hbm>>, %arg6: memref<2x10240x32xf32, #tpu.memory_space<hbm>>, %arg7: memref<4096xi32, #tpu.memory_space<vmem>>, %arg8: memref<32x128xi32, #tpu.memory_space<vmem>>, %arg9: memref<1024x32xf32, #tpu.memory_space<vmem>>, %arg10: memref<10240x32xf32, #tpu.memory_space<vmem_shared>>, %arg11: memref<!tpu.dma_semaphore, #tpu.memory_space<semaphore_mem>>, %arg12: memref<!tpu.dma_semaphore, #tpu.memory_space<semaphore_mem>>, %arg13: memref<!tpu.dma_semaphore, #tpu.memory_space<semaphore_mem>>) attributes {dimension_semantics = [#tpu.dimension_semantics<core_parallel>, #tpu.dimension_semantics<subcore_parallel>], iteration_bounds = array<i64: 2, 16>, scalar_prefetch = 0 : i64, scratch_operands = 7 : i64, tpu.core_type = #tpu.core_type<sc_vector_subcore>, window_params = [{transform_indices = #map}, {transform_indices = #map1}, {transform_indices = #map}, {transform_indices = #map}, {transform_indices = #map2}]} {
    %mul3A = arith.constant 2 : i32
    %mul3A_0 = arith.muli %arg1, %mul3A : i32
    %add3A = arith.addi %mul3A_0, %arg0 : i32
    %mul3A_1 = arith.constant 640 : i32
    %mul3A_2 = arith.muli %arg1, %mul3A_1 : i32
    %add3A_3 = arith.constant 0 : i32
    %add3A_4 = arith.addi %mul3A_2, %add3A_3 : i32
    "tpu.region"() ({
      %run_scoped3A = tpu.sem_alloc : memref<!tpu.dma_semaphore, #tpu.memory_space<semaphore_mem>>
      %dma_start3A_113 = arith.constant 0 : i32
      %dma_start3A_114 = tpu.memref_slice %arg10[%add3A_4, %dma_start3A_113] : memref<10240x32xf32, #tpu.memory_space<vmem_shared>> -> memref<640x32xf32, #tpu.memory_space<vmem_shared>>
      tpu.enqueue_dma source(%arg5 : memref<640x32xf32, #tpu.memory_space<hbm>>) target(%dma_start3A_114 : memref<640x32xf32, #tpu.memory_space<vmem_shared>>) target_semaphore(%run_scoped3A : memref<!tpu.dma_semaphore, #tpu.memory_space<semaphore_mem>>)
      %dma_wait3A_115 = arith.constant 0 : i32
      %dma_wait3A_116 = tpu.memref_slice %arg10[%add3A_4, %dma_wait3A_115] : memref<10240x32xf32, #tpu.memory_space<vmem_shared>> -> memref<640x32xf32, #tpu.memory_space<vmem_shared>>
      tpu.wait_dma2 semaphore(%run_scoped3A : memref<!tpu.dma_semaphore, #tpu.memory_space<semaphore_mem>>) src(%arg5 : memref<640x32xf32, #tpu.memory_space<hbm>>) dst(%dma_wait3A_116 : memref<640x32xf32, #tpu.memory_space<vmem_shared>>)
      tpu.yield
    }) : () -> ()
    %barrier3A = arith.constant 0 : index
    tpu.barrier barrier_id(%barrier3A)
    %mul3A_5 = arith.constant 10240 : i32
    %mul3A_6 = arith.muli %add3A, %mul3A_5 : i32
    %add3A_7 = arith.constant 0 : i32
    %add3A_8 = arith.addi %mul3A_6, %add3A_7 : i32
    %mul3A_9 = arith.constant 10240 : i32
    %mul3A_10 = arith.muli %add3A, %mul3A_9 : i32
    %add3A_11 = arith.constant 0 : i32
    %add3A_12 = arith.addi %mul3A_10, %add3A_11 : i32
    %jit3A = arith.constant 128 : i32
    %div3A = arith.divsi %add3A_12, %jit3A : i32
    %sign3A = arith.constant 0 : i32
    %sign3A_13 = arith.cmpi sgt, %add3A_12, %sign3A : i32
    %sign3A_14 = arith.extui %sign3A_13 : i1 to i32
    %sign3A_15 = arith.constant 0 : i32
    %sign3A_16 = arith.cmpi slt, %add3A_12, %sign3A_15 : i32
    %sign3A_17 = arith.extui %sign3A_16 : i1 to i32
    %sign3A_18 = arith.subi %sign3A_14, %sign3A_17 : i32
    %sign3A_19 = arith.constant 0 : i32
    %sign3A_20 = arith.cmpi sgt, %jit3A, %sign3A_19 : i32
    %sign3A_21 = arith.extui %sign3A_20 : i1 to i32
    %sign3A_22 = arith.constant 0 : i32
    %sign3A_23 = arith.cmpi slt, %jit3A, %sign3A_22 : i32
    %sign3A_24 = arith.extui %sign3A_23 : i1 to i32
    %sign3A_25 = arith.subi %sign3A_21, %sign3A_24 : i32
    %ne3A = arith.cmpi ne, %sign3A_18, %sign3A_25 : i32
    %rem3A = arith.remsi %add3A_12, %jit3A : i32
    %ne3A_26 = arith.constant 0 : i32
    %ne3A_27 = arith.cmpi ne, %rem3A, %ne3A_26 : i32
    %and3A = arith.andi %ne3A, %ne3A_27 : i1
    %sub3A = arith.constant 1 : i32
    %sub3A_28 = arith.subi %div3A, %sub3A : i32
    %select_n3A = arith.select %and3A, %sub3A_28, %div3A : i32
    %dma_start3A = arith.constant 0 : i32
    %dma_start3A_29 = tpu.memref_slice %arg7[%dma_start3A] : memref<4096xi32, #tpu.memory_space<vmem>> -> memref<2048xi32, #tpu.memory_space<vmem>>
    %dma_start3A_30 = tpu.memref_slice %arg3[%add3A_8] : memref<327680xi32, #tpu.memory_space<hbm>> -> memref<2048xi32, #tpu.memory_space<hbm>>
    %dma_start3A_31 = arith.constant 0 : i32
    %dma_start3A_32 = tpu.memref_slice %arg7[%dma_start3A_31] : memref<4096xi32, #tpu.memory_space<vmem>> -> memref<2048xi32, #tpu.memory_space<vmem>>
    %dma_start3A_33 = tpu.memref_slice %arg3[%add3A_8] : memref<327680xi32, #tpu.memory_space<hbm>> -> memref<2048xi32, #tpu.memory_space<hbm>>
    tpu.enqueue_dma source(%dma_start3A_33 : memref<2048xi32, #tpu.memory_space<hbm>>) target(%dma_start3A_32 : memref<2048xi32, #tpu.memory_space<vmem>>) target_semaphore(%arg13 : memref<!tpu.dma_semaphore, #tpu.memory_space<semaphore_mem>>)
    %dma_start3A_34 = arith.constant 0 : i32
    %dma_start3A_35 = arith.constant 0 : i32
    %dma_start3A_36 = tpu.memref_slice %arg8[%dma_start3A_34, %dma_start3A_35] : memref<32x128xi32, #tpu.memory_space<vmem>> -> memref<16x128xi32, #tpu.memory_space<vmem>>
    %dma_start3A_37 = arith.constant 0 : i32
    %dma_start3A_38 = tpu.memref_slice %arg4[%select_n3A, %dma_start3A_37] : memref<2560x128xi32, #tpu.memory_space<hbm>> -> memref<16x128xi32, #tpu.memory_space<hbm>>
    %dma_start3A_39 = arith.constant 0 : i32
    %dma_start3A_40 = arith.constant 0 : i32
    %dma_start3A_41 = tpu.memref_slice %arg8[%dma_start3A_39, %dma_start3A_40] : memref<32x128xi32, #tpu.memory_space<vmem>> -> memref<16x128xi32, #tpu.memory_space<vmem>>
    %dma_start3A_42 = arith.constant 0 : i32
    %dma_start3A_43 = tpu.memref_slice %arg4[%select_n3A, %dma_start3A_42] : memref<2560x128xi32, #tpu.memory_space<hbm>> -> memref<16x128xi32, #tpu.memory_space<hbm>>
    tpu.enqueue_dma source(%dma_start3A_43 : memref<16x128xi32, #tpu.memory_space<hbm>>) target(%dma_start3A_41 : memref<16x128xi32, #tpu.memory_space<vmem>>) target_semaphore(%arg13 : memref<!tpu.dma_semaphore, #tpu.memory_space<semaphore_mem>>)
    %mul3A_44 = arith.constant 10240 : i32
    %mul3A_45 = arith.muli %add3A, %mul3A_44 : i32
    %add3A_46 = arith.constant 0 : i32
    %add3A_47 = arith.addi %mul3A_45, %add3A_46 : i32
    %mul3A_48 = arith.constant 10240 : i32
    %mul3A_49 = arith.muli %add3A, %mul3A_48 : i32
    %add3A_50 = arith.constant 0 : i32
    %add3A_51 = arith.addi %mul3A_49, %add3A_50 : i32
    %jit3A_52 = arith.constant 128 : i32
    %div3A_53 = arith.divsi %add3A_51, %jit3A_52 : i32
    %sign3A_54 = arith.constant 0 : i32
    %sign3A_55 = arith.cmpi sgt, %add3A_51, %sign3A_54 : i32
    %sign3A_56 = arith.extui %sign3A_55 : i1 to i32
    %sign3A_57 = arith.constant 0 : i32
    %sign3A_58 = arith.cmpi slt, %add3A_51, %sign3A_57 : i32
    %sign3A_59 = arith.extui %sign3A_58 : i1 to i32
    %sign3A_60 = arith.subi %sign3A_56, %sign3A_59 : i32
    %sign3A_61 = arith.constant 0 : i32
    %sign3A_62 = arith.cmpi sgt, %jit3A_52, %sign3A_61 : i32
    %sign3A_63 = arith.extui %sign3A_62 : i1 to i32
    %sign3A_64 = arith.constant 0 : i32
    %sign3A_65 = arith.cmpi slt, %jit3A_52, %sign3A_64 : i32
    %sign3A_66 = arith.extui %sign3A_65 : i1 to i32
    %sign3A_67 = arith.subi %sign3A_63, %sign3A_66 : i32
    %ne3A_68 = arith.cmpi ne, %sign3A_60, %sign3A_67 : i32
    %rem3A_69 = arith.remsi %add3A_51, %jit3A_52 : i32
    %ne3A_70 = arith.constant 0 : i32
    %ne3A_71 = arith.cmpi ne, %rem3A_69, %ne3A_70 : i32
    %and3A_72 = arith.andi %ne3A_68, %ne3A_71 : i1
    %sub3A_73 = arith.constant 1 : i32
    %sub3A_74 = arith.subi %div3A_53, %sub3A_73 : i32
    %select_n3A_75 = arith.select %and3A_72, %sub3A_74, %div3A_53 : i32
    %dma_wait3A = arith.constant 0 : i32
    %dma_wait3A_76 = tpu.memref_slice %arg7[%dma_wait3A] : memref<4096xi32, #tpu.memory_space<vmem>> -> memref<2048xi32, #tpu.memory_space<vmem>>
    %dma_wait3A_77 = tpu.memref_slice %arg3[%add3A_47] : memref<327680xi32, #tpu.memory_space<hbm>> -> memref<2048xi32, #tpu.memory_space<hbm>>
    %dma_wait3A_78 = arith.constant 0 : i32
    %dma_wait3A_79 = tpu.memref_slice %arg7[%dma_wait3A_78] : memref<4096xi32, #tpu.memory_space<vmem>> -> memref<2048xi32, #tpu.memory_space<vmem>>
    %dma_wait3A_80 = tpu.memref_slice %arg3[%add3A_47] : memref<327680xi32, #tpu.memory_space<hbm>> -> memref<2048xi32, #tpu.memory_space<hbm>>
    tpu.wait_dma2 semaphore(%arg13 : memref<!tpu.dma_semaphore, #tpu.memory_space<semaphore_mem>>) src(%dma_wait3A_80 : memref<2048xi32, #tpu.memory_space<hbm>>) dst(%dma_wait3A_79 : memref<2048xi32, #tpu.memory_space<vmem>>)
    %dma_wait3A_81 = arith.constant 0 : i32
    %dma_wait3A_82 = arith.constant 0 : i32
    %dma_wait3A_83 = tpu.memref_slice %arg8[%dma_wait3A_81, %dma_wait3A_82] : memref<32x128xi32, #tpu.memory_space<vmem>> -> memref<16x128xi32, #tpu.memory_space<vmem>>
    %dma_wait3A_84 = arith.constant 0 : i32
    %dma_wait3A_85 = tpu.memref_slice %arg4[%select_n3A_75, %dma_wait3A_84] : memref<2560x128xi32, #tpu.memory_space<hbm>> -> memref<16x128xi32, #tpu.memory_space<hbm>>
    %dma_wait3A_86 = arith.constant 0 : i32
    %dma_wait3A_87 = arith.constant 0 : i32
    %dma_wait3A_88 = tpu.memref_slice %arg8[%dma_wait3A_86, %dma_wait3A_87] : memref<32x128xi32, #tpu.memory_space<vmem>> -> memref<16x128xi32, #tpu.memory_space<vmem>>
    %dma_wait3A_89 = arith.constant 0 : i32
    %dma_wait3A_90 = tpu.memref_slice %arg4[%select_n3A_75, %dma_wait3A_89] : memref<2560x128xi32, #tpu.memory_space<hbm>> -> memref<16x128xi32, #tpu.memory_space<hbm>>
    tpu.wait_dma2 semaphore(%arg13 : memref<!tpu.dma_semaphore, #tpu.memory_space<semaphore_mem>>) src(%dma_wait3A_90 : memref<16x128xi32, #tpu.memory_space<hbm>>) dst(%dma_wait3A_88 : memref<16x128xi32, #tpu.memory_space<vmem>>)
    %dma_start3A_91 = arith.constant 0 : i32
    %dma_start3A_92 = arith.constant 0 : i32
    %dma_start3A_93 = tpu.memref_slice %arg9[%dma_start3A_91, %dma_start3A_92] : memref<1024x32xf32, #tpu.memory_space<vmem>> -> memref<512x32xf32, #tpu.memory_space<vmem>>
    %dma_start3A_94 = arith.constant 0 : i32
    %dma_start3A_95 = tpu.memref_slice %arg7[%dma_start3A_94] : memref<4096xi32, #tpu.memory_space<vmem>> -> memref<512xi32, #tpu.memory_space<vmem>>
    %dma_start3A_96 = arith.constant 0 : i32
    %dma_start3A_97 = arith.constant 0 : i32
    %dma_start3A_98 = tpu.memref_slice %arg2[%dma_start3A_96, %dma_start3A_97] : memref<10240x32xf32, #tpu.memory_space<hbm>> -> memref<10240x32xf32, #tpu.memory_space<hbm>>
    tpu.enqueue_indirect_dma source(%dma_start3A_98 : memref<10240x32xf32, #tpu.memory_space<hbm>>) target(%dma_start3A_93 : memref<512x32xf32, #tpu.memory_space<vmem>>) offsets(%dma_start3A_95 : memref<512xi32, #tpu.memory_space<vmem>>) semaphore(%arg11 : memref<!tpu.dma_semaphore, #tpu.memory_space<semaphore_mem>>)
    %scan3A = arith.constant 0 : i32
    %scan3A_99 = arith.constant 0 : i32
    %scan3A_100 = arith.constant 5 : i32
    %scan3A_101 = arith.addi %scan3A_99, %scan3A_100 : i32
    %scan3A_102 = arith.constant 1 : i32
    scf.for %scan3A_113 = %scan3A_99 to %scan3A_101 step %scan3A_102  : i32 {
      %rem3A_114 = arith.constant 2 : i32
      %rem3A_115 = arith.remsi %scan3A_113, %rem3A_114 : i32
      %add3A_116 = arith.constant 1 : i32
      %add3A_117 = arith.addi %scan3A_113, %add3A_116 : i32
      %rem3A_118 = arith.constant 2 : i32
      %rem3A_119 = arith.remsi %add3A_117, %rem3A_118 : i32
      %add3A_120 = arith.constant 1 : i32
      %add3A_121 = arith.addi %scan3A_113, %add3A_120 : i32
      %rem3A_122 = arith.constant 5 : i32
      %rem3A_123 = arith.remsi %add3A_121, %rem3A_122 : i32
      %mul3A_124 = arith.constant 10240 : i32
      %mul3A_125 = arith.muli %add3A, %mul3A_124 : i32
      %mul3A_126 = arith.constant 2048 : i32
      %mul3A_127 = arith.muli %rem3A_123, %mul3A_126 : i32
      %add3A_128 = arith.addi %mul3A_125, %mul3A_127 : i32
      %mul3A_129 = arith.constant 2048 : i32
      %mul3A_130 = arith.muli %rem3A_119, %mul3A_129 : i32
      %mul3A_131 = arith.constant 10240 : i32
      %mul3A_132 = arith.muli %add3A, %mul3A_131 : i32
      %mul3A_133 = arith.constant 2048 : i32
      %mul3A_134 = arith.muli %rem3A_123, %mul3A_133 : i32
      %add3A_135 = arith.addi %mul3A_132, %mul3A_134 : i32
      %jit3A_136 = arith.constant 128 : i32
      %div3A_137 = arith.divsi %add3A_135, %jit3A_136 : i32
      %sign3A_138 = arith.constant 0 : i32
      %sign3A_139 = arith.cmpi sgt, %add3A_135, %sign3A_138 : i32
      %sign3A_140 = arith.extui %sign3A_139 : i1 to i32
      %sign3A_141 = arith.constant 0 : i32
      %sign3A_142 = arith.cmpi slt, %add3A_135, %sign3A_141 : i32
      %sign3A_143 = arith.extui %sign3A_142 : i1 to i32
      %sign3A_144 = arith.subi %sign3A_140, %sign3A_143 : i32
      %sign3A_145 = arith.constant 0 : i32
      %sign3A_146 = arith.cmpi sgt, %jit3A_136, %sign3A_145 : i32
      %sign3A_147 = arith.extui %sign3A_146 : i1 to i32
      %sign3A_148 = arith.constant 0 : i32
      %sign3A_149 = arith.cmpi slt, %jit3A_136, %sign3A_148 : i32
      %sign3A_150 = arith.extui %sign3A_149 : i1 to i32
      %sign3A_151 = arith.subi %sign3A_147, %sign3A_150 : i32
      %ne3A_152 = arith.cmpi ne, %sign3A_144, %sign3A_151 : i32
      %rem3A_153 = arith.remsi %add3A_135, %jit3A_136 : i32
      %ne3A_154 = arith.constant 0 : i32
      %ne3A_155 = arith.cmpi ne, %rem3A_153, %ne3A_154 : i32
      %and3A_156 = arith.andi %ne3A_152, %ne3A_155 : i1
      %sub3A_157 = arith.constant 1 : i32
      %sub3A_158 = arith.subi %div3A_137, %sub3A_157 : i32
      %select_n3A_159 = arith.select %and3A_156, %sub3A_158, %div3A_137 : i32
      %mul3A_160 = arith.constant 4 : i32
      %mul3A_161 = arith.muli %rem3A_119, %mul3A_160 : i32
      %mul3A_162 = arith.constant 4 : i32
      %mul3A_163 = arith.muli %mul3A_161, %mul3A_162 : i32
      %dma_start3A_164 = tpu.memref_slice %arg7[%mul3A_130] : memref<4096xi32, #tpu.memory_space<vmem>> -> memref<2048xi32, #tpu.memory_space<vmem>>
      %dma_start3A_165 = tpu.memref_slice %arg3[%add3A_128] : memref<327680xi32, #tpu.memory_space<hbm>> -> memref<2048xi32, #tpu.memory_space<hbm>>
      %dma_start3A_166 = tpu.memref_slice %arg7[%mul3A_130] : memref<4096xi32, #tpu.memory_space<vmem>> -> memref<2048xi32, #tpu.memory_space<vmem>>
      %dma_start3A_167 = tpu.memref_slice %arg3[%add3A_128] : memref<327680xi32, #tpu.memory_space<hbm>> -> memref<2048xi32, #tpu.memory_space<hbm>>
      tpu.enqueue_dma source(%dma_start3A_167 : memref<2048xi32, #tpu.memory_space<hbm>>) target(%dma_start3A_166 : memref<2048xi32, #tpu.memory_space<vmem>>) target_semaphore(%arg13 : memref<!tpu.dma_semaphore, #tpu.memory_space<semaphore_mem>>)
      %dma_start3A_168 = arith.constant 0 : i32
      %dma_start3A_169 = tpu.memref_slice %arg8[%mul3A_163, %dma_start3A_168] : memref<32x128xi32, #tpu.memory_space<vmem>> -> memref<16x128xi32, #tpu.memory_space<vmem>>
      %dma_start3A_170 = arith.constant 0 : i32
      %dma_start3A_171 = tpu.memref_slice %arg4[%select_n3A_159, %dma_start3A_170] : memref<2560x128xi32, #tpu.memory_space<hbm>> -> memref<16x128xi32, #tpu.memory_space<hbm>>
      %dma_start3A_172 = arith.constant 0 : i32
      %dma_start3A_173 = tpu.memref_slice %arg8[%mul3A_163, %dma_start3A_172] : memref<32x128xi32, #tpu.memory_space<vmem>> -> memref<16x128xi32, #tpu.memory_space<vmem>>
      %dma_start3A_174 = arith.constant 0 : i32
      %dma_start3A_175 = tpu.memref_slice %arg4[%select_n3A_159, %dma_start3A_174] : memref<2560x128xi32, #tpu.memory_space<hbm>> -> memref<16x128xi32, #tpu.memory_space<hbm>>
      tpu.enqueue_dma source(%dma_start3A_175 : memref<16x128xi32, #tpu.memory_space<hbm>>) target(%dma_start3A_173 : memref<16x128xi32, #tpu.memory_space<vmem>>) target_semaphore(%arg13 : memref<!tpu.dma_semaphore, #tpu.memory_space<semaphore_mem>>)
      %mul3A_176 = arith.constant 2048 : i32
      %mul3A_177 = arith.muli %rem3A_115, %mul3A_176 : i32
      %add3A_178 = arith.constant 0 : i32
      %add3A_179 = arith.addi %mul3A_177, %add3A_178 : i32
      %add3A_180 = arith.constant 512 : i32
      %add3A_181 = arith.addi %add3A_179, %add3A_180 : i32
      %dma_wait3A_182 = arith.constant 0 : i32
      %dma_wait3A_183 = arith.constant 0 : i32
      %dma_wait3A_184 = tpu.memref_slice %arg9[%dma_wait3A_182, %dma_wait3A_183] : memref<1024x32xf32, #tpu.memory_space<vmem>> -> memref<512x32xf32, #tpu.memory_space<vmem>>
      %dma_wait3A_185 = tpu.memref_slice %arg7[%add3A_179] : memref<4096xi32, #tpu.memory_space<vmem>> -> memref<512xi32, #tpu.memory_space<vmem>>
      %dma_wait3A_186 = arith.constant 0 : i32
      %dma_wait3A_187 = arith.constant 0 : i32
      %dma_wait3A_188 = tpu.memref_slice %arg2[%dma_wait3A_186, %dma_wait3A_187] : memref<10240x32xf32, #tpu.memory_space<hbm>> -> memref<10240x32xf32, #tpu.memory_space<hbm>>
      tpu.wait_indirect_dma semaphore(%arg11 : memref<!tpu.dma_semaphore, #tpu.memory_space<semaphore_mem>>) src(%dma_wait3A_188 : memref<10240x32xf32, #tpu.memory_space<hbm>>) dst(%dma_wait3A_184 : memref<512x32xf32, #tpu.memory_space<vmem>>)
      %dma_start3A_189 = arith.constant 512 : i32
      %dma_start3A_190 = arith.constant 0 : i32
      %dma_start3A_191 = tpu.memref_slice %arg9[%dma_start3A_189, %dma_start3A_190] : memref<1024x32xf32, #tpu.memory_space<vmem>> -> memref<512x32xf32, #tpu.memory_space<vmem>>
      %dma_start3A_192 = tpu.memref_slice %arg7[%add3A_181] : memref<4096xi32, #tpu.memory_space<vmem>> -> memref<512xi32, #tpu.memory_space<vmem>>
      %dma_start3A_193 = arith.constant 0 : i32
      %dma_start3A_194 = arith.constant 0 : i32
      %dma_start3A_195 = tpu.memref_slice %arg2[%dma_start3A_193, %dma_start3A_194] : memref<10240x32xf32, #tpu.memory_space<hbm>> -> memref<10240x32xf32, #tpu.memory_space<hbm>>
      tpu.enqueue_indirect_dma source(%dma_start3A_195 : memref<10240x32xf32, #tpu.memory_space<hbm>>) target(%dma_start3A_191 : memref<512x32xf32, #tpu.memory_space<vmem>>) offsets(%dma_start3A_192 : memref<512xi32, #tpu.memory_space<vmem>>) semaphore(%arg12 : memref<!tpu.dma_semaphore, #tpu.memory_space<semaphore_mem>>)
      %mul3A_196 = arith.constant 4 : i32
      %mul3A_197 = arith.muli %rem3A_115, %mul3A_196 : i32
      %mul3A_198 = arith.constant 4 : i32
      %mul3A_199 = arith.muli %mul3A_197, %mul3A_198 : i32
      %add3A_200 = arith.constant 0 : i32
      %add3A_201 = arith.addi %mul3A_199, %add3A_200 : i32
      %add3A_202 = arith.constant 0 : i32
      %add3A_203 = arith.addi %add3A_201, %add3A_202 : i32
      "tpu.region"() ({
        %run_scoped3A = tpu.sem_alloc : memref<!tpu.dma_semaphore, #tpu.memory_space<semaphore_mem>>
        %dma_start3A_436 = arith.constant 0 : i32
        %dma_start3A_437 = arith.constant 0 : i32
        %dma_start3A_438 = tpu.memref_slice %arg9[%dma_start3A_436, %dma_start3A_437] : memref<1024x32xf32, #tpu.memory_space<vmem>> -> memref<128x32xf32, #tpu.memory_space<vmem>>
        %dma_start3A_439 = arith.constant 0 : i32
        %dma_start3A_440 = tpu.memref_slice %arg8[%add3A_203, %dma_start3A_439] : memref<32x128xi32, #tpu.memory_space<vmem>> -> memref<1x128xi32, #tpu.memory_space<vmem>>
        %dma_start3A_441 = tpu.memref_squeeze %dma_start3A_440 : memref<1x128xi32, #tpu.memory_space<vmem>> -> memref<128xi32, #tpu.memory_space<vmem>>
        %dma_start3A_442 = arith.constant 0 : i32
        %dma_start3A_443 = arith.constant 0 : i32
        %dma_start3A_444 = tpu.memref_slice %arg10[%dma_start3A_442, %dma_start3A_443] : memref<10240x32xf32, #tpu.memory_space<vmem_shared>> -> memref<10240x32xf32, #tpu.memory_space<vmem_shared>>
        tpu.enqueue_indirect_dma source(%dma_start3A_438 : memref<128x32xf32, #tpu.memory_space<vmem>>) target(%dma_start3A_444 : memref<10240x32xf32, #tpu.memory_space<vmem_shared>>) offsets(%dma_start3A_441 : memref<128xi32, #tpu.memory_space<vmem>>) semaphore(%run_scoped3A : memref<!tpu.dma_semaphore, #tpu.memory_space<semaphore_mem>>) {add = true}
        %dma_wait3A_445 = arith.constant 0 : i32
        %dma_wait3A_446 = arith.constant 0 : i32
        %dma_wait3A_447 = tpu.memref_slice %arg9[%dma_wait3A_445, %dma_wait3A_446] : memref<1024x32xf32, #tpu.memory_space<vmem>> -> memref<128x32xf32, #tpu.memory_space<vmem>>
        %dma_wait3A_448 = arith.constant 0 : i32
        %dma_wait3A_449 = tpu.memref_slice %arg8[%add3A_203, %dma_wait3A_448] : memref<32x128xi32, #tpu.memory_space<vmem>> -> memref<1x128xi32, #tpu.memory_space<vmem>>
        %dma_wait3A_450 = tpu.memref_squeeze %dma_wait3A_449 : memref<1x128xi32, #tpu.memory_space<vmem>> -> memref<128xi32, #tpu.memory_space<vmem>>
        %dma_wait3A_451 = arith.constant 0 : i32
        %dma_wait3A_452 = arith.constant 0 : i32
        %dma_wait3A_453 = tpu.memref_slice %arg10[%dma_wait3A_451, %dma_wait3A_452] : memref<10240x32xf32, #tpu.memory_space<vmem_shared>> -> memref<10240x32xf32, #tpu.memory_space<vmem_shared>>
        tpu.wait_indirect_dma semaphore(%run_scoped3A : memref<!tpu.dma_semaphore, #tpu.memory_space<semaphore_mem>>) src(%dma_wait3A_447 : memref<128x32xf32, #tpu.memory_space<vmem>>) dst(%dma_wait3A_453 : memref<10240x32xf32, #tpu.memory_space<vmem_shared>>)
        tpu.yield
      }) : () -> ()
      %mul3A_204 = arith.constant 4 : i32
      %mul3A_205 = arith.muli %rem3A_115, %mul3A_204 : i32
      %mul3A_206 = arith.constant 4 : i32
      %mul3A_207 = arith.muli %mul3A_205, %mul3A_206 : i32
      %add3A_208 = arith.constant 0 : i32
      %add3A_209 = arith.addi %mul3A_207, %add3A_208 : i32
      %add3A_210 = arith.constant 1 : i32
      %add3A_211 = arith.addi %add3A_209, %add3A_210 : i32
      "tpu.region"() ({
        %run_scoped3A = tpu.sem_alloc : memref<!tpu.dma_semaphore, #tpu.memory_space<semaphore_mem>>
        %dma_start3A_436 = arith.constant 128 : i32
        %dma_start3A_437 = arith.constant 0 : i32
        %dma_start3A_438 = tpu.memref_slice %arg9[%dma_start3A_436, %dma_start3A_437] : memref<1024x32xf32, #tpu.memory_space<vmem>> -> memref<128x32xf32, #tpu.memory_space<vmem>>
        %dma_start3A_439 = arith.constant 0 : i32
        %dma_start3A_440 = tpu.memref_slice %arg8[%add3A_211, %dma_start3A_439] : memref<32x128xi32, #tpu.memory_space<vmem>> -> memref<1x128xi32, #tpu.memory_space<vmem>>
        %dma_start3A_441 = tpu.memref_squeeze %dma_start3A_440 : memref<1x128xi32, #tpu.memory_space<vmem>> -> memref<128xi32, #tpu.memory_space<vmem>>
        %dma_start3A_442 = arith.constant 0 : i32
        %dma_start3A_443 = arith.constant 0 : i32
        %dma_start3A_444 = tpu.memref_slice %arg10[%dma_start3A_442, %dma_start3A_443] : memref<10240x32xf32, #tpu.memory_space<vmem_shared>> -> memref<10240x32xf32, #tpu.memory_space<vmem_shared>>
        tpu.enqueue_indirect_dma source(%dma_start3A_438 : memref<128x32xf32, #tpu.memory_space<vmem>>) target(%dma_start3A_444 : memref<10240x32xf32, #tpu.memory_space<vmem_shared>>) offsets(%dma_start3A_441 : memref<128xi32, #tpu.memory_space<vmem>>) semaphore(%run_scoped3A : memref<!tpu.dma_semaphore, #tpu.memory_space<semaphore_mem>>) {add = true}
        %dma_wait3A_445 = arith.constant 128 : i32
        %dma_wait3A_446 = arith.constant 0 : i32
        %dma_wait3A_447 = tpu.memref_slice %arg9[%dma_wait3A_445, %dma_wait3A_446] : memref<1024x32xf32, #tpu.memory_space<vmem>> -> memref<128x32xf32, #tpu.memory_space<vmem>>
        %dma_wait3A_448 = arith.constant 0 : i32
        %dma_wait3A_449 = tpu.memref_slice %arg8[%add3A_211, %dma_wait3A_448] : memref<32x128xi32, #tpu.memory_space<vmem>> -> memref<1x128xi32, #tpu.memory_space<vmem>>
        %dma_wait3A_450 = tpu.memref_squeeze %dma_wait3A_449 : memref<1x128xi32, #tpu.memory_space<vmem>> -> memref<128xi32, #tpu.memory_space<vmem>>
        %dma_wait3A_451 = arith.constant 0 : i32
        %dma_wait3A_452 = arith.constant 0 : i32
        %dma_wait3A_453 = tpu.memref_slice %arg10[%dma_wait3A_451, %dma_wait3A_452] : memref<10240x32xf32, #tpu.memory_space<vmem_shared>> -> memref<10240x32xf32, #tpu.memory_space<vmem_shared>>
        tpu.wait_indirect_dma semaphore(%run_scoped3A : memref<!tpu.dma_semaphore, #tpu.memory_space<semaphore_mem>>) src(%dma_wait3A_447 : memref<128x32xf32, #tpu.memory_space<vmem>>) dst(%dma_wait3A_453 : memref<10240x32xf32, #tpu.memory_space<vmem_shared>>)
        tpu.yield
      }) : () -> ()
      %mul3A_212 = arith.constant 4 : i32
      %mul3A_213 = arith.muli %rem3A_115, %mul3A_212 : i32
      %mul3A_214 = arith.constant 4 : i32
      %mul3A_215 = arith.muli %mul3A_213, %mul3A_214 : i32
      %add3A_216 = arith.constant 0 : i32
      %add3A_217 = arith.addi %mul3A_215, %add3A_216 : i32
      %add3A_218 = arith.constant 2 : i32
      %add3A_219 = arith.addi %add3A_217, %add3A_218 : i32
      "tpu.region"() ({
        %run_scoped3A = tpu.sem_alloc : memref<!tpu.dma_semaphore, #tpu.memory_space<semaphore_mem>>
        %dma_start3A_436 = arith.constant 256 : i32
        %dma_start3A_437 = arith.constant 0 : i32
        %dma_start3A_438 = tpu.memref_slice %arg9[%dma_start3A_436, %dma_start3A_437] : memref<1024x32xf32, #tpu.memory_space<vmem>> -> memref<128x32xf32, #tpu.memory_space<vmem>>
        %dma_start3A_439 = arith.constant 0 : i32
        %dma_start3A_440 = tpu.memref_slice %arg8[%add3A_219, %dma_start3A_439] : memref<32x128xi32, #tpu.memory_space<vmem>> -> memref<1x128xi32, #tpu.memory_space<vmem>>
        %dma_start3A_441 = tpu.memref_squeeze %dma_start3A_440 : memref<1x128xi32, #tpu.memory_space<vmem>> -> memref<128xi32, #tpu.memory_space<vmem>>
        %dma_start3A_442 = arith.constant 0 : i32
        %dma_start3A_443 = arith.constant 0 : i32
        %dma_start3A_444 = tpu.memref_slice %arg10[%dma_start3A_442, %dma_start3A_443] : memref<10240x32xf32, #tpu.memory_space<vmem_shared>> -> memref<10240x32xf32, #tpu.memory_space<vmem_shared>>
        tpu.enqueue_indirect_dma source(%dma_start3A_438 : memref<128x32xf32, #tpu.memory_space<vmem>>) target(%dma_start3A_444 : memref<10240x32xf32, #tpu.memory_space<vmem_shared>>) offsets(%dma_start3A_441 : memref<128xi32, #tpu.memory_space<vmem>>) semaphore(%run_scoped3A : memref<!tpu.dma_semaphore, #tpu.memory_space<semaphore_mem>>) {add = true}
        %dma_wait3A_445 = arith.constant 256 : i32
        %dma_wait3A_446 = arith.constant 0 : i32
        %dma_wait3A_447 = tpu.memref_slice %arg9[%dma_wait3A_445, %dma_wait3A_446] : memref<1024x32xf32, #tpu.memory_space<vmem>> -> memref<128x32xf32, #tpu.memory_space<vmem>>
        %dma_wait3A_448 = arith.constant 0 : i32
        %dma_wait3A_449 = tpu.memref_slice %arg8[%add3A_219, %dma_wait3A_448] : memref<32x128xi32, #tpu.memory_space<vmem>> -> memref<1x128xi32, #tpu.memory_space<vmem>>
        %dma_wait3A_450 = tpu.memref_squeeze %dma_wait3A_449 : memref<1x128xi32, #tpu.memory_space<vmem>> -> memref<128xi32, #tpu.memory_space<vmem>>
        %dma_wait3A_451 = arith.constant 0 : i32
        %dma_wait3A_452 = arith.constant 0 : i32
        %dma_wait3A_453 = tpu.memref_slice %arg10[%dma_wait3A_451, %dma_wait3A_452] : memref<10240x32xf32, #tpu.memory_space<vmem_shared>> -> memref<10240x32xf32, #tpu.memory_space<vmem_shared>>
        tpu.wait_indirect_dma semaphore(%run_scoped3A : memref<!tpu.dma_semaphore, #tpu.memory_space<semaphore_mem>>) src(%dma_wait3A_447 : memref<128x32xf32, #tpu.memory_space<vmem>>) dst(%dma_wait3A_453 : memref<10240x32xf32, #tpu.memory_space<vmem_shared>>)
        tpu.yield
      }) : () -> ()
      %mul3A_220 = arith.constant 4 : i32
      %mul3A_221 = arith.muli %rem3A_115, %mul3A_220 : i32
      %mul3A_222 = arith.constant 4 : i32
      %mul3A_223 = arith.muli %mul3A_221, %mul3A_222 : i32
      %add3A_224 = arith.constant 0 : i32
      %add3A_225 = arith.addi %mul3A_223, %add3A_224 : i32
      %add3A_226 = arith.constant 3 : i32
      %add3A_227 = arith.addi %add3A_225, %add3A_226 : i32
      "tpu.region"() ({
        %run_scoped3A = tpu.sem_alloc : memref<!tpu.dma_semaphore, #tpu.memory_space<semaphore_mem>>
        %dma_start3A_436 = arith.constant 384 : i32
        %dma_start3A_437 = arith.constant 0 : i32
        %dma_start3A_438 = tpu.memref_slice %arg9[%dma_start3A_436, %dma_start3A_437] : memref<1024x32xf32, #tpu.memory_space<vmem>> -> memref<128x32xf32, #tpu.memory_space<vmem>>
        %dma_start3A_439 = arith.constant 0 : i32
        %dma_start3A_440 = tpu.memref_slice %arg8[%add3A_227, %dma_start3A_439] : memref<32x128xi32, #tpu.memory_space<vmem>> -> memref<1x128xi32, #tpu.memory_space<vmem>>
        %dma_start3A_441 = tpu.memref_squeeze %dma_start3A_440 : memref<1x128xi32, #tpu.memory_space<vmem>> -> memref<128xi32, #tpu.memory_space<vmem>>
        %dma_start3A_442 = arith.constant 0 : i32
        %dma_start3A_443 = arith.constant 0 : i32
        %dma_start3A_444 = tpu.memref_slice %arg10[%dma_start3A_442, %dma_start3A_443] : memref<10240x32xf32, #tpu.memory_space<vmem_shared>> -> memref<10240x32xf32, #tpu.memory_space<vmem_shared>>
        tpu.enqueue_indirect_dma source(%dma_start3A_438 : memref<128x32xf32, #tpu.memory_space<vmem>>) target(%dma_start3A_444 : memref<10240x32xf32, #tpu.memory_space<vmem_shared>>) offsets(%dma_start3A_441 : memref<128xi32, #tpu.memory_space<vmem>>) semaphore(%run_scoped3A : memref<!tpu.dma_semaphore, #tpu.memory_space<semaphore_mem>>) {add = true}
        %dma_wait3A_445 = arith.constant 384 : i32
        %dma_wait3A_446 = arith.constant 0 : i32
        %dma_wait3A_447 = tpu.memref_slice %arg9[%dma_wait3A_445, %dma_wait3A_446] : memref<1024x32xf32, #tpu.memory_space<vmem>> -> memref<128x32xf32, #tpu.memory_space<vmem>>
        %dma_wait3A_448 = arith.constant 0 : i32
        %dma_wait3A_449 = tpu.memref_slice %arg8[%add3A_227, %dma_wait3A_448] : memref<32x128xi32, #tpu.memory_space<vmem>> -> memref<1x128xi32, #tpu.memory_space<vmem>>
        %dma_wait3A_450 = tpu.memref_squeeze %dma_wait3A_449 : memref<1x128xi32, #tpu.memory_space<vmem>> -> memref<128xi32, #tpu.memory_space<vmem>>
        %dma_wait3A_451 = arith.constant 0 : i32
        %dma_wait3A_452 = arith.constant 0 : i32
        %dma_wait3A_453 = tpu.memref_slice %arg10[%dma_wait3A_451, %dma_wait3A_452] : memref<10240x32xf32, #tpu.memory_space<vmem_shared>> -> memref<10240x32xf32, #tpu.memory_space<vmem_shared>>
        tpu.wait_indirect_dma semaphore(%run_scoped3A : memref<!tpu.dma_semaphore, #tpu.memory_space<semaphore_mem>>) src(%dma_wait3A_447 : memref<128x32xf32, #tpu.memory_space<vmem>>) dst(%dma_wait3A_453 : memref<10240x32xf32, #tpu.memory_space<vmem_shared>>)
        tpu.yield
      }) : () -> ()
      %mul3A_228 = arith.constant 2048 : i32
      %mul3A_229 = arith.muli %rem3A_115, %mul3A_228 : i32
      %add3A_230 = arith.constant 512 : i32
      %add3A_231 = arith.addi %mul3A_229, %add3A_230 : i32
      %add3A_232 = arith.constant 512 : i32
      %add3A_233 = arith.addi %add3A_231, %add3A_232 : i32
      %dma_wait3A_234 = arith.constant 512 : i32
      %dma_wait3A_235 = arith.constant 0 : i32
      %dma_wait3A_236 = tpu.memref_slice %arg9[%dma_wait3A_234, %dma_wait3A_235] : memref<1024x32xf32, #tpu.memory_space<vmem>> -> memref<512x32xf32, #tpu.memory_space<vmem>>
      %dma_wait3A_237 = tpu.memref_slice %arg7[%add3A_231] : memref<4096xi32, #tpu.memory_space<vmem>> -> memref<512xi32, #tpu.memory_space<vmem>>
      %dma_wait3A_238 = arith.constant 0 : i32
      %dma_wait3A_239 = arith.constant 0 : i32
      %dma_wait3A_240 = tpu.memref_slice %arg2[%dma_wait3A_238, %dma_wait3A_239] : memref<10240x32xf32, #tpu.memory_space<hbm>> -> memref<10240x32xf32, #tpu.memory_space<hbm>>
      tpu.wait_indirect_dma semaphore(%arg12 : memref<!tpu.dma_semaphore, #tpu.memory_space<semaphore_mem>>) src(%dma_wait3A_240 : memref<10240x32xf32, #tpu.memory_space<hbm>>) dst(%dma_wait3A_236 : memref<512x32xf32, #tpu.memory_space<vmem>>)
      %dma_start3A_241 = arith.constant 0 : i32
      %dma_start3A_242 = arith.constant 0 : i32
      %dma_start3A_243 = tpu.memref_slice %arg9[%dma_start3A_241, %dma_start3A_242] : memref<1024x32xf32, #tpu.memory_space<vmem>> -> memref<512x32xf32, #tpu.memory_space<vmem>>
      %dma_start3A_244 = tpu.memref_slice %arg7[%add3A_233] : memref<4096xi32, #tpu.memory_space<vmem>> -> memref<512xi32, #tpu.memory_space<vmem>>
      %dma_start3A_245 = arith.constant 0 : i32
      %dma_start3A_246 = arith.constant 0 : i32
      %dma_start3A_247 = tpu.memref_slice %arg2[%dma_start3A_245, %dma_start3A_246] : memref<10240x32xf32, #tpu.memory_space<hbm>> -> memref<10240x32xf32, #tpu.memory_space<hbm>>
      tpu.enqueue_indirect_dma source(%dma_start3A_247 : memref<10240x32xf32, #tpu.memory_space<hbm>>) target(%dma_start3A_243 : memref<512x32xf32, #tpu.memory_space<vmem>>) offsets(%dma_start3A_244 : memref<512xi32, #tpu.memory_space<vmem>>) semaphore(%arg11 : memref<!tpu.dma_semaphore, #tpu.memory_space<semaphore_mem>>)
      %mul3A_248 = arith.constant 4 : i32
      %mul3A_249 = arith.muli %rem3A_115, %mul3A_248 : i32
      %mul3A_250 = arith.constant 4 : i32
      %mul3A_251 = arith.muli %mul3A_249, %mul3A_250 : i32
      %add3A_252 = arith.constant 4 : i32
      %add3A_253 = arith.addi %mul3A_251, %add3A_252 : i32
      %add3A_254 = arith.constant 0 : i32
      %add3A_255 = arith.addi %add3A_253, %add3A_254 : i32
      "tpu.region"() ({
        %run_scoped3A = tpu.sem_alloc : memref<!tpu.dma_semaphore, #tpu.memory_space<semaphore_mem>>
        %dma_start3A_436 = arith.constant 512 : i32
        %dma_start3A_437 = arith.constant 0 : i32
        %dma_start3A_438 = tpu.memref_slice %arg9[%dma_start3A_436, %dma_start3A_437] : memref<1024x32xf32, #tpu.memory_space<vmem>> -> memref<128x32xf32, #tpu.memory_space<vmem>>
        %dma_start3A_439 = arith.constant 0 : i32
        %dma_start3A_440 = tpu.memref_slice %arg8[%add3A_255, %dma_start3A_439] : memref<32x128xi32, #tpu.memory_space<vmem>> -> memref<1x128xi32, #tpu.memory_space<vmem>>
        %dma_start3A_441 = tpu.memref_squeeze %dma_start3A_440 : memref<1x128xi32, #tpu.memory_space<vmem>> -> memref<128xi32, #tpu.memory_space<vmem>>
        %dma_start3A_442 = arith.constant 0 : i32
        %dma_start3A_443 = arith.constant 0 : i32
        %dma_start3A_444 = tpu.memref_slice %arg10[%dma_start3A_442, %dma_start3A_443] : memref<10240x32xf32, #tpu.memory_space<vmem_shared>> -> memref<10240x32xf32, #tpu.memory_space<vmem_shared>>
        tpu.enqueue_indirect_dma source(%dma_start3A_438 : memref<128x32xf32, #tpu.memory_space<vmem>>) target(%dma_start3A_444 : memref<10240x32xf32, #tpu.memory_space<vmem_shared>>) offsets(%dma_start3A_441 : memref<128xi32, #tpu.memory_space<vmem>>) semaphore(%run_scoped3A : memref<!tpu.dma_semaphore, #tpu.memory_space<semaphore_mem>>) {add = true}
        %dma_wait3A_445 = arith.constant 512 : i32
        %dma_wait3A_446 = arith.constant 0 : i32
        %dma_wait3A_447 = tpu.memref_slice %arg9[%dma_wait3A_445, %dma_wait3A_446] : memref<1024x32xf32, #tpu.memory_space<vmem>> -> memref<128x32xf32, #tpu.memory_space<vmem>>
        %dma_wait3A_448 = arith.constant 0 : i32
        %dma_wait3A_449 = tpu.memref_slice %arg8[%add3A_255, %dma_wait3A_448] : memref<32x128xi32, #tpu.memory_space<vmem>> -> memref<1x128xi32, #tpu.memory_space<vmem>>
        %dma_wait3A_450 = tpu.memref_squeeze %dma_wait3A_449 : memref<1x128xi32, #tpu.memory_space<vmem>> -> memref<128xi32, #tpu.memory_space<vmem>>
        %dma_wait3A_451 = arith.constant 0 : i32
        %dma_wait3A_452 = arith.constant 0 : i32
        %dma_wait3A_453 = tpu.memref_slice %arg10[%dma_wait3A_451, %dma_wait3A_452] : memref<10240x32xf32, #tpu.memory_space<vmem_shared>> -> memref<10240x32xf32, #tpu.memory_space<vmem_shared>>
        tpu.wait_indirect_dma semaphore(%run_scoped3A : memref<!tpu.dma_semaphore, #tpu.memory_space<semaphore_mem>>) src(%dma_wait3A_447 : memref<128x32xf32, #tpu.memory_space<vmem>>) dst(%dma_wait3A_453 : memref<10240x32xf32, #tpu.memory_space<vmem_shared>>)
        tpu.yield
      }) : () -> ()
      %mul3A_256 = arith.constant 4 : i32
      %mul3A_257 = arith.muli %rem3A_115, %mul3A_256 : i32
      %mul3A_258 = arith.constant 4 : i32
      %mul3A_259 = arith.muli %mul3A_257, %mul3A_258 : i32
      %add3A_260 = arith.constant 4 : i32
      %add3A_261 = arith.addi %mul3A_259, %add3A_260 : i32
      %add3A_262 = arith.constant 1 : i32
      %add3A_263 = arith.addi %add3A_261, %add3A_262 : i32
      "tpu.region"() ({
        %run_scoped3A = tpu.sem_alloc : memref<!tpu.dma_semaphore, #tpu.memory_space<semaphore_mem>>
        %dma_start3A_436 = arith.constant 640 : i32
        %dma_start3A_437 = arith.constant 0 : i32
        %dma_start3A_438 = tpu.memref_slice %arg9[%dma_start3A_436, %dma_start3A_437] : memref<1024x32xf32, #tpu.memory_space<vmem>> -> memref<128x32xf32, #tpu.memory_space<vmem>>
        %dma_start3A_439 = arith.constant 0 : i32
        %dma_start3A_440 = tpu.memref_slice %arg8[%add3A_263, %dma_start3A_439] : memref<32x128xi32, #tpu.memory_space<vmem>> -> memref<1x128xi32, #tpu.memory_space<vmem>>
        %dma_start3A_441 = tpu.memref_squeeze %dma_start3A_440 : memref<1x128xi32, #tpu.memory_space<vmem>> -> memref<128xi32, #tpu.memory_space<vmem>>
        %dma_start3A_442 = arith.constant 0 : i32
        %dma_start3A_443 = arith.constant 0 : i32
        %dma_start3A_444 = tpu.memref_slice %arg10[%dma_start3A_442, %dma_start3A_443] : memref<10240x32xf32, #tpu.memory_space<vmem_shared>> -> memref<10240x32xf32, #tpu.memory_space<vmem_shared>>
        tpu.enqueue_indirect_dma source(%dma_start3A_438 : memref<128x32xf32, #tpu.memory_space<vmem>>) target(%dma_start3A_444 : memref<10240x32xf32, #tpu.memory_space<vmem_shared>>) offsets(%dma_start3A_441 : memref<128xi32, #tpu.memory_space<vmem>>) semaphore(%run_scoped3A : memref<!tpu.dma_semaphore, #tpu.memory_space<semaphore_mem>>) {add = true}
        %dma_wait3A_445 = arith.constant 640 : i32
        %dma_wait3A_446 = arith.constant 0 : i32
        %dma_wait3A_447 = tpu.memref_slice %arg9[%dma_wait3A_445, %dma_wait3A_446] : memref<1024x32xf32, #tpu.memory_space<vmem>> -> memref<128x32xf32, #tpu.memory_space<vmem>>
        %dma_wait3A_448 = arith.constant 0 : i32
        %dma_wait3A_449 = tpu.memref_slice %arg8[%add3A_263, %dma_wait3A_448] : memref<32x128xi32, #tpu.memory_space<vmem>> -> memref<1x128xi32, #tpu.memory_space<vmem>>
        %dma_wait3A_450 = tpu.memref_squeeze %dma_wait3A_449 : memref<1x128xi32, #tpu.memory_space<vmem>> -> memref<128xi32, #tpu.memory_space<vmem>>
        %dma_wait3A_451 = arith.constant 0 : i32
        %dma_wait3A_452 = arith.constant 0 : i32
        %dma_wait3A_453 = tpu.memref_slice %arg10[%dma_wait3A_451, %dma_wait3A_452] : memref<10240x32xf32, #tpu.memory_space<vmem_shared>> -> memref<10240x32xf32, #tpu.memory_space<vmem_shared>>
        tpu.wait_indirect_dma semaphore(%run_scoped3A : memref<!tpu.dma_semaphore, #tpu.memory_space<semaphore_mem>>) src(%dma_wait3A_447 : memref<128x32xf32, #tpu.memory_space<vmem>>) dst(%dma_wait3A_453 : memref<10240x32xf32, #tpu.memory_space<vmem_shared>>)
        tpu.yield
      }) : () -> ()
      %mul3A_264 = arith.constant 4 : i32
      %mul3A_265 = arith.muli %rem3A_115, %mul3A_264 : i32
      %mul3A_266 = arith.constant 4 : i32
      %mul3A_267 = arith.muli %mul3A_265, %mul3A_266 : i32
      %add3A_268 = arith.constant 4 : i32
      %add3A_269 = arith.addi %mul3A_267, %add3A_268 : i32
      %add3A_270 = arith.constant 2 : i32
      %add3A_271 = arith.addi %add3A_269, %add3A_270 : i32
      "tpu.region"() ({
        %run_scoped3A = tpu.sem_alloc : memref<!tpu.dma_semaphore, #tpu.memory_space<semaphore_mem>>
        %dma_start3A_436 = arith.constant 768 : i32
        %dma_start3A_437 = arith.constant 0 : i32
        %dma_start3A_438 = tpu.memref_slice %arg9[%dma_start3A_436, %dma_start3A_437] : memref<1024x32xf32, #tpu.memory_space<vmem>> -> memref<128x32xf32, #tpu.memory_space<vmem>>
        %dma_start3A_439 = arith.constant 0 : i32
        %dma_start3A_440 = tpu.memref_slice %arg8[%add3A_271, %dma_start3A_439] : memref<32x128xi32, #tpu.memory_space<vmem>> -> memref<1x128xi32, #tpu.memory_space<vmem>>
        %dma_start3A_441 = tpu.memref_squeeze %dma_start3A_440 : memref<1x128xi32, #tpu.memory_space<vmem>> -> memref<128xi32, #tpu.memory_space<vmem>>
        %dma_start3A_442 = arith.constant 0 : i32
        %dma_start3A_443 = arith.constant 0 : i32
        %dma_start3A_444 = tpu.memref_slice %arg10[%dma_start3A_442, %dma_start3A_443] : memref<10240x32xf32, #tpu.memory_space<vmem_shared>> -> memref<10240x32xf32, #tpu.memory_space<vmem_shared>>
        tpu.enqueue_indirect_dma source(%dma_start3A_438 : memref<128x32xf32, #tpu.memory_space<vmem>>) target(%dma_start3A_444 : memref<10240x32xf32, #tpu.memory_space<vmem_shared>>) offsets(%dma_start3A_441 : memref<128xi32, #tpu.memory_space<vmem>>) semaphore(%run_scoped3A : memref<!tpu.dma_semaphore, #tpu.memory_space<semaphore_mem>>) {add = true}
        %dma_wait3A_445 = arith.constant 768 : i32
        %dma_wait3A_446 = arith.constant 0 : i32
        %dma_wait3A_447 = tpu.memref_slice %arg9[%dma_wait3A_445, %dma_wait3A_446] : memref<1024x32xf32, #tpu.memory_space<vmem>> -> memref<128x32xf32, #tpu.memory_space<vmem>>
        %dma_wait3A_448 = arith.constant 0 : i32
        %dma_wait3A_449 = tpu.memref_slice %arg8[%add3A_271, %dma_wait3A_448] : memref<32x128xi32, #tpu.memory_space<vmem>> -> memref<1x128xi32, #tpu.memory_space<vmem>>
        %dma_wait3A_450 = tpu.memref_squeeze %dma_wait3A_449 : memref<1x128xi32, #tpu.memory_space<vmem>> -> memref<128xi32, #tpu.memory_space<vmem>>
        %dma_wait3A_451 = arith.constant 0 : i32
        %dma_wait3A_452 = arith.constant 0 : i32
        %dma_wait3A_453 = tpu.memref_slice %arg10[%dma_wait3A_451, %dma_wait3A_452] : memref<10240x32xf32, #tpu.memory_space<vmem_shared>> -> memref<10240x32xf32, #tpu.memory_space<vmem_shared>>
        tpu.wait_indirect_dma semaphore(%run_scoped3A : memref<!tpu.dma_semaphore, #tpu.memory_space<semaphore_mem>>) src(%dma_wait3A_447 : memref<128x32xf32, #tpu.memory_space<vmem>>) dst(%dma_wait3A_453 : memref<10240x32xf32, #tpu.memory_space<vmem_shared>>)
        tpu.yield
      }) : () -> ()
      %mul3A_272 = arith.constant 4 : i32
      %mul3A_273 = arith.muli %rem3A_115, %mul3A_272 : i32
      %mul3A_274 = arith.constant 4 : i32
      %mul3A_275 = arith.muli %mul3A_273, %mul3A_274 : i32
      %add3A_276 = arith.constant 4 : i32
      %add3A_277 = arith.addi %mul3A_275, %add3A_276 : i32
      %add3A_278 = arith.constant 3 : i32
      %add3A_279 = arith.addi %add3A_277, %add3A_278 : i32
      "tpu.region"() ({
        %run_scoped3A = tpu.sem_alloc : memref<!tpu.dma_semaphore, #tpu.memory_space<semaphore_mem>>
        %dma_start3A_436 = arith.constant 896 : i32
        %dma_start3A_437 = arith.constant 0 : i32
        %dma_start3A_438 = tpu.memref_slice %arg9[%dma_start3A_436, %dma_start3A_437] : memref<1024x32xf32, #tpu.memory_space<vmem>> -> memref<128x32xf32, #tpu.memory_space<vmem>>
        %dma_start3A_439 = arith.constant 0 : i32
        %dma_start3A_440 = tpu.memref_slice %arg8[%add3A_279, %dma_start3A_439] : memref<32x128xi32, #tpu.memory_space<vmem>> -> memref<1x128xi32, #tpu.memory_space<vmem>>
        %dma_start3A_441 = tpu.memref_squeeze %dma_start3A_440 : memref<1x128xi32, #tpu.memory_space<vmem>> -> memref<128xi32, #tpu.memory_space<vmem>>
        %dma_start3A_442 = arith.constant 0 : i32
        %dma_start3A_443 = arith.constant 0 : i32
        %dma_start3A_444 = tpu.memref_slice %arg10[%dma_start3A_442, %dma_start3A_443] : memref<10240x32xf32, #tpu.memory_space<vmem_shared>> -> memref<10240x32xf32, #tpu.memory_space<vmem_shared>>
        tpu.enqueue_indirect_dma source(%dma_start3A_438 : memref<128x32xf32, #tpu.memory_space<vmem>>) target(%dma_start3A_444 : memref<10240x32xf32, #tpu.memory_space<vmem_shared>>) offsets(%dma_start3A_441 : memref<128xi32, #tpu.memory_space<vmem>>) semaphore(%run_scoped3A : memref<!tpu.dma_semaphore, #tpu.memory_space<semaphore_mem>>) {add = true}
        %dma_wait3A_445 = arith.constant 896 : i32
        %dma_wait3A_446 = arith.constant 0 : i32
        %dma_wait3A_447 = tpu.memref_slice %arg9[%dma_wait3A_445, %dma_wait3A_446] : memref<1024x32xf32, #tpu.memory_space<vmem>> -> memref<128x32xf32, #tpu.memory_space<vmem>>
        %dma_wait3A_448 = arith.constant 0 : i32
        %dma_wait3A_449 = tpu.memref_slice %arg8[%add3A_279, %dma_wait3A_448] : memref<32x128xi32, #tpu.memory_space<vmem>> -> memref<1x128xi32, #tpu.memory_space<vmem>>
        %dma_wait3A_450 = tpu.memref_squeeze %dma_wait3A_449 : memref<1x128xi32, #tpu.memory_space<vmem>> -> memref<128xi32, #tpu.memory_space<vmem>>
        %dma_wait3A_451 = arith.constant 0 : i32
        %dma_wait3A_452 = arith.constant 0 : i32
        %dma_wait3A_453 = tpu.memref_slice %arg10[%dma_wait3A_451, %dma_wait3A_452] : memref<10240x32xf32, #tpu.memory_space<vmem_shared>> -> memref<10240x32xf32, #tpu.memory_space<vmem_shared>>
        tpu.wait_indirect_dma semaphore(%run_scoped3A : memref<!tpu.dma_semaphore, #tpu.memory_space<semaphore_mem>>) src(%dma_wait3A_447 : memref<128x32xf32, #tpu.memory_space<vmem>>) dst(%dma_wait3A_453 : memref<10240x32xf32, #tpu.memory_space<vmem_shared>>)
        tpu.yield
      }) : () -> ()
      %mul3A_280 = arith.constant 2048 : i32
      %mul3A_281 = arith.muli %rem3A_115, %mul3A_280 : i32
      %add3A_282 = arith.constant 1024 : i32
      %add3A_283 = arith.addi %mul3A_281, %add3A_282 : i32
      %add3A_284 = arith.constant 512 : i32
      %add3A_285 = arith.addi %add3A_283, %add3A_284 : i32
      %dma_wait3A_286 = arith.constant 0 : i32
      %dma_wait3A_287 = arith.constant 0 : i32
      %dma_wait3A_288 = tpu.memref_slice %arg9[%dma_wait3A_286, %dma_wait3A_287] : memref<1024x32xf32, #tpu.memory_space<vmem>> -> memref<512x32xf32, #tpu.memory_space<vmem>>
      %dma_wait3A_289 = tpu.memref_slice %arg7[%add3A_283] : memref<4096xi32, #tpu.memory_space<vmem>> -> memref<512xi32, #tpu.memory_space<vmem>>
      %dma_wait3A_290 = arith.constant 0 : i32
      %dma_wait3A_291 = arith.constant 0 : i32
      %dma_wait3A_292 = tpu.memref_slice %arg2[%dma_wait3A_290, %dma_wait3A_291] : memref<10240x32xf32, #tpu.memory_space<hbm>> -> memref<10240x32xf32, #tpu.memory_space<hbm>>
      tpu.wait_indirect_dma semaphore(%arg11 : memref<!tpu.dma_semaphore, #tpu.memory_space<semaphore_mem>>) src(%dma_wait3A_292 : memref<10240x32xf32, #tpu.memory_space<hbm>>) dst(%dma_wait3A_288 : memref<512x32xf32, #tpu.memory_space<vmem>>)
      %dma_start3A_293 = arith.constant 512 : i32
      %dma_start3A_294 = arith.constant 0 : i32
      %dma_start3A_295 = tpu.memref_slice %arg9[%dma_start3A_293, %dma_start3A_294] : memref<1024x32xf32, #tpu.memory_space<vmem>> -> memref<512x32xf32, #tpu.memory_space<vmem>>
      %dma_start3A_296 = tpu.memref_slice %arg7[%add3A_285] : memref<4096xi32, #tpu.memory_space<vmem>> -> memref<512xi32, #tpu.memory_space<vmem>>
      %dma_start3A_297 = arith.constant 0 : i32
      %dma_start3A_298 = arith.constant 0 : i32
      %dma_start3A_299 = tpu.memref_slice %arg2[%dma_start3A_297, %dma_start3A_298] : memref<10240x32xf32, #tpu.memory_space<hbm>> -> memref<10240x32xf32, #tpu.memory_space<hbm>>
      tpu.enqueue_indirect_dma source(%dma_start3A_299 : memref<10240x32xf32, #tpu.memory_space<hbm>>) target(%dma_start3A_295 : memref<512x32xf32, #tpu.memory_space<vmem>>) offsets(%dma_start3A_296 : memref<512xi32, #tpu.memory_space<vmem>>) semaphore(%arg12 : memref<!tpu.dma_semaphore, #tpu.memory_space<semaphore_mem>>)
      %mul3A_300 = arith.constant 4 : i32
      %mul3A_301 = arith.muli %rem3A_115, %mul3A_300 : i32
      %mul3A_302 = arith.constant 4 : i32
      %mul3A_303 = arith.muli %mul3A_301, %mul3A_302 : i32
      %add3A_304 = arith.constant 8 : i32
      %add3A_305 = arith.addi %mul3A_303, %add3A_304 : i32
      %add3A_306 = arith.constant 0 : i32
      %add3A_307 = arith.addi %add3A_305, %add3A_306 : i32
      "tpu.region"() ({
        %run_scoped3A = tpu.sem_alloc : memref<!tpu.dma_semaphore, #tpu.memory_space<semaphore_mem>>
        %dma_start3A_436 = arith.constant 0 : i32
        %dma_start3A_437 = arith.constant 0 : i32
        %dma_start3A_438 = tpu.memref_slice %arg9[%dma_start3A_436, %dma_start3A_437] : memref<1024x32xf32, #tpu.memory_space<vmem>> -> memref<128x32xf32, #tpu.memory_space<vmem>>
        %dma_start3A_439 = arith.constant 0 : i32
        %dma_start3A_440 = tpu.memref_slice %arg8[%add3A_307, %dma_start3A_439] : memref<32x128xi32, #tpu.memory_space<vmem>> -> memref<1x128xi32, #tpu.memory_space<vmem>>
        %dma_start3A_441 = tpu.memref_squeeze %dma_start3A_440 : memref<1x128xi32, #tpu.memory_space<vmem>> -> memref<128xi32, #tpu.memory_space<vmem>>
        %dma_start3A_442 = arith.constant 0 : i32
        %dma_start3A_443 = arith.constant 0 : i32
        %dma_start3A_444 = tpu.memref_slice %arg10[%dma_start3A_442, %dma_start3A_443] : memref<10240x32xf32, #tpu.memory_space<vmem_shared>> -> memref<10240x32xf32, #tpu.memory_space<vmem_shared>>
        tpu.enqueue_indirect_dma source(%dma_start3A_438 : memref<128x32xf32, #tpu.memory_space<vmem>>) target(%dma_start3A_444 : memref<10240x32xf32, #tpu.memory_space<vmem_shared>>) offsets(%dma_start3A_441 : memref<128xi32, #tpu.memory_space<vmem>>) semaphore(%run_scoped3A : memref<!tpu.dma_semaphore, #tpu.memory_space<semaphore_mem>>) {add = true}
        %dma_wait3A_445 = arith.constant 0 : i32
        %dma_wait3A_446 = arith.constant 0 : i32
        %dma_wait3A_447 = tpu.memref_slice %arg9[%dma_wait3A_445, %dma_wait3A_446] : memref<1024x32xf32, #tpu.memory_space<vmem>> -> memref<128x32xf32, #tpu.memory_space<vmem>>
        %dma_wait3A_448 = arith.constant 0 : i32
        %dma_wait3A_449 = tpu.memref_slice %arg8[%add3A_307, %dma_wait3A_448] : memref<32x128xi32, #tpu.memory_space<vmem>> -> memref<1x128xi32, #tpu.memory_space<vmem>>
        %dma_wait3A_450 = tpu.memref_squeeze %dma_wait3A_449 : memref<1x128xi32, #tpu.memory_space<vmem>> -> memref<128xi32, #tpu.memory_space<vmem>>
        %dma_wait3A_451 = arith.constant 0 : i32
        %dma_wait3A_452 = arith.constant 0 : i32
        %dma_wait3A_453 = tpu.memref_slice %arg10[%dma_wait3A_451, %dma_wait3A_452] : memref<10240x32xf32, #tpu.memory_space<vmem_shared>> -> memref<10240x32xf32, #tpu.memory_space<vmem_shared>>
        tpu.wait_indirect_dma semaphore(%run_scoped3A : memref<!tpu.dma_semaphore, #tpu.memory_space<semaphore_mem>>) src(%dma_wait3A_447 : memref<128x32xf32, #tpu.memory_space<vmem>>) dst(%dma_wait3A_453 : memref<10240x32xf32, #tpu.memory_space<vmem_shared>>)
        tpu.yield
      }) : () -> ()
      %mul3A_308 = arith.constant 4 : i32
      %mul3A_309 = arith.muli %rem3A_115, %mul3A_308 : i32
      %mul3A_310 = arith.constant 4 : i32
      %mul3A_311 = arith.muli %mul3A_309, %mul3A_310 : i32
      %add3A_312 = arith.constant 8 : i32
      %add3A_313 = arith.addi %mul3A_311, %add3A_312 : i32
      %add3A_314 = arith.constant 1 : i32
      %add3A_315 = arith.addi %add3A_313, %add3A_314 : i32
      "tpu.region"() ({
        %run_scoped3A = tpu.sem_alloc : memref<!tpu.dma_semaphore, #tpu.memory_space<semaphore_mem>>
        %dma_start3A_436 = arith.constant 128 : i32
        %dma_start3A_437 = arith.constant 0 : i32
        %dma_start3A_438 = tpu.memref_slice %arg9[%dma_start3A_436, %dma_start3A_437] : memref<1024x32xf32, #tpu.memory_space<vmem>> -> memref<128x32xf32, #tpu.memory_space<vmem>>
        %dma_start3A_439 = arith.constant 0 : i32
        %dma_start3A_440 = tpu.memref_slice %arg8[%add3A_315, %dma_start3A_439] : memref<32x128xi32, #tpu.memory_space<vmem>> -> memref<1x128xi32, #tpu.memory_space<vmem>>
        %dma_start3A_441 = tpu.memref_squeeze %dma_start3A_440 : memref<1x128xi32, #tpu.memory_space<vmem>> -> memref<128xi32, #tpu.memory_space<vmem>>
        %dma_start3A_442 = arith.constant 0 : i32
        %dma_start3A_443 = arith.constant 0 : i32
        %dma_start3A_444 = tpu.memref_slice %arg10[%dma_start3A_442, %dma_start3A_443] : memref<10240x32xf32, #tpu.memory_space<vmem_shared>> -> memref<10240x32xf32, #tpu.memory_space<vmem_shared>>
        tpu.enqueue_indirect_dma source(%dma_start3A_438 : memref<128x32xf32, #tpu.memory_space<vmem>>) target(%dma_start3A_444 : memref<10240x32xf32, #tpu.memory_space<vmem_shared>>) offsets(%dma_start3A_441 : memref<128xi32, #tpu.memory_space<vmem>>) semaphore(%run_scoped3A : memref<!tpu.dma_semaphore, #tpu.memory_space<semaphore_mem>>) {add = true}
        %dma_wait3A_445 = arith.constant 128 : i32
        %dma_wait3A_446 = arith.constant 0 : i32
        %dma_wait3A_447 = tpu.memref_slice %arg9[%dma_wait3A_445, %dma_wait3A_446] : memref<1024x32xf32, #tpu.memory_space<vmem>> -> memref<128x32xf32, #tpu.memory_space<vmem>>
        %dma_wait3A_448 = arith.constant 0 : i32
        %dma_wait3A_449 = tpu.memref_slice %arg8[%add3A_315, %dma_wait3A_448] : memref<32x128xi32, #tpu.memory_space<vmem>> -> memref<1x128xi32, #tpu.memory_space<vmem>>
        %dma_wait3A_450 = tpu.memref_squeeze %dma_wait3A_449 : memref<1x128xi32, #tpu.memory_space<vmem>> -> memref<128xi32, #tpu.memory_space<vmem>>
        %dma_wait3A_451 = arith.constant 0 : i32
        %dma_wait3A_452 = arith.constant 0 : i32
        %dma_wait3A_453 = tpu.memref_slice %arg10[%dma_wait3A_451, %dma_wait3A_452] : memref<10240x32xf32, #tpu.memory_space<vmem_shared>> -> memref<10240x32xf32, #tpu.memory_space<vmem_shared>>
        tpu.wait_indirect_dma semaphore(%run_scoped3A : memref<!tpu.dma_semaphore, #tpu.memory_space<semaphore_mem>>) src(%dma_wait3A_447 : memref<128x32xf32, #tpu.memory_space<vmem>>) dst(%dma_wait3A_453 : memref<10240x32xf32, #tpu.memory_space<vmem_shared>>)
        tpu.yield
      }) : () -> ()
      %mul3A_316 = arith.constant 4 : i32
      %mul3A_317 = arith.muli %rem3A_115, %mul3A_316 : i32
      %mul3A_318 = arith.constant 4 : i32
      %mul3A_319 = arith.muli %mul3A_317, %mul3A_318 : i32
      %add3A_320 = arith.constant 8 : i32
      %add3A_321 = arith.addi %mul3A_319, %add3A_320 : i32
      %add3A_322 = arith.constant 2 : i32
      %add3A_323 = arith.addi %add3A_321, %add3A_322 : i32
      "tpu.region"() ({
        %run_scoped3A = tpu.sem_alloc : memref<!tpu.dma_semaphore, #tpu.memory_space<semaphore_mem>>
        %dma_start3A_436 = arith.constant 256 : i32
        %dma_start3A_437 = arith.constant 0 : i32
        %dma_start3A_438 = tpu.memref_slice %arg9[%dma_start3A_436, %dma_start3A_437] : memref<1024x32xf32, #tpu.memory_space<vmem>> -> memref<128x32xf32, #tpu.memory_space<vmem>>
        %dma_start3A_439 = arith.constant 0 : i32
        %dma_start3A_440 = tpu.memref_slice %arg8[%add3A_323, %dma_start3A_439] : memref<32x128xi32, #tpu.memory_space<vmem>> -> memref<1x128xi32, #tpu.memory_space<vmem>>
        %dma_start3A_441 = tpu.memref_squeeze %dma_start3A_440 : memref<1x128xi32, #tpu.memory_space<vmem>> -> memref<128xi32, #tpu.memory_space<vmem>>
        %dma_start3A_442 = arith.constant 0 : i32
        %dma_start3A_443 = arith.constant 0 : i32
        %dma_start3A_444 = tpu.memref_slice %arg10[%dma_start3A_442, %dma_start3A_443] : memref<10240x32xf32, #tpu.memory_space<vmem_shared>> -> memref<10240x32xf32, #tpu.memory_space<vmem_shared>>
        tpu.enqueue_indirect_dma source(%dma_start3A_438 : memref<128x32xf32, #tpu.memory_space<vmem>>) target(%dma_start3A_444 : memref<10240x32xf32, #tpu.memory_space<vmem_shared>>) offsets(%dma_start3A_441 : memref<128xi32, #tpu.memory_space<vmem>>) semaphore(%run_scoped3A : memref<!tpu.dma_semaphore, #tpu.memory_space<semaphore_mem>>) {add = true}
        %dma_wait3A_445 = arith.constant 256 : i32
        %dma_wait3A_446 = arith.constant 0 : i32
        %dma_wait3A_447 = tpu.memref_slice %arg9[%dma_wait3A_445, %dma_wait3A_446] : memref<1024x32xf32, #tpu.memory_space<vmem>> -> memref<128x32xf32, #tpu.memory_space<vmem>>
        %dma_wait3A_448 = arith.constant 0 : i32
        %dma_wait3A_449 = tpu.memref_slice %arg8[%add3A_323, %dma_wait3A_448] : memref<32x128xi32, #tpu.memory_space<vmem>> -> memref<1x128xi32, #tpu.memory_space<vmem>>
        %dma_wait3A_450 = tpu.memref_squeeze %dma_wait3A_449 : memref<1x128xi32, #tpu.memory_space<vmem>> -> memref<128xi32, #tpu.memory_space<vmem>>
        %dma_wait3A_451 = arith.constant 0 : i32
        %dma_wait3A_452 = arith.constant 0 : i32
        %dma_wait3A_453 = tpu.memref_slice %arg10[%dma_wait3A_451, %dma_wait3A_452] : memref<10240x32xf32, #tpu.memory_space<vmem_shared>> -> memref<10240x32xf32, #tpu.memory_space<vmem_shared>>
        tpu.wait_indirect_dma semaphore(%run_scoped3A : memref<!tpu.dma_semaphore, #tpu.memory_space<semaphore_mem>>) src(%dma_wait3A_447 : memref<128x32xf32, #tpu.memory_space<vmem>>) dst(%dma_wait3A_453 : memref<10240x32xf32, #tpu.memory_space<vmem_shared>>)
        tpu.yield
      }) : () -> ()
      %mul3A_324 = arith.constant 4 : i32
      %mul3A_325 = arith.muli %rem3A_115, %mul3A_324 : i32
      %mul3A_326 = arith.constant 4 : i32
      %mul3A_327 = arith.muli %mul3A_325, %mul3A_326 : i32
      %add3A_328 = arith.constant 8 : i32
      %add3A_329 = arith.addi %mul3A_327, %add3A_328 : i32
      %add3A_330 = arith.constant 3 : i32
      %add3A_331 = arith.addi %add3A_329, %add3A_330 : i32
      "tpu.region"() ({
        %run_scoped3A = tpu.sem_alloc : memref<!tpu.dma_semaphore, #tpu.memory_space<semaphore_mem>>
        %dma_start3A_436 = arith.constant 384 : i32
        %dma_start3A_437 = arith.constant 0 : i32
        %dma_start3A_438 = tpu.memref_slice %arg9[%dma_start3A_436, %dma_start3A_437] : memref<1024x32xf32, #tpu.memory_space<vmem>> -> memref<128x32xf32, #tpu.memory_space<vmem>>
        %dma_start3A_439 = arith.constant 0 : i32
        %dma_start3A_440 = tpu.memref_slice %arg8[%add3A_331, %dma_start3A_439] : memref<32x128xi32, #tpu.memory_space<vmem>> -> memref<1x128xi32, #tpu.memory_space<vmem>>
        %dma_start3A_441 = tpu.memref_squeeze %dma_start3A_440 : memref<1x128xi32, #tpu.memory_space<vmem>> -> memref<128xi32, #tpu.memory_space<vmem>>
        %dma_start3A_442 = arith.constant 0 : i32
        %dma_start3A_443 = arith.constant 0 : i32
        %dma_start3A_444 = tpu.memref_slice %arg10[%dma_start3A_442, %dma_start3A_443] : memref<10240x32xf32, #tpu.memory_space<vmem_shared>> -> memref<10240x32xf32, #tpu.memory_space<vmem_shared>>
        tpu.enqueue_indirect_dma source(%dma_start3A_438 : memref<128x32xf32, #tpu.memory_space<vmem>>) target(%dma_start3A_444 : memref<10240x32xf32, #tpu.memory_space<vmem_shared>>) offsets(%dma_start3A_441 : memref<128xi32, #tpu.memory_space<vmem>>) semaphore(%run_scoped3A : memref<!tpu.dma_semaphore, #tpu.memory_space<semaphore_mem>>) {add = true}
        %dma_wait3A_445 = arith.constant 384 : i32
        %dma_wait3A_446 = arith.constant 0 : i32
        %dma_wait3A_447 = tpu.memref_slice %arg9[%dma_wait3A_445, %dma_wait3A_446] : memref<1024x32xf32, #tpu.memory_space<vmem>> -> memref<128x32xf32, #tpu.memory_space<vmem>>
        %dma_wait3A_448 = arith.constant 0 : i32
        %dma_wait3A_449 = tpu.memref_slice %arg8[%add3A_331, %dma_wait3A_448] : memref<32x128xi32, #tpu.memory_space<vmem>> -> memref<1x128xi32, #tpu.memory_space<vmem>>
        %dma_wait3A_450 = tpu.memref_squeeze %dma_wait3A_449 : memref<1x128xi32, #tpu.memory_space<vmem>> -> memref<128xi32, #tpu.memory_space<vmem>>
        %dma_wait3A_451 = arith.constant 0 : i32
        %dma_wait3A_452 = arith.constant 0 : i32
        %dma_wait3A_453 = tpu.memref_slice %arg10[%dma_wait3A_451, %dma_wait3A_452] : memref<10240x32xf32, #tpu.memory_space<vmem_shared>> -> memref<10240x32xf32, #tpu.memory_space<vmem_shared>>
        tpu.wait_indirect_dma semaphore(%run_scoped3A : memref<!tpu.dma_semaphore, #tpu.memory_space<semaphore_mem>>) src(%dma_wait3A_447 : memref<128x32xf32, #tpu.memory_space<vmem>>) dst(%dma_wait3A_453 : memref<10240x32xf32, #tpu.memory_space<vmem_shared>>)
        tpu.yield
      }) : () -> ()
      %mul3A_332 = arith.constant 2048 : i32
      %mul3A_333 = arith.muli %rem3A_115, %mul3A_332 : i32
      %add3A_334 = arith.constant 1536 : i32
      %add3A_335 = arith.addi %mul3A_333, %add3A_334 : i32
      %mul3A_336 = arith.constant 2048 : i32
      %mul3A_337 = arith.muli %rem3A_119, %mul3A_336 : i32
      %dma_wait3A_338 = arith.constant 512 : i32
      %dma_wait3A_339 = arith.constant 0 : i32
      %dma_wait3A_340 = tpu.memref_slice %arg9[%dma_wait3A_338, %dma_wait3A_339] : memref<1024x32xf32, #tpu.memory_space<vmem>> -> memref<512x32xf32, #tpu.memory_space<vmem>>
      %dma_wait3A_341 = tpu.memref_slice %arg7[%add3A_335] : memref<4096xi32, #tpu.memory_space<vmem>> -> memref<512xi32, #tpu.memory_space<vmem>>
      %dma_wait3A_342 = arith.constant 0 : i32
      %dma_wait3A_343 = arith.constant 0 : i32
      %dma_wait3A_344 = tpu.memref_slice %arg2[%dma_wait3A_342, %dma_wait3A_343] : memref<10240x32xf32, #tpu.memory_space<hbm>> -> memref<10240x32xf32, #tpu.memory_space<hbm>>
      tpu.wait_indirect_dma semaphore(%arg12 : memref<!tpu.dma_semaphore, #tpu.memory_space<semaphore_mem>>) src(%dma_wait3A_344 : memref<10240x32xf32, #tpu.memory_space<hbm>>) dst(%dma_wait3A_340 : memref<512x32xf32, #tpu.memory_space<vmem>>)
      %mul3A_345 = arith.constant 10240 : i32
      %mul3A_346 = arith.muli %add3A, %mul3A_345 : i32
      %mul3A_347 = arith.constant 2048 : i32
      %mul3A_348 = arith.muli %rem3A_123, %mul3A_347 : i32
      %add3A_349 = arith.addi %mul3A_346, %mul3A_348 : i32
      %mul3A_350 = arith.constant 2048 : i32
      %mul3A_351 = arith.muli %rem3A_119, %mul3A_350 : i32
      %mul3A_352 = arith.constant 10240 : i32
      %mul3A_353 = arith.muli %add3A, %mul3A_352 : i32
      %mul3A_354 = arith.constant 2048 : i32
      %mul3A_355 = arith.muli %rem3A_123, %mul3A_354 : i32
      %add3A_356 = arith.addi %mul3A_353, %mul3A_355 : i32
      %jit3A_357 = arith.constant 128 : i32
      %div3A_358 = arith.divsi %add3A_356, %jit3A_357 : i32
      %sign3A_359 = arith.constant 0 : i32
      %sign3A_360 = arith.cmpi sgt, %add3A_356, %sign3A_359 : i32
      %sign3A_361 = arith.extui %sign3A_360 : i1 to i32
      %sign3A_362 = arith.constant 0 : i32
      %sign3A_363 = arith.cmpi slt, %add3A_356, %sign3A_362 : i32
      %sign3A_364 = arith.extui %sign3A_363 : i1 to i32
      %sign3A_365 = arith.subi %sign3A_361, %sign3A_364 : i32
      %sign3A_366 = arith.constant 0 : i32
      %sign3A_367 = arith.cmpi sgt, %jit3A_357, %sign3A_366 : i32
      %sign3A_368 = arith.extui %sign3A_367 : i1 to i32
      %sign3A_369 = arith.constant 0 : i32
      %sign3A_370 = arith.cmpi slt, %jit3A_357, %sign3A_369 : i32
      %sign3A_371 = arith.extui %sign3A_370 : i1 to i32
      %sign3A_372 = arith.subi %sign3A_368, %sign3A_371 : i32
      %ne3A_373 = arith.cmpi ne, %sign3A_365, %sign3A_372 : i32
      %rem3A_374 = arith.remsi %add3A_356, %jit3A_357 : i32
      %ne3A_375 = arith.constant 0 : i32
      %ne3A_376 = arith.cmpi ne, %rem3A_374, %ne3A_375 : i32
      %and3A_377 = arith.andi %ne3A_373, %ne3A_376 : i1
      %sub3A_378 = arith.constant 1 : i32
      %sub3A_379 = arith.subi %div3A_358, %sub3A_378 : i32
      %select_n3A_380 = arith.select %and3A_377, %sub3A_379, %div3A_358 : i32
      %mul3A_381 = arith.constant 4 : i32
      %mul3A_382 = arith.muli %rem3A_119, %mul3A_381 : i32
      %mul3A_383 = arith.constant 4 : i32
      %mul3A_384 = arith.muli %mul3A_382, %mul3A_383 : i32
      %dma_wait3A_385 = tpu.memref_slice %arg7[%mul3A_351] : memref<4096xi32, #tpu.memory_space<vmem>> -> memref<2048xi32, #tpu.memory_space<vmem>>
      %dma_wait3A_386 = tpu.memref_slice %arg3[%add3A_349] : memref<327680xi32, #tpu.memory_space<hbm>> -> memref<2048xi32, #tpu.memory_space<hbm>>
      %dma_wait3A_387 = tpu.memref_slice %arg7[%mul3A_351] : memref<4096xi32, #tpu.memory_space<vmem>> -> memref<2048xi32, #tpu.memory_space<vmem>>
      %dma_wait3A_388 = tpu.memref_slice %arg3[%add3A_349] : memref<327680xi32, #tpu.memory_space<hbm>> -> memref<2048xi32, #tpu.memory_space<hbm>>
      tpu.wait_dma2 semaphore(%arg13 : memref<!tpu.dma_semaphore, #tpu.memory_space<semaphore_mem>>) src(%dma_wait3A_388 : memref<2048xi32, #tpu.memory_space<hbm>>) dst(%dma_wait3A_387 : memref<2048xi32, #tpu.memory_space<vmem>>)
      %dma_wait3A_389 = arith.constant 0 : i32
      %dma_wait3A_390 = tpu.memref_slice %arg8[%mul3A_384, %dma_wait3A_389] : memref<32x128xi32, #tpu.memory_space<vmem>> -> memref<16x128xi32, #tpu.memory_space<vmem>>
      %dma_wait3A_391 = arith.constant 0 : i32
      %dma_wait3A_392 = tpu.memref_slice %arg4[%select_n3A_380, %dma_wait3A_391] : memref<2560x128xi32, #tpu.memory_space<hbm>> -> memref<16x128xi32, #tpu.memory_space<hbm>>
      %dma_wait3A_393 = arith.constant 0 : i32
      %dma_wait3A_394 = tpu.memref_slice %arg8[%mul3A_384, %dma_wait3A_393] : memref<32x128xi32, #tpu.memory_space<vmem>> -> memref<16x128xi32, #tpu.memory_space<vmem>>
      %dma_wait3A_395 = arith.constant 0 : i32
      %dma_wait3A_396 = tpu.memref_slice %arg4[%select_n3A_380, %dma_wait3A_395] : memref<2560x128xi32, #tpu.memory_space<hbm>> -> memref<16x128xi32, #tpu.memory_space<hbm>>
      tpu.wait_dma2 semaphore(%arg13 : memref<!tpu.dma_semaphore, #tpu.memory_space<semaphore_mem>>) src(%dma_wait3A_396 : memref<16x128xi32, #tpu.memory_space<hbm>>) dst(%dma_wait3A_394 : memref<16x128xi32, #tpu.memory_space<vmem>>)
      %dma_start3A_397 = arith.constant 0 : i32
      %dma_start3A_398 = arith.constant 0 : i32
      %dma_start3A_399 = tpu.memref_slice %arg9[%dma_start3A_397, %dma_start3A_398] : memref<1024x32xf32, #tpu.memory_space<vmem>> -> memref<512x32xf32, #tpu.memory_space<vmem>>
      %dma_start3A_400 = tpu.memref_slice %arg7[%mul3A_337] : memref<4096xi32, #tpu.memory_space<vmem>> -> memref<512xi32, #tpu.memory_space<vmem>>
      %dma_start3A_401 = arith.constant 0 : i32
      %dma_start3A_402 = arith.constant 0 : i32
      %dma_start3A_403 = tpu.memref_slice %arg2[%dma_start3A_401, %dma_start3A_402] : memref<10240x32xf32, #tpu.memory_space<hbm>> -> memref<10240x32xf32, #tpu.memory_space<hbm>>
      tpu.enqueue_indirect_dma source(%dma_start3A_403 : memref<10240x32xf32, #tpu.memory_space<hbm>>) target(%dma_start3A_399 : memref<512x32xf32, #tpu.memory_space<vmem>>) offsets(%dma_start3A_400 : memref<512xi32, #tpu.memory_space<vmem>>) semaphore(%arg11 : memref<!tpu.dma_semaphore, #tpu.memory_space<semaphore_mem>>)
      %mul3A_404 = arith.constant 4 : i32
      %mul3A_405 = arith.muli %rem3A_115, %mul3A_404 : i32
      %mul3A_406 = arith.constant 4 : i32
      %mul3A_407 = arith.muli %mul3A_405, %mul3A_406 : i32
      %add3A_408 = arith.constant 12 : i32
      %add3A_409 = arith.addi %mul3A_407, %add3A_408 : i32
      %add3A_410 = arith.constant 0 : i32
      %add3A_411 = arith.addi %add3A_409, %add3A_410 : i32
      "tpu.region"() ({
        %run_scoped3A = tpu.sem_alloc : memref<!tpu.dma_semaphore, #tpu.memory_space<semaphore_mem>>
        %dma_start3A_436 = arith.constant 512 : i32
        %dma_start3A_437 = arith.constant 0 : i32
        %dma_start3A_438 = tpu.memref_slice %arg9[%dma_start3A_436, %dma_start3A_437] : memref<1024x32xf32, #tpu.memory_space<vmem>> -> memref<128x32xf32, #tpu.memory_space<vmem>>
        %dma_start3A_439 = arith.constant 0 : i32
        %dma_start3A_440 = tpu.memref_slice %arg8[%add3A_411, %dma_start3A_439] : memref<32x128xi32, #tpu.memory_space<vmem>> -> memref<1x128xi32, #tpu.memory_space<vmem>>
        %dma_start3A_441 = tpu.memref_squeeze %dma_start3A_440 : memref<1x128xi32, #tpu.memory_space<vmem>> -> memref<128xi32, #tpu.memory_space<vmem>>
        %dma_start3A_442 = arith.constant 0 : i32
        %dma_start3A_443 = arith.constant 0 : i32
        %dma_start3A_444 = tpu.memref_slice %arg10[%dma_start3A_442, %dma_start3A_443] : memref<10240x32xf32, #tpu.memory_space<vmem_shared>> -> memref<10240x32xf32, #tpu.memory_space<vmem_shared>>
        tpu.enqueue_indirect_dma source(%dma_start3A_438 : memref<128x32xf32, #tpu.memory_space<vmem>>) target(%dma_start3A_444 : memref<10240x32xf32, #tpu.memory_space<vmem_shared>>) offsets(%dma_start3A_441 : memref<128xi32, #tpu.memory_space<vmem>>) semaphore(%run_scoped3A : memref<!tpu.dma_semaphore, #tpu.memory_space<semaphore_mem>>) {add = true}
        %dma_wait3A_445 = arith.constant 512 : i32
        %dma_wait3A_446 = arith.constant 0 : i32
        %dma_wait3A_447 = tpu.memref_slice %arg9[%dma_wait3A_445, %dma_wait3A_446] : memref<1024x32xf32, #tpu.memory_space<vmem>> -> memref<128x32xf32, #tpu.memory_space<vmem>>
        %dma_wait3A_448 = arith.constant 0 : i32
        %dma_wait3A_449 = tpu.memref_slice %arg8[%add3A_411, %dma_wait3A_448] : memref<32x128xi32, #tpu.memory_space<vmem>> -> memref<1x128xi32, #tpu.memory_space<vmem>>
        %dma_wait3A_450 = tpu.memref_squeeze %dma_wait3A_449 : memref<1x128xi32, #tpu.memory_space<vmem>> -> memref<128xi32, #tpu.memory_space<vmem>>
        %dma_wait3A_451 = arith.constant 0 : i32
        %dma_wait3A_452 = arith.constant 0 : i32
        %dma_wait3A_453 = tpu.memref_slice %arg10[%dma_wait3A_451, %dma_wait3A_452] : memref<10240x32xf32, #tpu.memory_space<vmem_shared>> -> memref<10240x32xf32, #tpu.memory_space<vmem_shared>>
        tpu.wait_indirect_dma semaphore(%run_scoped3A : memref<!tpu.dma_semaphore, #tpu.memory_space<semaphore_mem>>) src(%dma_wait3A_447 : memref<128x32xf32, #tpu.memory_space<vmem>>) dst(%dma_wait3A_453 : memref<10240x32xf32, #tpu.memory_space<vmem_shared>>)
        tpu.yield
      }) : () -> ()
      %mul3A_412 = arith.constant 4 : i32
      %mul3A_413 = arith.muli %rem3A_115, %mul3A_412 : i32
      %mul3A_414 = arith.constant 4 : i32
      %mul3A_415 = arith.muli %mul3A_413, %mul3A_414 : i32
      %add3A_416 = arith.constant 12 : i32
      %add3A_417 = arith.addi %mul3A_415, %add3A_416 : i32
      %add3A_418 = arith.constant 1 : i32
      %add3A_419 = arith.addi %add3A_417, %add3A_418 : i32
      "tpu.region"() ({
        %run_scoped3A = tpu.sem_alloc : memref<!tpu.dma_semaphore, #tpu.memory_space<semaphore_mem>>
        %dma_start3A_436 = arith.constant 640 : i32
        %dma_start3A_437 = arith.constant 0 : i32
        %dma_start3A_438 = tpu.memref_slice %arg9[%dma_start3A_436, %dma_start3A_437] : memref<1024x32xf32, #tpu.memory_space<vmem>> -> memref<128x32xf32, #tpu.memory_space<vmem>>
        %dma_start3A_439 = arith.constant 0 : i32
        %dma_start3A_440 = tpu.memref_slice %arg8[%add3A_419, %dma_start3A_439] : memref<32x128xi32, #tpu.memory_space<vmem>> -> memref<1x128xi32, #tpu.memory_space<vmem>>
        %dma_start3A_441 = tpu.memref_squeeze %dma_start3A_440 : memref<1x128xi32, #tpu.memory_space<vmem>> -> memref<128xi32, #tpu.memory_space<vmem>>
        %dma_start3A_442 = arith.constant 0 : i32
        %dma_start3A_443 = arith.constant 0 : i32
        %dma_start3A_444 = tpu.memref_slice %arg10[%dma_start3A_442, %dma_start3A_443] : memref<10240x32xf32, #tpu.memory_space<vmem_shared>> -> memref<10240x32xf32, #tpu.memory_space<vmem_shared>>
        tpu.enqueue_indirect_dma source(%dma_start3A_438 : memref<128x32xf32, #tpu.memory_space<vmem>>) target(%dma_start3A_444 : memref<10240x32xf32, #tpu.memory_space<vmem_shared>>) offsets(%dma_start3A_441 : memref<128xi32, #tpu.memory_space<vmem>>) semaphore(%run_scoped3A : memref<!tpu.dma_semaphore, #tpu.memory_space<semaphore_mem>>) {add = true}
        %dma_wait3A_445 = arith.constant 640 : i32
        %dma_wait3A_446 = arith.constant 0 : i32
        %dma_wait3A_447 = tpu.memref_slice %arg9[%dma_wait3A_445, %dma_wait3A_446] : memref<1024x32xf32, #tpu.memory_space<vmem>> -> memref<128x32xf32, #tpu.memory_space<vmem>>
        %dma_wait3A_448 = arith.constant 0 : i32
        %dma_wait3A_449 = tpu.memref_slice %arg8[%add3A_419, %dma_wait3A_448] : memref<32x128xi32, #tpu.memory_space<vmem>> -> memref<1x128xi32, #tpu.memory_space<vmem>>
        %dma_wait3A_450 = tpu.memref_squeeze %dma_wait3A_449 : memref<1x128xi32, #tpu.memory_space<vmem>> -> memref<128xi32, #tpu.memory_space<vmem>>
        %dma_wait3A_451 = arith.constant 0 : i32
        %dma_wait3A_452 = arith.constant 0 : i32
        %dma_wait3A_453 = tpu.memref_slice %arg10[%dma_wait3A_451, %dma_wait3A_452] : memref<10240x32xf32, #tpu.memory_space<vmem_shared>> -> memref<10240x32xf32, #tpu.memory_space<vmem_shared>>
        tpu.wait_indirect_dma semaphore(%run_scoped3A : memref<!tpu.dma_semaphore, #tpu.memory_space<semaphore_mem>>) src(%dma_wait3A_447 : memref<128x32xf32, #tpu.memory_space<vmem>>) dst(%dma_wait3A_453 : memref<10240x32xf32, #tpu.memory_space<vmem_shared>>)
        tpu.yield
      }) : () -> ()
      %mul3A_420 = arith.constant 4 : i32
      %mul3A_421 = arith.muli %rem3A_115, %mul3A_420 : i32
      %mul3A_422 = arith.constant 4 : i32
      %mul3A_423 = arith.muli %mul3A_421, %mul3A_422 : i32
      %add3A_424 = arith.constant 12 : i32
      %add3A_425 = arith.addi %mul3A_423, %add3A_424 : i32
      %add3A_426 = arith.constant 2 : i32
      %add3A_427 = arith.addi %add3A_425, %add3A_426 : i32
      "tpu.region"() ({
        %run_scoped3A = tpu.sem_alloc : memref<!tpu.dma_semaphore, #tpu.memory_space<semaphore_mem>>
        %dma_start3A_436 = arith.constant 768 : i32
        %dma_start3A_437 = arith.constant 0 : i32
        %dma_start3A_438 = tpu.memref_slice %arg9[%dma_start3A_436, %dma_start3A_437] : memref<1024x32xf32, #tpu.memory_space<vmem>> -> memref<128x32xf32, #tpu.memory_space<vmem>>
        %dma_start3A_439 = arith.constant 0 : i32
        %dma_start3A_440 = tpu.memref_slice %arg8[%add3A_427, %dma_start3A_439] : memref<32x128xi32, #tpu.memory_space<vmem>> -> memref<1x128xi32, #tpu.memory_space<vmem>>
        %dma_start3A_441 = tpu.memref_squeeze %dma_start3A_440 : memref<1x128xi32, #tpu.memory_space<vmem>> -> memref<128xi32, #tpu.memory_space<vmem>>
        %dma_start3A_442 = arith.constant 0 : i32
        %dma_start3A_443 = arith.constant 0 : i32
        %dma_start3A_444 = tpu.memref_slice %arg10[%dma_start3A_442, %dma_start3A_443] : memref<10240x32xf32, #tpu.memory_space<vmem_shared>> -> memref<10240x32xf32, #tpu.memory_space<vmem_shared>>
        tpu.enqueue_indirect_dma source(%dma_start3A_438 : memref<128x32xf32, #tpu.memory_space<vmem>>) target(%dma_start3A_444 : memref<10240x32xf32, #tpu.memory_space<vmem_shared>>) offsets(%dma_start3A_441 : memref<128xi32, #tpu.memory_space<vmem>>) semaphore(%run_scoped3A : memref<!tpu.dma_semaphore, #tpu.memory_space<semaphore_mem>>) {add = true}
        %dma_wait3A_445 = arith.constant 768 : i32
        %dma_wait3A_446 = arith.constant 0 : i32
        %dma_wait3A_447 = tpu.memref_slice %arg9[%dma_wait3A_445, %dma_wait3A_446] : memref<1024x32xf32, #tpu.memory_space<vmem>> -> memref<128x32xf32, #tpu.memory_space<vmem>>
        %dma_wait3A_448 = arith.constant 0 : i32
        %dma_wait3A_449 = tpu.memref_slice %arg8[%add3A_427, %dma_wait3A_448] : memref<32x128xi32, #tpu.memory_space<vmem>> -> memref<1x128xi32, #tpu.memory_space<vmem>>
        %dma_wait3A_450 = tpu.memref_squeeze %dma_wait3A_449 : memref<1x128xi32, #tpu.memory_space<vmem>> -> memref<128xi32, #tpu.memory_space<vmem>>
        %dma_wait3A_451 = arith.constant 0 : i32
        %dma_wait3A_452 = arith.constant 0 : i32
        %dma_wait3A_453 = tpu.memref_slice %arg10[%dma_wait3A_451, %dma_wait3A_452] : memref<10240x32xf32, #tpu.memory_space<vmem_shared>> -> memref<10240x32xf32, #tpu.memory_space<vmem_shared>>
        tpu.wait_indirect_dma semaphore(%run_scoped3A : memref<!tpu.dma_semaphore, #tpu.memory_space<semaphore_mem>>) src(%dma_wait3A_447 : memref<128x32xf32, #tpu.memory_space<vmem>>) dst(%dma_wait3A_453 : memref<10240x32xf32, #tpu.memory_space<vmem_shared>>)
        tpu.yield
      }) : () -> ()
      %mul3A_428 = arith.constant 4 : i32
      %mul3A_429 = arith.muli %rem3A_115, %mul3A_428 : i32
      %mul3A_430 = arith.constant 4 : i32
      %mul3A_431 = arith.muli %mul3A_429, %mul3A_430 : i32
      %add3A_432 = arith.constant 12 : i32
      %add3A_433 = arith.addi %mul3A_431, %add3A_432 : i32
      %add3A_434 = arith.constant 3 : i32
      %add3A_435 = arith.addi %add3A_433, %add3A_434 : i32
      "tpu.region"() ({
        %run_scoped3A = tpu.sem_alloc : memref<!tpu.dma_semaphore, #tpu.memory_space<semaphore_mem>>
        %dma_start3A_436 = arith.constant 896 : i32
        %dma_start3A_437 = arith.constant 0 : i32
        %dma_start3A_438 = tpu.memref_slice %arg9[%dma_start3A_436, %dma_start3A_437] : memref<1024x32xf32, #tpu.memory_space<vmem>> -> memref<128x32xf32, #tpu.memory_space<vmem>>
        %dma_start3A_439 = arith.constant 0 : i32
        %dma_start3A_440 = tpu.memref_slice %arg8[%add3A_435, %dma_start3A_439] : memref<32x128xi32, #tpu.memory_space<vmem>> -> memref<1x128xi32, #tpu.memory_space<vmem>>
        %dma_start3A_441 = tpu.memref_squeeze %dma_start3A_440 : memref<1x128xi32, #tpu.memory_space<vmem>> -> memref<128xi32, #tpu.memory_space<vmem>>
        %dma_start3A_442 = arith.constant 0 : i32
        %dma_start3A_443 = arith.constant 0 : i32
        %dma_start3A_444 = tpu.memref_slice %arg10[%dma_start3A_442, %dma_start3A_443] : memref<10240x32xf32, #tpu.memory_space<vmem_shared>> -> memref<10240x32xf32, #tpu.memory_space<vmem_shared>>
        tpu.enqueue_indirect_dma source(%dma_start3A_438 : memref<128x32xf32, #tpu.memory_space<vmem>>) target(%dma_start3A_444 : memref<10240x32xf32, #tpu.memory_space<vmem_shared>>) offsets(%dma_start3A_441 : memref<128xi32, #tpu.memory_space<vmem>>) semaphore(%run_scoped3A : memref<!tpu.dma_semaphore, #tpu.memory_space<semaphore_mem>>) {add = true}
        %dma_wait3A_445 = arith.constant 896 : i32
        %dma_wait3A_446 = arith.constant 0 : i32
        %dma_wait3A_447 = tpu.memref_slice %arg9[%dma_wait3A_445, %dma_wait3A_446] : memref<1024x32xf32, #tpu.memory_space<vmem>> -> memref<128x32xf32, #tpu.memory_space<vmem>>
        %dma_wait3A_448 = arith.constant 0 : i32
        %dma_wait3A_449 = tpu.memref_slice %arg8[%add3A_435, %dma_wait3A_448] : memref<32x128xi32, #tpu.memory_space<vmem>> -> memref<1x128xi32, #tpu.memory_space<vmem>>
        %dma_wait3A_450 = tpu.memref_squeeze %dma_wait3A_449 : memref<1x128xi32, #tpu.memory_space<vmem>> -> memref<128xi32, #tpu.memory_space<vmem>>
        %dma_wait3A_451 = arith.constant 0 : i32
        %dma_wait3A_452 = arith.constant 0 : i32
        %dma_wait3A_453 = tpu.memref_slice %arg10[%dma_wait3A_451, %dma_wait3A_452] : memref<10240x32xf32, #tpu.memory_space<vmem_shared>> -> memref<10240x32xf32, #tpu.memory_space<vmem_shared>>
        tpu.wait_indirect_dma semaphore(%run_scoped3A : memref<!tpu.dma_semaphore, #tpu.memory_space<semaphore_mem>>) src(%dma_wait3A_447 : memref<128x32xf32, #tpu.memory_space<vmem>>) dst(%dma_wait3A_453 : memref<10240x32xf32, #tpu.memory_space<vmem_shared>>)
        tpu.yield
      }) : () -> ()
    }
    %scan3A_103 = arith.constant 5 : i32
    %dma_wait3A_104 = arith.constant 0 : i32
    %dma_wait3A_105 = arith.constant 0 : i32
    %dma_wait3A_106 = tpu.memref_slice %arg9[%dma_wait3A_104, %dma_wait3A_105] : memref<1024x32xf32, #tpu.memory_space<vmem>> -> memref<512x32xf32, #tpu.memory_space<vmem>>
    %dma_wait3A_107 = arith.constant 0 : i32
    %dma_wait3A_108 = tpu.memref_slice %arg7[%dma_wait3A_107] : memref<4096xi32, #tpu.memory_space<vmem>> -> memref<512xi32, #tpu.memory_space<vmem>>
    %dma_wait3A_109 = arith.constant 0 : i32
    %dma_wait3A_110 = arith.constant 0 : i32
    %dma_wait3A_111 = tpu.memref_slice %arg2[%dma_wait3A_109, %dma_wait3A_110] : memref<10240x32xf32, #tpu.memory_space<hbm>> -> memref<10240x32xf32, #tpu.memory_space<hbm>>
    tpu.wait_indirect_dma semaphore(%arg11 : memref<!tpu.dma_semaphore, #tpu.memory_space<semaphore_mem>>) src(%dma_wait3A_111 : memref<10240x32xf32, #tpu.memory_space<hbm>>) dst(%dma_wait3A_106 : memref<512x32xf32, #tpu.memory_space<vmem>>)
    %barrier3A_112 = arith.constant 0 : index
    tpu.barrier barrier_id(%barrier3A_112)
    "tpu.region"() ({
      %run_scoped3A = tpu.sem_alloc : memref<!tpu.dma_semaphore, #tpu.memory_space<semaphore_mem>>
      %dma_start3A_113 = arith.constant 0 : i32
      %dma_start3A_114 = arith.constant 0 : i32
      %dma_start3A_115 = tpu.memref_slice %arg6[%arg0, %dma_start3A_113, %dma_start3A_114] : memref<2x10240x32xf32, #tpu.memory_space<hbm>> -> memref<1x10240x32xf32, #tpu.memory_space<hbm>>
      %dma_start3A_116 = tpu.memref_squeeze %dma_start3A_115 : memref<1x10240x32xf32, #tpu.memory_space<hbm>> -> memref<10240x32xf32, #tpu.memory_space<hbm>>
      %dma_start3A_117 = arith.constant 0 : i32
      %dma_start3A_118 = tpu.memref_slice %dma_start3A_116[%mul3A_2, %dma_start3A_117] : memref<10240x32xf32, #tpu.memory_space<hbm>> -> memref<640x32xf32, #tpu.memory_space<hbm>>
      %dma_start3A_119 = arith.constant 0 : i32
      %dma_start3A_120 = tpu.memref_slice %arg10[%mul3A_2, %dma_start3A_119] : memref<10240x32xf32, #tpu.memory_space<vmem_shared>> -> memref<640x32xf32, #tpu.memory_space<vmem_shared>>
      tpu.enqueue_dma source(%dma_start3A_120 : memref<640x32xf32, #tpu.memory_space<vmem_shared>>) target(%dma_start3A_118 : memref<640x32xf32, #tpu.memory_space<hbm>>) target_semaphore(%run_scoped3A : memref<!tpu.dma_semaphore, #tpu.memory_space<semaphore_mem>>)
      %dma_wait3A_121 = arith.constant 0 : i32
      %dma_wait3A_122 = arith.constant 0 : i32
      %dma_wait3A_123 = tpu.memref_slice %arg6[%arg0, %dma_wait3A_121, %dma_wait3A_122] : memref<2x10240x32xf32, #tpu.memory_space<hbm>> -> memref<1x10240x32xf32, #tpu.memory_space<hbm>>
      %dma_wait3A_124 = tpu.memref_squeeze %dma_wait3A_123 : memref<1x10240x32xf32, #tpu.memory_space<hbm>> -> memref<10240x32xf32, #tpu.memory_space<hbm>>
      %dma_wait3A_125 = arith.constant 0 : i32
      %dma_wait3A_126 = tpu.memref_slice %dma_wait3A_124[%mul3A_2, %dma_wait3A_125] : memref<10240x32xf32, #tpu.memory_space<hbm>> -> memref<640x32xf32, #tpu.memory_space<hbm>>
      %dma_wait3A_127 = arith.constant 0 : i32
      %dma_wait3A_128 = tpu.memref_slice %arg10[%mul3A_2, %dma_wait3A_127] : memref<10240x32xf32, #tpu.memory_space<vmem_shared>> -> memref<640x32xf32, #tpu.memory_space<vmem_shared>>
      tpu.wait_dma2 semaphore(%run_scoped3A : memref<!tpu.dma_semaphore, #tpu.memory_space<semaphore_mem>>) src(%dma_wait3A_128 : memref<640x32xf32, #tpu.memory_space<vmem_shared>>) dst(%dma_wait3A_126 : memref<640x32xf32, #tpu.memory_space<hbm>>)
      tpu.yield
    }) : () -> ()
    return
  }
}

#map = affine_map<(d0, d1) -> (0, 0)>
#map1 = affine_map<(d0, d1) -> (0)>
#map2 = affine_map<(d0, d1) -> (0, 0, 0)>
module attributes {stable_mosaic.version = 14 : i64} {
  func.func @body(%arg0: i32, %arg1: i32, %arg2: memref<10240x128xf32, #tpu.memory_space<hbm>>, %arg3: memref<327680xi32, #tpu.memory_space<hbm>>, %arg4: memref<2560x128xi32, #tpu.memory_space<hbm>>, %arg5: memref<640x128xf32, #tpu.memory_space<hbm>>, %arg6: memref<640xf32, #tpu.memory_space<hbm>>, %arg7: memref<2x10240x128xf32, #tpu.memory_space<hbm>>, %arg8: memref<2x10240xf32, #tpu.memory_space<hbm>>, %arg9: memref<2048xi32, #tpu.memory_space<vmem>>, %arg10: memref<16x128xi32, #tpu.memory_space<vmem>>, %arg11: memref<256x128xf32, #tpu.memory_space<vmem>>, %arg12: memref<10240x128xf32, #tpu.memory_space<vmem_shared>>, %arg13: memref<!tpu.dma_semaphore, #tpu.memory_space<semaphore_mem>>, %arg14: memref<!tpu.dma_semaphore, #tpu.memory_space<semaphore_mem>>, %arg15: memref<!tpu.dma_semaphore, #tpu.memory_space<semaphore_mem>>, %arg16: memref<128xf32, #tpu.memory_space<vmem>>, %arg17: memref<10240xf32, #tpu.memory_space<vmem_shared>>, %arg18: memref<!tpu.dma_semaphore, #tpu.memory_space<semaphore_mem>>) attributes {dimension_semantics = [#tpu.dimension_semantics<core_parallel>, #tpu.dimension_semantics<subcore_parallel>], iteration_bounds = array<i64: 2, 16>, scalar_prefetch = 0 : i64, scratch_operands = 10 : i64, tpu.core_type = #tpu.core_type<sc_vector_subcore>, window_params = [{transform_indices = #map}, {transform_indices = #map1}, {transform_indices = #map}, {transform_indices = #map}, {transform_indices = #map1}, {transform_indices = #map2}, {transform_indices = #map}]} {
    %mul3A = arith.constant 2 : i32
    %mul3A_0 = arith.muli %arg1, %mul3A : i32
    %add3A = arith.addi %mul3A_0, %arg0 : i32
    %mul3A_1 = arith.constant 640 : i32
    %mul3A_2 = arith.muli %arg1, %mul3A_1 : i32
    %add3A_3 = arith.constant 0 : i32
    %add3A_4 = arith.addi %mul3A_2, %add3A_3 : i32
    "tpu.region"() ({
      %run_scoped3A = tpu.sem_alloc : memref<!tpu.dma_semaphore, #tpu.memory_space<semaphore_mem>>
      %dma_start3A_167 = arith.constant 0 : i32
      %dma_start3A_168 = tpu.memref_slice %arg12[%add3A_4, %dma_start3A_167] : memref<10240x128xf32, #tpu.memory_space<vmem_shared>> -> memref<640x128xf32, #tpu.memory_space<vmem_shared>>
      tpu.enqueue_dma source(%arg5 : memref<640x128xf32, #tpu.memory_space<hbm>>) target(%dma_start3A_168 : memref<640x128xf32, #tpu.memory_space<vmem_shared>>) target_semaphore(%run_scoped3A : memref<!tpu.dma_semaphore, #tpu.memory_space<semaphore_mem>>)
      %dma_wait3A_169 = arith.constant 0 : i32
      %dma_wait3A_170 = tpu.memref_slice %arg12[%add3A_4, %dma_wait3A_169] : memref<10240x128xf32, #tpu.memory_space<vmem_shared>> -> memref<640x128xf32, #tpu.memory_space<vmem_shared>>
      tpu.wait_dma2 semaphore(%run_scoped3A : memref<!tpu.dma_semaphore, #tpu.memory_space<semaphore_mem>>) src(%arg5 : memref<640x128xf32, #tpu.memory_space<hbm>>) dst(%dma_wait3A_170 : memref<640x128xf32, #tpu.memory_space<vmem_shared>>)
      tpu.yield
    }) : () -> ()
    %add3A_5 = arith.constant 0 : i32
    %add3A_6 = arith.addi %mul3A_2, %add3A_5 : i32
    "tpu.region"() ({
      %run_scoped3A = tpu.sem_alloc : memref<!tpu.dma_semaphore, #tpu.memory_space<semaphore_mem>>
      %dma_start3A_167 = tpu.memref_slice %arg17[%add3A_6] : memref<10240xf32, #tpu.memory_space<vmem_shared>> -> memref<640xf32, #tpu.memory_space<vmem_shared>>
      tpu.enqueue_dma source(%arg6 : memref<640xf32, #tpu.memory_space<hbm>>) target(%dma_start3A_167 : memref<640xf32, #tpu.memory_space<vmem_shared>>) target_semaphore(%run_scoped3A : memref<!tpu.dma_semaphore, #tpu.memory_space<semaphore_mem>>)
      %dma_wait3A_168 = tpu.memref_slice %arg17[%add3A_6] : memref<10240xf32, #tpu.memory_space<vmem_shared>> -> memref<640xf32, #tpu.memory_space<vmem_shared>>
      tpu.wait_dma2 semaphore(%run_scoped3A : memref<!tpu.dma_semaphore, #tpu.memory_space<semaphore_mem>>) src(%arg6 : memref<640xf32, #tpu.memory_space<hbm>>) dst(%dma_wait3A_168 : memref<640xf32, #tpu.memory_space<vmem_shared>>)
      tpu.yield
    }) : () -> ()
    %broadcast_in_dim3A = arith.constant 1.000000e+00 : f32
    %broadcast_in_dim3A_7 = vector.broadcast %broadcast_in_dim3A : f32 to vector<16xf32>
    %swap3A = arith.constant 0 : index
    %swap3A_8 = tpu.vector_load %arg16[%swap3A] {strides = array<i32>} : memref<128xf32, #tpu.memory_space<vmem>>, vector<16xf32>,
    %swap3A_9 = vector.shape_cast %swap3A_8 : vector<16xf32> to vector<16xf32>
    %swap3A_10 = vector.shape_cast %broadcast_in_dim3A_7 : vector<16xf32> to vector<16xf32>
    tpu.vector_store %arg16[%swap3A], %swap3A_10 {strides = array<i32>} : memref<128xf32, #tpu.memory_space<vmem>>, vector<16xf32>,
    %broadcast_in_dim3A_11 = arith.constant 1.000000e+00 : f32
    %broadcast_in_dim3A_12 = vector.broadcast %broadcast_in_dim3A_11 : f32 to vector<16xf32>
    %swap3A_13 = arith.constant 16 : index
    %swap3A_14 = tpu.vector_load %arg16[%swap3A_13] {strides = array<i32>} : memref<128xf32, #tpu.memory_space<vmem>>, vector<16xf32>,
    %swap3A_15 = vector.shape_cast %swap3A_14 : vector<16xf32> to vector<16xf32>
    %swap3A_16 = vector.shape_cast %broadcast_in_dim3A_12 : vector<16xf32> to vector<16xf32>
    tpu.vector_store %arg16[%swap3A_13], %swap3A_16 {strides = array<i32>} : memref<128xf32, #tpu.memory_space<vmem>>, vector<16xf32>,
    %broadcast_in_dim3A_17 = arith.constant 1.000000e+00 : f32
    %broadcast_in_dim3A_18 = vector.broadcast %broadcast_in_dim3A_17 : f32 to vector<16xf32>
    %swap3A_19 = arith.constant 32 : index
    %swap3A_20 = tpu.vector_load %arg16[%swap3A_19] {strides = array<i32>} : memref<128xf32, #tpu.memory_space<vmem>>, vector<16xf32>,
    %swap3A_21 = vector.shape_cast %swap3A_20 : vector<16xf32> to vector<16xf32>
    %swap3A_22 = vector.shape_cast %broadcast_in_dim3A_18 : vector<16xf32> to vector<16xf32>
    tpu.vector_store %arg16[%swap3A_19], %swap3A_22 {strides = array<i32>} : memref<128xf32, #tpu.memory_space<vmem>>, vector<16xf32>,
    %broadcast_in_dim3A_23 = arith.constant 1.000000e+00 : f32
    %broadcast_in_dim3A_24 = vector.broadcast %broadcast_in_dim3A_23 : f32 to vector<16xf32>
    %swap3A_25 = arith.constant 48 : index
    %swap3A_26 = tpu.vector_load %arg16[%swap3A_25] {strides = array<i32>} : memref<128xf32, #tpu.memory_space<vmem>>, vector<16xf32>,
    %swap3A_27 = vector.shape_cast %swap3A_26 : vector<16xf32> to vector<16xf32>
    %swap3A_28 = vector.shape_cast %broadcast_in_dim3A_24 : vector<16xf32> to vector<16xf32>
    tpu.vector_store %arg16[%swap3A_25], %swap3A_28 {strides = array<i32>} : memref<128xf32, #tpu.memory_space<vmem>>, vector<16xf32>,
    %broadcast_in_dim3A_29 = arith.constant 1.000000e+00 : f32
    %broadcast_in_dim3A_30 = vector.broadcast %broadcast_in_dim3A_29 : f32 to vector<16xf32>
    %swap3A_31 = arith.constant 64 : index
    %swap3A_32 = tpu.vector_load %arg16[%swap3A_31] {strides = array<i32>} : memref<128xf32, #tpu.memory_space<vmem>>, vector<16xf32>,
    %swap3A_33 = vector.shape_cast %swap3A_32 : vector<16xf32> to vector<16xf32>
    %swap3A_34 = vector.shape_cast %broadcast_in_dim3A_30 : vector<16xf32> to vector<16xf32>
    tpu.vector_store %arg16[%swap3A_31], %swap3A_34 {strides = array<i32>} : memref<128xf32, #tpu.memory_space<vmem>>, vector<16xf32>,
    %broadcast_in_dim3A_35 = arith.constant 1.000000e+00 : f32
    %broadcast_in_dim3A_36 = vector.broadcast %broadcast_in_dim3A_35 : f32 to vector<16xf32>
    %swap3A_37 = arith.constant 80 : index
    %swap3A_38 = tpu.vector_load %arg16[%swap3A_37] {strides = array<i32>} : memref<128xf32, #tpu.memory_space<vmem>>, vector<16xf32>,
    %swap3A_39 = vector.shape_cast %swap3A_38 : vector<16xf32> to vector<16xf32>
    %swap3A_40 = vector.shape_cast %broadcast_in_dim3A_36 : vector<16xf32> to vector<16xf32>
    tpu.vector_store %arg16[%swap3A_37], %swap3A_40 {strides = array<i32>} : memref<128xf32, #tpu.memory_space<vmem>>, vector<16xf32>,
    %broadcast_in_dim3A_41 = arith.constant 1.000000e+00 : f32
    %broadcast_in_dim3A_42 = vector.broadcast %broadcast_in_dim3A_41 : f32 to vector<16xf32>
    %swap3A_43 = arith.constant 96 : index
    %swap3A_44 = tpu.vector_load %arg16[%swap3A_43] {strides = array<i32>} : memref<128xf32, #tpu.memory_space<vmem>>, vector<16xf32>,
    %swap3A_45 = vector.shape_cast %swap3A_44 : vector<16xf32> to vector<16xf32>
    %swap3A_46 = vector.shape_cast %broadcast_in_dim3A_42 : vector<16xf32> to vector<16xf32>
    tpu.vector_store %arg16[%swap3A_43], %swap3A_46 {strides = array<i32>} : memref<128xf32, #tpu.memory_space<vmem>>, vector<16xf32>,
    %broadcast_in_dim3A_47 = arith.constant 1.000000e+00 : f32
    %broadcast_in_dim3A_48 = vector.broadcast %broadcast_in_dim3A_47 : f32 to vector<16xf32>
    %swap3A_49 = arith.constant 112 : index
    %swap3A_50 = tpu.vector_load %arg16[%swap3A_49] {strides = array<i32>} : memref<128xf32, #tpu.memory_space<vmem>>, vector<16xf32>,
    %swap3A_51 = vector.shape_cast %swap3A_50 : vector<16xf32> to vector<16xf32>
    %swap3A_52 = vector.shape_cast %broadcast_in_dim3A_48 : vector<16xf32> to vector<16xf32>
    tpu.vector_store %arg16[%swap3A_49], %swap3A_52 {strides = array<i32>} : memref<128xf32, #tpu.memory_space<vmem>>, vector<16xf32>,
    %barrier3A = arith.constant 0 : index
    tpu.barrier barrier_id(%barrier3A)
    %mul3A_53 = arith.constant 10240 : i32
    %mul3A_54 = arith.muli %add3A, %mul3A_53 : i32
    %add3A_55 = arith.constant 0 : i32
    %add3A_56 = arith.addi %mul3A_54, %add3A_55 : i32
    %mul3A_57 = arith.constant 10240 : i32
    %mul3A_58 = arith.muli %add3A, %mul3A_57 : i32
    %add3A_59 = arith.constant 0 : i32
    %add3A_60 = arith.addi %mul3A_58, %add3A_59 : i32
    %jit3A = arith.constant 128 : i32
    %div3A = arith.divsi %add3A_60, %jit3A : i32
    %sign3A = arith.constant 0 : i32
    %sign3A_61 = arith.cmpi sgt, %add3A_60, %sign3A : i32
    %sign3A_62 = arith.extui %sign3A_61 : i1 to i32
    %sign3A_63 = arith.constant 0 : i32
    %sign3A_64 = arith.cmpi slt, %add3A_60, %sign3A_63 : i32
    %sign3A_65 = arith.extui %sign3A_64 : i1 to i32
    %sign3A_66 = arith.subi %sign3A_62, %sign3A_65 : i32
    %sign3A_67 = arith.constant 0 : i32
    %sign3A_68 = arith.cmpi sgt, %jit3A, %sign3A_67 : i32
    %sign3A_69 = arith.extui %sign3A_68 : i1 to i32
    %sign3A_70 = arith.constant 0 : i32
    %sign3A_71 = arith.cmpi slt, %jit3A, %sign3A_70 : i32
    %sign3A_72 = arith.extui %sign3A_71 : i1 to i32
    %sign3A_73 = arith.subi %sign3A_69, %sign3A_72 : i32
    %ne3A = arith.cmpi ne, %sign3A_66, %sign3A_73 : i32
    %rem3A = arith.remsi %add3A_60, %jit3A : i32
    %ne3A_74 = arith.constant 0 : i32
    %ne3A_75 = arith.cmpi ne, %rem3A, %ne3A_74 : i32
    %and3A = arith.andi %ne3A, %ne3A_75 : i1
    %sub3A = arith.constant 1 : i32
    %sub3A_76 = arith.subi %div3A, %sub3A : i32
    %select_n3A = arith.select %and3A, %sub3A_76, %div3A : i32
    %dma_start3A = arith.constant 0 : i32
    %dma_start3A_77 = tpu.memref_slice %arg9[%dma_start3A] : memref<2048xi32, #tpu.memory_space<vmem>> -> memref<1024xi32, #tpu.memory_space<vmem>>
    %dma_start3A_78 = tpu.memref_slice %arg3[%add3A_56] : memref<327680xi32, #tpu.memory_space<hbm>> -> memref<1024xi32, #tpu.memory_space<hbm>>
    %dma_start3A_79 = arith.constant 0 : i32
    %dma_start3A_80 = tpu.memref_slice %arg9[%dma_start3A_79] : memref<2048xi32, #tpu.memory_space<vmem>> -> memref<1024xi32, #tpu.memory_space<vmem>>
    %dma_start3A_81 = tpu.memref_slice %arg3[%add3A_56] : memref<327680xi32, #tpu.memory_space<hbm>> -> memref<1024xi32, #tpu.memory_space<hbm>>
    tpu.enqueue_dma source(%dma_start3A_81 : memref<1024xi32, #tpu.memory_space<hbm>>) target(%dma_start3A_80 : memref<1024xi32, #tpu.memory_space<vmem>>) target_semaphore(%arg15 : memref<!tpu.dma_semaphore, #tpu.memory_space<semaphore_mem>>)
    %dma_start3A_82 = arith.constant 0 : i32
    %dma_start3A_83 = arith.constant 0 : i32
    %dma_start3A_84 = tpu.memref_slice %arg10[%dma_start3A_82, %dma_start3A_83] : memref<16x128xi32, #tpu.memory_space<vmem>> -> memref<8x128xi32, #tpu.memory_space<vmem>>
    %dma_start3A_85 = arith.constant 0 : i32
    %dma_start3A_86 = tpu.memref_slice %arg4[%select_n3A, %dma_start3A_85] : memref<2560x128xi32, #tpu.memory_space<hbm>> -> memref<8x128xi32, #tpu.memory_space<hbm>>
    %dma_start3A_87 = arith.constant 0 : i32
    %dma_start3A_88 = arith.constant 0 : i32
    %dma_start3A_89 = tpu.memref_slice %arg10[%dma_start3A_87, %dma_start3A_88] : memref<16x128xi32, #tpu.memory_space<vmem>> -> memref<8x128xi32, #tpu.memory_space<vmem>>
    %dma_start3A_90 = arith.constant 0 : i32
    %dma_start3A_91 = tpu.memref_slice %arg4[%select_n3A, %dma_start3A_90] : memref<2560x128xi32, #tpu.memory_space<hbm>> -> memref<8x128xi32, #tpu.memory_space<hbm>>
    tpu.enqueue_dma source(%dma_start3A_91 : memref<8x128xi32, #tpu.memory_space<hbm>>) target(%dma_start3A_89 : memref<8x128xi32, #tpu.memory_space<vmem>>) target_semaphore(%arg15 : memref<!tpu.dma_semaphore, #tpu.memory_space<semaphore_mem>>)
    %mul3A_92 = arith.constant 10240 : i32
    %mul3A_93 = arith.muli %add3A, %mul3A_92 : i32
    %add3A_94 = arith.constant 0 : i32
    %add3A_95 = arith.addi %mul3A_93, %add3A_94 : i32
    %mul3A_96 = arith.constant 10240 : i32
    %mul3A_97 = arith.muli %add3A, %mul3A_96 : i32
    %add3A_98 = arith.constant 0 : i32
    %add3A_99 = arith.addi %mul3A_97, %add3A_98 : i32
    %jit3A_100 = arith.constant 128 : i32
    %div3A_101 = arith.divsi %add3A_99, %jit3A_100 : i32
    %sign3A_102 = arith.constant 0 : i32
    %sign3A_103 = arith.cmpi sgt, %add3A_99, %sign3A_102 : i32
    %sign3A_104 = arith.extui %sign3A_103 : i1 to i32
    %sign3A_105 = arith.constant 0 : i32
    %sign3A_106 = arith.cmpi slt, %add3A_99, %sign3A_105 : i32
    %sign3A_107 = arith.extui %sign3A_106 : i1 to i32
    %sign3A_108 = arith.subi %sign3A_104, %sign3A_107 : i32
    %sign3A_109 = arith.constant 0 : i32
    %sign3A_110 = arith.cmpi sgt, %jit3A_100, %sign3A_109 : i32
    %sign3A_111 = arith.extui %sign3A_110 : i1 to i32
    %sign3A_112 = arith.constant 0 : i32
    %sign3A_113 = arith.cmpi slt, %jit3A_100, %sign3A_112 : i32
    %sign3A_114 = arith.extui %sign3A_113 : i1 to i32
    %sign3A_115 = arith.subi %sign3A_111, %sign3A_114 : i32
    %ne3A_116 = arith.cmpi ne, %sign3A_108, %sign3A_115 : i32
    %rem3A_117 = arith.remsi %add3A_99, %jit3A_100 : i32
    %ne3A_118 = arith.constant 0 : i32
    %ne3A_119 = arith.cmpi ne, %rem3A_117, %ne3A_118 : i32
    %and3A_120 = arith.andi %ne3A_116, %ne3A_119 : i1
    %sub3A_121 = arith.constant 1 : i32
    %sub3A_122 = arith.subi %div3A_101, %sub3A_121 : i32
    %select_n3A_123 = arith.select %and3A_120, %sub3A_122, %div3A_101 : i32
    %dma_wait3A = arith.constant 0 : i32
    %dma_wait3A_124 = tpu.memref_slice %arg9[%dma_wait3A] : memref<2048xi32, #tpu.memory_space<vmem>> -> memref<1024xi32, #tpu.memory_space<vmem>>
    %dma_wait3A_125 = tpu.memref_slice %arg3[%add3A_95] : memref<327680xi32, #tpu.memory_space<hbm>> -> memref<1024xi32, #tpu.memory_space<hbm>>
    %dma_wait3A_126 = arith.constant 0 : i32
    %dma_wait3A_127 = tpu.memref_slice %arg9[%dma_wait3A_126] : memref<2048xi32, #tpu.memory_space<vmem>> -> memref<1024xi32, #tpu.memory_space<vmem>>
    %dma_wait3A_128 = tpu.memref_slice %arg3[%add3A_95] : memref<327680xi32, #tpu.memory_space<hbm>> -> memref<1024xi32, #tpu.memory_space<hbm>>
    tpu.wait_dma2 semaphore(%arg15 : memref<!tpu.dma_semaphore, #tpu.memory_space<semaphore_mem>>) src(%dma_wait3A_128 : memref<1024xi32, #tpu.memory_space<hbm>>) dst(%dma_wait3A_127 : memref<1024xi32, #tpu.memory_space<vmem>>)
    %dma_wait3A_129 = arith.constant 0 : i32
    %dma_wait3A_130 = arith.constant 0 : i32
    %dma_wait3A_131 = tpu.memref_slice %arg10[%dma_wait3A_129, %dma_wait3A_130] : memref<16x128xi32, #tpu.memory_space<vmem>> -> memref<8x128xi32, #tpu.memory_space<vmem>>
    %dma_wait3A_132 = arith.constant 0 : i32
    %dma_wait3A_133 = tpu.memref_slice %arg4[%select_n3A_123, %dma_wait3A_132] : memref<2560x128xi32, #tpu.memory_space<hbm>> -> memref<8x128xi32, #tpu.memory_space<hbm>>
    %dma_wait3A_134 = arith.constant 0 : i32
    %dma_wait3A_135 = arith.constant 0 : i32
    %dma_wait3A_136 = tpu.memref_slice %arg10[%dma_wait3A_134, %dma_wait3A_135] : memref<16x128xi32, #tpu.memory_space<vmem>> -> memref<8x128xi32, #tpu.memory_space<vmem>>
    %dma_wait3A_137 = arith.constant 0 : i32
    %dma_wait3A_138 = tpu.memref_slice %arg4[%select_n3A_123, %dma_wait3A_137] : memref<2560x128xi32, #tpu.memory_space<hbm>> -> memref<8x128xi32, #tpu.memory_space<hbm>>
    tpu.wait_dma2 semaphore(%arg15 : memref<!tpu.dma_semaphore, #tpu.memory_space<semaphore_mem>>) src(%dma_wait3A_138 : memref<8x128xi32, #tpu.memory_space<hbm>>) dst(%dma_wait3A_136 : memref<8x128xi32, #tpu.memory_space<vmem>>)
    %dma_start3A_139 = arith.constant 0 : i32
    %dma_start3A_140 = arith.constant 0 : i32
    %dma_start3A_141 = tpu.memref_slice %arg11[%dma_start3A_139, %dma_start3A_140] : memref<256x128xf32, #tpu.memory_space<vmem>> -> memref<128x128xf32, #tpu.memory_space<vmem>>
    %dma_start3A_142 = arith.constant 0 : i32
    %dma_start3A_143 = tpu.memref_slice %arg9[%dma_start3A_142] : memref<2048xi32, #tpu.memory_space<vmem>> -> memref<128xi32, #tpu.memory_space<vmem>>
    %dma_start3A_144 = arith.constant 0 : i32
    %dma_start3A_145 = arith.constant 0 : i32
    %dma_start3A_146 = tpu.memref_slice %arg2[%dma_start3A_144, %dma_start3A_145] : memref<10240x128xf32, #tpu.memory_space<hbm>> -> memref<10240x128xf32, #tpu.memory_space<hbm>>
    tpu.enqueue_indirect_dma source(%dma_start3A_146 : memref<10240x128xf32, #tpu.memory_space<hbm>>) target(%dma_start3A_141 : memref<128x128xf32, #tpu.memory_space<vmem>>) offsets(%dma_start3A_143 : memref<128xi32, #tpu.memory_space<vmem>>) semaphore(%arg13 : memref<!tpu.dma_semaphore, #tpu.memory_space<semaphore_mem>>)
    %scan3A = arith.constant 0 : i32
    %scan3A_147 = arith.constant 0 : i32
    %scan3A_148 = arith.constant 10 : i32
    %scan3A_149 = arith.addi %scan3A_147, %scan3A_148 : i32
    %scan3A_150 = arith.constant 1 : i32
    scf.for %scan3A_167 = %scan3A_147 to %scan3A_149 step %scan3A_150  : i32 {
      %rem3A_168 = arith.constant 2 : i32
      %rem3A_169 = arith.remsi %scan3A_167, %rem3A_168 : i32
      %add3A_170 = arith.constant 1 : i32
      %add3A_171 = arith.addi %scan3A_167, %add3A_170 : i32
      %rem3A_172 = arith.constant 2 : i32
      %rem3A_173 = arith.remsi %add3A_171, %rem3A_172 : i32
      %add3A_174 = arith.constant 1 : i32
      %add3A_175 = arith.addi %scan3A_167, %add3A_174 : i32
      %rem3A_176 = arith.constant 10 : i32
      %rem3A_177 = arith.remsi %add3A_175, %rem3A_176 : i32
      %mul3A_178 = arith.constant 10240 : i32
      %mul3A_179 = arith.muli %add3A, %mul3A_178 : i32
      %mul3A_180 = arith.constant 1024 : i32
      %mul3A_181 = arith.muli %rem3A_177, %mul3A_180 : i32
      %add3A_182 = arith.addi %mul3A_179, %mul3A_181 : i32
      %mul3A_183 = arith.constant 1024 : i32
      %mul3A_184 = arith.muli %rem3A_173, %mul3A_183 : i32
      %mul3A_185 = arith.constant 10240 : i32
      %mul3A_186 = arith.muli %add3A, %mul3A_185 : i32
      %mul3A_187 = arith.constant 1024 : i32
      %mul3A_188 = arith.muli %rem3A_177, %mul3A_187 : i32
      %add3A_189 = arith.addi %mul3A_186, %mul3A_188 : i32
      %jit3A_190 = arith.constant 128 : i32
      %div3A_191 = arith.divsi %add3A_189, %jit3A_190 : i32
      %sign3A_192 = arith.constant 0 : i32
      %sign3A_193 = arith.cmpi sgt, %add3A_189, %sign3A_192 : i32
      %sign3A_194 = arith.extui %sign3A_193 : i1 to i32
      %sign3A_195 = arith.constant 0 : i32
      %sign3A_196 = arith.cmpi slt, %add3A_189, %sign3A_195 : i32
      %sign3A_197 = arith.extui %sign3A_196 : i1 to i32
      %sign3A_198 = arith.subi %sign3A_194, %sign3A_197 : i32
      %sign3A_199 = arith.constant 0 : i32
      %sign3A_200 = arith.cmpi sgt, %jit3A_190, %sign3A_199 : i32
      %sign3A_201 = arith.extui %sign3A_200 : i1 to i32
      %sign3A_202 = arith.constant 0 : i32
      %sign3A_203 = arith.cmpi slt, %jit3A_190, %sign3A_202 : i32
      %sign3A_204 = arith.extui %sign3A_203 : i1 to i32
      %sign3A_205 = arith.subi %sign3A_201, %sign3A_204 : i32
      %ne3A_206 = arith.cmpi ne, %sign3A_198, %sign3A_205 : i32
      %rem3A_207 = arith.remsi %add3A_189, %jit3A_190 : i32
      %ne3A_208 = arith.constant 0 : i32
      %ne3A_209 = arith.cmpi ne, %rem3A_207, %ne3A_208 : i32
      %and3A_210 = arith.andi %ne3A_206, %ne3A_209 : i1
      %sub3A_211 = arith.constant 1 : i32
      %sub3A_212 = arith.subi %div3A_191, %sub3A_211 : i32
      %select_n3A_213 = arith.select %and3A_210, %sub3A_212, %div3A_191 : i32
      %mul3A_214 = arith.constant 8 : i32
      %mul3A_215 = arith.muli %rem3A_173, %mul3A_214 : i32
      %mul3A_216 = arith.constant 1 : i32
      %mul3A_217 = arith.muli %mul3A_215, %mul3A_216 : i32
      %dma_start3A_218 = tpu.memref_slice %arg9[%mul3A_184] : memref<2048xi32, #tpu.memory_space<vmem>> -> memref<1024xi32, #tpu.memory_space<vmem>>
      %dma_start3A_219 = tpu.memref_slice %arg3[%add3A_182] : memref<327680xi32, #tpu.memory_space<hbm>> -> memref<1024xi32, #tpu.memory_space<hbm>>
      %dma_start3A_220 = tpu.memref_slice %arg9[%mul3A_184] : memref<2048xi32, #tpu.memory_space<vmem>> -> memref<1024xi32, #tpu.memory_space<vmem>>
      %dma_start3A_221 = tpu.memref_slice %arg3[%add3A_182] : memref<327680xi32, #tpu.memory_space<hbm>> -> memref<1024xi32, #tpu.memory_space<hbm>>
      tpu.enqueue_dma source(%dma_start3A_221 : memref<1024xi32, #tpu.memory_space<hbm>>) target(%dma_start3A_220 : memref<1024xi32, #tpu.memory_space<vmem>>) target_semaphore(%arg15 : memref<!tpu.dma_semaphore, #tpu.memory_space<semaphore_mem>>)
      %dma_start3A_222 = arith.constant 0 : i32
      %dma_start3A_223 = tpu.memref_slice %arg10[%mul3A_217, %dma_start3A_222] : memref<16x128xi32, #tpu.memory_space<vmem>> -> memref<8x128xi32, #tpu.memory_space<vmem>>
      %dma_start3A_224 = arith.constant 0 : i32
      %dma_start3A_225 = tpu.memref_slice %arg4[%select_n3A_213, %dma_start3A_224] : memref<2560x128xi32, #tpu.memory_space<hbm>> -> memref<8x128xi32, #tpu.memory_space<hbm>>
      %dma_start3A_226 = arith.constant 0 : i32
      %dma_start3A_227 = tpu.memref_slice %arg10[%mul3A_217, %dma_start3A_226] : memref<16x128xi32, #tpu.memory_space<vmem>> -> memref<8x128xi32, #tpu.memory_space<vmem>>
      %dma_start3A_228 = arith.constant 0 : i32
      %dma_start3A_229 = tpu.memref_slice %arg4[%select_n3A_213, %dma_start3A_228] : memref<2560x128xi32, #tpu.memory_space<hbm>> -> memref<8x128xi32, #tpu.memory_space<hbm>>
      tpu.enqueue_dma source(%dma_start3A_229 : memref<8x128xi32, #tpu.memory_space<hbm>>) target(%dma_start3A_227 : memref<8x128xi32, #tpu.memory_space<vmem>>) target_semaphore(%arg15 : memref<!tpu.dma_semaphore, #tpu.memory_space<semaphore_mem>>)
      %mul3A_230 = arith.constant 1024 : i32
      %mul3A_231 = arith.muli %rem3A_169, %mul3A_230 : i32
      %add3A_232 = arith.constant 0 : i32
      %add3A_233 = arith.addi %mul3A_231, %add3A_232 : i32
      %add3A_234 = arith.constant 128 : i32
      %add3A_235 = arith.addi %add3A_233, %add3A_234 : i32
      %dma_wait3A_236 = arith.constant 0 : i32
      %dma_wait3A_237 = arith.constant 0 : i32
      %dma_wait3A_238 = tpu.memref_slice %arg11[%dma_wait3A_236, %dma_wait3A_237] : memref<256x128xf32, #tpu.memory_space<vmem>> -> memref<128x128xf32, #tpu.memory_space<vmem>>
      %dma_wait3A_239 = tpu.memref_slice %arg9[%add3A_233] : memref<2048xi32, #tpu.memory_space<vmem>> -> memref<128xi32, #tpu.memory_space<vmem>>
      %dma_wait3A_240 = arith.constant 0 : i32
      %dma_wait3A_241 = arith.constant 0 : i32
      %dma_wait3A_242 = tpu.memref_slice %arg2[%dma_wait3A_240, %dma_wait3A_241] : memref<10240x128xf32, #tpu.memory_space<hbm>> -> memref<10240x128xf32, #tpu.memory_space<hbm>>
      tpu.wait_indirect_dma semaphore(%arg13 : memref<!tpu.dma_semaphore, #tpu.memory_space<semaphore_mem>>) src(%dma_wait3A_242 : memref<10240x128xf32, #tpu.memory_space<hbm>>) dst(%dma_wait3A_238 : memref<128x128xf32, #tpu.memory_space<vmem>>)
      %dma_start3A_243 = arith.constant 128 : i32
      %dma_start3A_244 = arith.constant 0 : i32
      %dma_start3A_245 = tpu.memref_slice %arg11[%dma_start3A_243, %dma_start3A_244] : memref<256x128xf32, #tpu.memory_space<vmem>> -> memref<128x128xf32, #tpu.memory_space<vmem>>
      %dma_start3A_246 = tpu.memref_slice %arg9[%add3A_235] : memref<2048xi32, #tpu.memory_space<vmem>> -> memref<128xi32, #tpu.memory_space<vmem>>
      %dma_start3A_247 = arith.constant 0 : i32
      %dma_start3A_248 = arith.constant 0 : i32
      %dma_start3A_249 = tpu.memref_slice %arg2[%dma_start3A_247, %dma_start3A_248] : memref<10240x128xf32, #tpu.memory_space<hbm>> -> memref<10240x128xf32, #tpu.memory_space<hbm>>
      tpu.enqueue_indirect_dma source(%dma_start3A_249 : memref<10240x128xf32, #tpu.memory_space<hbm>>) target(%dma_start3A_245 : memref<128x128xf32, #tpu.memory_space<vmem>>) offsets(%dma_start3A_246 : memref<128xi32, #tpu.memory_space<vmem>>) semaphore(%arg14 : memref<!tpu.dma_semaphore, #tpu.memory_space<semaphore_mem>>)
      %mul3A_250 = arith.constant 8 : i32
      %mul3A_251 = arith.muli %rem3A_169, %mul3A_250 : i32
      %mul3A_252 = arith.constant 1 : i32
      %mul3A_253 = arith.muli %mul3A_251, %mul3A_252 : i32
      %add3A_254 = arith.constant 0 : i32
      %add3A_255 = arith.addi %mul3A_253, %add3A_254 : i32
      %add3A_256 = arith.constant 0 : i32
      %add3A_257 = arith.addi %add3A_255, %add3A_256 : i32
      "tpu.region"() ({
        %run_scoped3A = tpu.sem_alloc : memref<!tpu.dma_semaphore, #tpu.memory_space<semaphore_mem>>
        %dma_start3A_546 = arith.constant 0 : i32
        %dma_start3A_547 = arith.constant 0 : i32
        %dma_start3A_548 = tpu.memref_slice %arg11[%dma_start3A_546, %dma_start3A_547] : memref<256x128xf32, #tpu.memory_space<vmem>> -> memref<128x128xf32, #tpu.memory_space<vmem>>
        %dma_start3A_549 = arith.constant 0 : i32
        %dma_start3A_550 = tpu.memref_slice %arg10[%add3A_257, %dma_start3A_549] : memref<16x128xi32, #tpu.memory_space<vmem>> -> memref<1x128xi32, #tpu.memory_space<vmem>>
        %dma_start3A_551 = tpu.memref_squeeze %dma_start3A_550 : memref<1x128xi32, #tpu.memory_space<vmem>> -> memref<128xi32, #tpu.memory_space<vmem>>
        %dma_start3A_552 = arith.constant 0 : i32
        %dma_start3A_553 = arith.constant 0 : i32
        %dma_start3A_554 = tpu.memref_slice %arg12[%dma_start3A_552, %dma_start3A_553] : memref<10240x128xf32, #tpu.memory_space<vmem_shared>> -> memref<10240x128xf32, #tpu.memory_space<vmem_shared>>
        tpu.enqueue_indirect_dma source(%dma_start3A_548 : memref<128x128xf32, #tpu.memory_space<vmem>>) target(%dma_start3A_554 : memref<10240x128xf32, #tpu.memory_space<vmem_shared>>) offsets(%dma_start3A_551 : memref<128xi32, #tpu.memory_space<vmem>>) semaphore(%run_scoped3A : memref<!tpu.dma_semaphore, #tpu.memory_space<semaphore_mem>>) {add = true}
        %dma_wait3A_555 = arith.constant 0 : i32
        %dma_wait3A_556 = arith.constant 0 : i32
        %dma_wait3A_557 = tpu.memref_slice %arg11[%dma_wait3A_555, %dma_wait3A_556] : memref<256x128xf32, #tpu.memory_space<vmem>> -> memref<128x128xf32, #tpu.memory_space<vmem>>
        %dma_wait3A_558 = arith.constant 0 : i32
        %dma_wait3A_559 = tpu.memref_slice %arg10[%add3A_257, %dma_wait3A_558] : memref<16x128xi32, #tpu.memory_space<vmem>> -> memref<1x128xi32, #tpu.memory_space<vmem>>
        %dma_wait3A_560 = tpu.memref_squeeze %dma_wait3A_559 : memref<1x128xi32, #tpu.memory_space<vmem>> -> memref<128xi32, #tpu.memory_space<vmem>>
        %dma_wait3A_561 = arith.constant 0 : i32
        %dma_wait3A_562 = arith.constant 0 : i32
        %dma_wait3A_563 = tpu.memref_slice %arg12[%dma_wait3A_561, %dma_wait3A_562] : memref<10240x128xf32, #tpu.memory_space<vmem_shared>> -> memref<10240x128xf32, #tpu.memory_space<vmem_shared>>
        tpu.wait_indirect_dma semaphore(%run_scoped3A : memref<!tpu.dma_semaphore, #tpu.memory_space<semaphore_mem>>) src(%dma_wait3A_557 : memref<128x128xf32, #tpu.memory_space<vmem>>) dst(%dma_wait3A_563 : memref<10240x128xf32, #tpu.memory_space<vmem_shared>>)
        tpu.yield
      }) : () -> ()
      %dma_start3A_258 = arith.constant 0 : i32
      %dma_start3A_259 = tpu.memref_slice %arg10[%add3A_257, %dma_start3A_258] : memref<16x128xi32, #tpu.memory_space<vmem>> -> memref<1x128xi32, #tpu.memory_space<vmem>>
      %dma_start3A_260 = tpu.memref_squeeze %dma_start3A_259 : memref<1x128xi32, #tpu.memory_space<vmem>> -> memref<128xi32, #tpu.memory_space<vmem>>
      %dma_start3A_261 = arith.constant 0 : i32
      %dma_start3A_262 = tpu.memref_slice %arg17[%dma_start3A_261] : memref<10240xf32, #tpu.memory_space<vmem_shared>> -> memref<10240xf32, #tpu.memory_space<vmem_shared>>
      tpu.enqueue_indirect_dma source(%arg16 : memref<128xf32, #tpu.memory_space<vmem>>) target(%dma_start3A_262 : memref<10240xf32, #tpu.memory_space<vmem_shared>>) offsets(%dma_start3A_260 : memref<128xi32, #tpu.memory_space<vmem>>) semaphore(%arg18 : memref<!tpu.dma_semaphore, #tpu.memory_space<semaphore_mem>>) {add = true}
      %mul3A_263 = arith.constant 1024 : i32
      %mul3A_264 = arith.muli %rem3A_169, %mul3A_263 : i32
      %add3A_265 = arith.constant 128 : i32
      %add3A_266 = arith.addi %mul3A_264, %add3A_265 : i32
      %add3A_267 = arith.constant 128 : i32
      %add3A_268 = arith.addi %add3A_266, %add3A_267 : i32
      %dma_wait3A_269 = arith.constant 128 : i32
      %dma_wait3A_270 = arith.constant 0 : i32
      %dma_wait3A_271 = tpu.memref_slice %arg11[%dma_wait3A_269, %dma_wait3A_270] : memref<256x128xf32, #tpu.memory_space<vmem>> -> memref<128x128xf32, #tpu.memory_space<vmem>>
      %dma_wait3A_272 = tpu.memref_slice %arg9[%add3A_266] : memref<2048xi32, #tpu.memory_space<vmem>> -> memref<128xi32, #tpu.memory_space<vmem>>
      %dma_wait3A_273 = arith.constant 0 : i32
      %dma_wait3A_274 = arith.constant 0 : i32
      %dma_wait3A_275 = tpu.memref_slice %arg2[%dma_wait3A_273, %dma_wait3A_274] : memref<10240x128xf32, #tpu.memory_space<hbm>> -> memref<10240x128xf32, #tpu.memory_space<hbm>>
      tpu.wait_indirect_dma semaphore(%arg14 : memref<!tpu.dma_semaphore, #tpu.memory_space<semaphore_mem>>) src(%dma_wait3A_275 : memref<10240x128xf32, #tpu.memory_space<hbm>>) dst(%dma_wait3A_271 : memref<128x128xf32, #tpu.memory_space<vmem>>)
      %dma_start3A_276 = arith.constant 0 : i32
      %dma_start3A_277 = arith.constant 0 : i32
      %dma_start3A_278 = tpu.memref_slice %arg11[%dma_start3A_276, %dma_start3A_277] : memref<256x128xf32, #tpu.memory_space<vmem>> -> memref<128x128xf32, #tpu.memory_space<vmem>>
      %dma_start3A_279 = tpu.memref_slice %arg9[%add3A_268] : memref<2048xi32, #tpu.memory_space<vmem>> -> memref<128xi32, #tpu.memory_space<vmem>>
      %dma_start3A_280 = arith.constant 0 : i32
      %dma_start3A_281 = arith.constant 0 : i32
      %dma_start3A_282 = tpu.memref_slice %arg2[%dma_start3A_280, %dma_start3A_281] : memref<10240x128xf32, #tpu.memory_space<hbm>> -> memref<10240x128xf32, #tpu.memory_space<hbm>>
      tpu.enqueue_indirect_dma source(%dma_start3A_282 : memref<10240x128xf32, #tpu.memory_space<hbm>>) target(%dma_start3A_278 : memref<128x128xf32, #tpu.memory_space<vmem>>) offsets(%dma_start3A_279 : memref<128xi32, #tpu.memory_space<vmem>>) semaphore(%arg13 : memref<!tpu.dma_semaphore, #tpu.memory_space<semaphore_mem>>)
      %mul3A_283 = arith.constant 8 : i32
      %mul3A_284 = arith.muli %rem3A_169, %mul3A_283 : i32
      %mul3A_285 = arith.constant 1 : i32
      %mul3A_286 = arith.muli %mul3A_284, %mul3A_285 : i32
      %add3A_287 = arith.constant 1 : i32
      %add3A_288 = arith.addi %mul3A_286, %add3A_287 : i32
      %add3A_289 = arith.constant 0 : i32
      %add3A_290 = arith.addi %add3A_288, %add3A_289 : i32
      "tpu.region"() ({
        %run_scoped3A = tpu.sem_alloc : memref<!tpu.dma_semaphore, #tpu.memory_space<semaphore_mem>>
        %dma_start3A_546 = arith.constant 128 : i32
        %dma_start3A_547 = arith.constant 0 : i32
        %dma_start3A_548 = tpu.memref_slice %arg11[%dma_start3A_546, %dma_start3A_547] : memref<256x128xf32, #tpu.memory_space<vmem>> -> memref<128x128xf32, #tpu.memory_space<vmem>>
        %dma_start3A_549 = arith.constant 0 : i32
        %dma_start3A_550 = tpu.memref_slice %arg10[%add3A_290, %dma_start3A_549] : memref<16x128xi32, #tpu.memory_space<vmem>> -> memref<1x128xi32, #tpu.memory_space<vmem>>
        %dma_start3A_551 = tpu.memref_squeeze %dma_start3A_550 : memref<1x128xi32, #tpu.memory_space<vmem>> -> memref<128xi32, #tpu.memory_space<vmem>>
        %dma_start3A_552 = arith.constant 0 : i32
        %dma_start3A_553 = arith.constant 0 : i32
        %dma_start3A_554 = tpu.memref_slice %arg12[%dma_start3A_552, %dma_start3A_553] : memref<10240x128xf32, #tpu.memory_space<vmem_shared>> -> memref<10240x128xf32, #tpu.memory_space<vmem_shared>>
        tpu.enqueue_indirect_dma source(%dma_start3A_548 : memref<128x128xf32, #tpu.memory_space<vmem>>) target(%dma_start3A_554 : memref<10240x128xf32, #tpu.memory_space<vmem_shared>>) offsets(%dma_start3A_551 : memref<128xi32, #tpu.memory_space<vmem>>) semaphore(%run_scoped3A : memref<!tpu.dma_semaphore, #tpu.memory_space<semaphore_mem>>) {add = true}
        %dma_wait3A_555 = arith.constant 128 : i32
        %dma_wait3A_556 = arith.constant 0 : i32
        %dma_wait3A_557 = tpu.memref_slice %arg11[%dma_wait3A_555, %dma_wait3A_556] : memref<256x128xf32, #tpu.memory_space<vmem>> -> memref<128x128xf32, #tpu.memory_space<vmem>>
        %dma_wait3A_558 = arith.constant 0 : i32
        %dma_wait3A_559 = tpu.memref_slice %arg10[%add3A_290, %dma_wait3A_558] : memref<16x128xi32, #tpu.memory_space<vmem>> -> memref<1x128xi32, #tpu.memory_space<vmem>>
        %dma_wait3A_560 = tpu.memref_squeeze %dma_wait3A_559 : memref<1x128xi32, #tpu.memory_space<vmem>> -> memref<128xi32, #tpu.memory_space<vmem>>
        %dma_wait3A_561 = arith.constant 0 : i32
        %dma_wait3A_562 = arith.constant 0 : i32
        %dma_wait3A_563 = tpu.memref_slice %arg12[%dma_wait3A_561, %dma_wait3A_562] : memref<10240x128xf32, #tpu.memory_space<vmem_shared>> -> memref<10240x128xf32, #tpu.memory_space<vmem_shared>>
        tpu.wait_indirect_dma semaphore(%run_scoped3A : memref<!tpu.dma_semaphore, #tpu.memory_space<semaphore_mem>>) src(%dma_wait3A_557 : memref<128x128xf32, #tpu.memory_space<vmem>>) dst(%dma_wait3A_563 : memref<10240x128xf32, #tpu.memory_space<vmem_shared>>)
        tpu.yield
      }) : () -> ()
      %dma_start3A_291 = arith.constant 0 : i32
      %dma_start3A_292 = tpu.memref_slice %arg10[%add3A_290, %dma_start3A_291] : memref<16x128xi32, #tpu.memory_space<vmem>> -> memref<1x128xi32, #tpu.memory_space<vmem>>
      %dma_start3A_293 = tpu.memref_squeeze %dma_start3A_292 : memref<1x128xi32, #tpu.memory_space<vmem>> -> memref<128xi32, #tpu.memory_space<vmem>>
      %dma_start3A_294 = arith.constant 0 : i32
      %dma_start3A_295 = tpu.memref_slice %arg17[%dma_start3A_294] : memref<10240xf32, #tpu.memory_space<vmem_shared>> -> memref<10240xf32, #tpu.memory_space<vmem_shared>>
      tpu.enqueue_indirect_dma source(%arg16 : memref<128xf32, #tpu.memory_space<vmem>>) target(%dma_start3A_295 : memref<10240xf32, #tpu.memory_space<vmem_shared>>) offsets(%dma_start3A_293 : memref<128xi32, #tpu.memory_space<vmem>>) semaphore(%arg18 : memref<!tpu.dma_semaphore, #tpu.memory_space<semaphore_mem>>) {add = true}
      %mul3A_296 = arith.constant 1024 : i32
      %mul3A_297 = arith.muli %rem3A_169, %mul3A_296 : i32
      %add3A_298 = arith.constant 256 : i32
      %add3A_299 = arith.addi %mul3A_297, %add3A_298 : i32
      %add3A_300 = arith.constant 128 : i32
      %add3A_301 = arith.addi %add3A_299, %add3A_300 : i32
      %dma_wait3A_302 = arith.constant 0 : i32
      %dma_wait3A_303 = arith.constant 0 : i32
      %dma_wait3A_304 = tpu.memref_slice %arg11[%dma_wait3A_302, %dma_wait3A_303] : memref<256x128xf32, #tpu.memory_space<vmem>> -> memref<128x128xf32, #tpu.memory_space<vmem>>
      %dma_wait3A_305 = tpu.memref_slice %arg9[%add3A_299] : memref<2048xi32, #tpu.memory_space<vmem>> -> memref<128xi32, #tpu.memory_space<vmem>>
      %dma_wait3A_306 = arith.constant 0 : i32
      %dma_wait3A_307 = arith.constant 0 : i32
      %dma_wait3A_308 = tpu.memref_slice %arg2[%dma_wait3A_306, %dma_wait3A_307] : memref<10240x128xf32, #tpu.memory_space<hbm>> -> memref<10240x128xf32, #tpu.memory_space<hbm>>
      tpu.wait_indirect_dma semaphore(%arg13 : memref<!tpu.dma_semaphore, #tpu.memory_space<semaphore_mem>>) src(%dma_wait3A_308 : memref<10240x128xf32, #tpu.memory_space<hbm>>) dst(%dma_wait3A_304 : memref<128x128xf32, #tpu.memory_space<vmem>>)
      %dma_start3A_309 = arith.constant 128 : i32
      %dma_start3A_310 = arith.constant 0 : i32
      %dma_start3A_311 = tpu.memref_slice %arg11[%dma_start3A_309, %dma_start3A_310] : memref<256x128xf32, #tpu.memory_space<vmem>> -> memref<128x128xf32, #tpu.memory_space<vmem>>
      %dma_start3A_312 = tpu.memref_slice %arg9[%add3A_301] : memref<2048xi32, #tpu.memory_space<vmem>> -> memref<128xi32, #tpu.memory_space<vmem>>
      %dma_start3A_313 = arith.constant 0 : i32
      %dma_start3A_314 = arith.constant 0 : i32
      %dma_start3A_315 = tpu.memref_slice %arg2[%dma_start3A_313, %dma_start3A_314] : memref<10240x128xf32, #tpu.memory_space<hbm>> -> memref<10240x128xf32, #tpu.memory_space<hbm>>
      tpu.enqueue_indirect_dma source(%dma_start3A_315 : memref<10240x128xf32, #tpu.memory_space<hbm>>) target(%dma_start3A_311 : memref<128x128xf32, #tpu.memory_space<vmem>>) offsets(%dma_start3A_312 : memref<128xi32, #tpu.memory_space<vmem>>) semaphore(%arg14 : memref<!tpu.dma_semaphore, #tpu.memory_space<semaphore_mem>>)
      %mul3A_316 = arith.constant 8 : i32
      %mul3A_317 = arith.muli %rem3A_169, %mul3A_316 : i32
      %mul3A_318 = arith.constant 1 : i32
      %mul3A_319 = arith.muli %mul3A_317, %mul3A_318 : i32
      %add3A_320 = arith.constant 2 : i32
      %add3A_321 = arith.addi %mul3A_319, %add3A_320 : i32
      %add3A_322 = arith.constant 0 : i32
      %add3A_323 = arith.addi %add3A_321, %add3A_322 : i32
      "tpu.region"() ({
        %run_scoped3A = tpu.sem_alloc : memref<!tpu.dma_semaphore, #tpu.memory_space<semaphore_mem>>
        %dma_start3A_546 = arith.constant 0 : i32
        %dma_start3A_547 = arith.constant 0 : i32
        %dma_start3A_548 = tpu.memref_slice %arg11[%dma_start3A_546, %dma_start3A_547] : memref<256x128xf32, #tpu.memory_space<vmem>> -> memref<128x128xf32, #tpu.memory_space<vmem>>
        %dma_start3A_549 = arith.constant 0 : i32
        %dma_start3A_550 = tpu.memref_slice %arg10[%add3A_323, %dma_start3A_549] : memref<16x128xi32, #tpu.memory_space<vmem>> -> memref<1x128xi32, #tpu.memory_space<vmem>>
        %dma_start3A_551 = tpu.memref_squeeze %dma_start3A_550 : memref<1x128xi32, #tpu.memory_space<vmem>> -> memref<128xi32, #tpu.memory_space<vmem>>
        %dma_start3A_552 = arith.constant 0 : i32
        %dma_start3A_553 = arith.constant 0 : i32
        %dma_start3A_554 = tpu.memref_slice %arg12[%dma_start3A_552, %dma_start3A_553] : memref<10240x128xf32, #tpu.memory_space<vmem_shared>> -> memref<10240x128xf32, #tpu.memory_space<vmem_shared>>
        tpu.enqueue_indirect_dma source(%dma_start3A_548 : memref<128x128xf32, #tpu.memory_space<vmem>>) target(%dma_start3A_554 : memref<10240x128xf32, #tpu.memory_space<vmem_shared>>) offsets(%dma_start3A_551 : memref<128xi32, #tpu.memory_space<vmem>>) semaphore(%run_scoped3A : memref<!tpu.dma_semaphore, #tpu.memory_space<semaphore_mem>>) {add = true}
        %dma_wait3A_555 = arith.constant 0 : i32
        %dma_wait3A_556 = arith.constant 0 : i32
        %dma_wait3A_557 = tpu.memref_slice %arg11[%dma_wait3A_555, %dma_wait3A_556] : memref<256x128xf32, #tpu.memory_space<vmem>> -> memref<128x128xf32, #tpu.memory_space<vmem>>
        %dma_wait3A_558 = arith.constant 0 : i32
        %dma_wait3A_559 = tpu.memref_slice %arg10[%add3A_323, %dma_wait3A_558] : memref<16x128xi32, #tpu.memory_space<vmem>> -> memref<1x128xi32, #tpu.memory_space<vmem>>
        %dma_wait3A_560 = tpu.memref_squeeze %dma_wait3A_559 : memref<1x128xi32, #tpu.memory_space<vmem>> -> memref<128xi32, #tpu.memory_space<vmem>>
        %dma_wait3A_561 = arith.constant 0 : i32
        %dma_wait3A_562 = arith.constant 0 : i32
        %dma_wait3A_563 = tpu.memref_slice %arg12[%dma_wait3A_561, %dma_wait3A_562] : memref<10240x128xf32, #tpu.memory_space<vmem_shared>> -> memref<10240x128xf32, #tpu.memory_space<vmem_shared>>
        tpu.wait_indirect_dma semaphore(%run_scoped3A : memref<!tpu.dma_semaphore, #tpu.memory_space<semaphore_mem>>) src(%dma_wait3A_557 : memref<128x128xf32, #tpu.memory_space<vmem>>) dst(%dma_wait3A_563 : memref<10240x128xf32, #tpu.memory_space<vmem_shared>>)
        tpu.yield
      }) : () -> ()
      %dma_start3A_324 = arith.constant 0 : i32
      %dma_start3A_325 = tpu.memref_slice %arg10[%add3A_323, %dma_start3A_324] : memref<16x128xi32, #tpu.memory_space<vmem>> -> memref<1x128xi32, #tpu.memory_space<vmem>>
      %dma_start3A_326 = tpu.memref_squeeze %dma_start3A_325 : memref<1x128xi32, #tpu.memory_space<vmem>> -> memref<128xi32, #tpu.memory_space<vmem>>
      %dma_start3A_327 = arith.constant 0 : i32
      %dma_start3A_328 = tpu.memref_slice %arg17[%dma_start3A_327] : memref<10240xf32, #tpu.memory_space<vmem_shared>> -> memref<10240xf32, #tpu.memory_space<vmem_shared>>
      tpu.enqueue_indirect_dma source(%arg16 : memref<128xf32, #tpu.memory_space<vmem>>) target(%dma_start3A_328 : memref<10240xf32, #tpu.memory_space<vmem_shared>>) offsets(%dma_start3A_326 : memref<128xi32, #tpu.memory_space<vmem>>) semaphore(%arg18 : memref<!tpu.dma_semaphore, #tpu.memory_space<semaphore_mem>>) {add = true}
      %mul3A_329 = arith.constant 1024 : i32
      %mul3A_330 = arith.muli %rem3A_169, %mul3A_329 : i32
      %add3A_331 = arith.constant 384 : i32
      %add3A_332 = arith.addi %mul3A_330, %add3A_331 : i32
      %add3A_333 = arith.constant 128 : i32
      %add3A_334 = arith.addi %add3A_332, %add3A_333 : i32
      %dma_wait3A_335 = arith.constant 128 : i32
      %dma_wait3A_336 = arith.constant 0 : i32
      %dma_wait3A_337 = tpu.memref_slice %arg11[%dma_wait3A_335, %dma_wait3A_336] : memref<256x128xf32, #tpu.memory_space<vmem>> -> memref<128x128xf32, #tpu.memory_space<vmem>>
      %dma_wait3A_338 = tpu.memref_slice %arg9[%add3A_332] : memref<2048xi32, #tpu.memory_space<vmem>> -> memref<128xi32, #tpu.memory_space<vmem>>
      %dma_wait3A_339 = arith.constant 0 : i32
      %dma_wait3A_340 = arith.constant 0 : i32
      %dma_wait3A_341 = tpu.memref_slice %arg2[%dma_wait3A_339, %dma_wait3A_340] : memref<10240x128xf32, #tpu.memory_space<hbm>> -> memref<10240x128xf32, #tpu.memory_space<hbm>>
      tpu.wait_indirect_dma semaphore(%arg14 : memref<!tpu.dma_semaphore, #tpu.memory_space<semaphore_mem>>) src(%dma_wait3A_341 : memref<10240x128xf32, #tpu.memory_space<hbm>>) dst(%dma_wait3A_337 : memref<128x128xf32, #tpu.memory_space<vmem>>)
      %dma_start3A_342 = arith.constant 0 : i32
      %dma_start3A_343 = arith.constant 0 : i32
      %dma_start3A_344 = tpu.memref_slice %arg11[%dma_start3A_342, %dma_start3A_343] : memref<256x128xf32, #tpu.memory_space<vmem>> -> memref<128x128xf32, #tpu.memory_space<vmem>>
      %dma_start3A_345 = tpu.memref_slice %arg9[%add3A_334] : memref<2048xi32, #tpu.memory_space<vmem>> -> memref<128xi32, #tpu.memory_space<vmem>>
      %dma_start3A_346 = arith.constant 0 : i32
      %dma_start3A_347 = arith.constant 0 : i32
      %dma_start3A_348 = tpu.memref_slice %arg2[%dma_start3A_346, %dma_start3A_347] : memref<10240x128xf32, #tpu.memory_space<hbm>> -> memref<10240x128xf32, #tpu.memory_space<hbm>>
      tpu.enqueue_indirect_dma source(%dma_start3A_348 : memref<10240x128xf32, #tpu.memory_space<hbm>>) target(%dma_start3A_344 : memref<128x128xf32, #tpu.memory_space<vmem>>) offsets(%dma_start3A_345 : memref<128xi32, #tpu.memory_space<vmem>>) semaphore(%arg13 : memref<!tpu.dma_semaphore, #tpu.memory_space<semaphore_mem>>)
      %mul3A_349 = arith.constant 8 : i32
      %mul3A_350 = arith.muli %rem3A_169, %mul3A_349 : i32
      %mul3A_351 = arith.constant 1 : i32
      %mul3A_352 = arith.muli %mul3A_350, %mul3A_351 : i32
      %add3A_353 = arith.constant 3 : i32
      %add3A_354 = arith.addi %mul3A_352, %add3A_353 : i32
      %add3A_355 = arith.constant 0 : i32
      %add3A_356 = arith.addi %add3A_354, %add3A_355 : i32
      "tpu.region"() ({
        %run_scoped3A = tpu.sem_alloc : memref<!tpu.dma_semaphore, #tpu.memory_space<semaphore_mem>>
        %dma_start3A_546 = arith.constant 128 : i32
        %dma_start3A_547 = arith.constant 0 : i32
        %dma_start3A_548 = tpu.memref_slice %arg11[%dma_start3A_546, %dma_start3A_547] : memref<256x128xf32, #tpu.memory_space<vmem>> -> memref<128x128xf32, #tpu.memory_space<vmem>>
        %dma_start3A_549 = arith.constant 0 : i32
        %dma_start3A_550 = tpu.memref_slice %arg10[%add3A_356, %dma_start3A_549] : memref<16x128xi32, #tpu.memory_space<vmem>> -> memref<1x128xi32, #tpu.memory_space<vmem>>
        %dma_start3A_551 = tpu.memref_squeeze %dma_start3A_550 : memref<1x128xi32, #tpu.memory_space<vmem>> -> memref<128xi32, #tpu.memory_space<vmem>>
        %dma_start3A_552 = arith.constant 0 : i32
        %dma_start3A_553 = arith.constant 0 : i32
        %dma_start3A_554 = tpu.memref_slice %arg12[%dma_start3A_552, %dma_start3A_553] : memref<10240x128xf32, #tpu.memory_space<vmem_shared>> -> memref<10240x128xf32, #tpu.memory_space<vmem_shared>>
        tpu.enqueue_indirect_dma source(%dma_start3A_548 : memref<128x128xf32, #tpu.memory_space<vmem>>) target(%dma_start3A_554 : memref<10240x128xf32, #tpu.memory_space<vmem_shared>>) offsets(%dma_start3A_551 : memref<128xi32, #tpu.memory_space<vmem>>) semaphore(%run_scoped3A : memref<!tpu.dma_semaphore, #tpu.memory_space<semaphore_mem>>) {add = true}
        %dma_wait3A_555 = arith.constant 128 : i32
        %dma_wait3A_556 = arith.constant 0 : i32
        %dma_wait3A_557 = tpu.memref_slice %arg11[%dma_wait3A_555, %dma_wait3A_556] : memref<256x128xf32, #tpu.memory_space<vmem>> -> memref<128x128xf32, #tpu.memory_space<vmem>>
        %dma_wait3A_558 = arith.constant 0 : i32
        %dma_wait3A_559 = tpu.memref_slice %arg10[%add3A_356, %dma_wait3A_558] : memref<16x128xi32, #tpu.memory_space<vmem>> -> memref<1x128xi32, #tpu.memory_space<vmem>>
        %dma_wait3A_560 = tpu.memref_squeeze %dma_wait3A_559 : memref<1x128xi32, #tpu.memory_space<vmem>> -> memref<128xi32, #tpu.memory_space<vmem>>
        %dma_wait3A_561 = arith.constant 0 : i32
        %dma_wait3A_562 = arith.constant 0 : i32
        %dma_wait3A_563 = tpu.memref_slice %arg12[%dma_wait3A_561, %dma_wait3A_562] : memref<10240x128xf32, #tpu.memory_space<vmem_shared>> -> memref<10240x128xf32, #tpu.memory_space<vmem_shared>>
        tpu.wait_indirect_dma semaphore(%run_scoped3A : memref<!tpu.dma_semaphore, #tpu.memory_space<semaphore_mem>>) src(%dma_wait3A_557 : memref<128x128xf32, #tpu.memory_space<vmem>>) dst(%dma_wait3A_563 : memref<10240x128xf32, #tpu.memory_space<vmem_shared>>)
        tpu.yield
      }) : () -> ()
      %dma_start3A_357 = arith.constant 0 : i32
      %dma_start3A_358 = tpu.memref_slice %arg10[%add3A_356, %dma_start3A_357] : memref<16x128xi32, #tpu.memory_space<vmem>> -> memref<1x128xi32, #tpu.memory_space<vmem>>
      %dma_start3A_359 = tpu.memref_squeeze %dma_start3A_358 : memref<1x128xi32, #tpu.memory_space<vmem>> -> memref<128xi32, #tpu.memory_space<vmem>>
      %dma_start3A_360 = arith.constant 0 : i32
      %dma_start3A_361 = tpu.memref_slice %arg17[%dma_start3A_360] : memref<10240xf32, #tpu.memory_space<vmem_shared>> -> memref<10240xf32, #tpu.memory_space<vmem_shared>>
      tpu.enqueue_indirect_dma source(%arg16 : memref<128xf32, #tpu.memory_space<vmem>>) target(%dma_start3A_361 : memref<10240xf32, #tpu.memory_space<vmem_shared>>) offsets(%dma_start3A_359 : memref<128xi32, #tpu.memory_space<vmem>>) semaphore(%arg18 : memref<!tpu.dma_semaphore, #tpu.memory_space<semaphore_mem>>) {add = true}
      %mul3A_362 = arith.constant 1024 : i32
      %mul3A_363 = arith.muli %rem3A_169, %mul3A_362 : i32
      %add3A_364 = arith.constant 512 : i32
      %add3A_365 = arith.addi %mul3A_363, %add3A_364 : i32
      %add3A_366 = arith.constant 128 : i32
      %add3A_367 = arith.addi %add3A_365, %add3A_366 : i32
      %dma_wait3A_368 = arith.constant 0 : i32
      %dma_wait3A_369 = arith.constant 0 : i32
      %dma_wait3A_370 = tpu.memref_slice %arg11[%dma_wait3A_368, %dma_wait3A_369] : memref<256x128xf32, #tpu.memory_space<vmem>> -> memref<128x128xf32, #tpu.memory_space<vmem>>
      %dma_wait3A_371 = tpu.memref_slice %arg9[%add3A_365] : memref<2048xi32, #tpu.memory_space<vmem>> -> memref<128xi32, #tpu.memory_space<vmem>>
      %dma_wait3A_372 = arith.constant 0 : i32
      %dma_wait3A_373 = arith.constant 0 : i32
      %dma_wait3A_374 = tpu.memref_slice %arg2[%dma_wait3A_372, %dma_wait3A_373] : memref<10240x128xf32, #tpu.memory_space<hbm>> -> memref<10240x128xf32, #tpu.memory_space<hbm>>
      tpu.wait_indirect_dma semaphore(%arg13 : memref<!tpu.dma_semaphore, #tpu.memory_space<semaphore_mem>>) src(%dma_wait3A_374 : memref<10240x128xf32, #tpu.memory_space<hbm>>) dst(%dma_wait3A_370 : memref<128x128xf32, #tpu.memory_space<vmem>>)
      %dma_start3A_375 = arith.constant 128 : i32
      %dma_start3A_376 = arith.constant 0 : i32
      %dma_start3A_377 = tpu.memref_slice %arg11[%dma_start3A_375, %dma_start3A_376] : memref<256x128xf32, #tpu.memory_space<vmem>> -> memref<128x128xf32, #tpu.memory_space<vmem>>
      %dma_start3A_378 = tpu.memref_slice %arg9[%add3A_367] : memref<2048xi32, #tpu.memory_space<vmem>> -> memref<128xi32, #tpu.memory_space<vmem>>
      %dma_start3A_379 = arith.constant 0 : i32
      %dma_start3A_380 = arith.constant 0 : i32
      %dma_start3A_381 = tpu.memref_slice %arg2[%dma_start3A_379, %dma_start3A_380] : memref<10240x128xf32, #tpu.memory_space<hbm>> -> memref<10240x128xf32, #tpu.memory_space<hbm>>
      tpu.enqueue_indirect_dma source(%dma_start3A_381 : memref<10240x128xf32, #tpu.memory_space<hbm>>) target(%dma_start3A_377 : memref<128x128xf32, #tpu.memory_space<vmem>>) offsets(%dma_start3A_378 : memref<128xi32, #tpu.memory_space<vmem>>) semaphore(%arg14 : memref<!tpu.dma_semaphore, #tpu.memory_space<semaphore_mem>>)
      %mul3A_382 = arith.constant 8 : i32
      %mul3A_383 = arith.muli %rem3A_169, %mul3A_382 : i32
      %mul3A_384 = arith.constant 1 : i32
      %mul3A_385 = arith.muli %mul3A_383, %mul3A_384 : i32
      %add3A_386 = arith.constant 4 : i32
      %add3A_387 = arith.addi %mul3A_385, %add3A_386 : i32
      %add3A_388 = arith.constant 0 : i32
      %add3A_389 = arith.addi %add3A_387, %add3A_388 : i32
      "tpu.region"() ({
        %run_scoped3A = tpu.sem_alloc : memref<!tpu.dma_semaphore, #tpu.memory_space<semaphore_mem>>
        %dma_start3A_546 = arith.constant 0 : i32
        %dma_start3A_547 = arith.constant 0 : i32
        %dma_start3A_548 = tpu.memref_slice %arg11[%dma_start3A_546, %dma_start3A_547] : memref<256x128xf32, #tpu.memory_space<vmem>> -> memref<128x128xf32, #tpu.memory_space<vmem>>
        %dma_start3A_549 = arith.constant 0 : i32
        %dma_start3A_550 = tpu.memref_slice %arg10[%add3A_389, %dma_start3A_549] : memref<16x128xi32, #tpu.memory_space<vmem>> -> memref<1x128xi32, #tpu.memory_space<vmem>>
        %dma_start3A_551 = tpu.memref_squeeze %dma_start3A_550 : memref<1x128xi32, #tpu.memory_space<vmem>> -> memref<128xi32, #tpu.memory_space<vmem>>
        %dma_start3A_552 = arith.constant 0 : i32
        %dma_start3A_553 = arith.constant 0 : i32
        %dma_start3A_554 = tpu.memref_slice %arg12[%dma_start3A_552, %dma_start3A_553] : memref<10240x128xf32, #tpu.memory_space<vmem_shared>> -> memref<10240x128xf32, #tpu.memory_space<vmem_shared>>
        tpu.enqueue_indirect_dma source(%dma_start3A_548 : memref<128x128xf32, #tpu.memory_space<vmem>>) target(%dma_start3A_554 : memref<10240x128xf32, #tpu.memory_space<vmem_shared>>) offsets(%dma_start3A_551 : memref<128xi32, #tpu.memory_space<vmem>>) semaphore(%run_scoped3A : memref<!tpu.dma_semaphore, #tpu.memory_space<semaphore_mem>>) {add = true}
        %dma_wait3A_555 = arith.constant 0 : i32
        %dma_wait3A_556 = arith.constant 0 : i32
        %dma_wait3A_557 = tpu.memref_slice %arg11[%dma_wait3A_555, %dma_wait3A_556] : memref<256x128xf32, #tpu.memory_space<vmem>> -> memref<128x128xf32, #tpu.memory_space<vmem>>
        %dma_wait3A_558 = arith.constant 0 : i32
        %dma_wait3A_559 = tpu.memref_slice %arg10[%add3A_389, %dma_wait3A_558] : memref<16x128xi32, #tpu.memory_space<vmem>> -> memref<1x128xi32, #tpu.memory_space<vmem>>
        %dma_wait3A_560 = tpu.memref_squeeze %dma_wait3A_559 : memref<1x128xi32, #tpu.memory_space<vmem>> -> memref<128xi32, #tpu.memory_space<vmem>>
        %dma_wait3A_561 = arith.constant 0 : i32
        %dma_wait3A_562 = arith.constant 0 : i32
        %dma_wait3A_563 = tpu.memref_slice %arg12[%dma_wait3A_561, %dma_wait3A_562] : memref<10240x128xf32, #tpu.memory_space<vmem_shared>> -> memref<10240x128xf32, #tpu.memory_space<vmem_shared>>
        tpu.wait_indirect_dma semaphore(%run_scoped3A : memref<!tpu.dma_semaphore, #tpu.memory_space<semaphore_mem>>) src(%dma_wait3A_557 : memref<128x128xf32, #tpu.memory_space<vmem>>) dst(%dma_wait3A_563 : memref<10240x128xf32, #tpu.memory_space<vmem_shared>>)
        tpu.yield
      }) : () -> ()
      %dma_start3A_390 = arith.constant 0 : i32
      %dma_start3A_391 = tpu.memref_slice %arg10[%add3A_389, %dma_start3A_390] : memref<16x128xi32, #tpu.memory_space<vmem>> -> memref<1x128xi32, #tpu.memory_space<vmem>>
      %dma_start3A_392 = tpu.memref_squeeze %dma_start3A_391 : memref<1x128xi32, #tpu.memory_space<vmem>> -> memref<128xi32, #tpu.memory_space<vmem>>
      %dma_start3A_393 = arith.constant 0 : i32
      %dma_start3A_394 = tpu.memref_slice %arg17[%dma_start3A_393] : memref<10240xf32, #tpu.memory_space<vmem_shared>> -> memref<10240xf32, #tpu.memory_space<vmem_shared>>
      tpu.enqueue_indirect_dma source(%arg16 : memref<128xf32, #tpu.memory_space<vmem>>) target(%dma_start3A_394 : memref<10240xf32, #tpu.memory_space<vmem_shared>>) offsets(%dma_start3A_392 : memref<128xi32, #tpu.memory_space<vmem>>) semaphore(%arg18 : memref<!tpu.dma_semaphore, #tpu.memory_space<semaphore_mem>>) {add = true}
      %mul3A_395 = arith.constant 1024 : i32
      %mul3A_396 = arith.muli %rem3A_169, %mul3A_395 : i32
      %add3A_397 = arith.constant 640 : i32
      %add3A_398 = arith.addi %mul3A_396, %add3A_397 : i32
      %add3A_399 = arith.constant 128 : i32
      %add3A_400 = arith.addi %add3A_398, %add3A_399 : i32
      %dma_wait3A_401 = arith.constant 128 : i32
      %dma_wait3A_402 = arith.constant 0 : i32
      %dma_wait3A_403 = tpu.memref_slice %arg11[%dma_wait3A_401, %dma_wait3A_402] : memref<256x128xf32, #tpu.memory_space<vmem>> -> memref<128x128xf32, #tpu.memory_space<vmem>>
      %dma_wait3A_404 = tpu.memref_slice %arg9[%add3A_398] : memref<2048xi32, #tpu.memory_space<vmem>> -> memref<128xi32, #tpu.memory_space<vmem>>
      %dma_wait3A_405 = arith.constant 0 : i32
      %dma_wait3A_406 = arith.constant 0 : i32
      %dma_wait3A_407 = tpu.memref_slice %arg2[%dma_wait3A_405, %dma_wait3A_406] : memref<10240x128xf32, #tpu.memory_space<hbm>> -> memref<10240x128xf32, #tpu.memory_space<hbm>>
      tpu.wait_indirect_dma semaphore(%arg14 : memref<!tpu.dma_semaphore, #tpu.memory_space<semaphore_mem>>) src(%dma_wait3A_407 : memref<10240x128xf32, #tpu.memory_space<hbm>>) dst(%dma_wait3A_403 : memref<128x128xf32, #tpu.memory_space<vmem>>)
      %dma_start3A_408 = arith.constant 0 : i32
      %dma_start3A_409 = arith.constant 0 : i32
      %dma_start3A_410 = tpu.memref_slice %arg11[%dma_start3A_408, %dma_start3A_409] : memref<256x128xf32, #tpu.memory_space<vmem>> -> memref<128x128xf32, #tpu.memory_space<vmem>>
      %dma_start3A_411 = tpu.memref_slice %arg9[%add3A_400] : memref<2048xi32, #tpu.memory_space<vmem>> -> memref<128xi32, #tpu.memory_space<vmem>>
      %dma_start3A_412 = arith.constant 0 : i32
      %dma_start3A_413 = arith.constant 0 : i32
      %dma_start3A_414 = tpu.memref_slice %arg2[%dma_start3A_412, %dma_start3A_413] : memref<10240x128xf32, #tpu.memory_space<hbm>> -> memref<10240x128xf32, #tpu.memory_space<hbm>>
      tpu.enqueue_indirect_dma source(%dma_start3A_414 : memref<10240x128xf32, #tpu.memory_space<hbm>>) target(%dma_start3A_410 : memref<128x128xf32, #tpu.memory_space<vmem>>) offsets(%dma_start3A_411 : memref<128xi32, #tpu.memory_space<vmem>>) semaphore(%arg13 : memref<!tpu.dma_semaphore, #tpu.memory_space<semaphore_mem>>)
      %mul3A_415 = arith.constant 8 : i32
      %mul3A_416 = arith.muli %rem3A_169, %mul3A_415 : i32
      %mul3A_417 = arith.constant 1 : i32
      %mul3A_418 = arith.muli %mul3A_416, %mul3A_417 : i32
      %add3A_419 = arith.constant 5 : i32
      %add3A_420 = arith.addi %mul3A_418, %add3A_419 : i32
      %add3A_421 = arith.constant 0 : i32
      %add3A_422 = arith.addi %add3A_420, %add3A_421 : i32
      "tpu.region"() ({
        %run_scoped3A = tpu.sem_alloc : memref<!tpu.dma_semaphore, #tpu.memory_space<semaphore_mem>>
        %dma_start3A_546 = arith.constant 128 : i32
        %dma_start3A_547 = arith.constant 0 : i32
        %dma_start3A_548 = tpu.memref_slice %arg11[%dma_start3A_546, %dma_start3A_547] : memref<256x128xf32, #tpu.memory_space<vmem>> -> memref<128x128xf32, #tpu.memory_space<vmem>>
        %dma_start3A_549 = arith.constant 0 : i32
        %dma_start3A_550 = tpu.memref_slice %arg10[%add3A_422, %dma_start3A_549] : memref<16x128xi32, #tpu.memory_space<vmem>> -> memref<1x128xi32, #tpu.memory_space<vmem>>
        %dma_start3A_551 = tpu.memref_squeeze %dma_start3A_550 : memref<1x128xi32, #tpu.memory_space<vmem>> -> memref<128xi32, #tpu.memory_space<vmem>>
        %dma_start3A_552 = arith.constant 0 : i32
        %dma_start3A_553 = arith.constant 0 : i32
        %dma_start3A_554 = tpu.memref_slice %arg12[%dma_start3A_552, %dma_start3A_553] : memref<10240x128xf32, #tpu.memory_space<vmem_shared>> -> memref<10240x128xf32, #tpu.memory_space<vmem_shared>>
        tpu.enqueue_indirect_dma source(%dma_start3A_548 : memref<128x128xf32, #tpu.memory_space<vmem>>) target(%dma_start3A_554 : memref<10240x128xf32, #tpu.memory_space<vmem_shared>>) offsets(%dma_start3A_551 : memref<128xi32, #tpu.memory_space<vmem>>) semaphore(%run_scoped3A : memref<!tpu.dma_semaphore, #tpu.memory_space<semaphore_mem>>) {add = true}
        %dma_wait3A_555 = arith.constant 128 : i32
        %dma_wait3A_556 = arith.constant 0 : i32
        %dma_wait3A_557 = tpu.memref_slice %arg11[%dma_wait3A_555, %dma_wait3A_556] : memref<256x128xf32, #tpu.memory_space<vmem>> -> memref<128x128xf32, #tpu.memory_space<vmem>>
        %dma_wait3A_558 = arith.constant 0 : i32
        %dma_wait3A_559 = tpu.memref_slice %arg10[%add3A_422, %dma_wait3A_558] : memref<16x128xi32, #tpu.memory_space<vmem>> -> memref<1x128xi32, #tpu.memory_space<vmem>>
        %dma_wait3A_560 = tpu.memref_squeeze %dma_wait3A_559 : memref<1x128xi32, #tpu.memory_space<vmem>> -> memref<128xi32, #tpu.memory_space<vmem>>
        %dma_wait3A_561 = arith.constant 0 : i32
        %dma_wait3A_562 = arith.constant 0 : i32
        %dma_wait3A_563 = tpu.memref_slice %arg12[%dma_wait3A_561, %dma_wait3A_562] : memref<10240x128xf32, #tpu.memory_space<vmem_shared>> -> memref<10240x128xf32, #tpu.memory_space<vmem_shared>>
        tpu.wait_indirect_dma semaphore(%run_scoped3A : memref<!tpu.dma_semaphore, #tpu.memory_space<semaphore_mem>>) src(%dma_wait3A_557 : memref<128x128xf32, #tpu.memory_space<vmem>>) dst(%dma_wait3A_563 : memref<10240x128xf32, #tpu.memory_space<vmem_shared>>)
        tpu.yield
      }) : () -> ()
      %dma_start3A_423 = arith.constant 0 : i32
      %dma_start3A_424 = tpu.memref_slice %arg10[%add3A_422, %dma_start3A_423] : memref<16x128xi32, #tpu.memory_space<vmem>> -> memref<1x128xi32, #tpu.memory_space<vmem>>
      %dma_start3A_425 = tpu.memref_squeeze %dma_start3A_424 : memref<1x128xi32, #tpu.memory_space<vmem>> -> memref<128xi32, #tpu.memory_space<vmem>>
      %dma_start3A_426 = arith.constant 0 : i32
      %dma_start3A_427 = tpu.memref_slice %arg17[%dma_start3A_426] : memref<10240xf32, #tpu.memory_space<vmem_shared>> -> memref<10240xf32, #tpu.memory_space<vmem_shared>>
      tpu.enqueue_indirect_dma source(%arg16 : memref<128xf32, #tpu.memory_space<vmem>>) target(%dma_start3A_427 : memref<10240xf32, #tpu.memory_space<vmem_shared>>) offsets(%dma_start3A_425 : memref<128xi32, #tpu.memory_space<vmem>>) semaphore(%arg18 : memref<!tpu.dma_semaphore, #tpu.memory_space<semaphore_mem>>) {add = true}
      %mul3A_428 = arith.constant 1024 : i32
      %mul3A_429 = arith.muli %rem3A_169, %mul3A_428 : i32
      %add3A_430 = arith.constant 768 : i32
      %add3A_431 = arith.addi %mul3A_429, %add3A_430 : i32
      %add3A_432 = arith.constant 128 : i32
      %add3A_433 = arith.addi %add3A_431, %add3A_432 : i32
      %dma_wait3A_434 = arith.constant 0 : i32
      %dma_wait3A_435 = arith.constant 0 : i32
      %dma_wait3A_436 = tpu.memref_slice %arg11[%dma_wait3A_434, %dma_wait3A_435] : memref<256x128xf32, #tpu.memory_space<vmem>> -> memref<128x128xf32, #tpu.memory_space<vmem>>
      %dma_wait3A_437 = tpu.memref_slice %arg9[%add3A_431] : memref<2048xi32, #tpu.memory_space<vmem>> -> memref<128xi32, #tpu.memory_space<vmem>>
      %dma_wait3A_438 = arith.constant 0 : i32
      %dma_wait3A_439 = arith.constant 0 : i32
      %dma_wait3A_440 = tpu.memref_slice %arg2[%dma_wait3A_438, %dma_wait3A_439] : memref<10240x128xf32, #tpu.memory_space<hbm>> -> memref<10240x128xf32, #tpu.memory_space<hbm>>
      tpu.wait_indirect_dma semaphore(%arg13 : memref<!tpu.dma_semaphore, #tpu.memory_space<semaphore_mem>>) src(%dma_wait3A_440 : memref<10240x128xf32, #tpu.memory_space<hbm>>) dst(%dma_wait3A_436 : memref<128x128xf32, #tpu.memory_space<vmem>>)
      %dma_start3A_441 = arith.constant 128 : i32
      %dma_start3A_442 = arith.constant 0 : i32
      %dma_start3A_443 = tpu.memref_slice %arg11[%dma_start3A_441, %dma_start3A_442] : memref<256x128xf32, #tpu.memory_space<vmem>> -> memref<128x128xf32, #tpu.memory_space<vmem>>
      %dma_start3A_444 = tpu.memref_slice %arg9[%add3A_433] : memref<2048xi32, #tpu.memory_space<vmem>> -> memref<128xi32, #tpu.memory_space<vmem>>
      %dma_start3A_445 = arith.constant 0 : i32
      %dma_start3A_446 = arith.constant 0 : i32
      %dma_start3A_447 = tpu.memref_slice %arg2[%dma_start3A_445, %dma_start3A_446] : memref<10240x128xf32, #tpu.memory_space<hbm>> -> memref<10240x128xf32, #tpu.memory_space<hbm>>
      tpu.enqueue_indirect_dma source(%dma_start3A_447 : memref<10240x128xf32, #tpu.memory_space<hbm>>) target(%dma_start3A_443 : memref<128x128xf32, #tpu.memory_space<vmem>>) offsets(%dma_start3A_444 : memref<128xi32, #tpu.memory_space<vmem>>) semaphore(%arg14 : memref<!tpu.dma_semaphore, #tpu.memory_space<semaphore_mem>>)
      %mul3A_448 = arith.constant 8 : i32
      %mul3A_449 = arith.muli %rem3A_169, %mul3A_448 : i32
      %mul3A_450 = arith.constant 1 : i32
      %mul3A_451 = arith.muli %mul3A_449, %mul3A_450 : i32
      %add3A_452 = arith.constant 6 : i32
      %add3A_453 = arith.addi %mul3A_451, %add3A_452 : i32
      %add3A_454 = arith.constant 0 : i32
      %add3A_455 = arith.addi %add3A_453, %add3A_454 : i32
      "tpu.region"() ({
        %run_scoped3A = tpu.sem_alloc : memref<!tpu.dma_semaphore, #tpu.memory_space<semaphore_mem>>
        %dma_start3A_546 = arith.constant 0 : i32
        %dma_start3A_547 = arith.constant 0 : i32
        %dma_start3A_548 = tpu.memref_slice %arg11[%dma_start3A_546, %dma_start3A_547] : memref<256x128xf32, #tpu.memory_space<vmem>> -> memref<128x128xf32, #tpu.memory_space<vmem>>
        %dma_start3A_549 = arith.constant 0 : i32
        %dma_start3A_550 = tpu.memref_slice %arg10[%add3A_455, %dma_start3A_549] : memref<16x128xi32, #tpu.memory_space<vmem>> -> memref<1x128xi32, #tpu.memory_space<vmem>>
        %dma_start3A_551 = tpu.memref_squeeze %dma_start3A_550 : memref<1x128xi32, #tpu.memory_space<vmem>> -> memref<128xi32, #tpu.memory_space<vmem>>
        %dma_start3A_552 = arith.constant 0 : i32
        %dma_start3A_553 = arith.constant 0 : i32
        %dma_start3A_554 = tpu.memref_slice %arg12[%dma_start3A_552, %dma_start3A_553] : memref<10240x128xf32, #tpu.memory_space<vmem_shared>> -> memref<10240x128xf32, #tpu.memory_space<vmem_shared>>
        tpu.enqueue_indirect_dma source(%dma_start3A_548 : memref<128x128xf32, #tpu.memory_space<vmem>>) target(%dma_start3A_554 : memref<10240x128xf32, #tpu.memory_space<vmem_shared>>) offsets(%dma_start3A_551 : memref<128xi32, #tpu.memory_space<vmem>>) semaphore(%run_scoped3A : memref<!tpu.dma_semaphore, #tpu.memory_space<semaphore_mem>>) {add = true}
        %dma_wait3A_555 = arith.constant 0 : i32
        %dma_wait3A_556 = arith.constant 0 : i32
        %dma_wait3A_557 = tpu.memref_slice %arg11[%dma_wait3A_555, %dma_wait3A_556] : memref<256x128xf32, #tpu.memory_space<vmem>> -> memref<128x128xf32, #tpu.memory_space<vmem>>
        %dma_wait3A_558 = arith.constant 0 : i32
        %dma_wait3A_559 = tpu.memref_slice %arg10[%add3A_455, %dma_wait3A_558] : memref<16x128xi32, #tpu.memory_space<vmem>> -> memref<1x128xi32, #tpu.memory_space<vmem>>
        %dma_wait3A_560 = tpu.memref_squeeze %dma_wait3A_559 : memref<1x128xi32, #tpu.memory_space<vmem>> -> memref<128xi32, #tpu.memory_space<vmem>>
        %dma_wait3A_561 = arith.constant 0 : i32
        %dma_wait3A_562 = arith.constant 0 : i32
        %dma_wait3A_563 = tpu.memref_slice %arg12[%dma_wait3A_561, %dma_wait3A_562] : memref<10240x128xf32, #tpu.memory_space<vmem_shared>> -> memref<10240x128xf32, #tpu.memory_space<vmem_shared>>
        tpu.wait_indirect_dma semaphore(%run_scoped3A : memref<!tpu.dma_semaphore, #tpu.memory_space<semaphore_mem>>) src(%dma_wait3A_557 : memref<128x128xf32, #tpu.memory_space<vmem>>) dst(%dma_wait3A_563 : memref<10240x128xf32, #tpu.memory_space<vmem_shared>>)
        tpu.yield
      }) : () -> ()
      %dma_start3A_456 = arith.constant 0 : i32
      %dma_start3A_457 = tpu.memref_slice %arg10[%add3A_455, %dma_start3A_456] : memref<16x128xi32, #tpu.memory_space<vmem>> -> memref<1x128xi32, #tpu.memory_space<vmem>>
      %dma_start3A_458 = tpu.memref_squeeze %dma_start3A_457 : memref<1x128xi32, #tpu.memory_space<vmem>> -> memref<128xi32, #tpu.memory_space<vmem>>
      %dma_start3A_459 = arith.constant 0 : i32
      %dma_start3A_460 = tpu.memref_slice %arg17[%dma_start3A_459] : memref<10240xf32, #tpu.memory_space<vmem_shared>> -> memref<10240xf32, #tpu.memory_space<vmem_shared>>
      tpu.enqueue_indirect_dma source(%arg16 : memref<128xf32, #tpu.memory_space<vmem>>) target(%dma_start3A_460 : memref<10240xf32, #tpu.memory_space<vmem_shared>>) offsets(%dma_start3A_458 : memref<128xi32, #tpu.memory_space<vmem>>) semaphore(%arg18 : memref<!tpu.dma_semaphore, #tpu.memory_space<semaphore_mem>>) {add = true}
      %mul3A_461 = arith.constant 1024 : i32
      %mul3A_462 = arith.muli %rem3A_169, %mul3A_461 : i32
      %add3A_463 = arith.constant 896 : i32
      %add3A_464 = arith.addi %mul3A_462, %add3A_463 : i32
      %mul3A_465 = arith.constant 1024 : i32
      %mul3A_466 = arith.muli %rem3A_173, %mul3A_465 : i32
      %dma_wait3A_467 = arith.constant 128 : i32
      %dma_wait3A_468 = arith.constant 0 : i32
      %dma_wait3A_469 = tpu.memref_slice %arg11[%dma_wait3A_467, %dma_wait3A_468] : memref<256x128xf32, #tpu.memory_space<vmem>> -> memref<128x128xf32, #tpu.memory_space<vmem>>
      %dma_wait3A_470 = tpu.memref_slice %arg9[%add3A_464] : memref<2048xi32, #tpu.memory_space<vmem>> -> memref<128xi32, #tpu.memory_space<vmem>>
      %dma_wait3A_471 = arith.constant 0 : i32
      %dma_wait3A_472 = arith.constant 0 : i32
      %dma_wait3A_473 = tpu.memref_slice %arg2[%dma_wait3A_471, %dma_wait3A_472] : memref<10240x128xf32, #tpu.memory_space<hbm>> -> memref<10240x128xf32, #tpu.memory_space<hbm>>
      tpu.wait_indirect_dma semaphore(%arg14 : memref<!tpu.dma_semaphore, #tpu.memory_space<semaphore_mem>>) src(%dma_wait3A_473 : memref<10240x128xf32, #tpu.memory_space<hbm>>) dst(%dma_wait3A_469 : memref<128x128xf32, #tpu.memory_space<vmem>>)
      %mul3A_474 = arith.constant 10240 : i32
      %mul3A_475 = arith.muli %add3A, %mul3A_474 : i32
      %mul3A_476 = arith.constant 1024 : i32
      %mul3A_477 = arith.muli %rem3A_177, %mul3A_476 : i32
      %add3A_478 = arith.addi %mul3A_475, %mul3A_477 : i32
      %mul3A_479 = arith.constant 1024 : i32
      %mul3A_480 = arith.muli %rem3A_173, %mul3A_479 : i32
      %mul3A_481 = arith.constant 10240 : i32
      %mul3A_482 = arith.muli %add3A, %mul3A_481 : i32
      %mul3A_483 = arith.constant 1024 : i32
      %mul3A_484 = arith.muli %rem3A_177, %mul3A_483 : i32
      %add3A_485 = arith.addi %mul3A_482, %mul3A_484 : i32
      %jit3A_486 = arith.constant 128 : i32
      %div3A_487 = arith.divsi %add3A_485, %jit3A_486 : i32
      %sign3A_488 = arith.constant 0 : i32
      %sign3A_489 = arith.cmpi sgt, %add3A_485, %sign3A_488 : i32
      %sign3A_490 = arith.extui %sign3A_489 : i1 to i32
      %sign3A_491 = arith.constant 0 : i32
      %sign3A_492 = arith.cmpi slt, %add3A_485, %sign3A_491 : i32
      %sign3A_493 = arith.extui %sign3A_492 : i1 to i32
      %sign3A_494 = arith.subi %sign3A_490, %sign3A_493 : i32
      %sign3A_495 = arith.constant 0 : i32
      %sign3A_496 = arith.cmpi sgt, %jit3A_486, %sign3A_495 : i32
      %sign3A_497 = arith.extui %sign3A_496 : i1 to i32
      %sign3A_498 = arith.constant 0 : i32
      %sign3A_499 = arith.cmpi slt, %jit3A_486, %sign3A_498 : i32
      %sign3A_500 = arith.extui %sign3A_499 : i1 to i32
      %sign3A_501 = arith.subi %sign3A_497, %sign3A_500 : i32
      %ne3A_502 = arith.cmpi ne, %sign3A_494, %sign3A_501 : i32
      %rem3A_503 = arith.remsi %add3A_485, %jit3A_486 : i32
      %ne3A_504 = arith.constant 0 : i32
      %ne3A_505 = arith.cmpi ne, %rem3A_503, %ne3A_504 : i32
      %and3A_506 = arith.andi %ne3A_502, %ne3A_505 : i1
      %sub3A_507 = arith.constant 1 : i32
      %sub3A_508 = arith.subi %div3A_487, %sub3A_507 : i32
      %select_n3A_509 = arith.select %and3A_506, %sub3A_508, %div3A_487 : i32
      %mul3A_510 = arith.constant 8 : i32
      %mul3A_511 = arith.muli %rem3A_173, %mul3A_510 : i32
      %mul3A_512 = arith.constant 1 : i32
      %mul3A_513 = arith.muli %mul3A_511, %mul3A_512 : i32
      %dma_wait3A_514 = tpu.memref_slice %arg9[%mul3A_480] : memref<2048xi32, #tpu.memory_space<vmem>> -> memref<1024xi32, #tpu.memory_space<vmem>>
      %dma_wait3A_515 = tpu.memref_slice %arg3[%add3A_478] : memref<327680xi32, #tpu.memory_space<hbm>> -> memref<1024xi32, #tpu.memory_space<hbm>>
      %dma_wait3A_516 = tpu.memref_slice %arg9[%mul3A_480] : memref<2048xi32, #tpu.memory_space<vmem>> -> memref<1024xi32, #tpu.memory_space<vmem>>
      %dma_wait3A_517 = tpu.memref_slice %arg3[%add3A_478] : memref<327680xi32, #tpu.memory_space<hbm>> -> memref<1024xi32, #tpu.memory_space<hbm>>
      tpu.wait_dma2 semaphore(%arg15 : memref<!tpu.dma_semaphore, #tpu.memory_space<semaphore_mem>>) src(%dma_wait3A_517 : memref<1024xi32, #tpu.memory_space<hbm>>) dst(%dma_wait3A_516 : memref<1024xi32, #tpu.memory_space<vmem>>)
      %dma_wait3A_518 = arith.constant 0 : i32
      %dma_wait3A_519 = tpu.memref_slice %arg10[%mul3A_513, %dma_wait3A_518] : memref<16x128xi32, #tpu.memory_space<vmem>> -> memref<8x128xi32, #tpu.memory_space<vmem>>
      %dma_wait3A_520 = arith.constant 0 : i32
      %dma_wait3A_521 = tpu.memref_slice %arg4[%select_n3A_509, %dma_wait3A_520] : memref<2560x128xi32, #tpu.memory_space<hbm>> -> memref<8x128xi32, #tpu.memory_space<hbm>>
      %dma_wait3A_522 = arith.constant 0 : i32
      %dma_wait3A_523 = tpu.memref_slice %arg10[%mul3A_513, %dma_wait3A_522] : memref<16x128xi32, #tpu.memory_space<vmem>> -> memref<8x128xi32, #tpu.memory_space<vmem>>
      %dma_wait3A_524 = arith.constant 0 : i32
      %dma_wait3A_525 = tpu.memref_slice %arg4[%select_n3A_509, %dma_wait3A_524] : memref<2560x128xi32, #tpu.memory_space<hbm>> -> memref<8x128xi32, #tpu.memory_space<hbm>>
      tpu.wait_dma2 semaphore(%arg15 : memref<!tpu.dma_semaphore, #tpu.memory_space<semaphore_mem>>) src(%dma_wait3A_525 : memref<8x128xi32, #tpu.memory_space<hbm>>) dst(%dma_wait3A_523 : memref<8x128xi32, #tpu.memory_space<vmem>>)
      %dma_start3A_526 = arith.constant 0 : i32
      %dma_start3A_527 = arith.constant 0 : i32
      %dma_start3A_528 = tpu.memref_slice %arg11[%dma_start3A_526, %dma_start3A_527] : memref<256x128xf32, #tpu.memory_space<vmem>> -> memref<128x128xf32, #tpu.memory_space<vmem>>
      %dma_start3A_529 = tpu.memref_slice %arg9[%mul3A_466] : memref<2048xi32, #tpu.memory_space<vmem>> -> memref<128xi32, #tpu.memory_space<vmem>>
      %dma_start3A_530 = arith.constant 0 : i32
      %dma_start3A_531 = arith.constant 0 : i32
      %dma_start3A_532 = tpu.memref_slice %arg2[%dma_start3A_530, %dma_start3A_531] : memref<10240x128xf32, #tpu.memory_space<hbm>> -> memref<10240x128xf32, #tpu.memory_space<hbm>>
      tpu.enqueue_indirect_dma source(%dma_start3A_532 : memref<10240x128xf32, #tpu.memory_space<hbm>>) target(%dma_start3A_528 : memref<128x128xf32, #tpu.memory_space<vmem>>) offsets(%dma_start3A_529 : memref<128xi32, #tpu.memory_space<vmem>>) semaphore(%arg13 : memref<!tpu.dma_semaphore, #tpu.memory_space<semaphore_mem>>)
      %mul3A_533 = arith.constant 8 : i32
      %mul3A_534 = arith.muli %rem3A_169, %mul3A_533 : i32
      %mul3A_535 = arith.constant 1 : i32
      %mul3A_536 = arith.muli %mul3A_534, %mul3A_535 : i32
      %add3A_537 = arith.constant 7 : i32
      %add3A_538 = arith.addi %mul3A_536, %add3A_537 : i32
      %add3A_539 = arith.constant 0 : i32
      %add3A_540 = arith.addi %add3A_538, %add3A_539 : i32
      "tpu.region"() ({
        %run_scoped3A = tpu.sem_alloc : memref<!tpu.dma_semaphore, #tpu.memory_space<semaphore_mem>>
        %dma_start3A_546 = arith.constant 128 : i32
        %dma_start3A_547 = arith.constant 0 : i32
        %dma_start3A_548 = tpu.memref_slice %arg11[%dma_start3A_546, %dma_start3A_547] : memref<256x128xf32, #tpu.memory_space<vmem>> -> memref<128x128xf32, #tpu.memory_space<vmem>>
        %dma_start3A_549 = arith.constant 0 : i32
        %dma_start3A_550 = tpu.memref_slice %arg10[%add3A_540, %dma_start3A_549] : memref<16x128xi32, #tpu.memory_space<vmem>> -> memref<1x128xi32, #tpu.memory_space<vmem>>
        %dma_start3A_551 = tpu.memref_squeeze %dma_start3A_550 : memref<1x128xi32, #tpu.memory_space<vmem>> -> memref<128xi32, #tpu.memory_space<vmem>>
        %dma_start3A_552 = arith.constant 0 : i32
        %dma_start3A_553 = arith.constant 0 : i32
        %dma_start3A_554 = tpu.memref_slice %arg12[%dma_start3A_552, %dma_start3A_553] : memref<10240x128xf32, #tpu.memory_space<vmem_shared>> -> memref<10240x128xf32, #tpu.memory_space<vmem_shared>>
        tpu.enqueue_indirect_dma source(%dma_start3A_548 : memref<128x128xf32, #tpu.memory_space<vmem>>) target(%dma_start3A_554 : memref<10240x128xf32, #tpu.memory_space<vmem_shared>>) offsets(%dma_start3A_551 : memref<128xi32, #tpu.memory_space<vmem>>) semaphore(%run_scoped3A : memref<!tpu.dma_semaphore, #tpu.memory_space<semaphore_mem>>) {add = true}
        %dma_wait3A_555 = arith.constant 128 : i32
        %dma_wait3A_556 = arith.constant 0 : i32
        %dma_wait3A_557 = tpu.memref_slice %arg11[%dma_wait3A_555, %dma_wait3A_556] : memref<256x128xf32, #tpu.memory_space<vmem>> -> memref<128x128xf32, #tpu.memory_space<vmem>>
        %dma_wait3A_558 = arith.constant 0 : i32
        %dma_wait3A_559 = tpu.memref_slice %arg10[%add3A_540, %dma_wait3A_558] : memref<16x128xi32, #tpu.memory_space<vmem>> -> memref<1x128xi32, #tpu.memory_space<vmem>>
        %dma_wait3A_560 = tpu.memref_squeeze %dma_wait3A_559 : memref<1x128xi32, #tpu.memory_space<vmem>> -> memref<128xi32, #tpu.memory_space<vmem>>
        %dma_wait3A_561 = arith.constant 0 : i32
        %dma_wait3A_562 = arith.constant 0 : i32
        %dma_wait3A_563 = tpu.memref_slice %arg12[%dma_wait3A_561, %dma_wait3A_562] : memref<10240x128xf32, #tpu.memory_space<vmem_shared>> -> memref<10240x128xf32, #tpu.memory_space<vmem_shared>>
        tpu.wait_indirect_dma semaphore(%run_scoped3A : memref<!tpu.dma_semaphore, #tpu.memory_space<semaphore_mem>>) src(%dma_wait3A_557 : memref<128x128xf32, #tpu.memory_space<vmem>>) dst(%dma_wait3A_563 : memref<10240x128xf32, #tpu.memory_space<vmem_shared>>)
        tpu.yield
      }) : () -> ()
      %dma_start3A_541 = arith.constant 0 : i32
      %dma_start3A_542 = tpu.memref_slice %arg10[%add3A_540, %dma_start3A_541] : memref<16x128xi32, #tpu.memory_space<vmem>> -> memref<1x128xi32, #tpu.memory_space<vmem>>
      %dma_start3A_543 = tpu.memref_squeeze %dma_start3A_542 : memref<1x128xi32, #tpu.memory_space<vmem>> -> memref<128xi32, #tpu.memory_space<vmem>>
      %dma_start3A_544 = arith.constant 0 : i32
      %dma_start3A_545 = tpu.memref_slice %arg17[%dma_start3A_544] : memref<10240xf32, #tpu.memory_space<vmem_shared>> -> memref<10240xf32, #tpu.memory_space<vmem_shared>>
      tpu.enqueue_indirect_dma source(%arg16 : memref<128xf32, #tpu.memory_space<vmem>>) target(%dma_start3A_545 : memref<10240xf32, #tpu.memory_space<vmem_shared>>) offsets(%dma_start3A_543 : memref<128xi32, #tpu.memory_space<vmem>>) semaphore(%arg18 : memref<!tpu.dma_semaphore, #tpu.memory_space<semaphore_mem>>) {add = true}
    }
    %scan3A_151 = arith.constant 10 : i32
    %dma_wait3A_152 = arith.constant 0 : i32
    %dma_wait3A_153 = arith.constant 0 : i32
    %dma_wait3A_154 = tpu.memref_slice %arg11[%dma_wait3A_152, %dma_wait3A_153] : memref<256x128xf32, #tpu.memory_space<vmem>> -> memref<128x128xf32, #tpu.memory_space<vmem>>
    %dma_wait3A_155 = arith.constant 0 : i32
    %dma_wait3A_156 = tpu.memref_slice %arg9[%dma_wait3A_155] : memref<2048xi32, #tpu.memory_space<vmem>> -> memref<128xi32, #tpu.memory_space<vmem>>
    %dma_wait3A_157 = arith.constant 0 : i32
    %dma_wait3A_158 = arith.constant 0 : i32
    %dma_wait3A_159 = tpu.memref_slice %arg2[%dma_wait3A_157, %dma_wait3A_158] : memref<10240x128xf32, #tpu.memory_space<hbm>> -> memref<10240x128xf32, #tpu.memory_space<hbm>>
    tpu.wait_indirect_dma semaphore(%arg13 : memref<!tpu.dma_semaphore, #tpu.memory_space<semaphore_mem>>) src(%dma_wait3A_159 : memref<10240x128xf32, #tpu.memory_space<hbm>>) dst(%dma_wait3A_154 : memref<128x128xf32, #tpu.memory_space<vmem>>)
    %scan3A_160 = arith.constant 0 : i32
    %scan3A_161 = arith.constant 0 : i32
    %scan3A_162 = arith.constant 80 : i32
    %scan3A_163 = arith.addi %scan3A_161, %scan3A_162 : i32
    %scan3A_164 = arith.constant 1 : i32
    scf.for %scan3A_167 = %scan3A_161 to %scan3A_163 step %scan3A_164  : i32 {
      %dma_wait3A_168 = arith.constant 0 : i32
      %dma_wait3A_169 = arith.constant 0 : i32
      %dma_wait3A_170 = tpu.memref_slice %arg10[%dma_wait3A_168, %dma_wait3A_169] : memref<16x128xi32, #tpu.memory_space<vmem>> -> memref<1x128xi32, #tpu.memory_space<vmem>>
      %dma_wait3A_171 = tpu.memref_squeeze %dma_wait3A_170 : memref<1x128xi32, #tpu.memory_space<vmem>> -> memref<128xi32, #tpu.memory_space<vmem>>
      %dma_wait3A_172 = arith.constant 0 : i32
      %dma_wait3A_173 = tpu.memref_slice %arg17[%dma_wait3A_172] : memref<10240xf32, #tpu.memory_space<vmem_shared>> -> memref<10240xf32, #tpu.memory_space<vmem_shared>>
      tpu.wait_indirect_dma semaphore(%arg18 : memref<!tpu.dma_semaphore, #tpu.memory_space<semaphore_mem>>) src(%arg16 : memref<128xf32, #tpu.memory_space<vmem>>) dst(%dma_wait3A_173 : memref<10240xf32, #tpu.memory_space<vmem_shared>>)
    }
    %scan3A_165 = arith.constant 80 : i32
    %barrier3A_166 = arith.constant 0 : index
    tpu.barrier barrier_id(%barrier3A_166)
    "tpu.region"() ({
      %run_scoped3A = tpu.sem_alloc : memref<!tpu.dma_semaphore, #tpu.memory_space<semaphore_mem>>
      %dma_start3A_167 = arith.constant 0 : i32
      %dma_start3A_168 = arith.constant 0 : i32
      %dma_start3A_169 = tpu.memref_slice %arg7[%arg0, %dma_start3A_167, %dma_start3A_168] : memref<2x10240x128xf32, #tpu.memory_space<hbm>> -> memref<1x10240x128xf32, #tpu.memory_space<hbm>>
      %dma_start3A_170 = tpu.memref_squeeze %dma_start3A_169 : memref<1x10240x128xf32, #tpu.memory_space<hbm>> -> memref<10240x128xf32, #tpu.memory_space<hbm>>
      %dma_start3A_171 = arith.constant 0 : i32
      %dma_start3A_172 = tpu.memref_slice %dma_start3A_170[%mul3A_2, %dma_start3A_171] : memref<10240x128xf32, #tpu.memory_space<hbm>> -> memref<640x128xf32, #tpu.memory_space<hbm>>
      %dma_start3A_173 = arith.constant 0 : i32
      %dma_start3A_174 = tpu.memref_slice %arg12[%mul3A_2, %dma_start3A_173] : memref<10240x128xf32, #tpu.memory_space<vmem_shared>> -> memref<640x128xf32, #tpu.memory_space<vmem_shared>>
      tpu.enqueue_dma source(%dma_start3A_174 : memref<640x128xf32, #tpu.memory_space<vmem_shared>>) target(%dma_start3A_172 : memref<640x128xf32, #tpu.memory_space<hbm>>) target_semaphore(%run_scoped3A : memref<!tpu.dma_semaphore, #tpu.memory_space<semaphore_mem>>)
      %dma_wait3A_175 = arith.constant 0 : i32
      %dma_wait3A_176 = arith.constant 0 : i32
      %dma_wait3A_177 = tpu.memref_slice %arg7[%arg0, %dma_wait3A_175, %dma_wait3A_176] : memref<2x10240x128xf32, #tpu.memory_space<hbm>> -> memref<1x10240x128xf32, #tpu.memory_space<hbm>>
      %dma_wait3A_178 = tpu.memref_squeeze %dma_wait3A_177 : memref<1x10240x128xf32, #tpu.memory_space<hbm>> -> memref<10240x128xf32, #tpu.memory_space<hbm>>
      %dma_wait3A_179 = arith.constant 0 : i32
      %dma_wait3A_180 = tpu.memref_slice %dma_wait3A_178[%mul3A_2, %dma_wait3A_179] : memref<10240x128xf32, #tpu.memory_space<hbm>> -> memref<640x128xf32, #tpu.memory_space<hbm>>
      %dma_wait3A_181 = arith.constant 0 : i32
      %dma_wait3A_182 = tpu.memref_slice %arg12[%mul3A_2, %dma_wait3A_181] : memref<10240x128xf32, #tpu.memory_space<vmem_shared>> -> memref<640x128xf32, #tpu.memory_space<vmem_shared>>
      tpu.wait_dma2 semaphore(%run_scoped3A : memref<!tpu.dma_semaphore, #tpu.memory_space<semaphore_mem>>) src(%dma_wait3A_182 : memref<640x128xf32, #tpu.memory_space<vmem_shared>>) dst(%dma_wait3A_180 : memref<640x128xf32, #tpu.memory_space<hbm>>)
      tpu.yield
    }) : () -> ()
    "tpu.region"() ({
      %run_scoped3A = tpu.sem_alloc : memref<!tpu.dma_semaphore, #tpu.memory_space<semaphore_mem>>
      %dma_start3A_167 = arith.constant 0 : i32
      %dma_start3A_168 = tpu.memref_slice %arg8[%arg0, %dma_start3A_167] : memref<2x10240xf32, #tpu.memory_space<hbm>> -> memref<1x10240xf32, #tpu.memory_space<hbm>>
      %dma_start3A_169 = tpu.memref_squeeze %dma_start3A_168 : memref<1x10240xf32, #tpu.memory_space<hbm>> -> memref<10240xf32, #tpu.memory_space<hbm>>
      %dma_start3A_170 = tpu.memref_slice %dma_start3A_169[%mul3A_2] : memref<10240xf32, #tpu.memory_space<hbm>> -> memref<640xf32, #tpu.memory_space<hbm>>
      %dma_start3A_171 = tpu.memref_slice %arg17[%mul3A_2] : memref<10240xf32, #tpu.memory_space<vmem_shared>> -> memref<640xf32, #tpu.memory_space<vmem_shared>>
      tpu.enqueue_dma source(%dma_start3A_171 : memref<640xf32, #tpu.memory_space<vmem_shared>>) target(%dma_start3A_170 : memref<640xf32, #tpu.memory_space<hbm>>) target_semaphore(%run_scoped3A : memref<!tpu.dma_semaphore, #tpu.memory_space<semaphore_mem>>)
      %dma_wait3A_172 = arith.constant 0 : i32
      %dma_wait3A_173 = tpu.memref_slice %arg8[%arg0, %dma_wait3A_172] : memref<2x10240xf32, #tpu.memory_space<hbm>> -> memref<1x10240xf32, #tpu.memory_space<hbm>>
      %dma_wait3A_174 = tpu.memref_squeeze %dma_wait3A_173 : memref<1x10240xf32, #tpu.memory_space<hbm>> -> memref<10240xf32, #tpu.memory_space<hbm>>
      %dma_wait3A_175 = tpu.memref_slice %dma_wait3A_174[%mul3A_2] : memref<10240xf32, #tpu.memory_space<hbm>> -> memref<640xf32, #tpu.memory_space<hbm>>
      %dma_wait3A_176 = tpu.memref_slice %arg17[%mul3A_2] : memref<10240xf32, #tpu.memory_space<vmem_shared>> -> memref<640xf32, #tpu.memory_space<vmem_shared>>
      tpu.wait_dma2 semaphore(%run_scoped3A : memref<!tpu.dma_semaphore, #tpu.memory_space<semaphore_mem>>) src(%dma_wait3A_176 : memref<640xf32, #tpu.memory_space<vmem_shared>>) dst(%dma_wait3A_175 : memref<640xf32, #tpu.memory_space<hbm>>)
      tpu.yield
    }) : () -> ()
    return
  }
}

#map = affine_map<(d0, d1) -> (0, 0)>
#map1 = affine_map<(d0, d1) -> (0)>
module attributes {stable_mosaic.version = 14 : i64} {
  func.func @_pair_gather_body(%arg0: i32, %arg1: i32, %arg2: memref<10240x16xf32, #tpu.memory_space<hbm>>, %arg3: memref<106496xi32, #tpu.memory_space<hbm>>, %arg4: memref<106496x16xf32, #tpu.memory_space<hbm>>, %arg5: memref<3328xi32, #tpu.memory_space<vmem>>, %arg6: memref<512x16xf32, #tpu.memory_space<vmem>>, %arg7: memref<!tpu.dma_semaphore, #tpu.memory_space<semaphore_mem>>, %arg8: memref<!tpu.dma_semaphore, #tpu.memory_space<semaphore_mem>>) attributes {dimension_semantics = [#tpu.dimension_semantics<core_parallel>, #tpu.dimension_semantics<subcore_parallel>], iteration_bounds = array<i64: 2, 16>, scalar_prefetch = 0 : i64, scratch_operands = 4 : i64, tpu.core_type = #tpu.core_type<sc_vector_subcore>, window_params = [{transform_indices = #map}, {transform_indices = #map1}, {transform_indices = #map}]} {
    %mul3A = arith.constant 2 : i32
    %mul3A_0 = arith.muli %arg1, %mul3A : i32
    %add3A = arith.addi %mul3A_0, %arg0 : i32
    %mul3A_1 = arith.constant 3328 : i32
    %mul3A_2 = arith.muli %add3A, %mul3A_1 : i32
    "tpu.region"() ({
      %run_scoped3A = tpu.sem_alloc : memref<!tpu.dma_semaphore, #tpu.memory_space<semaphore_mem>>
      %dma_start3A_62 = tpu.memref_slice %arg3[%mul3A_2] : memref<106496xi32, #tpu.memory_space<hbm>> -> memref<3328xi32, #tpu.memory_space<hbm>>
      %dma_start3A_63 = tpu.memref_slice %arg3[%mul3A_2] : memref<106496xi32, #tpu.memory_space<hbm>> -> memref<3328xi32, #tpu.memory_space<hbm>>
      tpu.enqueue_dma source(%dma_start3A_63 : memref<3328xi32, #tpu.memory_space<hbm>>) target(%arg5 : memref<3328xi32, #tpu.memory_space<vmem>>) target_semaphore(%run_scoped3A : memref<!tpu.dma_semaphore, #tpu.memory_space<semaphore_mem>>)
      %dma_wait3A_64 = tpu.memref_slice %arg3[%mul3A_2] : memref<106496xi32, #tpu.memory_space<hbm>> -> memref<3328xi32, #tpu.memory_space<hbm>>
      %dma_wait3A_65 = tpu.memref_slice %arg3[%mul3A_2] : memref<106496xi32, #tpu.memory_space<hbm>> -> memref<3328xi32, #tpu.memory_space<hbm>>
      tpu.wait_dma2 semaphore(%run_scoped3A : memref<!tpu.dma_semaphore, #tpu.memory_space<semaphore_mem>>) src(%dma_wait3A_65 : memref<3328xi32, #tpu.memory_space<hbm>>) dst(%arg5 : memref<3328xi32, #tpu.memory_space<vmem>>)
      tpu.yield
    }) : () -> ()
    %mul3A_3 = arith.constant 3328 : i32
    %mul3A_4 = arith.muli %add3A, %mul3A_3 : i32
    %dma_start3A = arith.constant 0 : i32
    %dma_start3A_5 = arith.constant 0 : i32
    %dma_start3A_6 = tpu.memref_slice %arg6[%dma_start3A, %dma_start3A_5] : memref<512x16xf32, #tpu.memory_space<vmem>> -> memref<256x16xf32, #tpu.memory_space<vmem>>
    %dma_start3A_7 = arith.constant 0 : i32
    %dma_start3A_8 = tpu.memref_slice %arg5[%dma_start3A_7] : memref<3328xi32, #tpu.memory_space<vmem>> -> memref<256xi32, #tpu.memory_space<vmem>>
    %dma_start3A_9 = arith.constant 0 : i32
    %dma_start3A_10 = arith.constant 0 : i32
    %dma_start3A_11 = tpu.memref_slice %arg2[%dma_start3A_9, %dma_start3A_10] : memref<10240x16xf32, #tpu.memory_space<hbm>> -> memref<10240x16xf32, #tpu.memory_space<hbm>>
    tpu.enqueue_indirect_dma source(%dma_start3A_11 : memref<10240x16xf32, #tpu.memory_space<hbm>>) target(%dma_start3A_6 : memref<256x16xf32, #tpu.memory_space<vmem>>) offsets(%dma_start3A_8 : memref<256xi32, #tpu.memory_space<vmem>>) semaphore(%arg7 : memref<!tpu.dma_semaphore, #tpu.memory_space<semaphore_mem>>)
    %dma_start3A_12 = arith.constant 256 : i32
    %dma_start3A_13 = arith.constant 0 : i32
    %dma_start3A_14 = tpu.memref_slice %arg6[%dma_start3A_12, %dma_start3A_13] : memref<512x16xf32, #tpu.memory_space<vmem>> -> memref<256x16xf32, #tpu.memory_space<vmem>>
    %dma_start3A_15 = arith.constant 256 : i32
    %dma_start3A_16 = tpu.memref_slice %arg5[%dma_start3A_15] : memref<3328xi32, #tpu.memory_space<vmem>> -> memref<256xi32, #tpu.memory_space<vmem>>
    %dma_start3A_17 = arith.constant 0 : i32
    %dma_start3A_18 = arith.constant 0 : i32
    %dma_start3A_19 = tpu.memref_slice %arg2[%dma_start3A_17, %dma_start3A_18] : memref<10240x16xf32, #tpu.memory_space<hbm>> -> memref<10240x16xf32, #tpu.memory_space<hbm>>
    tpu.enqueue_indirect_dma source(%dma_start3A_19 : memref<10240x16xf32, #tpu.memory_space<hbm>>) target(%dma_start3A_14 : memref<256x16xf32, #tpu.memory_space<vmem>>) offsets(%dma_start3A_16 : memref<256xi32, #tpu.memory_space<vmem>>) semaphore(%arg8 : memref<!tpu.dma_semaphore, #tpu.memory_space<semaphore_mem>>)
    %scan3A = arith.constant 0 : i32
    %scan3A_20 = arith.constant 0 : i32
    %scan3A_21 = arith.constant 5 : i32
    %scan3A_22 = arith.addi %scan3A_20, %scan3A_21 : i32
    %scan3A_23 = arith.constant 1 : i32
    scf.for %scan3A_62 = %scan3A_20 to %scan3A_22 step %scan3A_23  : i32 {
      %mul3A_63 = arith.constant 2 : i32
      %mul3A_64 = arith.muli %scan3A_62, %mul3A_63 : i32
      %mul3A_65 = arith.constant 256 : i32
      %mul3A_66 = arith.muli %mul3A_64, %mul3A_65 : i32
      %dma_wait3A_67 = arith.constant 0 : i32
      %dma_wait3A_68 = arith.constant 0 : i32
      %dma_wait3A_69 = tpu.memref_slice %arg6[%dma_wait3A_67, %dma_wait3A_68] : memref<512x16xf32, #tpu.memory_space<vmem>> -> memref<256x16xf32, #tpu.memory_space<vmem>>
      %dma_wait3A_70 = tpu.memref_slice %arg5[%mul3A_66] : memref<3328xi32, #tpu.memory_space<vmem>> -> memref<256xi32, #tpu.memory_space<vmem>>
      %dma_wait3A_71 = arith.constant 0 : i32
      %dma_wait3A_72 = arith.constant 0 : i32
      %dma_wait3A_73 = tpu.memref_slice %arg2[%dma_wait3A_71, %dma_wait3A_72] : memref<10240x16xf32, #tpu.memory_space<hbm>> -> memref<10240x16xf32, #tpu.memory_space<hbm>>
      tpu.wait_indirect_dma semaphore(%arg7 : memref<!tpu.dma_semaphore, #tpu.memory_space<semaphore_mem>>) src(%dma_wait3A_73 : memref<10240x16xf32, #tpu.memory_space<hbm>>) dst(%dma_wait3A_69 : memref<256x16xf32, #tpu.memory_space<vmem>>)
      %mul3A_74 = arith.constant 256 : i32
      %mul3A_75 = arith.muli %mul3A_64, %mul3A_74 : i32
      %add3A_76 = arith.addi %mul3A_4, %mul3A_75 : i32
      "tpu.region"() ({
        %run_scoped3A = tpu.sem_alloc : memref<!tpu.dma_semaphore, #tpu.memory_space<semaphore_mem>>
        %dma_start3A_113 = arith.constant 0 : i32
        %dma_start3A_114 = arith.constant 0 : i32
        %dma_start3A_115 = tpu.memref_slice %arg6[%dma_start3A_113, %dma_start3A_114] : memref<512x16xf32, #tpu.memory_space<vmem>> -> memref<256x16xf32, #tpu.memory_space<vmem>>
        %dma_start3A_116 = arith.constant 0 : i32
        %dma_start3A_117 = tpu.memref_slice %arg4[%add3A_76, %dma_start3A_116] : memref<106496x16xf32, #tpu.memory_space<hbm>> -> memref<256x16xf32, #tpu.memory_space<hbm>>
        %dma_start3A_118 = arith.constant 0 : i32
        %dma_start3A_119 = tpu.memref_slice %arg4[%add3A_76, %dma_start3A_118] : memref<106496x16xf32, #tpu.memory_space<hbm>> -> memref<256x16xf32, #tpu.memory_space<hbm>>
        %dma_start3A_120 = arith.constant 0 : i32
        %dma_start3A_121 = arith.constant 0 : i32
        %dma_start3A_122 = tpu.memref_slice %arg6[%dma_start3A_120, %dma_start3A_121] : memref<512x16xf32, #tpu.memory_space<vmem>> -> memref<256x16xf32, #tpu.memory_space<vmem>>
        tpu.enqueue_dma source(%dma_start3A_122 : memref<256x16xf32, #tpu.memory_space<vmem>>) target(%dma_start3A_119 : memref<256x16xf32, #tpu.memory_space<hbm>>) target_semaphore(%run_scoped3A : memref<!tpu.dma_semaphore, #tpu.memory_space<semaphore_mem>>)
        %dma_wait3A_123 = arith.constant 0 : i32
        %dma_wait3A_124 = arith.constant 0 : i32
        %dma_wait3A_125 = tpu.memref_slice %arg6[%dma_wait3A_123, %dma_wait3A_124] : memref<512x16xf32, #tpu.memory_space<vmem>> -> memref<256x16xf32, #tpu.memory_space<vmem>>
        %dma_wait3A_126 = arith.constant 0 : i32
        %dma_wait3A_127 = tpu.memref_slice %arg4[%add3A_76, %dma_wait3A_126] : memref<106496x16xf32, #tpu.memory_space<hbm>> -> memref<256x16xf32, #tpu.memory_space<hbm>>
        %dma_wait3A_128 = arith.constant 0 : i32
        %dma_wait3A_129 = tpu.memref_slice %arg4[%add3A_76, %dma_wait3A_128] : memref<106496x16xf32, #tpu.memory_space<hbm>> -> memref<256x16xf32, #tpu.memory_space<hbm>>
        %dma_wait3A_130 = arith.constant 0 : i32
        %dma_wait3A_131 = arith.constant 0 : i32
        %dma_wait3A_132 = tpu.memref_slice %arg6[%dma_wait3A_130, %dma_wait3A_131] : memref<512x16xf32, #tpu.memory_space<vmem>> -> memref<256x16xf32, #tpu.memory_space<vmem>>
        tpu.wait_dma2 semaphore(%run_scoped3A : memref<!tpu.dma_semaphore, #tpu.memory_space<semaphore_mem>>) src(%dma_wait3A_132 : memref<256x16xf32, #tpu.memory_space<vmem>>) dst(%dma_wait3A_129 : memref<256x16xf32, #tpu.memory_space<hbm>>)
        tpu.yield
      }) : () -> ()
      %add3A_77 = arith.constant 2 : i32
      %add3A_78 = arith.addi %mul3A_64, %add3A_77 : i32
      %mul3A_79 = arith.constant 256 : i32
      %mul3A_80 = arith.muli %add3A_78, %mul3A_79 : i32
      %dma_start3A_81 = arith.constant 0 : i32
      %dma_start3A_82 = arith.constant 0 : i32
      %dma_start3A_83 = tpu.memref_slice %arg6[%dma_start3A_81, %dma_start3A_82] : memref<512x16xf32, #tpu.memory_space<vmem>> -> memref<256x16xf32, #tpu.memory_space<vmem>>
      %dma_start3A_84 = tpu.memref_slice %arg5[%mul3A_80] : memref<3328xi32, #tpu.memory_space<vmem>> -> memref<256xi32, #tpu.memory_space<vmem>>
      %dma_start3A_85 = arith.constant 0 : i32
      %dma_start3A_86 = arith.constant 0 : i32
      %dma_start3A_87 = tpu.memref_slice %arg2[%dma_start3A_85, %dma_start3A_86] : memref<10240x16xf32, #tpu.memory_space<hbm>> -> memref<10240x16xf32, #tpu.memory_space<hbm>>
      tpu.enqueue_indirect_dma source(%dma_start3A_87 : memref<10240x16xf32, #tpu.memory_space<hbm>>) target(%dma_start3A_83 : memref<256x16xf32, #tpu.memory_space<vmem>>) offsets(%dma_start3A_84 : memref<256xi32, #tpu.memory_space<vmem>>) semaphore(%arg7 : memref<!tpu.dma_semaphore, #tpu.memory_space<semaphore_mem>>)
      %add3A_88 = arith.constant 1 : i32
      %add3A_89 = arith.addi %mul3A_64, %add3A_88 : i32
      %mul3A_90 = arith.constant 256 : i32
      %mul3A_91 = arith.muli %add3A_89, %mul3A_90 : i32
      %dma_wait3A_92 = arith.constant 256 : i32
      %dma_wait3A_93 = arith.constant 0 : i32
      %dma_wait3A_94 = tpu.memref_slice %arg6[%dma_wait3A_92, %dma_wait3A_93] : memref<512x16xf32, #tpu.memory_space<vmem>> -> memref<256x16xf32, #tpu.memory_space<vmem>>
      %dma_wait3A_95 = tpu.memref_slice %arg5[%mul3A_91] : memref<3328xi32, #tpu.memory_space<vmem>> -> memref<256xi32, #tpu.memory_space<vmem>>
      %dma_wait3A_96 = arith.constant 0 : i32
      %dma_wait3A_97 = arith.constant 0 : i32
      %dma_wait3A_98 = tpu.memref_slice %arg2[%dma_wait3A_96, %dma_wait3A_97] : memref<10240x16xf32, #tpu.memory_space<hbm>> -> memref<10240x16xf32, #tpu.memory_space<hbm>>
      tpu.wait_indirect_dma semaphore(%arg8 : memref<!tpu.dma_semaphore, #tpu.memory_space<semaphore_mem>>) src(%dma_wait3A_98 : memref<10240x16xf32, #tpu.memory_space<hbm>>) dst(%dma_wait3A_94 : memref<256x16xf32, #tpu.memory_space<vmem>>)
      %mul3A_99 = arith.constant 256 : i32
      %mul3A_100 = arith.muli %add3A_89, %mul3A_99 : i32
      %add3A_101 = arith.addi %mul3A_4, %mul3A_100 : i32
      "tpu.region"() ({
        %run_scoped3A = tpu.sem_alloc : memref<!tpu.dma_semaphore, #tpu.memory_space<semaphore_mem>>
        %dma_start3A_113 = arith.constant 256 : i32
        %dma_start3A_114 = arith.constant 0 : i32
        %dma_start3A_115 = tpu.memref_slice %arg6[%dma_start3A_113, %dma_start3A_114] : memref<512x16xf32, #tpu.memory_space<vmem>> -> memref<256x16xf32, #tpu.memory_space<vmem>>
        %dma_start3A_116 = arith.constant 0 : i32
        %dma_start3A_117 = tpu.memref_slice %arg4[%add3A_101, %dma_start3A_116] : memref<106496x16xf32, #tpu.memory_space<hbm>> -> memref<256x16xf32, #tpu.memory_space<hbm>>
        %dma_start3A_118 = arith.constant 0 : i32
        %dma_start3A_119 = tpu.memref_slice %arg4[%add3A_101, %dma_start3A_118] : memref<106496x16xf32, #tpu.memory_space<hbm>> -> memref<256x16xf32, #tpu.memory_space<hbm>>
        %dma_start3A_120 = arith.constant 256 : i32
        %dma_start3A_121 = arith.constant 0 : i32
        %dma_start3A_122 = tpu.memref_slice %arg6[%dma_start3A_120, %dma_start3A_121] : memref<512x16xf32, #tpu.memory_space<vmem>> -> memref<256x16xf32, #tpu.memory_space<vmem>>
        tpu.enqueue_dma source(%dma_start3A_122 : memref<256x16xf32, #tpu.memory_space<vmem>>) target(%dma_start3A_119 : memref<256x16xf32, #tpu.memory_space<hbm>>) target_semaphore(%run_scoped3A : memref<!tpu.dma_semaphore, #tpu.memory_space<semaphore_mem>>)
        %dma_wait3A_123 = arith.constant 256 : i32
        %dma_wait3A_124 = arith.constant 0 : i32
        %dma_wait3A_125 = tpu.memref_slice %arg6[%dma_wait3A_123, %dma_wait3A_124] : memref<512x16xf32, #tpu.memory_space<vmem>> -> memref<256x16xf32, #tpu.memory_space<vmem>>
        %dma_wait3A_126 = arith.constant 0 : i32
        %dma_wait3A_127 = tpu.memref_slice %arg4[%add3A_101, %dma_wait3A_126] : memref<106496x16xf32, #tpu.memory_space<hbm>> -> memref<256x16xf32, #tpu.memory_space<hbm>>
        %dma_wait3A_128 = arith.constant 0 : i32
        %dma_wait3A_129 = tpu.memref_slice %arg4[%add3A_101, %dma_wait3A_128] : memref<106496x16xf32, #tpu.memory_space<hbm>> -> memref<256x16xf32, #tpu.memory_space<hbm>>
        %dma_wait3A_130 = arith.constant 256 : i32
        %dma_wait3A_131 = arith.constant 0 : i32
        %dma_wait3A_132 = tpu.memref_slice %arg6[%dma_wait3A_130, %dma_wait3A_131] : memref<512x16xf32, #tpu.memory_space<vmem>> -> memref<256x16xf32, #tpu.memory_space<vmem>>
        tpu.wait_dma2 semaphore(%run_scoped3A : memref<!tpu.dma_semaphore, #tpu.memory_space<semaphore_mem>>) src(%dma_wait3A_132 : memref<256x16xf32, #tpu.memory_space<vmem>>) dst(%dma_wait3A_129 : memref<256x16xf32, #tpu.memory_space<hbm>>)
        tpu.yield
      }) : () -> ()
      %add3A_102 = arith.constant 3 : i32
      %add3A_103 = arith.addi %mul3A_64, %add3A_102 : i32
      %mul3A_104 = arith.constant 256 : i32
      %mul3A_105 = arith.muli %add3A_103, %mul3A_104 : i32
      %dma_start3A_106 = arith.constant 256 : i32
      %dma_start3A_107 = arith.constant 0 : i32
      %dma_start3A_108 = tpu.memref_slice %arg6[%dma_start3A_106, %dma_start3A_107] : memref<512x16xf32, #tpu.memory_space<vmem>> -> memref<256x16xf32, #tpu.memory_space<vmem>>
      %dma_start3A_109 = tpu.memref_slice %arg5[%mul3A_105] : memref<3328xi32, #tpu.memory_space<vmem>> -> memref<256xi32, #tpu.memory_space<vmem>>
      %dma_start3A_110 = arith.constant 0 : i32
      %dma_start3A_111 = arith.constant 0 : i32
      %dma_start3A_112 = tpu.memref_slice %arg2[%dma_start3A_110, %dma_start3A_111] : memref<10240x16xf32, #tpu.memory_space<hbm>> -> memref<10240x16xf32, #tpu.memory_space<hbm>>
      tpu.enqueue_indirect_dma source(%dma_start3A_112 : memref<10240x16xf32, #tpu.memory_space<hbm>>) target(%dma_start3A_108 : memref<256x16xf32, #tpu.memory_space<vmem>>) offsets(%dma_start3A_109 : memref<256xi32, #tpu.memory_space<vmem>>) semaphore(%arg8 : memref<!tpu.dma_semaphore, #tpu.memory_space<semaphore_mem>>)
    }
    %scan3A_24 = arith.constant 5 : i32
    %dma_wait3A = arith.constant 0 : i32
    %dma_wait3A_25 = arith.constant 0 : i32
    %dma_wait3A_26 = tpu.memref_slice %arg6[%dma_wait3A, %dma_wait3A_25] : memref<512x16xf32, #tpu.memory_space<vmem>> -> memref<256x16xf32, #tpu.memory_space<vmem>>
    %dma_wait3A_27 = arith.constant 2560 : i32
    %dma_wait3A_28 = tpu.memref_slice %arg5[%dma_wait3A_27] : memref<3328xi32, #tpu.memory_space<vmem>> -> memref<256xi32, #tpu.memory_space<vmem>>
    %dma_wait3A_29 = arith.constant 0 : i32
    %dma_wait3A_30 = arith.constant 0 : i32
    %dma_wait3A_31 = tpu.memref_slice %arg2[%dma_wait3A_29, %dma_wait3A_30] : memref<10240x16xf32, #tpu.memory_space<hbm>> -> memref<10240x16xf32, #tpu.memory_space<hbm>>
    tpu.wait_indirect_dma semaphore(%arg7 : memref<!tpu.dma_semaphore, #tpu.memory_space<semaphore_mem>>) src(%dma_wait3A_31 : memref<10240x16xf32, #tpu.memory_space<hbm>>) dst(%dma_wait3A_26 : memref<256x16xf32, #tpu.memory_space<vmem>>)
    %add3A_32 = arith.constant 2560 : i32
    %add3A_33 = arith.addi %mul3A_4, %add3A_32 : i32
    "tpu.region"() ({
      %run_scoped3A = tpu.sem_alloc : memref<!tpu.dma_semaphore, #tpu.memory_space<semaphore_mem>>
      %dma_start3A_62 = arith.constant 0 : i32
      %dma_start3A_63 = arith.constant 0 : i32
      %dma_start3A_64 = tpu.memref_slice %arg6[%dma_start3A_62, %dma_start3A_63] : memref<512x16xf32, #tpu.memory_space<vmem>> -> memref<256x16xf32, #tpu.memory_space<vmem>>
      %dma_start3A_65 = arith.constant 0 : i32
      %dma_start3A_66 = tpu.memref_slice %arg4[%add3A_33, %dma_start3A_65] : memref<106496x16xf32, #tpu.memory_space<hbm>> -> memref<256x16xf32, #tpu.memory_space<hbm>>
      %dma_start3A_67 = arith.constant 0 : i32
      %dma_start3A_68 = tpu.memref_slice %arg4[%add3A_33, %dma_start3A_67] : memref<106496x16xf32, #tpu.memory_space<hbm>> -> memref<256x16xf32, #tpu.memory_space<hbm>>
      %dma_start3A_69 = arith.constant 0 : i32
      %dma_start3A_70 = arith.constant 0 : i32
      %dma_start3A_71 = tpu.memref_slice %arg6[%dma_start3A_69, %dma_start3A_70] : memref<512x16xf32, #tpu.memory_space<vmem>> -> memref<256x16xf32, #tpu.memory_space<vmem>>
      tpu.enqueue_dma source(%dma_start3A_71 : memref<256x16xf32, #tpu.memory_space<vmem>>) target(%dma_start3A_68 : memref<256x16xf32, #tpu.memory_space<hbm>>) target_semaphore(%run_scoped3A : memref<!tpu.dma_semaphore, #tpu.memory_space<semaphore_mem>>)
      %dma_wait3A_72 = arith.constant 0 : i32
      %dma_wait3A_73 = arith.constant 0 : i32
      %dma_wait3A_74 = tpu.memref_slice %arg6[%dma_wait3A_72, %dma_wait3A_73] : memref<512x16xf32, #tpu.memory_space<vmem>> -> memref<256x16xf32, #tpu.memory_space<vmem>>
      %dma_wait3A_75 = arith.constant 0 : i32
      %dma_wait3A_76 = tpu.memref_slice %arg4[%add3A_33, %dma_wait3A_75] : memref<106496x16xf32, #tpu.memory_space<hbm>> -> memref<256x16xf32, #tpu.memory_space<hbm>>
      %dma_wait3A_77 = arith.constant 0 : i32
      %dma_wait3A_78 = tpu.memref_slice %arg4[%add3A_33, %dma_wait3A_77] : memref<106496x16xf32, #tpu.memory_space<hbm>> -> memref<256x16xf32, #tpu.memory_space<hbm>>
      %dma_wait3A_79 = arith.constant 0 : i32
      %dma_wait3A_80 = arith.constant 0 : i32
      %dma_wait3A_81 = tpu.memref_slice %arg6[%dma_wait3A_79, %dma_wait3A_80] : memref<512x16xf32, #tpu.memory_space<vmem>> -> memref<256x16xf32, #tpu.memory_space<vmem>>
      tpu.wait_dma2 semaphore(%run_scoped3A : memref<!tpu.dma_semaphore, #tpu.memory_space<semaphore_mem>>) src(%dma_wait3A_81 : memref<256x16xf32, #tpu.memory_space<vmem>>) dst(%dma_wait3A_78 : memref<256x16xf32, #tpu.memory_space<hbm>>)
      tpu.yield
    }) : () -> ()
    %dma_start3A_34 = arith.constant 0 : i32
    %dma_start3A_35 = arith.constant 0 : i32
    %dma_start3A_36 = tpu.memref_slice %arg6[%dma_start3A_34, %dma_start3A_35] : memref<512x16xf32, #tpu.memory_space<vmem>> -> memref<256x16xf32, #tpu.memory_space<vmem>>
    %dma_start3A_37 = arith.constant 3072 : i32
    %dma_start3A_38 = tpu.memref_slice %arg5[%dma_start3A_37] : memref<3328xi32, #tpu.memory_space<vmem>> -> memref<256xi32, #tpu.memory_space<vmem>>
    %dma_start3A_39 = arith.constant 0 : i32
    %dma_start3A_40 = arith.constant 0 : i32
    %dma_start3A_41 = tpu.memref_slice %arg2[%dma_start3A_39, %dma_start3A_40] : memref<10240x16xf32, #tpu.memory_space<hbm>> -> memref<10240x16xf32, #tpu.memory_space<hbm>>
    tpu.enqueue_indirect_dma source(%dma_start3A_41 : memref<10240x16xf32, #tpu.memory_space<hbm>>) target(%dma_start3A_36 : memref<256x16xf32, #tpu.memory_space<vmem>>) offsets(%dma_start3A_38 : memref<256xi32, #tpu.memory_space<vmem>>) semaphore(%arg7 : memref<!tpu.dma_semaphore, #tpu.memory_space<semaphore_mem>>)
    %dma_wait3A_42 = arith.constant 256 : i32
    %dma_wait3A_43 = arith.constant 0 : i32
    %dma_wait3A_44 = tpu.memref_slice %arg6[%dma_wait3A_42, %dma_wait3A_43] : memref<512x16xf32, #tpu.memory_space<vmem>> -> memref<256x16xf32, #tpu.memory_space<vmem>>
    %dma_wait3A_45 = arith.constant 2816 : i32
    %dma_wait3A_46 = tpu.memref_slice %arg5[%dma_wait3A_45] : memref<3328xi32, #tpu.memory_space<vmem>> -> memref<256xi32, #tpu.memory_space<vmem>>
    %dma_wait3A_47 = arith.constant 0 : i32
    %dma_wait3A_48 = arith.constant 0 : i32
    %dma_wait3A_49 = tpu.memref_slice %arg2[%dma_wait3A_47, %dma_wait3A_48] : memref<10240x16xf32, #tpu.memory_space<hbm>> -> memref<10240x16xf32, #tpu.memory_space<hbm>>
    tpu.wait_indirect_dma semaphore(%arg8 : memref<!tpu.dma_semaphore, #tpu.memory_space<semaphore_mem>>) src(%dma_wait3A_49 : memref<10240x16xf32, #tpu.memory_space<hbm>>) dst(%dma_wait3A_44 : memref<256x16xf32, #tpu.memory_space<vmem>>)
    %add3A_50 = arith.constant 2816 : i32
    %add3A_51 = arith.addi %mul3A_4, %add3A_50 : i32
    "tpu.region"() ({
      %run_scoped3A = tpu.sem_alloc : memref<!tpu.dma_semaphore, #tpu.memory_space<semaphore_mem>>
      %dma_start3A_62 = arith.constant 256 : i32
      %dma_start3A_63 = arith.constant 0 : i32
      %dma_start3A_64 = tpu.memref_slice %arg6[%dma_start3A_62, %dma_start3A_63] : memref<512x16xf32, #tpu.memory_space<vmem>> -> memref<256x16xf32, #tpu.memory_space<vmem>>
      %dma_start3A_65 = arith.constant 0 : i32
      %dma_start3A_66 = tpu.memref_slice %arg4[%add3A_51, %dma_start3A_65] : memref<106496x16xf32, #tpu.memory_space<hbm>> -> memref<256x16xf32, #tpu.memory_space<hbm>>
      %dma_start3A_67 = arith.constant 0 : i32
      %dma_start3A_68 = tpu.memref_slice %arg4[%add3A_51, %dma_start3A_67] : memref<106496x16xf32, #tpu.memory_space<hbm>> -> memref<256x16xf32, #tpu.memory_space<hbm>>
      %dma_start3A_69 = arith.constant 256 : i32
      %dma_start3A_70 = arith.constant 0 : i32
      %dma_start3A_71 = tpu.memref_slice %arg6[%dma_start3A_69, %dma_start3A_70] : memref<512x16xf32, #tpu.memory_space<vmem>> -> memref<256x16xf32, #tpu.memory_space<vmem>>
      tpu.enqueue_dma source(%dma_start3A_71 : memref<256x16xf32, #tpu.memory_space<vmem>>) target(%dma_start3A_68 : memref<256x16xf32, #tpu.memory_space<hbm>>) target_semaphore(%run_scoped3A : memref<!tpu.dma_semaphore, #tpu.memory_space<semaphore_mem>>)
      %dma_wait3A_72 = arith.constant 256 : i32
      %dma_wait3A_73 = arith.constant 0 : i32
      %dma_wait3A_74 = tpu.memref_slice %arg6[%dma_wait3A_72, %dma_wait3A_73] : memref<512x16xf32, #tpu.memory_space<vmem>> -> memref<256x16xf32, #tpu.memory_space<vmem>>
      %dma_wait3A_75 = arith.constant 0 : i32
      %dma_wait3A_76 = tpu.memref_slice %arg4[%add3A_51, %dma_wait3A_75] : memref<106496x16xf32, #tpu.memory_space<hbm>> -> memref<256x16xf32, #tpu.memory_space<hbm>>
      %dma_wait3A_77 = arith.constant 0 : i32
      %dma_wait3A_78 = tpu.memref_slice %arg4[%add3A_51, %dma_wait3A_77] : memref<106496x16xf32, #tpu.memory_space<hbm>> -> memref<256x16xf32, #tpu.memory_space<hbm>>
      %dma_wait3A_79 = arith.constant 256 : i32
      %dma_wait3A_80 = arith.constant 0 : i32
      %dma_wait3A_81 = tpu.memref_slice %arg6[%dma_wait3A_79, %dma_wait3A_80] : memref<512x16xf32, #tpu.memory_space<vmem>> -> memref<256x16xf32, #tpu.memory_space<vmem>>
      tpu.wait_dma2 semaphore(%run_scoped3A : memref<!tpu.dma_semaphore, #tpu.memory_space<semaphore_mem>>) src(%dma_wait3A_81 : memref<256x16xf32, #tpu.memory_space<vmem>>) dst(%dma_wait3A_78 : memref<256x16xf32, #tpu.memory_space<hbm>>)
      tpu.yield
    }) : () -> ()
    %dma_wait3A_52 = arith.constant 0 : i32
    %dma_wait3A_53 = arith.constant 0 : i32
    %dma_wait3A_54 = tpu.memref_slice %arg6[%dma_wait3A_52, %dma_wait3A_53] : memref<512x16xf32, #tpu.memory_space<vmem>> -> memref<256x16xf32, #tpu.memory_space<vmem>>
    %dma_wait3A_55 = arith.constant 3072 : i32
    %dma_wait3A_56 = tpu.memref_slice %arg5[%dma_wait3A_55] : memref<3328xi32, #tpu.memory_space<vmem>> -> memref<256xi32, #tpu.memory_space<vmem>>
    %dma_wait3A_57 = arith.constant 0 : i32
    %dma_wait3A_58 = arith.constant 0 : i32
    %dma_wait3A_59 = tpu.memref_slice %arg2[%dma_wait3A_57, %dma_wait3A_58] : memref<10240x16xf32, #tpu.memory_space<hbm>> -> memref<10240x16xf32, #tpu.memory_space<hbm>>
    tpu.wait_indirect_dma semaphore(%arg7 : memref<!tpu.dma_semaphore, #tpu.memory_space<semaphore_mem>>) src(%dma_wait3A_59 : memref<10240x16xf32, #tpu.memory_space<hbm>>) dst(%dma_wait3A_54 : memref<256x16xf32, #tpu.memory_space<vmem>>)
    %add3A_60 = arith.constant 3072 : i32
    %add3A_61 = arith.addi %mul3A_4, %add3A_60 : i32
    "tpu.region"() ({
      %run_scoped3A = tpu.sem_alloc : memref<!tpu.dma_semaphore, #tpu.memory_space<semaphore_mem>>
      %dma_start3A_62 = arith.constant 0 : i32
      %dma_start3A_63 = arith.constant 0 : i32
      %dma_start3A_64 = tpu.memref_slice %arg6[%dma_start3A_62, %dma_start3A_63] : memref<512x16xf32, #tpu.memory_space<vmem>> -> memref<256x16xf32, #tpu.memory_space<vmem>>
      %dma_start3A_65 = arith.constant 0 : i32
      %dma_start3A_66 = tpu.memref_slice %arg4[%add3A_61, %dma_start3A_65] : memref<106496x16xf32, #tpu.memory_space<hbm>> -> memref<256x16xf32, #tpu.memory_space<hbm>>
      %dma_start3A_67 = arith.constant 0 : i32
      %dma_start3A_68 = tpu.memref_slice %arg4[%add3A_61, %dma_start3A_67] : memref<106496x16xf32, #tpu.memory_space<hbm>> -> memref<256x16xf32, #tpu.memory_space<hbm>>
      %dma_start3A_69 = arith.constant 0 : i32
      %dma_start3A_70 = arith.constant 0 : i32
      %dma_start3A_71 = tpu.memref_slice %arg6[%dma_start3A_69, %dma_start3A_70] : memref<512x16xf32, #tpu.memory_space<vmem>> -> memref<256x16xf32, #tpu.memory_space<vmem>>
      tpu.enqueue_dma source(%dma_start3A_71 : memref<256x16xf32, #tpu.memory_space<vmem>>) target(%dma_start3A_68 : memref<256x16xf32, #tpu.memory_space<hbm>>) target_semaphore(%run_scoped3A : memref<!tpu.dma_semaphore, #tpu.memory_space<semaphore_mem>>)
      %dma_wait3A_72 = arith.constant 0 : i32
      %dma_wait3A_73 = arith.constant 0 : i32
      %dma_wait3A_74 = tpu.memref_slice %arg6[%dma_wait3A_72, %dma_wait3A_73] : memref<512x16xf32, #tpu.memory_space<vmem>> -> memref<256x16xf32, #tpu.memory_space<vmem>>
      %dma_wait3A_75 = arith.constant 0 : i32
      %dma_wait3A_76 = tpu.memref_slice %arg4[%add3A_61, %dma_wait3A_75] : memref<106496x16xf32, #tpu.memory_space<hbm>> -> memref<256x16xf32, #tpu.memory_space<hbm>>
      %dma_wait3A_77 = arith.constant 0 : i32
      %dma_wait3A_78 = tpu.memref_slice %arg4[%add3A_61, %dma_wait3A_77] : memref<106496x16xf32, #tpu.memory_space<hbm>> -> memref<256x16xf32, #tpu.memory_space<hbm>>
      %dma_wait3A_79 = arith.constant 0 : i32
      %dma_wait3A_80 = arith.constant 0 : i32
      %dma_wait3A_81 = tpu.memref_slice %arg6[%dma_wait3A_79, %dma_wait3A_80] : memref<512x16xf32, #tpu.memory_space<vmem>> -> memref<256x16xf32, #tpu.memory_space<vmem>>
      tpu.wait_dma2 semaphore(%run_scoped3A : memref<!tpu.dma_semaphore, #tpu.memory_space<semaphore_mem>>) src(%dma_wait3A_81 : memref<256x16xf32, #tpu.memory_space<vmem>>) dst(%dma_wait3A_78 : memref<256x16xf32, #tpu.memory_space<hbm>>)
      tpu.yield
    }) : () -> ()
    return
  }
}

#map = affine_map<(d0, d1) -> (0, 0)>
#map1 = affine_map<(d0, d1) -> (0)>
#map2 = affine_map<(d0, d1) -> (0, 0, 0)>
module attributes {stable_mosaic.version = 14 : i64} {
  func.func @body(%arg0: i32, %arg1: i32, %arg2: memref<10240x64xf32, #tpu.memory_space<hbm>>, %arg3: memref<327680xi32, #tpu.memory_space<hbm>>, %arg4: memref<2560x128xi32, #tpu.memory_space<hbm>>, %arg5: memref<640x64xf32, #tpu.memory_space<hbm>>, %arg6: memref<2x10240x64xf32, #tpu.memory_space<hbm>>, %arg7: memref<4096xi32, #tpu.memory_space<vmem>>, %arg8: memref<32x128xi32, #tpu.memory_space<vmem>>, %arg9: memref<1024x64xf32, #tpu.memory_space<vmem>>, %arg10: memref<10240x64xf32, #tpu.memory_space<vmem_shared>>, %arg11: memref<!tpu.dma_semaphore, #tpu.memory_space<semaphore_mem>>, %arg12: memref<!tpu.dma_semaphore, #tpu.memory_space<semaphore_mem>>, %arg13: memref<!tpu.dma_semaphore, #tpu.memory_space<semaphore_mem>>) attributes {dimension_semantics = [#tpu.dimension_semantics<core_parallel>, #tpu.dimension_semantics<subcore_parallel>], iteration_bounds = array<i64: 2, 16>, scalar_prefetch = 0 : i64, scratch_operands = 7 : i64, tpu.core_type = #tpu.core_type<sc_vector_subcore>, window_params = [{transform_indices = #map}, {transform_indices = #map1}, {transform_indices = #map}, {transform_indices = #map}, {transform_indices = #map2}]} {
    %mul3A = arith.constant 2 : i32
    %mul3A_0 = arith.muli %arg1, %mul3A : i32
    %add3A = arith.addi %mul3A_0, %arg0 : i32
    %mul3A_1 = arith.constant 640 : i32
    %mul3A_2 = arith.muli %arg1, %mul3A_1 : i32
    %add3A_3 = arith.constant 0 : i32
    %add3A_4 = arith.addi %mul3A_2, %add3A_3 : i32
    "tpu.region"() ({
      %run_scoped3A = tpu.sem_alloc : memref<!tpu.dma_semaphore, #tpu.memory_space<semaphore_mem>>
      %dma_start3A_113 = arith.constant 0 : i32
      %dma_start3A_114 = tpu.memref_slice %arg10[%add3A_4, %dma_start3A_113] : memref<10240x64xf32, #tpu.memory_space<vmem_shared>> -> memref<640x64xf32, #tpu.memory_space<vmem_shared>>
      tpu.enqueue_dma source(%arg5 : memref<640x64xf32, #tpu.memory_space<hbm>>) target(%dma_start3A_114 : memref<640x64xf32, #tpu.memory_space<vmem_shared>>) target_semaphore(%run_scoped3A : memref<!tpu.dma_semaphore, #tpu.memory_space<semaphore_mem>>)
      %dma_wait3A_115 = arith.constant 0 : i32
      %dma_wait3A_116 = tpu.memref_slice %arg10[%add3A_4, %dma_wait3A_115] : memref<10240x64xf32, #tpu.memory_space<vmem_shared>> -> memref<640x64xf32, #tpu.memory_space<vmem_shared>>
      tpu.wait_dma2 semaphore(%run_scoped3A : memref<!tpu.dma_semaphore, #tpu.memory_space<semaphore_mem>>) src(%arg5 : memref<640x64xf32, #tpu.memory_space<hbm>>) dst(%dma_wait3A_116 : memref<640x64xf32, #tpu.memory_space<vmem_shared>>)
      tpu.yield
    }) : () -> ()
    %barrier3A = arith.constant 0 : index
    tpu.barrier barrier_id(%barrier3A)
    %mul3A_5 = arith.constant 10240 : i32
    %mul3A_6 = arith.muli %add3A, %mul3A_5 : i32
    %add3A_7 = arith.constant 0 : i32
    %add3A_8 = arith.addi %mul3A_6, %add3A_7 : i32
    %mul3A_9 = arith.constant 10240 : i32
    %mul3A_10 = arith.muli %add3A, %mul3A_9 : i32
    %add3A_11 = arith.constant 0 : i32
    %add3A_12 = arith.addi %mul3A_10, %add3A_11 : i32
    %jit3A = arith.constant 128 : i32
    %div3A = arith.divsi %add3A_12, %jit3A : i32
    %sign3A = arith.constant 0 : i32
    %sign3A_13 = arith.cmpi sgt, %add3A_12, %sign3A : i32
    %sign3A_14 = arith.extui %sign3A_13 : i1 to i32
    %sign3A_15 = arith.constant 0 : i32
    %sign3A_16 = arith.cmpi slt, %add3A_12, %sign3A_15 : i32
    %sign3A_17 = arith.extui %sign3A_16 : i1 to i32
    %sign3A_18 = arith.subi %sign3A_14, %sign3A_17 : i32
    %sign3A_19 = arith.constant 0 : i32
    %sign3A_20 = arith.cmpi sgt, %jit3A, %sign3A_19 : i32
    %sign3A_21 = arith.extui %sign3A_20 : i1 to i32
    %sign3A_22 = arith.constant 0 : i32
    %sign3A_23 = arith.cmpi slt, %jit3A, %sign3A_22 : i32
    %sign3A_24 = arith.extui %sign3A_23 : i1 to i32
    %sign3A_25 = arith.subi %sign3A_21, %sign3A_24 : i32
    %ne3A = arith.cmpi ne, %sign3A_18, %sign3A_25 : i32
    %rem3A = arith.remsi %add3A_12, %jit3A : i32
    %ne3A_26 = arith.constant 0 : i32
    %ne3A_27 = arith.cmpi ne, %rem3A, %ne3A_26 : i32
    %and3A = arith.andi %ne3A, %ne3A_27 : i1
    %sub3A = arith.constant 1 : i32
    %sub3A_28 = arith.subi %div3A, %sub3A : i32
    %select_n3A = arith.select %and3A, %sub3A_28, %div3A : i32
    %dma_start3A = arith.constant 0 : i32
    %dma_start3A_29 = tpu.memref_slice %arg7[%dma_start3A] : memref<4096xi32, #tpu.memory_space<vmem>> -> memref<2048xi32, #tpu.memory_space<vmem>>
    %dma_start3A_30 = tpu.memref_slice %arg3[%add3A_8] : memref<327680xi32, #tpu.memory_space<hbm>> -> memref<2048xi32, #tpu.memory_space<hbm>>
    %dma_start3A_31 = arith.constant 0 : i32
    %dma_start3A_32 = tpu.memref_slice %arg7[%dma_start3A_31] : memref<4096xi32, #tpu.memory_space<vmem>> -> memref<2048xi32, #tpu.memory_space<vmem>>
    %dma_start3A_33 = tpu.memref_slice %arg3[%add3A_8] : memref<327680xi32, #tpu.memory_space<hbm>> -> memref<2048xi32, #tpu.memory_space<hbm>>
    tpu.enqueue_dma source(%dma_start3A_33 : memref<2048xi32, #tpu.memory_space<hbm>>) target(%dma_start3A_32 : memref<2048xi32, #tpu.memory_space<vmem>>) target_semaphore(%arg13 : memref<!tpu.dma_semaphore, #tpu.memory_space<semaphore_mem>>)
    %dma_start3A_34 = arith.constant 0 : i32
    %dma_start3A_35 = arith.constant 0 : i32
    %dma_start3A_36 = tpu.memref_slice %arg8[%dma_start3A_34, %dma_start3A_35] : memref<32x128xi32, #tpu.memory_space<vmem>> -> memref<16x128xi32, #tpu.memory_space<vmem>>
    %dma_start3A_37 = arith.constant 0 : i32
    %dma_start3A_38 = tpu.memref_slice %arg4[%select_n3A, %dma_start3A_37] : memref<2560x128xi32, #tpu.memory_space<hbm>> -> memref<16x128xi32, #tpu.memory_space<hbm>>
    %dma_start3A_39 = arith.constant 0 : i32
    %dma_start3A_40 = arith.constant 0 : i32
    %dma_start3A_41 = tpu.memref_slice %arg8[%dma_start3A_39, %dma_start3A_40] : memref<32x128xi32, #tpu.memory_space<vmem>> -> memref<16x128xi32, #tpu.memory_space<vmem>>
    %dma_start3A_42 = arith.constant 0 : i32
    %dma_start3A_43 = tpu.memref_slice %arg4[%select_n3A, %dma_start3A_42] : memref<2560x128xi32, #tpu.memory_space<hbm>> -> memref<16x128xi32, #tpu.memory_space<hbm>>
    tpu.enqueue_dma source(%dma_start3A_43 : memref<16x128xi32, #tpu.memory_space<hbm>>) target(%dma_start3A_41 : memref<16x128xi32, #tpu.memory_space<vmem>>) target_semaphore(%arg13 : memref<!tpu.dma_semaphore, #tpu.memory_space<semaphore_mem>>)
    %mul3A_44 = arith.constant 10240 : i32
    %mul3A_45 = arith.muli %add3A, %mul3A_44 : i32
    %add3A_46 = arith.constant 0 : i32
    %add3A_47 = arith.addi %mul3A_45, %add3A_46 : i32
    %mul3A_48 = arith.constant 10240 : i32
    %mul3A_49 = arith.muli %add3A, %mul3A_48 : i32
    %add3A_50 = arith.constant 0 : i32
    %add3A_51 = arith.addi %mul3A_49, %add3A_50 : i32
    %jit3A_52 = arith.constant 128 : i32
    %div3A_53 = arith.divsi %add3A_51, %jit3A_52 : i32
    %sign3A_54 = arith.constant 0 : i32
    %sign3A_55 = arith.cmpi sgt, %add3A_51, %sign3A_54 : i32
    %sign3A_56 = arith.extui %sign3A_55 : i1 to i32
    %sign3A_57 = arith.constant 0 : i32
    %sign3A_58 = arith.cmpi slt, %add3A_51, %sign3A_57 : i32
    %sign3A_59 = arith.extui %sign3A_58 : i1 to i32
    %sign3A_60 = arith.subi %sign3A_56, %sign3A_59 : i32
    %sign3A_61 = arith.constant 0 : i32
    %sign3A_62 = arith.cmpi sgt, %jit3A_52, %sign3A_61 : i32
    %sign3A_63 = arith.extui %sign3A_62 : i1 to i32
    %sign3A_64 = arith.constant 0 : i32
    %sign3A_65 = arith.cmpi slt, %jit3A_52, %sign3A_64 : i32
    %sign3A_66 = arith.extui %sign3A_65 : i1 to i32
    %sign3A_67 = arith.subi %sign3A_63, %sign3A_66 : i32
    %ne3A_68 = arith.cmpi ne, %sign3A_60, %sign3A_67 : i32
    %rem3A_69 = arith.remsi %add3A_51, %jit3A_52 : i32
    %ne3A_70 = arith.constant 0 : i32
    %ne3A_71 = arith.cmpi ne, %rem3A_69, %ne3A_70 : i32
    %and3A_72 = arith.andi %ne3A_68, %ne3A_71 : i1
    %sub3A_73 = arith.constant 1 : i32
    %sub3A_74 = arith.subi %div3A_53, %sub3A_73 : i32
    %select_n3A_75 = arith.select %and3A_72, %sub3A_74, %div3A_53 : i32
    %dma_wait3A = arith.constant 0 : i32
    %dma_wait3A_76 = tpu.memref_slice %arg7[%dma_wait3A] : memref<4096xi32, #tpu.memory_space<vmem>> -> memref<2048xi32, #tpu.memory_space<vmem>>
    %dma_wait3A_77 = tpu.memref_slice %arg3[%add3A_47] : memref<327680xi32, #tpu.memory_space<hbm>> -> memref<2048xi32, #tpu.memory_space<hbm>>
    %dma_wait3A_78 = arith.constant 0 : i32
    %dma_wait3A_79 = tpu.memref_slice %arg7[%dma_wait3A_78] : memref<4096xi32, #tpu.memory_space<vmem>> -> memref<2048xi32, #tpu.memory_space<vmem>>
    %dma_wait3A_80 = tpu.memref_slice %arg3[%add3A_47] : memref<327680xi32, #tpu.memory_space<hbm>> -> memref<2048xi32, #tpu.memory_space<hbm>>
    tpu.wait_dma2 semaphore(%arg13 : memref<!tpu.dma_semaphore, #tpu.memory_space<semaphore_mem>>) src(%dma_wait3A_80 : memref<2048xi32, #tpu.memory_space<hbm>>) dst(%dma_wait3A_79 : memref<2048xi32, #tpu.memory_space<vmem>>)
    %dma_wait3A_81 = arith.constant 0 : i32
    %dma_wait3A_82 = arith.constant 0 : i32
    %dma_wait3A_83 = tpu.memref_slice %arg8[%dma_wait3A_81, %dma_wait3A_82] : memref<32x128xi32, #tpu.memory_space<vmem>> -> memref<16x128xi32, #tpu.memory_space<vmem>>
    %dma_wait3A_84 = arith.constant 0 : i32
    %dma_wait3A_85 = tpu.memref_slice %arg4[%select_n3A_75, %dma_wait3A_84] : memref<2560x128xi32, #tpu.memory_space<hbm>> -> memref<16x128xi32, #tpu.memory_space<hbm>>
    %dma_wait3A_86 = arith.constant 0 : i32
    %dma_wait3A_87 = arith.constant 0 : i32
    %dma_wait3A_88 = tpu.memref_slice %arg8[%dma_wait3A_86, %dma_wait3A_87] : memref<32x128xi32, #tpu.memory_space<vmem>> -> memref<16x128xi32, #tpu.memory_space<vmem>>
    %dma_wait3A_89 = arith.constant 0 : i32
    %dma_wait3A_90 = tpu.memref_slice %arg4[%select_n3A_75, %dma_wait3A_89] : memref<2560x128xi32, #tpu.memory_space<hbm>> -> memref<16x128xi32, #tpu.memory_space<hbm>>
    tpu.wait_dma2 semaphore(%arg13 : memref<!tpu.dma_semaphore, #tpu.memory_space<semaphore_mem>>) src(%dma_wait3A_90 : memref<16x128xi32, #tpu.memory_space<hbm>>) dst(%dma_wait3A_88 : memref<16x128xi32, #tpu.memory_space<vmem>>)
    %dma_start3A_91 = arith.constant 0 : i32
    %dma_start3A_92 = arith.constant 0 : i32
    %dma_start3A_93 = tpu.memref_slice %arg9[%dma_start3A_91, %dma_start3A_92] : memref<1024x64xf32, #tpu.memory_space<vmem>> -> memref<512x64xf32, #tpu.memory_space<vmem>>
    %dma_start3A_94 = arith.constant 0 : i32
    %dma_start3A_95 = tpu.memref_slice %arg7[%dma_start3A_94] : memref<4096xi32, #tpu.memory_space<vmem>> -> memref<512xi32, #tpu.memory_space<vmem>>
    %dma_start3A_96 = arith.constant 0 : i32
    %dma_start3A_97 = arith.constant 0 : i32
    %dma_start3A_98 = tpu.memref_slice %arg2[%dma_start3A_96, %dma_start3A_97] : memref<10240x64xf32, #tpu.memory_space<hbm>> -> memref<10240x64xf32, #tpu.memory_space<hbm>>
    tpu.enqueue_indirect_dma source(%dma_start3A_98 : memref<10240x64xf32, #tpu.memory_space<hbm>>) target(%dma_start3A_93 : memref<512x64xf32, #tpu.memory_space<vmem>>) offsets(%dma_start3A_95 : memref<512xi32, #tpu.memory_space<vmem>>) semaphore(%arg11 : memref<!tpu.dma_semaphore, #tpu.memory_space<semaphore_mem>>)
    %scan3A = arith.constant 0 : i32
    %scan3A_99 = arith.constant 0 : i32
    %scan3A_100 = arith.constant 5 : i32
    %scan3A_101 = arith.addi %scan3A_99, %scan3A_100 : i32
    %scan3A_102 = arith.constant 1 : i32
    scf.for %scan3A_113 = %scan3A_99 to %scan3A_101 step %scan3A_102  : i32 {
      %rem3A_114 = arith.constant 2 : i32
      %rem3A_115 = arith.remsi %scan3A_113, %rem3A_114 : i32
      %add3A_116 = arith.constant 1 : i32
      %add3A_117 = arith.addi %scan3A_113, %add3A_116 : i32
      %rem3A_118 = arith.constant 2 : i32
      %rem3A_119 = arith.remsi %add3A_117, %rem3A_118 : i32
      %add3A_120 = arith.constant 1 : i32
      %add3A_121 = arith.addi %scan3A_113, %add3A_120 : i32
      %rem3A_122 = arith.constant 5 : i32
      %rem3A_123 = arith.remsi %add3A_121, %rem3A_122 : i32
      %mul3A_124 = arith.constant 10240 : i32
      %mul3A_125 = arith.muli %add3A, %mul3A_124 : i32
      %mul3A_126 = arith.constant 2048 : i32
      %mul3A_127 = arith.muli %rem3A_123, %mul3A_126 : i32
      %add3A_128 = arith.addi %mul3A_125, %mul3A_127 : i32
      %mul3A_129 = arith.constant 2048 : i32
      %mul3A_130 = arith.muli %rem3A_119, %mul3A_129 : i32
      %mul3A_131 = arith.constant 10240 : i32
      %mul3A_132 = arith.muli %add3A, %mul3A_131 : i32
      %mul3A_133 = arith.constant 2048 : i32
      %mul3A_134 = arith.muli %rem3A_123, %mul3A_133 : i32
      %add3A_135 = arith.addi %mul3A_132, %mul3A_134 : i32
      %jit3A_136 = arith.constant 128 : i32
      %div3A_137 = arith.divsi %add3A_135, %jit3A_136 : i32
      %sign3A_138 = arith.constant 0 : i32
      %sign3A_139 = arith.cmpi sgt, %add3A_135, %sign3A_138 : i32
      %sign3A_140 = arith.extui %sign3A_139 : i1 to i32
      %sign3A_141 = arith.constant 0 : i32
      %sign3A_142 = arith.cmpi slt, %add3A_135, %sign3A_141 : i32
      %sign3A_143 = arith.extui %sign3A_142 : i1 to i32
      %sign3A_144 = arith.subi %sign3A_140, %sign3A_143 : i32
      %sign3A_145 = arith.constant 0 : i32
      %sign3A_146 = arith.cmpi sgt, %jit3A_136, %sign3A_145 : i32
      %sign3A_147 = arith.extui %sign3A_146 : i1 to i32
      %sign3A_148 = arith.constant 0 : i32
      %sign3A_149 = arith.cmpi slt, %jit3A_136, %sign3A_148 : i32
      %sign3A_150 = arith.extui %sign3A_149 : i1 to i32
      %sign3A_151 = arith.subi %sign3A_147, %sign3A_150 : i32
      %ne3A_152 = arith.cmpi ne, %sign3A_144, %sign3A_151 : i32
      %rem3A_153 = arith.remsi %add3A_135, %jit3A_136 : i32
      %ne3A_154 = arith.constant 0 : i32
      %ne3A_155 = arith.cmpi ne, %rem3A_153, %ne3A_154 : i32
      %and3A_156 = arith.andi %ne3A_152, %ne3A_155 : i1
      %sub3A_157 = arith.constant 1 : i32
      %sub3A_158 = arith.subi %div3A_137, %sub3A_157 : i32
      %select_n3A_159 = arith.select %and3A_156, %sub3A_158, %div3A_137 : i32
      %mul3A_160 = arith.constant 4 : i32
      %mul3A_161 = arith.muli %rem3A_119, %mul3A_160 : i32
      %mul3A_162 = arith.constant 4 : i32
      %mul3A_163 = arith.muli %mul3A_161, %mul3A_162 : i32
      %dma_start3A_164 = tpu.memref_slice %arg7[%mul3A_130] : memref<4096xi32, #tpu.memory_space<vmem>> -> memref<2048xi32, #tpu.memory_space<vmem>>
      %dma_start3A_165 = tpu.memref_slice %arg3[%add3A_128] : memref<327680xi32, #tpu.memory_space<hbm>> -> memref<2048xi32, #tpu.memory_space<hbm>>
      %dma_start3A_166 = tpu.memref_slice %arg7[%mul3A_130] : memref<4096xi32, #tpu.memory_space<vmem>> -> memref<2048xi32, #tpu.memory_space<vmem>>
      %dma_start3A_167 = tpu.memref_slice %arg3[%add3A_128] : memref<327680xi32, #tpu.memory_space<hbm>> -> memref<2048xi32, #tpu.memory_space<hbm>>
      tpu.enqueue_dma source(%dma_start3A_167 : memref<2048xi32, #tpu.memory_space<hbm>>) target(%dma_start3A_166 : memref<2048xi32, #tpu.memory_space<vmem>>) target_semaphore(%arg13 : memref<!tpu.dma_semaphore, #tpu.memory_space<semaphore_mem>>)
      %dma_start3A_168 = arith.constant 0 : i32
      %dma_start3A_169 = tpu.memref_slice %arg8[%mul3A_163, %dma_start3A_168] : memref<32x128xi32, #tpu.memory_space<vmem>> -> memref<16x128xi32, #tpu.memory_space<vmem>>
      %dma_start3A_170 = arith.constant 0 : i32
      %dma_start3A_171 = tpu.memref_slice %arg4[%select_n3A_159, %dma_start3A_170] : memref<2560x128xi32, #tpu.memory_space<hbm>> -> memref<16x128xi32, #tpu.memory_space<hbm>>
      %dma_start3A_172 = arith.constant 0 : i32
      %dma_start3A_173 = tpu.memref_slice %arg8[%mul3A_163, %dma_start3A_172] : memref<32x128xi32, #tpu.memory_space<vmem>> -> memref<16x128xi32, #tpu.memory_space<vmem>>
      %dma_start3A_174 = arith.constant 0 : i32
      %dma_start3A_175 = tpu.memref_slice %arg4[%select_n3A_159, %dma_start3A_174] : memref<2560x128xi32, #tpu.memory_space<hbm>> -> memref<16x128xi32, #tpu.memory_space<hbm>>
      tpu.enqueue_dma source(%dma_start3A_175 : memref<16x128xi32, #tpu.memory_space<hbm>>) target(%dma_start3A_173 : memref<16x128xi32, #tpu.memory_space<vmem>>) target_semaphore(%arg13 : memref<!tpu.dma_semaphore, #tpu.memory_space<semaphore_mem>>)
      %mul3A_176 = arith.constant 2048 : i32
      %mul3A_177 = arith.muli %rem3A_115, %mul3A_176 : i32
      %add3A_178 = arith.constant 0 : i32
      %add3A_179 = arith.addi %mul3A_177, %add3A_178 : i32
      %add3A_180 = arith.constant 512 : i32
      %add3A_181 = arith.addi %add3A_179, %add3A_180 : i32
      %dma_wait3A_182 = arith.constant 0 : i32
      %dma_wait3A_183 = arith.constant 0 : i32
      %dma_wait3A_184 = tpu.memref_slice %arg9[%dma_wait3A_182, %dma_wait3A_183] : memref<1024x64xf32, #tpu.memory_space<vmem>> -> memref<512x64xf32, #tpu.memory_space<vmem>>
      %dma_wait3A_185 = tpu.memref_slice %arg7[%add3A_179] : memref<4096xi32, #tpu.memory_space<vmem>> -> memref<512xi32, #tpu.memory_space<vmem>>
      %dma_wait3A_186 = arith.constant 0 : i32
      %dma_wait3A_187 = arith.constant 0 : i32
      %dma_wait3A_188 = tpu.memref_slice %arg2[%dma_wait3A_186, %dma_wait3A_187] : memref<10240x64xf32, #tpu.memory_space<hbm>> -> memref<10240x64xf32, #tpu.memory_space<hbm>>
      tpu.wait_indirect_dma semaphore(%arg11 : memref<!tpu.dma_semaphore, #tpu.memory_space<semaphore_mem>>) src(%dma_wait3A_188 : memref<10240x64xf32, #tpu.memory_space<hbm>>) dst(%dma_wait3A_184 : memref<512x64xf32, #tpu.memory_space<vmem>>)
      %dma_start3A_189 = arith.constant 512 : i32
      %dma_start3A_190 = arith.constant 0 : i32
      %dma_start3A_191 = tpu.memref_slice %arg9[%dma_start3A_189, %dma_start3A_190] : memref<1024x64xf32, #tpu.memory_space<vmem>> -> memref<512x64xf32, #tpu.memory_space<vmem>>
      %dma_start3A_192 = tpu.memref_slice %arg7[%add3A_181] : memref<4096xi32, #tpu.memory_space<vmem>> -> memref<512xi32, #tpu.memory_space<vmem>>
      %dma_start3A_193 = arith.constant 0 : i32
      %dma_start3A_194 = arith.constant 0 : i32
      %dma_start3A_195 = tpu.memref_slice %arg2[%dma_start3A_193, %dma_start3A_194] : memref<10240x64xf32, #tpu.memory_space<hbm>> -> memref<10240x64xf32, #tpu.memory_space<hbm>>
      tpu.enqueue_indirect_dma source(%dma_start3A_195 : memref<10240x64xf32, #tpu.memory_space<hbm>>) target(%dma_start3A_191 : memref<512x64xf32, #tpu.memory_space<vmem>>) offsets(%dma_start3A_192 : memref<512xi32, #tpu.memory_space<vmem>>) semaphore(%arg12 : memref<!tpu.dma_semaphore, #tpu.memory_space<semaphore_mem>>)
      %mul3A_196 = arith.constant 4 : i32
      %mul3A_197 = arith.muli %rem3A_115, %mul3A_196 : i32
      %mul3A_198 = arith.constant 4 : i32
      %mul3A_199 = arith.muli %mul3A_197, %mul3A_198 : i32
      %add3A_200 = arith.constant 0 : i32
      %add3A_201 = arith.addi %mul3A_199, %add3A_200 : i32
      %add3A_202 = arith.constant 0 : i32
      %add3A_203 = arith.addi %add3A_201, %add3A_202 : i32
      "tpu.region"() ({
        %run_scoped3A = tpu.sem_alloc : memref<!tpu.dma_semaphore, #tpu.memory_space<semaphore_mem>>
        %dma_start3A_436 = arith.constant 0 : i32
        %dma_start3A_437 = arith.constant 0 : i32
        %dma_start3A_438 = tpu.memref_slice %arg9[%dma_start3A_436, %dma_start3A_437] : memref<1024x64xf32, #tpu.memory_space<vmem>> -> memref<128x64xf32, #tpu.memory_space<vmem>>
        %dma_start3A_439 = arith.constant 0 : i32
        %dma_start3A_440 = tpu.memref_slice %arg8[%add3A_203, %dma_start3A_439] : memref<32x128xi32, #tpu.memory_space<vmem>> -> memref<1x128xi32, #tpu.memory_space<vmem>>
        %dma_start3A_441 = tpu.memref_squeeze %dma_start3A_440 : memref<1x128xi32, #tpu.memory_space<vmem>> -> memref<128xi32, #tpu.memory_space<vmem>>
        %dma_start3A_442 = arith.constant 0 : i32
        %dma_start3A_443 = arith.constant 0 : i32
        %dma_start3A_444 = tpu.memref_slice %arg10[%dma_start3A_442, %dma_start3A_443] : memref<10240x64xf32, #tpu.memory_space<vmem_shared>> -> memref<10240x64xf32, #tpu.memory_space<vmem_shared>>
        tpu.enqueue_indirect_dma source(%dma_start3A_438 : memref<128x64xf32, #tpu.memory_space<vmem>>) target(%dma_start3A_444 : memref<10240x64xf32, #tpu.memory_space<vmem_shared>>) offsets(%dma_start3A_441 : memref<128xi32, #tpu.memory_space<vmem>>) semaphore(%run_scoped3A : memref<!tpu.dma_semaphore, #tpu.memory_space<semaphore_mem>>) {add = true}
        %dma_wait3A_445 = arith.constant 0 : i32
        %dma_wait3A_446 = arith.constant 0 : i32
        %dma_wait3A_447 = tpu.memref_slice %arg9[%dma_wait3A_445, %dma_wait3A_446] : memref<1024x64xf32, #tpu.memory_space<vmem>> -> memref<128x64xf32, #tpu.memory_space<vmem>>
        %dma_wait3A_448 = arith.constant 0 : i32
        %dma_wait3A_449 = tpu.memref_slice %arg8[%add3A_203, %dma_wait3A_448] : memref<32x128xi32, #tpu.memory_space<vmem>> -> memref<1x128xi32, #tpu.memory_space<vmem>>
        %dma_wait3A_450 = tpu.memref_squeeze %dma_wait3A_449 : memref<1x128xi32, #tpu.memory_space<vmem>> -> memref<128xi32, #tpu.memory_space<vmem>>
        %dma_wait3A_451 = arith.constant 0 : i32
        %dma_wait3A_452 = arith.constant 0 : i32
        %dma_wait3A_453 = tpu.memref_slice %arg10[%dma_wait3A_451, %dma_wait3A_452] : memref<10240x64xf32, #tpu.memory_space<vmem_shared>> -> memref<10240x64xf32, #tpu.memory_space<vmem_shared>>
        tpu.wait_indirect_dma semaphore(%run_scoped3A : memref<!tpu.dma_semaphore, #tpu.memory_space<semaphore_mem>>) src(%dma_wait3A_447 : memref<128x64xf32, #tpu.memory_space<vmem>>) dst(%dma_wait3A_453 : memref<10240x64xf32, #tpu.memory_space<vmem_shared>>)
        tpu.yield
      }) : () -> ()
      %mul3A_204 = arith.constant 4 : i32
      %mul3A_205 = arith.muli %rem3A_115, %mul3A_204 : i32
      %mul3A_206 = arith.constant 4 : i32
      %mul3A_207 = arith.muli %mul3A_205, %mul3A_206 : i32
      %add3A_208 = arith.constant 0 : i32
      %add3A_209 = arith.addi %mul3A_207, %add3A_208 : i32
      %add3A_210 = arith.constant 1 : i32
      %add3A_211 = arith.addi %add3A_209, %add3A_210 : i32
      "tpu.region"() ({
        %run_scoped3A = tpu.sem_alloc : memref<!tpu.dma_semaphore, #tpu.memory_space<semaphore_mem>>
        %dma_start3A_436 = arith.constant 128 : i32
        %dma_start3A_437 = arith.constant 0 : i32
        %dma_start3A_438 = tpu.memref_slice %arg9[%dma_start3A_436, %dma_start3A_437] : memref<1024x64xf32, #tpu.memory_space<vmem>> -> memref<128x64xf32, #tpu.memory_space<vmem>>
        %dma_start3A_439 = arith.constant 0 : i32
        %dma_start3A_440 = tpu.memref_slice %arg8[%add3A_211, %dma_start3A_439] : memref<32x128xi32, #tpu.memory_space<vmem>> -> memref<1x128xi32, #tpu.memory_space<vmem>>
        %dma_start3A_441 = tpu.memref_squeeze %dma_start3A_440 : memref<1x128xi32, #tpu.memory_space<vmem>> -> memref<128xi32, #tpu.memory_space<vmem>>
        %dma_start3A_442 = arith.constant 0 : i32
        %dma_start3A_443 = arith.constant 0 : i32
        %dma_start3A_444 = tpu.memref_slice %arg10[%dma_start3A_442, %dma_start3A_443] : memref<10240x64xf32, #tpu.memory_space<vmem_shared>> -> memref<10240x64xf32, #tpu.memory_space<vmem_shared>>
        tpu.enqueue_indirect_dma source(%dma_start3A_438 : memref<128x64xf32, #tpu.memory_space<vmem>>) target(%dma_start3A_444 : memref<10240x64xf32, #tpu.memory_space<vmem_shared>>) offsets(%dma_start3A_441 : memref<128xi32, #tpu.memory_space<vmem>>) semaphore(%run_scoped3A : memref<!tpu.dma_semaphore, #tpu.memory_space<semaphore_mem>>) {add = true}
        %dma_wait3A_445 = arith.constant 128 : i32
        %dma_wait3A_446 = arith.constant 0 : i32
        %dma_wait3A_447 = tpu.memref_slice %arg9[%dma_wait3A_445, %dma_wait3A_446] : memref<1024x64xf32, #tpu.memory_space<vmem>> -> memref<128x64xf32, #tpu.memory_space<vmem>>
        %dma_wait3A_448 = arith.constant 0 : i32
        %dma_wait3A_449 = tpu.memref_slice %arg8[%add3A_211, %dma_wait3A_448] : memref<32x128xi32, #tpu.memory_space<vmem>> -> memref<1x128xi32, #tpu.memory_space<vmem>>
        %dma_wait3A_450 = tpu.memref_squeeze %dma_wait3A_449 : memref<1x128xi32, #tpu.memory_space<vmem>> -> memref<128xi32, #tpu.memory_space<vmem>>
        %dma_wait3A_451 = arith.constant 0 : i32
        %dma_wait3A_452 = arith.constant 0 : i32
        %dma_wait3A_453 = tpu.memref_slice %arg10[%dma_wait3A_451, %dma_wait3A_452] : memref<10240x64xf32, #tpu.memory_space<vmem_shared>> -> memref<10240x64xf32, #tpu.memory_space<vmem_shared>>
        tpu.wait_indirect_dma semaphore(%run_scoped3A : memref<!tpu.dma_semaphore, #tpu.memory_space<semaphore_mem>>) src(%dma_wait3A_447 : memref<128x64xf32, #tpu.memory_space<vmem>>) dst(%dma_wait3A_453 : memref<10240x64xf32, #tpu.memory_space<vmem_shared>>)
        tpu.yield
      }) : () -> ()
      %mul3A_212 = arith.constant 4 : i32
      %mul3A_213 = arith.muli %rem3A_115, %mul3A_212 : i32
      %mul3A_214 = arith.constant 4 : i32
      %mul3A_215 = arith.muli %mul3A_213, %mul3A_214 : i32
      %add3A_216 = arith.constant 0 : i32
      %add3A_217 = arith.addi %mul3A_215, %add3A_216 : i32
      %add3A_218 = arith.constant 2 : i32
      %add3A_219 = arith.addi %add3A_217, %add3A_218 : i32
      "tpu.region"() ({
        %run_scoped3A = tpu.sem_alloc : memref<!tpu.dma_semaphore, #tpu.memory_space<semaphore_mem>>
        %dma_start3A_436 = arith.constant 256 : i32
        %dma_start3A_437 = arith.constant 0 : i32
        %dma_start3A_438 = tpu.memref_slice %arg9[%dma_start3A_436, %dma_start3A_437] : memref<1024x64xf32, #tpu.memory_space<vmem>> -> memref<128x64xf32, #tpu.memory_space<vmem>>
        %dma_start3A_439 = arith.constant 0 : i32
        %dma_start3A_440 = tpu.memref_slice %arg8[%add3A_219, %dma_start3A_439] : memref<32x128xi32, #tpu.memory_space<vmem>> -> memref<1x128xi32, #tpu.memory_space<vmem>>
        %dma_start3A_441 = tpu.memref_squeeze %dma_start3A_440 : memref<1x128xi32, #tpu.memory_space<vmem>> -> memref<128xi32, #tpu.memory_space<vmem>>
        %dma_start3A_442 = arith.constant 0 : i32
        %dma_start3A_443 = arith.constant 0 : i32
        %dma_start3A_444 = tpu.memref_slice %arg10[%dma_start3A_442, %dma_start3A_443] : memref<10240x64xf32, #tpu.memory_space<vmem_shared>> -> memref<10240x64xf32, #tpu.memory_space<vmem_shared>>
        tpu.enqueue_indirect_dma source(%dma_start3A_438 : memref<128x64xf32, #tpu.memory_space<vmem>>) target(%dma_start3A_444 : memref<10240x64xf32, #tpu.memory_space<vmem_shared>>) offsets(%dma_start3A_441 : memref<128xi32, #tpu.memory_space<vmem>>) semaphore(%run_scoped3A : memref<!tpu.dma_semaphore, #tpu.memory_space<semaphore_mem>>) {add = true}
        %dma_wait3A_445 = arith.constant 256 : i32
        %dma_wait3A_446 = arith.constant 0 : i32
        %dma_wait3A_447 = tpu.memref_slice %arg9[%dma_wait3A_445, %dma_wait3A_446] : memref<1024x64xf32, #tpu.memory_space<vmem>> -> memref<128x64xf32, #tpu.memory_space<vmem>>
        %dma_wait3A_448 = arith.constant 0 : i32
        %dma_wait3A_449 = tpu.memref_slice %arg8[%add3A_219, %dma_wait3A_448] : memref<32x128xi32, #tpu.memory_space<vmem>> -> memref<1x128xi32, #tpu.memory_space<vmem>>
        %dma_wait3A_450 = tpu.memref_squeeze %dma_wait3A_449 : memref<1x128xi32, #tpu.memory_space<vmem>> -> memref<128xi32, #tpu.memory_space<vmem>>
        %dma_wait3A_451 = arith.constant 0 : i32
        %dma_wait3A_452 = arith.constant 0 : i32
        %dma_wait3A_453 = tpu.memref_slice %arg10[%dma_wait3A_451, %dma_wait3A_452] : memref<10240x64xf32, #tpu.memory_space<vmem_shared>> -> memref<10240x64xf32, #tpu.memory_space<vmem_shared>>
        tpu.wait_indirect_dma semaphore(%run_scoped3A : memref<!tpu.dma_semaphore, #tpu.memory_space<semaphore_mem>>) src(%dma_wait3A_447 : memref<128x64xf32, #tpu.memory_space<vmem>>) dst(%dma_wait3A_453 : memref<10240x64xf32, #tpu.memory_space<vmem_shared>>)
        tpu.yield
      }) : () -> ()
      %mul3A_220 = arith.constant 4 : i32
      %mul3A_221 = arith.muli %rem3A_115, %mul3A_220 : i32
      %mul3A_222 = arith.constant 4 : i32
      %mul3A_223 = arith.muli %mul3A_221, %mul3A_222 : i32
      %add3A_224 = arith.constant 0 : i32
      %add3A_225 = arith.addi %mul3A_223, %add3A_224 : i32
      %add3A_226 = arith.constant 3 : i32
      %add3A_227 = arith.addi %add3A_225, %add3A_226 : i32
      "tpu.region"() ({
        %run_scoped3A = tpu.sem_alloc : memref<!tpu.dma_semaphore, #tpu.memory_space<semaphore_mem>>
        %dma_start3A_436 = arith.constant 384 : i32
        %dma_start3A_437 = arith.constant 0 : i32
        %dma_start3A_438 = tpu.memref_slice %arg9[%dma_start3A_436, %dma_start3A_437] : memref<1024x64xf32, #tpu.memory_space<vmem>> -> memref<128x64xf32, #tpu.memory_space<vmem>>
        %dma_start3A_439 = arith.constant 0 : i32
        %dma_start3A_440 = tpu.memref_slice %arg8[%add3A_227, %dma_start3A_439] : memref<32x128xi32, #tpu.memory_space<vmem>> -> memref<1x128xi32, #tpu.memory_space<vmem>>
        %dma_start3A_441 = tpu.memref_squeeze %dma_start3A_440 : memref<1x128xi32, #tpu.memory_space<vmem>> -> memref<128xi32, #tpu.memory_space<vmem>>
        %dma_start3A_442 = arith.constant 0 : i32
        %dma_start3A_443 = arith.constant 0 : i32
        %dma_start3A_444 = tpu.memref_slice %arg10[%dma_start3A_442, %dma_start3A_443] : memref<10240x64xf32, #tpu.memory_space<vmem_shared>> -> memref<10240x64xf32, #tpu.memory_space<vmem_shared>>
        tpu.enqueue_indirect_dma source(%dma_start3A_438 : memref<128x64xf32, #tpu.memory_space<vmem>>) target(%dma_start3A_444 : memref<10240x64xf32, #tpu.memory_space<vmem_shared>>) offsets(%dma_start3A_441 : memref<128xi32, #tpu.memory_space<vmem>>) semaphore(%run_scoped3A : memref<!tpu.dma_semaphore, #tpu.memory_space<semaphore_mem>>) {add = true}
        %dma_wait3A_445 = arith.constant 384 : i32
        %dma_wait3A_446 = arith.constant 0 : i32
        %dma_wait3A_447 = tpu.memref_slice %arg9[%dma_wait3A_445, %dma_wait3A_446] : memref<1024x64xf32, #tpu.memory_space<vmem>> -> memref<128x64xf32, #tpu.memory_space<vmem>>
        %dma_wait3A_448 = arith.constant 0 : i32
        %dma_wait3A_449 = tpu.memref_slice %arg8[%add3A_227, %dma_wait3A_448] : memref<32x128xi32, #tpu.memory_space<vmem>> -> memref<1x128xi32, #tpu.memory_space<vmem>>
        %dma_wait3A_450 = tpu.memref_squeeze %dma_wait3A_449 : memref<1x128xi32, #tpu.memory_space<vmem>> -> memref<128xi32, #tpu.memory_space<vmem>>
        %dma_wait3A_451 = arith.constant 0 : i32
        %dma_wait3A_452 = arith.constant 0 : i32
        %dma_wait3A_453 = tpu.memref_slice %arg10[%dma_wait3A_451, %dma_wait3A_452] : memref<10240x64xf32, #tpu.memory_space<vmem_shared>> -> memref<10240x64xf32, #tpu.memory_space<vmem_shared>>
        tpu.wait_indirect_dma semaphore(%run_scoped3A : memref<!tpu.dma_semaphore, #tpu.memory_space<semaphore_mem>>) src(%dma_wait3A_447 : memref<128x64xf32, #tpu.memory_space<vmem>>) dst(%dma_wait3A_453 : memref<10240x64xf32, #tpu.memory_space<vmem_shared>>)
        tpu.yield
      }) : () -> ()
      %mul3A_228 = arith.constant 2048 : i32
      %mul3A_229 = arith.muli %rem3A_115, %mul3A_228 : i32
      %add3A_230 = arith.constant 512 : i32
      %add3A_231 = arith.addi %mul3A_229, %add3A_230 : i32
      %add3A_232 = arith.constant 512 : i32
      %add3A_233 = arith.addi %add3A_231, %add3A_232 : i32
      %dma_wait3A_234 = arith.constant 512 : i32
      %dma_wait3A_235 = arith.constant 0 : i32
      %dma_wait3A_236 = tpu.memref_slice %arg9[%dma_wait3A_234, %dma_wait3A_235] : memref<1024x64xf32, #tpu.memory_space<vmem>> -> memref<512x64xf32, #tpu.memory_space<vmem>>
      %dma_wait3A_237 = tpu.memref_slice %arg7[%add3A_231] : memref<4096xi32, #tpu.memory_space<vmem>> -> memref<512xi32, #tpu.memory_space<vmem>>
      %dma_wait3A_238 = arith.constant 0 : i32
      %dma_wait3A_239 = arith.constant 0 : i32
      %dma_wait3A_240 = tpu.memref_slice %arg2[%dma_wait3A_238, %dma_wait3A_239] : memref<10240x64xf32, #tpu.memory_space<hbm>> -> memref<10240x64xf32, #tpu.memory_space<hbm>>
      tpu.wait_indirect_dma semaphore(%arg12 : memref<!tpu.dma_semaphore, #tpu.memory_space<semaphore_mem>>) src(%dma_wait3A_240 : memref<10240x64xf32, #tpu.memory_space<hbm>>) dst(%dma_wait3A_236 : memref<512x64xf32, #tpu.memory_space<vmem>>)
      %dma_start3A_241 = arith.constant 0 : i32
      %dma_start3A_242 = arith.constant 0 : i32
      %dma_start3A_243 = tpu.memref_slice %arg9[%dma_start3A_241, %dma_start3A_242] : memref<1024x64xf32, #tpu.memory_space<vmem>> -> memref<512x64xf32, #tpu.memory_space<vmem>>
      %dma_start3A_244 = tpu.memref_slice %arg7[%add3A_233] : memref<4096xi32, #tpu.memory_space<vmem>> -> memref<512xi32, #tpu.memory_space<vmem>>
      %dma_start3A_245 = arith.constant 0 : i32
      %dma_start3A_246 = arith.constant 0 : i32
      %dma_start3A_247 = tpu.memref_slice %arg2[%dma_start3A_245, %dma_start3A_246] : memref<10240x64xf32, #tpu.memory_space<hbm>> -> memref<10240x64xf32, #tpu.memory_space<hbm>>
      tpu.enqueue_indirect_dma source(%dma_start3A_247 : memref<10240x64xf32, #tpu.memory_space<hbm>>) target(%dma_start3A_243 : memref<512x64xf32, #tpu.memory_space<vmem>>) offsets(%dma_start3A_244 : memref<512xi32, #tpu.memory_space<vmem>>) semaphore(%arg11 : memref<!tpu.dma_semaphore, #tpu.memory_space<semaphore_mem>>)
      %mul3A_248 = arith.constant 4 : i32
      %mul3A_249 = arith.muli %rem3A_115, %mul3A_248 : i32
      %mul3A_250 = arith.constant 4 : i32
      %mul3A_251 = arith.muli %mul3A_249, %mul3A_250 : i32
      %add3A_252 = arith.constant 4 : i32
      %add3A_253 = arith.addi %mul3A_251, %add3A_252 : i32
      %add3A_254 = arith.constant 0 : i32
      %add3A_255 = arith.addi %add3A_253, %add3A_254 : i32
      "tpu.region"() ({
        %run_scoped3A = tpu.sem_alloc : memref<!tpu.dma_semaphore, #tpu.memory_space<semaphore_mem>>
        %dma_start3A_436 = arith.constant 512 : i32
        %dma_start3A_437 = arith.constant 0 : i32
        %dma_start3A_438 = tpu.memref_slice %arg9[%dma_start3A_436, %dma_start3A_437] : memref<1024x64xf32, #tpu.memory_space<vmem>> -> memref<128x64xf32, #tpu.memory_space<vmem>>
        %dma_start3A_439 = arith.constant 0 : i32
        %dma_start3A_440 = tpu.memref_slice %arg8[%add3A_255, %dma_start3A_439] : memref<32x128xi32, #tpu.memory_space<vmem>> -> memref<1x128xi32, #tpu.memory_space<vmem>>
        %dma_start3A_441 = tpu.memref_squeeze %dma_start3A_440 : memref<1x128xi32, #tpu.memory_space<vmem>> -> memref<128xi32, #tpu.memory_space<vmem>>
        %dma_start3A_442 = arith.constant 0 : i32
        %dma_start3A_443 = arith.constant 0 : i32
        %dma_start3A_444 = tpu.memref_slice %arg10[%dma_start3A_442, %dma_start3A_443] : memref<10240x64xf32, #tpu.memory_space<vmem_shared>> -> memref<10240x64xf32, #tpu.memory_space<vmem_shared>>
        tpu.enqueue_indirect_dma source(%dma_start3A_438 : memref<128x64xf32, #tpu.memory_space<vmem>>) target(%dma_start3A_444 : memref<10240x64xf32, #tpu.memory_space<vmem_shared>>) offsets(%dma_start3A_441 : memref<128xi32, #tpu.memory_space<vmem>>) semaphore(%run_scoped3A : memref<!tpu.dma_semaphore, #tpu.memory_space<semaphore_mem>>) {add = true}
        %dma_wait3A_445 = arith.constant 512 : i32
        %dma_wait3A_446 = arith.constant 0 : i32
        %dma_wait3A_447 = tpu.memref_slice %arg9[%dma_wait3A_445, %dma_wait3A_446] : memref<1024x64xf32, #tpu.memory_space<vmem>> -> memref<128x64xf32, #tpu.memory_space<vmem>>
        %dma_wait3A_448 = arith.constant 0 : i32
        %dma_wait3A_449 = tpu.memref_slice %arg8[%add3A_255, %dma_wait3A_448] : memref<32x128xi32, #tpu.memory_space<vmem>> -> memref<1x128xi32, #tpu.memory_space<vmem>>
        %dma_wait3A_450 = tpu.memref_squeeze %dma_wait3A_449 : memref<1x128xi32, #tpu.memory_space<vmem>> -> memref<128xi32, #tpu.memory_space<vmem>>
        %dma_wait3A_451 = arith.constant 0 : i32
        %dma_wait3A_452 = arith.constant 0 : i32
        %dma_wait3A_453 = tpu.memref_slice %arg10[%dma_wait3A_451, %dma_wait3A_452] : memref<10240x64xf32, #tpu.memory_space<vmem_shared>> -> memref<10240x64xf32, #tpu.memory_space<vmem_shared>>
        tpu.wait_indirect_dma semaphore(%run_scoped3A : memref<!tpu.dma_semaphore, #tpu.memory_space<semaphore_mem>>) src(%dma_wait3A_447 : memref<128x64xf32, #tpu.memory_space<vmem>>) dst(%dma_wait3A_453 : memref<10240x64xf32, #tpu.memory_space<vmem_shared>>)
        tpu.yield
      }) : () -> ()
      %mul3A_256 = arith.constant 4 : i32
      %mul3A_257 = arith.muli %rem3A_115, %mul3A_256 : i32
      %mul3A_258 = arith.constant 4 : i32
      %mul3A_259 = arith.muli %mul3A_257, %mul3A_258 : i32
      %add3A_260 = arith.constant 4 : i32
      %add3A_261 = arith.addi %mul3A_259, %add3A_260 : i32
      %add3A_262 = arith.constant 1 : i32
      %add3A_263 = arith.addi %add3A_261, %add3A_262 : i32
      "tpu.region"() ({
        %run_scoped3A = tpu.sem_alloc : memref<!tpu.dma_semaphore, #tpu.memory_space<semaphore_mem>>
        %dma_start3A_436 = arith.constant 640 : i32
        %dma_start3A_437 = arith.constant 0 : i32
        %dma_start3A_438 = tpu.memref_slice %arg9[%dma_start3A_436, %dma_start3A_437] : memref<1024x64xf32, #tpu.memory_space<vmem>> -> memref<128x64xf32, #tpu.memory_space<vmem>>
        %dma_start3A_439 = arith.constant 0 : i32
        %dma_start3A_440 = tpu.memref_slice %arg8[%add3A_263, %dma_start3A_439] : memref<32x128xi32, #tpu.memory_space<vmem>> -> memref<1x128xi32, #tpu.memory_space<vmem>>
        %dma_start3A_441 = tpu.memref_squeeze %dma_start3A_440 : memref<1x128xi32, #tpu.memory_space<vmem>> -> memref<128xi32, #tpu.memory_space<vmem>>
        %dma_start3A_442 = arith.constant 0 : i32
        %dma_start3A_443 = arith.constant 0 : i32
        %dma_start3A_444 = tpu.memref_slice %arg10[%dma_start3A_442, %dma_start3A_443] : memref<10240x64xf32, #tpu.memory_space<vmem_shared>> -> memref<10240x64xf32, #tpu.memory_space<vmem_shared>>
        tpu.enqueue_indirect_dma source(%dma_start3A_438 : memref<128x64xf32, #tpu.memory_space<vmem>>) target(%dma_start3A_444 : memref<10240x64xf32, #tpu.memory_space<vmem_shared>>) offsets(%dma_start3A_441 : memref<128xi32, #tpu.memory_space<vmem>>) semaphore(%run_scoped3A : memref<!tpu.dma_semaphore, #tpu.memory_space<semaphore_mem>>) {add = true}
        %dma_wait3A_445 = arith.constant 640 : i32
        %dma_wait3A_446 = arith.constant 0 : i32
        %dma_wait3A_447 = tpu.memref_slice %arg9[%dma_wait3A_445, %dma_wait3A_446] : memref<1024x64xf32, #tpu.memory_space<vmem>> -> memref<128x64xf32, #tpu.memory_space<vmem>>
        %dma_wait3A_448 = arith.constant 0 : i32
        %dma_wait3A_449 = tpu.memref_slice %arg8[%add3A_263, %dma_wait3A_448] : memref<32x128xi32, #tpu.memory_space<vmem>> -> memref<1x128xi32, #tpu.memory_space<vmem>>
        %dma_wait3A_450 = tpu.memref_squeeze %dma_wait3A_449 : memref<1x128xi32, #tpu.memory_space<vmem>> -> memref<128xi32, #tpu.memory_space<vmem>>
        %dma_wait3A_451 = arith.constant 0 : i32
        %dma_wait3A_452 = arith.constant 0 : i32
        %dma_wait3A_453 = tpu.memref_slice %arg10[%dma_wait3A_451, %dma_wait3A_452] : memref<10240x64xf32, #tpu.memory_space<vmem_shared>> -> memref<10240x64xf32, #tpu.memory_space<vmem_shared>>
        tpu.wait_indirect_dma semaphore(%run_scoped3A : memref<!tpu.dma_semaphore, #tpu.memory_space<semaphore_mem>>) src(%dma_wait3A_447 : memref<128x64xf32, #tpu.memory_space<vmem>>) dst(%dma_wait3A_453 : memref<10240x64xf32, #tpu.memory_space<vmem_shared>>)
        tpu.yield
      }) : () -> ()
      %mul3A_264 = arith.constant 4 : i32
      %mul3A_265 = arith.muli %rem3A_115, %mul3A_264 : i32
      %mul3A_266 = arith.constant 4 : i32
      %mul3A_267 = arith.muli %mul3A_265, %mul3A_266 : i32
      %add3A_268 = arith.constant 4 : i32
      %add3A_269 = arith.addi %mul3A_267, %add3A_268 : i32
      %add3A_270 = arith.constant 2 : i32
      %add3A_271 = arith.addi %add3A_269, %add3A_270 : i32
      "tpu.region"() ({
        %run_scoped3A = tpu.sem_alloc : memref<!tpu.dma_semaphore, #tpu.memory_space<semaphore_mem>>
        %dma_start3A_436 = arith.constant 768 : i32
        %dma_start3A_437 = arith.constant 0 : i32
        %dma_start3A_438 = tpu.memref_slice %arg9[%dma_start3A_436, %dma_start3A_437] : memref<1024x64xf32, #tpu.memory_space<vmem>> -> memref<128x64xf32, #tpu.memory_space<vmem>>
        %dma_start3A_439 = arith.constant 0 : i32
        %dma_start3A_440 = tpu.memref_slice %arg8[%add3A_271, %dma_start3A_439] : memref<32x128xi32, #tpu.memory_space<vmem>> -> memref<1x128xi32, #tpu.memory_space<vmem>>
        %dma_start3A_441 = tpu.memref_squeeze %dma_start3A_440 : memref<1x128xi32, #tpu.memory_space<vmem>> -> memref<128xi32, #tpu.memory_space<vmem>>
        %dma_start3A_442 = arith.constant 0 : i32
        %dma_start3A_443 = arith.constant 0 : i32
        %dma_start3A_444 = tpu.memref_slice %arg10[%dma_start3A_442, %dma_start3A_443] : memref<10240x64xf32, #tpu.memory_space<vmem_shared>> -> memref<10240x64xf32, #tpu.memory_space<vmem_shared>>
        tpu.enqueue_indirect_dma source(%dma_start3A_438 : memref<128x64xf32, #tpu.memory_space<vmem>>) target(%dma_start3A_444 : memref<10240x64xf32, #tpu.memory_space<vmem_shared>>) offsets(%dma_start3A_441 : memref<128xi32, #tpu.memory_space<vmem>>) semaphore(%run_scoped3A : memref<!tpu.dma_semaphore, #tpu.memory_space<semaphore_mem>>) {add = true}
        %dma_wait3A_445 = arith.constant 768 : i32
        %dma_wait3A_446 = arith.constant 0 : i32
        %dma_wait3A_447 = tpu.memref_slice %arg9[%dma_wait3A_445, %dma_wait3A_446] : memref<1024x64xf32, #tpu.memory_space<vmem>> -> memref<128x64xf32, #tpu.memory_space<vmem>>
        %dma_wait3A_448 = arith.constant 0 : i32
        %dma_wait3A_449 = tpu.memref_slice %arg8[%add3A_271, %dma_wait3A_448] : memref<32x128xi32, #tpu.memory_space<vmem>> -> memref<1x128xi32, #tpu.memory_space<vmem>>
        %dma_wait3A_450 = tpu.memref_squeeze %dma_wait3A_449 : memref<1x128xi32, #tpu.memory_space<vmem>> -> memref<128xi32, #tpu.memory_space<vmem>>
        %dma_wait3A_451 = arith.constant 0 : i32
        %dma_wait3A_452 = arith.constant 0 : i32
        %dma_wait3A_453 = tpu.memref_slice %arg10[%dma_wait3A_451, %dma_wait3A_452] : memref<10240x64xf32, #tpu.memory_space<vmem_shared>> -> memref<10240x64xf32, #tpu.memory_space<vmem_shared>>
        tpu.wait_indirect_dma semaphore(%run_scoped3A : memref<!tpu.dma_semaphore, #tpu.memory_space<semaphore_mem>>) src(%dma_wait3A_447 : memref<128x64xf32, #tpu.memory_space<vmem>>) dst(%dma_wait3A_453 : memref<10240x64xf32, #tpu.memory_space<vmem_shared>>)
        tpu.yield
      }) : () -> ()
      %mul3A_272 = arith.constant 4 : i32
      %mul3A_273 = arith.muli %rem3A_115, %mul3A_272 : i32
      %mul3A_274 = arith.constant 4 : i32
      %mul3A_275 = arith.muli %mul3A_273, %mul3A_274 : i32
      %add3A_276 = arith.constant 4 : i32
      %add3A_277 = arith.addi %mul3A_275, %add3A_276 : i32
      %add3A_278 = arith.constant 3 : i32
      %add3A_279 = arith.addi %add3A_277, %add3A_278 : i32
      "tpu.region"() ({
        %run_scoped3A = tpu.sem_alloc : memref<!tpu.dma_semaphore, #tpu.memory_space<semaphore_mem>>
        %dma_start3A_436 = arith.constant 896 : i32
        %dma_start3A_437 = arith.constant 0 : i32
        %dma_start3A_438 = tpu.memref_slice %arg9[%dma_start3A_436, %dma_start3A_437] : memref<1024x64xf32, #tpu.memory_space<vmem>> -> memref<128x64xf32, #tpu.memory_space<vmem>>
        %dma_start3A_439 = arith.constant 0 : i32
        %dma_start3A_440 = tpu.memref_slice %arg8[%add3A_279, %dma_start3A_439] : memref<32x128xi32, #tpu.memory_space<vmem>> -> memref<1x128xi32, #tpu.memory_space<vmem>>
        %dma_start3A_441 = tpu.memref_squeeze %dma_start3A_440 : memref<1x128xi32, #tpu.memory_space<vmem>> -> memref<128xi32, #tpu.memory_space<vmem>>
        %dma_start3A_442 = arith.constant 0 : i32
        %dma_start3A_443 = arith.constant 0 : i32
        %dma_start3A_444 = tpu.memref_slice %arg10[%dma_start3A_442, %dma_start3A_443] : memref<10240x64xf32, #tpu.memory_space<vmem_shared>> -> memref<10240x64xf32, #tpu.memory_space<vmem_shared>>
        tpu.enqueue_indirect_dma source(%dma_start3A_438 : memref<128x64xf32, #tpu.memory_space<vmem>>) target(%dma_start3A_444 : memref<10240x64xf32, #tpu.memory_space<vmem_shared>>) offsets(%dma_start3A_441 : memref<128xi32, #tpu.memory_space<vmem>>) semaphore(%run_scoped3A : memref<!tpu.dma_semaphore, #tpu.memory_space<semaphore_mem>>) {add = true}
        %dma_wait3A_445 = arith.constant 896 : i32
        %dma_wait3A_446 = arith.constant 0 : i32
        %dma_wait3A_447 = tpu.memref_slice %arg9[%dma_wait3A_445, %dma_wait3A_446] : memref<1024x64xf32, #tpu.memory_space<vmem>> -> memref<128x64xf32, #tpu.memory_space<vmem>>
        %dma_wait3A_448 = arith.constant 0 : i32
        %dma_wait3A_449 = tpu.memref_slice %arg8[%add3A_279, %dma_wait3A_448] : memref<32x128xi32, #tpu.memory_space<vmem>> -> memref<1x128xi32, #tpu.memory_space<vmem>>
        %dma_wait3A_450 = tpu.memref_squeeze %dma_wait3A_449 : memref<1x128xi32, #tpu.memory_space<vmem>> -> memref<128xi32, #tpu.memory_space<vmem>>
        %dma_wait3A_451 = arith.constant 0 : i32
        %dma_wait3A_452 = arith.constant 0 : i32
        %dma_wait3A_453 = tpu.memref_slice %arg10[%dma_wait3A_451, %dma_wait3A_452] : memref<10240x64xf32, #tpu.memory_space<vmem_shared>> -> memref<10240x64xf32, #tpu.memory_space<vmem_shared>>
        tpu.wait_indirect_dma semaphore(%run_scoped3A : memref<!tpu.dma_semaphore, #tpu.memory_space<semaphore_mem>>) src(%dma_wait3A_447 : memref<128x64xf32, #tpu.memory_space<vmem>>) dst(%dma_wait3A_453 : memref<10240x64xf32, #tpu.memory_space<vmem_shared>>)
        tpu.yield
      }) : () -> ()
      %mul3A_280 = arith.constant 2048 : i32
      %mul3A_281 = arith.muli %rem3A_115, %mul3A_280 : i32
      %add3A_282 = arith.constant 1024 : i32
      %add3A_283 = arith.addi %mul3A_281, %add3A_282 : i32
      %add3A_284 = arith.constant 512 : i32
      %add3A_285 = arith.addi %add3A_283, %add3A_284 : i32
      %dma_wait3A_286 = arith.constant 0 : i32
      %dma_wait3A_287 = arith.constant 0 : i32
      %dma_wait3A_288 = tpu.memref_slice %arg9[%dma_wait3A_286, %dma_wait3A_287] : memref<1024x64xf32, #tpu.memory_space<vmem>> -> memref<512x64xf32, #tpu.memory_space<vmem>>
      %dma_wait3A_289 = tpu.memref_slice %arg7[%add3A_283] : memref<4096xi32, #tpu.memory_space<vmem>> -> memref<512xi32, #tpu.memory_space<vmem>>
      %dma_wait3A_290 = arith.constant 0 : i32
      %dma_wait3A_291 = arith.constant 0 : i32
      %dma_wait3A_292 = tpu.memref_slice %arg2[%dma_wait3A_290, %dma_wait3A_291] : memref<10240x64xf32, #tpu.memory_space<hbm>> -> memref<10240x64xf32, #tpu.memory_space<hbm>>
      tpu.wait_indirect_dma semaphore(%arg11 : memref<!tpu.dma_semaphore, #tpu.memory_space<semaphore_mem>>) src(%dma_wait3A_292 : memref<10240x64xf32, #tpu.memory_space<hbm>>) dst(%dma_wait3A_288 : memref<512x64xf32, #tpu.memory_space<vmem>>)
      %dma_start3A_293 = arith.constant 512 : i32
      %dma_start3A_294 = arith.constant 0 : i32
      %dma_start3A_295 = tpu.memref_slice %arg9[%dma_start3A_293, %dma_start3A_294] : memref<1024x64xf32, #tpu.memory_space<vmem>> -> memref<512x64xf32, #tpu.memory_space<vmem>>
      %dma_start3A_296 = tpu.memref_slice %arg7[%add3A_285] : memref<4096xi32, #tpu.memory_space<vmem>> -> memref<512xi32, #tpu.memory_space<vmem>>
      %dma_start3A_297 = arith.constant 0 : i32
      %dma_start3A_298 = arith.constant 0 : i32
      %dma_start3A_299 = tpu.memref_slice %arg2[%dma_start3A_297, %dma_start3A_298] : memref<10240x64xf32, #tpu.memory_space<hbm>> -> memref<10240x64xf32, #tpu.memory_space<hbm>>
      tpu.enqueue_indirect_dma source(%dma_start3A_299 : memref<10240x64xf32, #tpu.memory_space<hbm>>) target(%dma_start3A_295 : memref<512x64xf32, #tpu.memory_space<vmem>>) offsets(%dma_start3A_296 : memref<512xi32, #tpu.memory_space<vmem>>) semaphore(%arg12 : memref<!tpu.dma_semaphore, #tpu.memory_space<semaphore_mem>>)
      %mul3A_300 = arith.constant 4 : i32
      %mul3A_301 = arith.muli %rem3A_115, %mul3A_300 : i32
      %mul3A_302 = arith.constant 4 : i32
      %mul3A_303 = arith.muli %mul3A_301, %mul3A_302 : i32
      %add3A_304 = arith.constant 8 : i32
      %add3A_305 = arith.addi %mul3A_303, %add3A_304 : i32
      %add3A_306 = arith.constant 0 : i32
      %add3A_307 = arith.addi %add3A_305, %add3A_306 : i32
      "tpu.region"() ({
        %run_scoped3A = tpu.sem_alloc : memref<!tpu.dma_semaphore, #tpu.memory_space<semaphore_mem>>
        %dma_start3A_436 = arith.constant 0 : i32
        %dma_start3A_437 = arith.constant 0 : i32
        %dma_start3A_438 = tpu.memref_slice %arg9[%dma_start3A_436, %dma_start3A_437] : memref<1024x64xf32, #tpu.memory_space<vmem>> -> memref<128x64xf32, #tpu.memory_space<vmem>>
        %dma_start3A_439 = arith.constant 0 : i32
        %dma_start3A_440 = tpu.memref_slice %arg8[%add3A_307, %dma_start3A_439] : memref<32x128xi32, #tpu.memory_space<vmem>> -> memref<1x128xi32, #tpu.memory_space<vmem>>
        %dma_start3A_441 = tpu.memref_squeeze %dma_start3A_440 : memref<1x128xi32, #tpu.memory_space<vmem>> -> memref<128xi32, #tpu.memory_space<vmem>>
        %dma_start3A_442 = arith.constant 0 : i32
        %dma_start3A_443 = arith.constant 0 : i32
        %dma_start3A_444 = tpu.memref_slice %arg10[%dma_start3A_442, %dma_start3A_443] : memref<10240x64xf32, #tpu.memory_space<vmem_shared>> -> memref<10240x64xf32, #tpu.memory_space<vmem_shared>>
        tpu.enqueue_indirect_dma source(%dma_start3A_438 : memref<128x64xf32, #tpu.memory_space<vmem>>) target(%dma_start3A_444 : memref<10240x64xf32, #tpu.memory_space<vmem_shared>>) offsets(%dma_start3A_441 : memref<128xi32, #tpu.memory_space<vmem>>) semaphore(%run_scoped3A : memref<!tpu.dma_semaphore, #tpu.memory_space<semaphore_mem>>) {add = true}
        %dma_wait3A_445 = arith.constant 0 : i32
        %dma_wait3A_446 = arith.constant 0 : i32
        %dma_wait3A_447 = tpu.memref_slice %arg9[%dma_wait3A_445, %dma_wait3A_446] : memref<1024x64xf32, #tpu.memory_space<vmem>> -> memref<128x64xf32, #tpu.memory_space<vmem>>
        %dma_wait3A_448 = arith.constant 0 : i32
        %dma_wait3A_449 = tpu.memref_slice %arg8[%add3A_307, %dma_wait3A_448] : memref<32x128xi32, #tpu.memory_space<vmem>> -> memref<1x128xi32, #tpu.memory_space<vmem>>
        %dma_wait3A_450 = tpu.memref_squeeze %dma_wait3A_449 : memref<1x128xi32, #tpu.memory_space<vmem>> -> memref<128xi32, #tpu.memory_space<vmem>>
        %dma_wait3A_451 = arith.constant 0 : i32
        %dma_wait3A_452 = arith.constant 0 : i32
        %dma_wait3A_453 = tpu.memref_slice %arg10[%dma_wait3A_451, %dma_wait3A_452] : memref<10240x64xf32, #tpu.memory_space<vmem_shared>> -> memref<10240x64xf32, #tpu.memory_space<vmem_shared>>
        tpu.wait_indirect_dma semaphore(%run_scoped3A : memref<!tpu.dma_semaphore, #tpu.memory_space<semaphore_mem>>) src(%dma_wait3A_447 : memref<128x64xf32, #tpu.memory_space<vmem>>) dst(%dma_wait3A_453 : memref<10240x64xf32, #tpu.memory_space<vmem_shared>>)
        tpu.yield
      }) : () -> ()
      %mul3A_308 = arith.constant 4 : i32
      %mul3A_309 = arith.muli %rem3A_115, %mul3A_308 : i32
      %mul3A_310 = arith.constant 4 : i32
      %mul3A_311 = arith.muli %mul3A_309, %mul3A_310 : i32
      %add3A_312 = arith.constant 8 : i32
      %add3A_313 = arith.addi %mul3A_311, %add3A_312 : i32
      %add3A_314 = arith.constant 1 : i32
      %add3A_315 = arith.addi %add3A_313, %add3A_314 : i32
      "tpu.region"() ({
        %run_scoped3A = tpu.sem_alloc : memref<!tpu.dma_semaphore, #tpu.memory_space<semaphore_mem>>
        %dma_start3A_436 = arith.constant 128 : i32
        %dma_start3A_437 = arith.constant 0 : i32
        %dma_start3A_438 = tpu.memref_slice %arg9[%dma_start3A_436, %dma_start3A_437] : memref<1024x64xf32, #tpu.memory_space<vmem>> -> memref<128x64xf32, #tpu.memory_space<vmem>>
        %dma_start3A_439 = arith.constant 0 : i32
        %dma_start3A_440 = tpu.memref_slice %arg8[%add3A_315, %dma_start3A_439] : memref<32x128xi32, #tpu.memory_space<vmem>> -> memref<1x128xi32, #tpu.memory_space<vmem>>
        %dma_start3A_441 = tpu.memref_squeeze %dma_start3A_440 : memref<1x128xi32, #tpu.memory_space<vmem>> -> memref<128xi32, #tpu.memory_space<vmem>>
        %dma_start3A_442 = arith.constant 0 : i32
        %dma_start3A_443 = arith.constant 0 : i32
        %dma_start3A_444 = tpu.memref_slice %arg10[%dma_start3A_442, %dma_start3A_443] : memref<10240x64xf32, #tpu.memory_space<vmem_shared>> -> memref<10240x64xf32, #tpu.memory_space<vmem_shared>>
        tpu.enqueue_indirect_dma source(%dma_start3A_438 : memref<128x64xf32, #tpu.memory_space<vmem>>) target(%dma_start3A_444 : memref<10240x64xf32, #tpu.memory_space<vmem_shared>>) offsets(%dma_start3A_441 : memref<128xi32, #tpu.memory_space<vmem>>) semaphore(%run_scoped3A : memref<!tpu.dma_semaphore, #tpu.memory_space<semaphore_mem>>) {add = true}
        %dma_wait3A_445 = arith.constant 128 : i32
        %dma_wait3A_446 = arith.constant 0 : i32
        %dma_wait3A_447 = tpu.memref_slice %arg9[%dma_wait3A_445, %dma_wait3A_446] : memref<1024x64xf32, #tpu.memory_space<vmem>> -> memref<128x64xf32, #tpu.memory_space<vmem>>
        %dma_wait3A_448 = arith.constant 0 : i32
        %dma_wait3A_449 = tpu.memref_slice %arg8[%add3A_315, %dma_wait3A_448] : memref<32x128xi32, #tpu.memory_space<vmem>> -> memref<1x128xi32, #tpu.memory_space<vmem>>
        %dma_wait3A_450 = tpu.memref_squeeze %dma_wait3A_449 : memref<1x128xi32, #tpu.memory_space<vmem>> -> memref<128xi32, #tpu.memory_space<vmem>>
        %dma_wait3A_451 = arith.constant 0 : i32
        %dma_wait3A_452 = arith.constant 0 : i32
        %dma_wait3A_453 = tpu.memref_slice %arg10[%dma_wait3A_451, %dma_wait3A_452] : memref<10240x64xf32, #tpu.memory_space<vmem_shared>> -> memref<10240x64xf32, #tpu.memory_space<vmem_shared>>
        tpu.wait_indirect_dma semaphore(%run_scoped3A : memref<!tpu.dma_semaphore, #tpu.memory_space<semaphore_mem>>) src(%dma_wait3A_447 : memref<128x64xf32, #tpu.memory_space<vmem>>) dst(%dma_wait3A_453 : memref<10240x64xf32, #tpu.memory_space<vmem_shared>>)
        tpu.yield
      }) : () -> ()
      %mul3A_316 = arith.constant 4 : i32
      %mul3A_317 = arith.muli %rem3A_115, %mul3A_316 : i32
      %mul3A_318 = arith.constant 4 : i32
      %mul3A_319 = arith.muli %mul3A_317, %mul3A_318 : i32
      %add3A_320 = arith.constant 8 : i32
      %add3A_321 = arith.addi %mul3A_319, %add3A_320 : i32
      %add3A_322 = arith.constant 2 : i32
      %add3A_323 = arith.addi %add3A_321, %add3A_322 : i32
      "tpu.region"() ({
        %run_scoped3A = tpu.sem_alloc : memref<!tpu.dma_semaphore, #tpu.memory_space<semaphore_mem>>
        %dma_start3A_436 = arith.constant 256 : i32
        %dma_start3A_437 = arith.constant 0 : i32
        %dma_start3A_438 = tpu.memref_slice %arg9[%dma_start3A_436, %dma_start3A_437] : memref<1024x64xf32, #tpu.memory_space<vmem>> -> memref<128x64xf32, #tpu.memory_space<vmem>>
        %dma_start3A_439 = arith.constant 0 : i32
        %dma_start3A_440 = tpu.memref_slice %arg8[%add3A_323, %dma_start3A_439] : memref<32x128xi32, #tpu.memory_space<vmem>> -> memref<1x128xi32, #tpu.memory_space<vmem>>
        %dma_start3A_441 = tpu.memref_squeeze %dma_start3A_440 : memref<1x128xi32, #tpu.memory_space<vmem>> -> memref<128xi32, #tpu.memory_space<vmem>>
        %dma_start3A_442 = arith.constant 0 : i32
        %dma_start3A_443 = arith.constant 0 : i32
        %dma_start3A_444 = tpu.memref_slice %arg10[%dma_start3A_442, %dma_start3A_443] : memref<10240x64xf32, #tpu.memory_space<vmem_shared>> -> memref<10240x64xf32, #tpu.memory_space<vmem_shared>>
        tpu.enqueue_indirect_dma source(%dma_start3A_438 : memref<128x64xf32, #tpu.memory_space<vmem>>) target(%dma_start3A_444 : memref<10240x64xf32, #tpu.memory_space<vmem_shared>>) offsets(%dma_start3A_441 : memref<128xi32, #tpu.memory_space<vmem>>) semaphore(%run_scoped3A : memref<!tpu.dma_semaphore, #tpu.memory_space<semaphore_mem>>) {add = true}
        %dma_wait3A_445 = arith.constant 256 : i32
        %dma_wait3A_446 = arith.constant 0 : i32
        %dma_wait3A_447 = tpu.memref_slice %arg9[%dma_wait3A_445, %dma_wait3A_446] : memref<1024x64xf32, #tpu.memory_space<vmem>> -> memref<128x64xf32, #tpu.memory_space<vmem>>
        %dma_wait3A_448 = arith.constant 0 : i32
        %dma_wait3A_449 = tpu.memref_slice %arg8[%add3A_323, %dma_wait3A_448] : memref<32x128xi32, #tpu.memory_space<vmem>> -> memref<1x128xi32, #tpu.memory_space<vmem>>
        %dma_wait3A_450 = tpu.memref_squeeze %dma_wait3A_449 : memref<1x128xi32, #tpu.memory_space<vmem>> -> memref<128xi32, #tpu.memory_space<vmem>>
        %dma_wait3A_451 = arith.constant 0 : i32
        %dma_wait3A_452 = arith.constant 0 : i32
        %dma_wait3A_453 = tpu.memref_slice %arg10[%dma_wait3A_451, %dma_wait3A_452] : memref<10240x64xf32, #tpu.memory_space<vmem_shared>> -> memref<10240x64xf32, #tpu.memory_space<vmem_shared>>
        tpu.wait_indirect_dma semaphore(%run_scoped3A : memref<!tpu.dma_semaphore, #tpu.memory_space<semaphore_mem>>) src(%dma_wait3A_447 : memref<128x64xf32, #tpu.memory_space<vmem>>) dst(%dma_wait3A_453 : memref<10240x64xf32, #tpu.memory_space<vmem_shared>>)
        tpu.yield
      }) : () -> ()
      %mul3A_324 = arith.constant 4 : i32
      %mul3A_325 = arith.muli %rem3A_115, %mul3A_324 : i32
      %mul3A_326 = arith.constant 4 : i32
      %mul3A_327 = arith.muli %mul3A_325, %mul3A_326 : i32
      %add3A_328 = arith.constant 8 : i32
      %add3A_329 = arith.addi %mul3A_327, %add3A_328 : i32
      %add3A_330 = arith.constant 3 : i32
      %add3A_331 = arith.addi %add3A_329, %add3A_330 : i32
      "tpu.region"() ({
        %run_scoped3A = tpu.sem_alloc : memref<!tpu.dma_semaphore, #tpu.memory_space<semaphore_mem>>
        %dma_start3A_436 = arith.constant 384 : i32
        %dma_start3A_437 = arith.constant 0 : i32
        %dma_start3A_438 = tpu.memref_slice %arg9[%dma_start3A_436, %dma_start3A_437] : memref<1024x64xf32, #tpu.memory_space<vmem>> -> memref<128x64xf32, #tpu.memory_space<vmem>>
        %dma_start3A_439 = arith.constant 0 : i32
        %dma_start3A_440 = tpu.memref_slice %arg8[%add3A_331, %dma_start3A_439] : memref<32x128xi32, #tpu.memory_space<vmem>> -> memref<1x128xi32, #tpu.memory_space<vmem>>
        %dma_start3A_441 = tpu.memref_squeeze %dma_start3A_440 : memref<1x128xi32, #tpu.memory_space<vmem>> -> memref<128xi32, #tpu.memory_space<vmem>>
        %dma_start3A_442 = arith.constant 0 : i32
        %dma_start3A_443 = arith.constant 0 : i32
        %dma_start3A_444 = tpu.memref_slice %arg10[%dma_start3A_442, %dma_start3A_443] : memref<10240x64xf32, #tpu.memory_space<vmem_shared>> -> memref<10240x64xf32, #tpu.memory_space<vmem_shared>>
        tpu.enqueue_indirect_dma source(%dma_start3A_438 : memref<128x64xf32, #tpu.memory_space<vmem>>) target(%dma_start3A_444 : memref<10240x64xf32, #tpu.memory_space<vmem_shared>>) offsets(%dma_start3A_441 : memref<128xi32, #tpu.memory_space<vmem>>) semaphore(%run_scoped3A : memref<!tpu.dma_semaphore, #tpu.memory_space<semaphore_mem>>) {add = true}
        %dma_wait3A_445 = arith.constant 384 : i32
        %dma_wait3A_446 = arith.constant 0 : i32
        %dma_wait3A_447 = tpu.memref_slice %arg9[%dma_wait3A_445, %dma_wait3A_446] : memref<1024x64xf32, #tpu.memory_space<vmem>> -> memref<128x64xf32, #tpu.memory_space<vmem>>
        %dma_wait3A_448 = arith.constant 0 : i32
        %dma_wait3A_449 = tpu.memref_slice %arg8[%add3A_331, %dma_wait3A_448] : memref<32x128xi32, #tpu.memory_space<vmem>> -> memref<1x128xi32, #tpu.memory_space<vmem>>
        %dma_wait3A_450 = tpu.memref_squeeze %dma_wait3A_449 : memref<1x128xi32, #tpu.memory_space<vmem>> -> memref<128xi32, #tpu.memory_space<vmem>>
        %dma_wait3A_451 = arith.constant 0 : i32
        %dma_wait3A_452 = arith.constant 0 : i32
        %dma_wait3A_453 = tpu.memref_slice %arg10[%dma_wait3A_451, %dma_wait3A_452] : memref<10240x64xf32, #tpu.memory_space<vmem_shared>> -> memref<10240x64xf32, #tpu.memory_space<vmem_shared>>
        tpu.wait_indirect_dma semaphore(%run_scoped3A : memref<!tpu.dma_semaphore, #tpu.memory_space<semaphore_mem>>) src(%dma_wait3A_447 : memref<128x64xf32, #tpu.memory_space<vmem>>) dst(%dma_wait3A_453 : memref<10240x64xf32, #tpu.memory_space<vmem_shared>>)
        tpu.yield
      }) : () -> ()
      %mul3A_332 = arith.constant 2048 : i32
      %mul3A_333 = arith.muli %rem3A_115, %mul3A_332 : i32
      %add3A_334 = arith.constant 1536 : i32
      %add3A_335 = arith.addi %mul3A_333, %add3A_334 : i32
      %mul3A_336 = arith.constant 2048 : i32
      %mul3A_337 = arith.muli %rem3A_119, %mul3A_336 : i32
      %dma_wait3A_338 = arith.constant 512 : i32
      %dma_wait3A_339 = arith.constant 0 : i32
      %dma_wait3A_340 = tpu.memref_slice %arg9[%dma_wait3A_338, %dma_wait3A_339] : memref<1024x64xf32, #tpu.memory_space<vmem>> -> memref<512x64xf32, #tpu.memory_space<vmem>>
      %dma_wait3A_341 = tpu.memref_slice %arg7[%add3A_335] : memref<4096xi32, #tpu.memory_space<vmem>> -> memref<512xi32, #tpu.memory_space<vmem>>
      %dma_wait3A_342 = arith.constant 0 : i32
      %dma_wait3A_343 = arith.constant 0 : i32
      %dma_wait3A_344 = tpu.memref_slice %arg2[%dma_wait3A_342, %dma_wait3A_343] : memref<10240x64xf32, #tpu.memory_space<hbm>> -> memref<10240x64xf32, #tpu.memory_space<hbm>>
      tpu.wait_indirect_dma semaphore(%arg12 : memref<!tpu.dma_semaphore, #tpu.memory_space<semaphore_mem>>) src(%dma_wait3A_344 : memref<10240x64xf32, #tpu.memory_space<hbm>>) dst(%dma_wait3A_340 : memref<512x64xf32, #tpu.memory_space<vmem>>)
      %mul3A_345 = arith.constant 10240 : i32
      %mul3A_346 = arith.muli %add3A, %mul3A_345 : i32
      %mul3A_347 = arith.constant 2048 : i32
      %mul3A_348 = arith.muli %rem3A_123, %mul3A_347 : i32
      %add3A_349 = arith.addi %mul3A_346, %mul3A_348 : i32
      %mul3A_350 = arith.constant 2048 : i32
      %mul3A_351 = arith.muli %rem3A_119, %mul3A_350 : i32
      %mul3A_352 = arith.constant 10240 : i32
      %mul3A_353 = arith.muli %add3A, %mul3A_352 : i32
      %mul3A_354 = arith.constant 2048 : i32
      %mul3A_355 = arith.muli %rem3A_123, %mul3A_354 : i32
      %add3A_356 = arith.addi %mul3A_353, %mul3A_355 : i32
      %jit3A_357 = arith.constant 128 : i32
      %div3A_358 = arith.divsi %add3A_356, %jit3A_357 : i32
      %sign3A_359 = arith.constant 0 : i32
      %sign3A_360 = arith.cmpi sgt, %add3A_356, %sign3A_359 : i32
      %sign3A_361 = arith.extui %sign3A_360 : i1 to i32
      %sign3A_362 = arith.constant 0 : i32
      %sign3A_363 = arith.cmpi slt, %add3A_356, %sign3A_362 : i32
      %sign3A_364 = arith.extui %sign3A_363 : i1 to i32
      %sign3A_365 = arith.subi %sign3A_361, %sign3A_364 : i32
      %sign3A_366 = arith.constant 0 : i32
      %sign3A_367 = arith.cmpi sgt, %jit3A_357, %sign3A_366 : i32
      %sign3A_368 = arith.extui %sign3A_367 : i1 to i32
      %sign3A_369 = arith.constant 0 : i32
      %sign3A_370 = arith.cmpi slt, %jit3A_357, %sign3A_369 : i32
      %sign3A_371 = arith.extui %sign3A_370 : i1 to i32
      %sign3A_372 = arith.subi %sign3A_368, %sign3A_371 : i32
      %ne3A_373 = arith.cmpi ne, %sign3A_365, %sign3A_372 : i32
      %rem3A_374 = arith.remsi %add3A_356, %jit3A_357 : i32
      %ne3A_375 = arith.constant 0 : i32
      %ne3A_376 = arith.cmpi ne, %rem3A_374, %ne3A_375 : i32
      %and3A_377 = arith.andi %ne3A_373, %ne3A_376 : i1
      %sub3A_378 = arith.constant 1 : i32
      %sub3A_379 = arith.subi %div3A_358, %sub3A_378 : i32
      %select_n3A_380 = arith.select %and3A_377, %sub3A_379, %div3A_358 : i32
      %mul3A_381 = arith.constant 4 : i32
      %mul3A_382 = arith.muli %rem3A_119, %mul3A_381 : i32
      %mul3A_383 = arith.constant 4 : i32
      %mul3A_384 = arith.muli %mul3A_382, %mul3A_383 : i32
      %dma_wait3A_385 = tpu.memref_slice %arg7[%mul3A_351] : memref<4096xi32, #tpu.memory_space<vmem>> -> memref<2048xi32, #tpu.memory_space<vmem>>
      %dma_wait3A_386 = tpu.memref_slice %arg3[%add3A_349] : memref<327680xi32, #tpu.memory_space<hbm>> -> memref<2048xi32, #tpu.memory_space<hbm>>
      %dma_wait3A_387 = tpu.memref_slice %arg7[%mul3A_351] : memref<4096xi32, #tpu.memory_space<vmem>> -> memref<2048xi32, #tpu.memory_space<vmem>>
      %dma_wait3A_388 = tpu.memref_slice %arg3[%add3A_349] : memref<327680xi32, #tpu.memory_space<hbm>> -> memref<2048xi32, #tpu.memory_space<hbm>>
      tpu.wait_dma2 semaphore(%arg13 : memref<!tpu.dma_semaphore, #tpu.memory_space<semaphore_mem>>) src(%dma_wait3A_388 : memref<2048xi32, #tpu.memory_space<hbm>>) dst(%dma_wait3A_387 : memref<2048xi32, #tpu.memory_space<vmem>>)
      %dma_wait3A_389 = arith.constant 0 : i32
      %dma_wait3A_390 = tpu.memref_slice %arg8[%mul3A_384, %dma_wait3A_389] : memref<32x128xi32, #tpu.memory_space<vmem>> -> memref<16x128xi32, #tpu.memory_space<vmem>>
      %dma_wait3A_391 = arith.constant 0 : i32
      %dma_wait3A_392 = tpu.memref_slice %arg4[%select_n3A_380, %dma_wait3A_391] : memref<2560x128xi32, #tpu.memory_space<hbm>> -> memref<16x128xi32, #tpu.memory_space<hbm>>
      %dma_wait3A_393 = arith.constant 0 : i32
      %dma_wait3A_394 = tpu.memref_slice %arg8[%mul3A_384, %dma_wait3A_393] : memref<32x128xi32, #tpu.memory_space<vmem>> -> memref<16x128xi32, #tpu.memory_space<vmem>>
      %dma_wait3A_395 = arith.constant 0 : i32
      %dma_wait3A_396 = tpu.memref_slice %arg4[%select_n3A_380, %dma_wait3A_395] : memref<2560x128xi32, #tpu.memory_space<hbm>> -> memref<16x128xi32, #tpu.memory_space<hbm>>
      tpu.wait_dma2 semaphore(%arg13 : memref<!tpu.dma_semaphore, #tpu.memory_space<semaphore_mem>>) src(%dma_wait3A_396 : memref<16x128xi32, #tpu.memory_space<hbm>>) dst(%dma_wait3A_394 : memref<16x128xi32, #tpu.memory_space<vmem>>)
      %dma_start3A_397 = arith.constant 0 : i32
      %dma_start3A_398 = arith.constant 0 : i32
      %dma_start3A_399 = tpu.memref_slice %arg9[%dma_start3A_397, %dma_start3A_398] : memref<1024x64xf32, #tpu.memory_space<vmem>> -> memref<512x64xf32, #tpu.memory_space<vmem>>
      %dma_start3A_400 = tpu.memref_slice %arg7[%mul3A_337] : memref<4096xi32, #tpu.memory_space<vmem>> -> memref<512xi32, #tpu.memory_space<vmem>>
      %dma_start3A_401 = arith.constant 0 : i32
      %dma_start3A_402 = arith.constant 0 : i32
      %dma_start3A_403 = tpu.memref_slice %arg2[%dma_start3A_401, %dma_start3A_402] : memref<10240x64xf32, #tpu.memory_space<hbm>> -> memref<10240x64xf32, #tpu.memory_space<hbm>>
      tpu.enqueue_indirect_dma source(%dma_start3A_403 : memref<10240x64xf32, #tpu.memory_space<hbm>>) target(%dma_start3A_399 : memref<512x64xf32, #tpu.memory_space<vmem>>) offsets(%dma_start3A_400 : memref<512xi32, #tpu.memory_space<vmem>>) semaphore(%arg11 : memref<!tpu.dma_semaphore, #tpu.memory_space<semaphore_mem>>)
      %mul3A_404 = arith.constant 4 : i32
      %mul3A_405 = arith.muli %rem3A_115, %mul3A_404 : i32
      %mul3A_406 = arith.constant 4 : i32
      %mul3A_407 = arith.muli %mul3A_405, %mul3A_406 : i32
      %add3A_408 = arith.constant 12 : i32
      %add3A_409 = arith.addi %mul3A_407, %add3A_408 : i32
      %add3A_410 = arith.constant 0 : i32
      %add3A_411 = arith.addi %add3A_409, %add3A_410 : i32
      "tpu.region"() ({
        %run_scoped3A = tpu.sem_alloc : memref<!tpu.dma_semaphore, #tpu.memory_space<semaphore_mem>>
        %dma_start3A_436 = arith.constant 512 : i32
        %dma_start3A_437 = arith.constant 0 : i32
        %dma_start3A_438 = tpu.memref_slice %arg9[%dma_start3A_436, %dma_start3A_437] : memref<1024x64xf32, #tpu.memory_space<vmem>> -> memref<128x64xf32, #tpu.memory_space<vmem>>
        %dma_start3A_439 = arith.constant 0 : i32
        %dma_start3A_440 = tpu.memref_slice %arg8[%add3A_411, %dma_start3A_439] : memref<32x128xi32, #tpu.memory_space<vmem>> -> memref<1x128xi32, #tpu.memory_space<vmem>>
        %dma_start3A_441 = tpu.memref_squeeze %dma_start3A_440 : memref<1x128xi32, #tpu.memory_space<vmem>> -> memref<128xi32, #tpu.memory_space<vmem>>
        %dma_start3A_442 = arith.constant 0 : i32
        %dma_start3A_443 = arith.constant 0 : i32
        %dma_start3A_444 = tpu.memref_slice %arg10[%dma_start3A_442, %dma_start3A_443] : memref<10240x64xf32, #tpu.memory_space<vmem_shared>> -> memref<10240x64xf32, #tpu.memory_space<vmem_shared>>
        tpu.enqueue_indirect_dma source(%dma_start3A_438 : memref<128x64xf32, #tpu.memory_space<vmem>>) target(%dma_start3A_444 : memref<10240x64xf32, #tpu.memory_space<vmem_shared>>) offsets(%dma_start3A_441 : memref<128xi32, #tpu.memory_space<vmem>>) semaphore(%run_scoped3A : memref<!tpu.dma_semaphore, #tpu.memory_space<semaphore_mem>>) {add = true}
        %dma_wait3A_445 = arith.constant 512 : i32
        %dma_wait3A_446 = arith.constant 0 : i32
        %dma_wait3A_447 = tpu.memref_slice %arg9[%dma_wait3A_445, %dma_wait3A_446] : memref<1024x64xf32, #tpu.memory_space<vmem>> -> memref<128x64xf32, #tpu.memory_space<vmem>>
        %dma_wait3A_448 = arith.constant 0 : i32
        %dma_wait3A_449 = tpu.memref_slice %arg8[%add3A_411, %dma_wait3A_448] : memref<32x128xi32, #tpu.memory_space<vmem>> -> memref<1x128xi32, #tpu.memory_space<vmem>>
        %dma_wait3A_450 = tpu.memref_squeeze %dma_wait3A_449 : memref<1x128xi32, #tpu.memory_space<vmem>> -> memref<128xi32, #tpu.memory_space<vmem>>
        %dma_wait3A_451 = arith.constant 0 : i32
        %dma_wait3A_452 = arith.constant 0 : i32
        %dma_wait3A_453 = tpu.memref_slice %arg10[%dma_wait3A_451, %dma_wait3A_452] : memref<10240x64xf32, #tpu.memory_space<vmem_shared>> -> memref<10240x64xf32, #tpu.memory_space<vmem_shared>>
        tpu.wait_indirect_dma semaphore(%run_scoped3A : memref<!tpu.dma_semaphore, #tpu.memory_space<semaphore_mem>>) src(%dma_wait3A_447 : memref<128x64xf32, #tpu.memory_space<vmem>>) dst(%dma_wait3A_453 : memref<10240x64xf32, #tpu.memory_space<vmem_shared>>)
        tpu.yield
      }) : () -> ()
      %mul3A_412 = arith.constant 4 : i32
      %mul3A_413 = arith.muli %rem3A_115, %mul3A_412 : i32
      %mul3A_414 = arith.constant 4 : i32
      %mul3A_415 = arith.muli %mul3A_413, %mul3A_414 : i32
      %add3A_416 = arith.constant 12 : i32
      %add3A_417 = arith.addi %mul3A_415, %add3A_416 : i32
      %add3A_418 = arith.constant 1 : i32
      %add3A_419 = arith.addi %add3A_417, %add3A_418 : i32
      "tpu.region"() ({
        %run_scoped3A = tpu.sem_alloc : memref<!tpu.dma_semaphore, #tpu.memory_space<semaphore_mem>>
        %dma_start3A_436 = arith.constant 640 : i32
        %dma_start3A_437 = arith.constant 0 : i32
        %dma_start3A_438 = tpu.memref_slice %arg9[%dma_start3A_436, %dma_start3A_437] : memref<1024x64xf32, #tpu.memory_space<vmem>> -> memref<128x64xf32, #tpu.memory_space<vmem>>
        %dma_start3A_439 = arith.constant 0 : i32
        %dma_start3A_440 = tpu.memref_slice %arg8[%add3A_419, %dma_start3A_439] : memref<32x128xi32, #tpu.memory_space<vmem>> -> memref<1x128xi32, #tpu.memory_space<vmem>>
        %dma_start3A_441 = tpu.memref_squeeze %dma_start3A_440 : memref<1x128xi32, #tpu.memory_space<vmem>> -> memref<128xi32, #tpu.memory_space<vmem>>
        %dma_start3A_442 = arith.constant 0 : i32
        %dma_start3A_443 = arith.constant 0 : i32
        %dma_start3A_444 = tpu.memref_slice %arg10[%dma_start3A_442, %dma_start3A_443] : memref<10240x64xf32, #tpu.memory_space<vmem_shared>> -> memref<10240x64xf32, #tpu.memory_space<vmem_shared>>
        tpu.enqueue_indirect_dma source(%dma_start3A_438 : memref<128x64xf32, #tpu.memory_space<vmem>>) target(%dma_start3A_444 : memref<10240x64xf32, #tpu.memory_space<vmem_shared>>) offsets(%dma_start3A_441 : memref<128xi32, #tpu.memory_space<vmem>>) semaphore(%run_scoped3A : memref<!tpu.dma_semaphore, #tpu.memory_space<semaphore_mem>>) {add = true}
        %dma_wait3A_445 = arith.constant 640 : i32
        %dma_wait3A_446 = arith.constant 0 : i32
        %dma_wait3A_447 = tpu.memref_slice %arg9[%dma_wait3A_445, %dma_wait3A_446] : memref<1024x64xf32, #tpu.memory_space<vmem>> -> memref<128x64xf32, #tpu.memory_space<vmem>>
        %dma_wait3A_448 = arith.constant 0 : i32
        %dma_wait3A_449 = tpu.memref_slice %arg8[%add3A_419, %dma_wait3A_448] : memref<32x128xi32, #tpu.memory_space<vmem>> -> memref<1x128xi32, #tpu.memory_space<vmem>>
        %dma_wait3A_450 = tpu.memref_squeeze %dma_wait3A_449 : memref<1x128xi32, #tpu.memory_space<vmem>> -> memref<128xi32, #tpu.memory_space<vmem>>
        %dma_wait3A_451 = arith.constant 0 : i32
        %dma_wait3A_452 = arith.constant 0 : i32
        %dma_wait3A_453 = tpu.memref_slice %arg10[%dma_wait3A_451, %dma_wait3A_452] : memref<10240x64xf32, #tpu.memory_space<vmem_shared>> -> memref<10240x64xf32, #tpu.memory_space<vmem_shared>>
        tpu.wait_indirect_dma semaphore(%run_scoped3A : memref<!tpu.dma_semaphore, #tpu.memory_space<semaphore_mem>>) src(%dma_wait3A_447 : memref<128x64xf32, #tpu.memory_space<vmem>>) dst(%dma_wait3A_453 : memref<10240x64xf32, #tpu.memory_space<vmem_shared>>)
        tpu.yield
      }) : () -> ()
      %mul3A_420 = arith.constant 4 : i32
      %mul3A_421 = arith.muli %rem3A_115, %mul3A_420 : i32
      %mul3A_422 = arith.constant 4 : i32
      %mul3A_423 = arith.muli %mul3A_421, %mul3A_422 : i32
      %add3A_424 = arith.constant 12 : i32
      %add3A_425 = arith.addi %mul3A_423, %add3A_424 : i32
      %add3A_426 = arith.constant 2 : i32
      %add3A_427 = arith.addi %add3A_425, %add3A_426 : i32
      "tpu.region"() ({
        %run_scoped3A = tpu.sem_alloc : memref<!tpu.dma_semaphore, #tpu.memory_space<semaphore_mem>>
        %dma_start3A_436 = arith.constant 768 : i32
        %dma_start3A_437 = arith.constant 0 : i32
        %dma_start3A_438 = tpu.memref_slice %arg9[%dma_start3A_436, %dma_start3A_437] : memref<1024x64xf32, #tpu.memory_space<vmem>> -> memref<128x64xf32, #tpu.memory_space<vmem>>
        %dma_start3A_439 = arith.constant 0 : i32
        %dma_start3A_440 = tpu.memref_slice %arg8[%add3A_427, %dma_start3A_439] : memref<32x128xi32, #tpu.memory_space<vmem>> -> memref<1x128xi32, #tpu.memory_space<vmem>>
        %dma_start3A_441 = tpu.memref_squeeze %dma_start3A_440 : memref<1x128xi32, #tpu.memory_space<vmem>> -> memref<128xi32, #tpu.memory_space<vmem>>
        %dma_start3A_442 = arith.constant 0 : i32
        %dma_start3A_443 = arith.constant 0 : i32
        %dma_start3A_444 = tpu.memref_slice %arg10[%dma_start3A_442, %dma_start3A_443] : memref<10240x64xf32, #tpu.memory_space<vmem_shared>> -> memref<10240x64xf32, #tpu.memory_space<vmem_shared>>
        tpu.enqueue_indirect_dma source(%dma_start3A_438 : memref<128x64xf32, #tpu.memory_space<vmem>>) target(%dma_start3A_444 : memref<10240x64xf32, #tpu.memory_space<vmem_shared>>) offsets(%dma_start3A_441 : memref<128xi32, #tpu.memory_space<vmem>>) semaphore(%run_scoped3A : memref<!tpu.dma_semaphore, #tpu.memory_space<semaphore_mem>>) {add = true}
        %dma_wait3A_445 = arith.constant 768 : i32
        %dma_wait3A_446 = arith.constant 0 : i32
        %dma_wait3A_447 = tpu.memref_slice %arg9[%dma_wait3A_445, %dma_wait3A_446] : memref<1024x64xf32, #tpu.memory_space<vmem>> -> memref<128x64xf32, #tpu.memory_space<vmem>>
        %dma_wait3A_448 = arith.constant 0 : i32
        %dma_wait3A_449 = tpu.memref_slice %arg8[%add3A_427, %dma_wait3A_448] : memref<32x128xi32, #tpu.memory_space<vmem>> -> memref<1x128xi32, #tpu.memory_space<vmem>>
        %dma_wait3A_450 = tpu.memref_squeeze %dma_wait3A_449 : memref<1x128xi32, #tpu.memory_space<vmem>> -> memref<128xi32, #tpu.memory_space<vmem>>
        %dma_wait3A_451 = arith.constant 0 : i32
        %dma_wait3A_452 = arith.constant 0 : i32
        %dma_wait3A_453 = tpu.memref_slice %arg10[%dma_wait3A_451, %dma_wait3A_452] : memref<10240x64xf32, #tpu.memory_space<vmem_shared>> -> memref<10240x64xf32, #tpu.memory_space<vmem_shared>>
        tpu.wait_indirect_dma semaphore(%run_scoped3A : memref<!tpu.dma_semaphore, #tpu.memory_space<semaphore_mem>>) src(%dma_wait3A_447 : memref<128x64xf32, #tpu.memory_space<vmem>>) dst(%dma_wait3A_453 : memref<10240x64xf32, #tpu.memory_space<vmem_shared>>)
        tpu.yield
      }) : () -> ()
      %mul3A_428 = arith.constant 4 : i32
      %mul3A_429 = arith.muli %rem3A_115, %mul3A_428 : i32
      %mul3A_430 = arith.constant 4 : i32
      %mul3A_431 = arith.muli %mul3A_429, %mul3A_430 : i32
      %add3A_432 = arith.constant 12 : i32
      %add3A_433 = arith.addi %mul3A_431, %add3A_432 : i32
      %add3A_434 = arith.constant 3 : i32
      %add3A_435 = arith.addi %add3A_433, %add3A_434 : i32
      "tpu.region"() ({
        %run_scoped3A = tpu.sem_alloc : memref<!tpu.dma_semaphore, #tpu.memory_space<semaphore_mem>>
        %dma_start3A_436 = arith.constant 896 : i32
        %dma_start3A_437 = arith.constant 0 : i32
        %dma_start3A_438 = tpu.memref_slice %arg9[%dma_start3A_436, %dma_start3A_437] : memref<1024x64xf32, #tpu.memory_space<vmem>> -> memref<128x64xf32, #tpu.memory_space<vmem>>
        %dma_start3A_439 = arith.constant 0 : i32
        %dma_start3A_440 = tpu.memref_slice %arg8[%add3A_435, %dma_start3A_439] : memref<32x128xi32, #tpu.memory_space<vmem>> -> memref<1x128xi32, #tpu.memory_space<vmem>>
        %dma_start3A_441 = tpu.memref_squeeze %dma_start3A_440 : memref<1x128xi32, #tpu.memory_space<vmem>> -> memref<128xi32, #tpu.memory_space<vmem>>
        %dma_start3A_442 = arith.constant 0 : i32
        %dma_start3A_443 = arith.constant 0 : i32
        %dma_start3A_444 = tpu.memref_slice %arg10[%dma_start3A_442, %dma_start3A_443] : memref<10240x64xf32, #tpu.memory_space<vmem_shared>> -> memref<10240x64xf32, #tpu.memory_space<vmem_shared>>
        tpu.enqueue_indirect_dma source(%dma_start3A_438 : memref<128x64xf32, #tpu.memory_space<vmem>>) target(%dma_start3A_444 : memref<10240x64xf32, #tpu.memory_space<vmem_shared>>) offsets(%dma_start3A_441 : memref<128xi32, #tpu.memory_space<vmem>>) semaphore(%run_scoped3A : memref<!tpu.dma_semaphore, #tpu.memory_space<semaphore_mem>>) {add = true}
        %dma_wait3A_445 = arith.constant 896 : i32
        %dma_wait3A_446 = arith.constant 0 : i32
        %dma_wait3A_447 = tpu.memref_slice %arg9[%dma_wait3A_445, %dma_wait3A_446] : memref<1024x64xf32, #tpu.memory_space<vmem>> -> memref<128x64xf32, #tpu.memory_space<vmem>>
        %dma_wait3A_448 = arith.constant 0 : i32
        %dma_wait3A_449 = tpu.memref_slice %arg8[%add3A_435, %dma_wait3A_448] : memref<32x128xi32, #tpu.memory_space<vmem>> -> memref<1x128xi32, #tpu.memory_space<vmem>>
        %dma_wait3A_450 = tpu.memref_squeeze %dma_wait3A_449 : memref<1x128xi32, #tpu.memory_space<vmem>> -> memref<128xi32, #tpu.memory_space<vmem>>
        %dma_wait3A_451 = arith.constant 0 : i32
        %dma_wait3A_452 = arith.constant 0 : i32
        %dma_wait3A_453 = tpu.memref_slice %arg10[%dma_wait3A_451, %dma_wait3A_452] : memref<10240x64xf32, #tpu.memory_space<vmem_shared>> -> memref<10240x64xf32, #tpu.memory_space<vmem_shared>>
        tpu.wait_indirect_dma semaphore(%run_scoped3A : memref<!tpu.dma_semaphore, #tpu.memory_space<semaphore_mem>>) src(%dma_wait3A_447 : memref<128x64xf32, #tpu.memory_space<vmem>>) dst(%dma_wait3A_453 : memref<10240x64xf32, #tpu.memory_space<vmem_shared>>)
        tpu.yield
      }) : () -> ()
    }
    %scan3A_103 = arith.constant 5 : i32
    %dma_wait3A_104 = arith.constant 0 : i32
    %dma_wait3A_105 = arith.constant 0 : i32
    %dma_wait3A_106 = tpu.memref_slice %arg9[%dma_wait3A_104, %dma_wait3A_105] : memref<1024x64xf32, #tpu.memory_space<vmem>> -> memref<512x64xf32, #tpu.memory_space<vmem>>
    %dma_wait3A_107 = arith.constant 0 : i32
    %dma_wait3A_108 = tpu.memref_slice %arg7[%dma_wait3A_107] : memref<4096xi32, #tpu.memory_space<vmem>> -> memref<512xi32, #tpu.memory_space<vmem>>
    %dma_wait3A_109 = arith.constant 0 : i32
    %dma_wait3A_110 = arith.constant 0 : i32
    %dma_wait3A_111 = tpu.memref_slice %arg2[%dma_wait3A_109, %dma_wait3A_110] : memref<10240x64xf32, #tpu.memory_space<hbm>> -> memref<10240x64xf32, #tpu.memory_space<hbm>>
    tpu.wait_indirect_dma semaphore(%arg11 : memref<!tpu.dma_semaphore, #tpu.memory_space<semaphore_mem>>) src(%dma_wait3A_111 : memref<10240x64xf32, #tpu.memory_space<hbm>>) dst(%dma_wait3A_106 : memref<512x64xf32, #tpu.memory_space<vmem>>)
    %barrier3A_112 = arith.constant 0 : index
    tpu.barrier barrier_id(%barrier3A_112)
    "tpu.region"() ({
      %run_scoped3A = tpu.sem_alloc : memref<!tpu.dma_semaphore, #tpu.memory_space<semaphore_mem>>
      %dma_start3A_113 = arith.constant 0 : i32
      %dma_start3A_114 = arith.constant 0 : i32
      %dma_start3A_115 = tpu.memref_slice %arg6[%arg0, %dma_start3A_113, %dma_start3A_114] : memref<2x10240x64xf32, #tpu.memory_space<hbm>> -> memref<1x10240x64xf32, #tpu.memory_space<hbm>>
      %dma_start3A_116 = tpu.memref_squeeze %dma_start3A_115 : memref<1x10240x64xf32, #tpu.memory_space<hbm>> -> memref<10240x64xf32, #tpu.memory_space<hbm>>
      %dma_start3A_117 = arith.constant 0 : i32
      %dma_start3A_118 = tpu.memref_slice %dma_start3A_116[%mul3A_2, %dma_start3A_117] : memref<10240x64xf32, #tpu.memory_space<hbm>> -> memref<640x64xf32, #tpu.memory_space<hbm>>
      %dma_start3A_119 = arith.constant 0 : i32
      %dma_start3A_120 = tpu.memref_slice %arg10[%mul3A_2, %dma_start3A_119] : memref<10240x64xf32, #tpu.memory_space<vmem_shared>> -> memref<640x64xf32, #tpu.memory_space<vmem_shared>>
      tpu.enqueue_dma source(%dma_start3A_120 : memref<640x64xf32, #tpu.memory_space<vmem_shared>>) target(%dma_start3A_118 : memref<640x64xf32, #tpu.memory_space<hbm>>) target_semaphore(%run_scoped3A : memref<!tpu.dma_semaphore, #tpu.memory_space<semaphore_mem>>)
      %dma_wait3A_121 = arith.constant 0 : i32
      %dma_wait3A_122 = arith.constant 0 : i32
      %dma_wait3A_123 = tpu.memref_slice %arg6[%arg0, %dma_wait3A_121, %dma_wait3A_122] : memref<2x10240x64xf32, #tpu.memory_space<hbm>> -> memref<1x10240x64xf32, #tpu.memory_space<hbm>>
      %dma_wait3A_124 = tpu.memref_squeeze %dma_wait3A_123 : memref<1x10240x64xf32, #tpu.memory_space<hbm>> -> memref<10240x64xf32, #tpu.memory_space<hbm>>
      %dma_wait3A_125 = arith.constant 0 : i32
      %dma_wait3A_126 = tpu.memref_slice %dma_wait3A_124[%mul3A_2, %dma_wait3A_125] : memref<10240x64xf32, #tpu.memory_space<hbm>> -> memref<640x64xf32, #tpu.memory_space<hbm>>
      %dma_wait3A_127 = arith.constant 0 : i32
      %dma_wait3A_128 = tpu.memref_slice %arg10[%mul3A_2, %dma_wait3A_127] : memref<10240x64xf32, #tpu.memory_space<vmem_shared>> -> memref<640x64xf32, #tpu.memory_space<vmem_shared>>
      tpu.wait_dma2 semaphore(%run_scoped3A : memref<!tpu.dma_semaphore, #tpu.memory_space<semaphore_mem>>) src(%dma_wait3A_128 : memref<640x64xf32, #tpu.memory_space<vmem_shared>>) dst(%dma_wait3A_126 : memref<640x64xf32, #tpu.memory_space<hbm>>)
      tpu.yield
    }) : () -> ()
    return
  }
}

module attributes {stable_mosaic.version = 14 : i64} {
  func.func @body(%arg0: memref<2x10240x128xf32, #tpu.memory_space<vmem>>, %arg1: memref<10240x2xf32, #tpu.memory_space<vmem>>, %arg2: memref<128x64xf32, #tpu.memory_space<vmem>>, %arg3: memref<1x64xf32, #tpu.memory_space<vmem>>, %arg4: memref<10240x64xf32, #tpu.memory_space<vmem>>) attributes {dimension_semantics = [], scalar_prefetch = 0 : i64, scratch_operands = 0 : i64, tpu.core_type = #tpu.core_type<tc>} {
    %get3A = arith.constant 0 : index
    %get3A_0 = arith.constant 0 : index
    %get3A_1 = arith.constant 0 : index
    %get3A_2 = vector.load %arg0[%get3A, %get3A_0, %get3A_1] : memref<2x10240x128xf32, #tpu.memory_space<vmem>>, vector<1x10240x128xf32>
    %get3A_3 = vector.shape_cast %get3A_2 : vector<1x10240x128xf32> to vector<10240x128xf32>
    %get3A_4 = arith.constant 1 : index
    %get3A_5 = arith.constant 0 : index
    %get3A_6 = arith.constant 0 : index
    %get3A_7 = vector.load %arg0[%get3A_4, %get3A_5, %get3A_6] : memref<2x10240x128xf32, #tpu.memory_space<vmem>>, vector<1x10240x128xf32>
    %get3A_8 = vector.shape_cast %get3A_7 : vector<1x10240x128xf32> to vector<10240x128xf32>
    %add3A = arith.addf %get3A_3, %get3A_8 : vector<10240x128xf32>
    %get3A_9 = arith.constant 0 : index
    %get3A_10 = arith.constant 0 : index
    %get3A_11 = vector.load %arg1[%get3A_9, %get3A_10] : memref<10240x2xf32, #tpu.memory_space<vmem>>, vector<10240x1xf32>
    %get3A_12 = arith.constant 0 : index
    %get3A_13 = arith.constant 1 : index
    %get3A_14 = vector.load %arg1[%get3A_12, %get3A_13] : memref<10240x2xf32, #tpu.memory_space<vmem>>, vector<10240x1xf32>
    %add3A_15 = arith.addf %get3A_11, %get3A_14 : vector<10240x1xf32>
    %max3A = arith.constant 1.000000e+00 : f32
    %max3A_16 = vector.broadcast %max3A : f32 to vector<10240x1xf32>
    %max3A_17 = arith.maximumf %add3A_15, %max3A_16 : vector<10240x1xf32>
    %div3A = vector.broadcast %max3A_17 : vector<10240x1xf32> to vector<10240x128xf32>
    %div3A_18 = arith.divf %add3A, %div3A : vector<10240x128xf32>
    %get3A_19 = arith.constant 0 : index
    %get3A_20 = arith.constant 0 : index
    %get3A_21 = vector.load %arg2[%get3A_19, %get3A_20] : memref<128x64xf32, #tpu.memory_space<vmem>>, vector<128x64xf32>
    %dot_general3A = arith.constant dense<0.000000e+00> : vector<10240x64xf32>
    %dot_general3A_22 = tpu.matmul %div3A_18, %get3A_21, %dot_general3A {dimension_numbers = #tpu.dot_dimension_numbers<[1], [0], [0], [1], [0, 0, 1, 1], [], []>, transpose_lhs_hint = false} : vector<10240x128xf32>, vector<128x64xf32>, vector<10240x64xf32> -> vector<10240x64xf32>
    %get3A_23 = arith.constant 0 : index
    %get3A_24 = arith.constant 0 : index
    %get3A_25 = vector.load %arg3[%get3A_23, %get3A_24] : memref<1x64xf32, #tpu.memory_space<vmem>>, vector<1x64xf32>
    %add3A_26 = vector.broadcast %get3A_25 : vector<1x64xf32> to vector<10240x64xf32>
    %add3A_27 = arith.addf %dot_general3A_22, %add3A_26 : vector<10240x64xf32>
    %max3A_28 = arith.constant 0.000000e+00 : f32
    %max3A_29 = vector.broadcast %max3A_28 : f32 to vector<10240x64xf32>
    %max3A_30 = arith.maximumf %add3A_27, %max3A_29 : vector<10240x64xf32>
    %swap3A = arith.constant 0 : index
    %swap3A_31 = arith.constant 0 : index
    %swap3A_32 = vector.load %arg4[%swap3A, %swap3A_31] : memref<10240x64xf32, #tpu.memory_space<vmem>>, vector<10240x64xf32>
    tpu.vector_store %arg4[%swap3A, %swap3A_31], %max3A_30 {strides = array<i32>} : memref<10240x64xf32, #tpu.memory_space<vmem>>, vector<10240x64xf32>,
    return
  }
}

module attributes {stable_mosaic.version = 14 : i64} {
  func.func @body(%arg0: memref<2x10240x64xf32, #tpu.memory_space<vmem>>, %arg1: memref<10240x2xf32, #tpu.memory_space<vmem>>, %arg2: memref<64x32xf32, #tpu.memory_space<vmem>>, %arg3: memref<1x32xf32, #tpu.memory_space<vmem>>, %arg4: memref<10240x32xf32, #tpu.memory_space<vmem>>) attributes {dimension_semantics = [], scalar_prefetch = 0 : i64, scratch_operands = 0 : i64, tpu.core_type = #tpu.core_type<tc>} {
    %get3A = arith.constant 0 : index
    %get3A_0 = arith.constant 0 : index
    %get3A_1 = arith.constant 0 : index
    %get3A_2 = vector.load %arg0[%get3A, %get3A_0, %get3A_1] : memref<2x10240x64xf32, #tpu.memory_space<vmem>>, vector<1x10240x64xf32>
    %get3A_3 = vector.shape_cast %get3A_2 : vector<1x10240x64xf32> to vector<10240x64xf32>
    %get3A_4 = arith.constant 1 : index
    %get3A_5 = arith.constant 0 : index
    %get3A_6 = arith.constant 0 : index
    %get3A_7 = vector.load %arg0[%get3A_4, %get3A_5, %get3A_6] : memref<2x10240x64xf32, #tpu.memory_space<vmem>>, vector<1x10240x64xf32>
    %get3A_8 = vector.shape_cast %get3A_7 : vector<1x10240x64xf32> to vector<10240x64xf32>
    %add3A = arith.addf %get3A_3, %get3A_8 : vector<10240x64xf32>
    %get3A_9 = arith.constant 0 : index
    %get3A_10 = arith.constant 0 : index
    %get3A_11 = vector.load %arg1[%get3A_9, %get3A_10] : memref<10240x2xf32, #tpu.memory_space<vmem>>, vector<10240x1xf32>
    %get3A_12 = arith.constant 0 : index
    %get3A_13 = arith.constant 1 : index
    %get3A_14 = vector.load %arg1[%get3A_12, %get3A_13] : memref<10240x2xf32, #tpu.memory_space<vmem>>, vector<10240x1xf32>
    %add3A_15 = arith.addf %get3A_11, %get3A_14 : vector<10240x1xf32>
    %max3A = arith.constant 1.000000e+00 : f32
    %max3A_16 = vector.broadcast %max3A : f32 to vector<10240x1xf32>
    %max3A_17 = arith.maximumf %add3A_15, %max3A_16 : vector<10240x1xf32>
    %div3A = vector.broadcast %max3A_17 : vector<10240x1xf32> to vector<10240x64xf32>
    %div3A_18 = arith.divf %add3A, %div3A : vector<10240x64xf32>
    %get3A_19 = arith.constant 0 : index
    %get3A_20 = arith.constant 0 : index
    %get3A_21 = vector.load %arg2[%get3A_19, %get3A_20] : memref<64x32xf32, #tpu.memory_space<vmem>>, vector<64x32xf32>
    %dot_general3A = arith.constant dense<0.000000e+00> : vector<10240x32xf32>
    %dot_general3A_22 = tpu.matmul %div3A_18, %get3A_21, %dot_general3A {dimension_numbers = #tpu.dot_dimension_numbers<[1], [0], [0], [1], [0, 0, 1, 1], [], []>, transpose_lhs_hint = false} : vector<10240x64xf32>, vector<64x32xf32>, vector<10240x32xf32> -> vector<10240x32xf32>
    %get3A_23 = arith.constant 0 : index
    %get3A_24 = arith.constant 0 : index
    %get3A_25 = vector.load %arg3[%get3A_23, %get3A_24] : memref<1x32xf32, #tpu.memory_space<vmem>>, vector<1x32xf32>
    %add3A_26 = vector.broadcast %get3A_25 : vector<1x32xf32> to vector<10240x32xf32>
    %add3A_27 = arith.addf %dot_general3A_22, %add3A_26 : vector<10240x32xf32>
    %max3A_28 = arith.constant 0.000000e+00 : f32
    %max3A_29 = vector.broadcast %max3A_28 : f32 to vector<10240x32xf32>
    %max3A_30 = arith.maximumf %add3A_27, %max3A_29 : vector<10240x32xf32>
    %swap3A = arith.constant 0 : index
    %swap3A_31 = arith.constant 0 : index
    %swap3A_32 = vector.load %arg4[%swap3A, %swap3A_31] : memref<10240x32xf32, #tpu.memory_space<vmem>>, vector<10240x32xf32>
    tpu.vector_store %arg4[%swap3A, %swap3A_31], %max3A_30 {strides = array<i32>} : memref<10240x32xf32, #tpu.memory_space<vmem>>, vector<10240x32xf32>,
    return
  }
}

module attributes {stable_mosaic.version = 14 : i64} {
  func.func @body(%arg0: memref<2x10240x32xf32, #tpu.memory_space<vmem>>, %arg1: memref<10240x2xf32, #tpu.memory_space<vmem>>, %arg2: memref<32x16xf32, #tpu.memory_space<vmem>>, %arg3: memref<1x16xf32, #tpu.memory_space<vmem>>, %arg4: memref<10240x16xf32, #tpu.memory_space<vmem>>) attributes {dimension_semantics = [], scalar_prefetch = 0 : i64, scratch_operands = 0 : i64, tpu.core_type = #tpu.core_type<tc>} {
    %get3A = arith.constant 0 : index
    %get3A_0 = arith.constant 0 : index
    %get3A_1 = arith.constant 0 : index
    %get3A_2 = vector.load %arg0[%get3A, %get3A_0, %get3A_1] : memref<2x10240x32xf32, #tpu.memory_space<vmem>>, vector<1x10240x32xf32>
    %get3A_3 = vector.shape_cast %get3A_2 : vector<1x10240x32xf32> to vector<10240x32xf32>
    %get3A_4 = arith.constant 1 : index
    %get3A_5 = arith.constant 0 : index
    %get3A_6 = arith.constant 0 : index
    %get3A_7 = vector.load %arg0[%get3A_4, %get3A_5, %get3A_6] : memref<2x10240x32xf32, #tpu.memory_space<vmem>>, vector<1x10240x32xf32>
    %get3A_8 = vector.shape_cast %get3A_7 : vector<1x10240x32xf32> to vector<10240x32xf32>
    %add3A = arith.addf %get3A_3, %get3A_8 : vector<10240x32xf32>
    %get3A_9 = arith.constant 0 : index
    %get3A_10 = arith.constant 0 : index
    %get3A_11 = vector.load %arg1[%get3A_9, %get3A_10] : memref<10240x2xf32, #tpu.memory_space<vmem>>, vector<10240x1xf32>
    %get3A_12 = arith.constant 0 : index
    %get3A_13 = arith.constant 1 : index
    %get3A_14 = vector.load %arg1[%get3A_12, %get3A_13] : memref<10240x2xf32, #tpu.memory_space<vmem>>, vector<10240x1xf32>
    %add3A_15 = arith.addf %get3A_11, %get3A_14 : vector<10240x1xf32>
    %max3A = arith.constant 1.000000e+00 : f32
    %max3A_16 = vector.broadcast %max3A : f32 to vector<10240x1xf32>
    %max3A_17 = arith.maximumf %add3A_15, %max3A_16 : vector<10240x1xf32>
    %div3A = vector.broadcast %max3A_17 : vector<10240x1xf32> to vector<10240x32xf32>
    %div3A_18 = arith.divf %add3A, %div3A : vector<10240x32xf32>
    %get3A_19 = arith.constant 0 : index
    %get3A_20 = arith.constant 0 : index
    %get3A_21 = vector.load %arg2[%get3A_19, %get3A_20] : memref<32x16xf32, #tpu.memory_space<vmem>>, vector<32x16xf32>
    %dot_general3A = arith.constant dense<0.000000e+00> : vector<10240x16xf32>
    %dot_general3A_22 = tpu.matmul %div3A_18, %get3A_21, %dot_general3A {dimension_numbers = #tpu.dot_dimension_numbers<[1], [0], [0], [1], [0, 0, 1, 1], [], []>, transpose_lhs_hint = false} : vector<10240x32xf32>, vector<32x16xf32>, vector<10240x16xf32> -> vector<10240x16xf32>
    %get3A_23 = arith.constant 0 : index
    %get3A_24 = arith.constant 0 : index
    %get3A_25 = vector.load %arg3[%get3A_23, %get3A_24] : memref<1x16xf32, #tpu.memory_space<vmem>>, vector<1x16xf32>
    %add3A_26 = vector.broadcast %get3A_25 : vector<1x16xf32> to vector<10240x16xf32>
    %add3A_27 = arith.addf %dot_general3A_22, %add3A_26 : vector<10240x16xf32>
    %swap3A = arith.constant 0 : index
    %swap3A_28 = arith.constant 0 : index
    %swap3A_29 = vector.load %arg4[%swap3A, %swap3A_28] : memref<10240x16xf32, #tpu.memory_space<vmem>>, vector<10240x16xf32>
    tpu.vector_store %arg4[%swap3A, %swap3A_28], %add3A_27 {strides = array<i32>} : memref<10240x16xf32, #tpu.memory_space<vmem>>, vector<10240x16xf32>,
    return
  }
}

module attributes {stable_mosaic.version = 14 : i64} {
  func.func @_head_body(%arg0: i32, %arg1: memref<4096x16xf32, #tpu.memory_space<vmem>>, %arg2: memref<4096x16xf32, #tpu.memory_space<vmem>>, %arg3: memref<16x32xf32, #tpu.memory_space<vmem>>, %arg4: memref<1x32xf32, #tpu.memory_space<vmem>>, %arg5: memref<32x1xf32, #tpu.memory_space<vmem>>, %arg6: memref<1x1xf32, #tpu.memory_space<vmem>>, %arg7: memref<4096x1xf32, #tpu.memory_space<vmem>>) attributes {dimension_semantics = [#tpu.dimension_semantics<arbitrary>], iteration_bounds = array<i64: 13>, scalar_prefetch = 0 : i64, scratch_operands = 0 : i64, tpu.core_type = #tpu.core_type<tc>, window_params = [{transform_indices = @transform_0, window_bounds = array<i64: 4096, 16>}, {transform_indices = @transform_1, window_bounds = array<i64: 4096, 16>}, {pipeline_mode = #tpu.pipeline_mode<synchronous>, transform_indices = @transform_2, window_bounds = array<i64: 16, 32>}, {pipeline_mode = #tpu.pipeline_mode<synchronous>, transform_indices = @transform_3, window_bounds = array<i64: 1, 32>}, {pipeline_mode = #tpu.pipeline_mode<synchronous>, transform_indices = @transform_4, window_bounds = array<i64: 32, 1>}, {pipeline_mode = #tpu.pipeline_mode<synchronous>, transform_indices = @transform_5, window_bounds = array<i64: 1, 1>}, {transform_indices = @transform_6, window_bounds = array<i64: 4096, 1>}]} {
    %get3A = arith.constant 0 : index
    %get3A_0 = arith.constant 0 : index
    %get3A_1 = vector.load %arg1[%get3A, %get3A_0] : memref<4096x16xf32, #tpu.memory_space<vmem>>, vector<4096x16xf32>
    %get3A_2 = arith.constant 0 : index
    %get3A_3 = arith.constant 0 : index
    %get3A_4 = vector.load %arg2[%get3A_2, %get3A_3] : memref<4096x16xf32, #tpu.memory_space<vmem>>, vector<4096x16xf32>
    %sub3A = arith.subf %get3A_1, %get3A_4 : vector<4096x16xf32>
    %abs3A = math.absf %sub3A : vector<4096x16xf32>
    %get3A_5 = arith.constant 0 : index
    %get3A_6 = arith.constant 0 : index
    %get3A_7 = vector.load %arg3[%get3A_5, %get3A_6] : memref<16x32xf32, #tpu.memory_space<vmem>>, vector<16x32xf32>
    %dot_general3A = arith.constant dense<0.000000e+00> : vector<4096x32xf32>
    %dot_general3A_8 = tpu.matmul %abs3A, %get3A_7, %dot_general3A {dimension_numbers = #tpu.dot_dimension_numbers<[1], [0], [0], [1], [0, 0, 1, 1], [], []>, transpose_lhs_hint = false} : vector<4096x16xf32>, vector<16x32xf32>, vector<4096x32xf32> -> vector<4096x32xf32>
    %get3A_9 = arith.constant 0 : index
    %get3A_10 = arith.constant 0 : index
    %get3A_11 = vector.load %arg4[%get3A_9, %get3A_10] : memref<1x32xf32, #tpu.memory_space<vmem>>, vector<1x32xf32>
    %add3A = vector.broadcast %get3A_11 : vector<1x32xf32> to vector<4096x32xf32>
    %add3A_12 = arith.addf %dot_general3A_8, %add3A : vector<4096x32xf32>
    %max3A = arith.constant 0.000000e+00 : f32
    %max3A_13 = vector.broadcast %max3A : f32 to vector<4096x32xf32>
    %max3A_14 = arith.maximumf %add3A_12, %max3A_13 : vector<4096x32xf32>
    %get3A_15 = arith.constant 0 : index
    %get3A_16 = arith.constant 0 : index
    %get3A_17 = vector.load %arg5[%get3A_15, %get3A_16] : memref<32x1xf32, #tpu.memory_space<vmem>>, vector<32x1xf32>
    %dot_general3A_18 = arith.constant dense<0.000000e+00> : vector<4096x1xf32>
    %dot_general3A_19 = tpu.matmul %max3A_14, %get3A_17, %dot_general3A_18 {dimension_numbers = #tpu.dot_dimension_numbers<[1], [0], [0], [1], [0, 0, 1, 1], [], []>, transpose_lhs_hint = false} : vector<4096x32xf32>, vector<32x1xf32>, vector<4096x1xf32> -> vector<4096x1xf32>
    %get3A_20 = arith.constant 0 : index
    %get3A_21 = arith.constant 0 : index
    %get3A_22 = vector.load %arg6[%get3A_20, %get3A_21] : memref<1x1xf32, #tpu.memory_space<vmem>>, vector<1x1xf32>
    %add3A_23 = vector.broadcast %get3A_22 : vector<1x1xf32> to vector<4096x1xf32>
    %add3A_24 = arith.addf %dot_general3A_19, %add3A_23 : vector<4096x1xf32>
    %swap3A = arith.constant 0 : index
    %swap3A_25 = arith.constant 0 : index
    %swap3A_26 = vector.load %arg7[%swap3A, %swap3A_25] : memref<4096x1xf32, #tpu.memory_space<vmem>>, vector<4096x1xf32>
    tpu.vector_store %arg7[%swap3A, %swap3A_25], %add3A_24 {strides = array<i32>} : memref<4096x1xf32, #tpu.memory_space<vmem>>, vector<4096x1xf32>,
    return
  }
  func.func @transform_0(%arg0: i32) -> (i32, i32) {
    %c0_i32 = arith.constant 0 : i32
    %c0_i32_0 = arith.constant 0 : i32
    return %arg0, %c0_i32 : i32, i32
  }
  func.func @transform_1(%arg0: i32) -> (i32, i32) {
    %c0_i32 = arith.constant 0 : i32
    %c0_i32_0 = arith.constant 0 : i32
    return %arg0, %c0_i32 : i32, i32
  }
  func.func @transform_2(%arg0: i32) -> (i32, i32) {
    %c0_i32 = arith.constant 0 : i32
    %c0_i32_0 = arith.constant 0 : i32
    %c0_i32_1 = arith.constant 0 : i32
    return %c0_i32, %c0_i32_0 : i32, i32
  }
  func.func @transform_3(%arg0: i32) -> (i32, i32) {
    %c0_i32 = arith.constant 0 : i32
    %c0_i32_0 = arith.constant 0 : i32
    %c0_i32_1 = arith.constant 0 : i32
    return %c0_i32, %c0_i32_0 : i32, i32
  }
  func.func @transform_4(%arg0: i32) -> (i32, i32) {
    %c0_i32 = arith.constant 0 : i32
    %c0_i32_0 = arith.constant 0 : i32
    %c0_i32_1 = arith.constant 0 : i32
    return %c0_i32, %c0_i32_0 : i32, i32
  }
  func.func @transform_5(%arg0: i32) -> (i32, i32) {
    %c0_i32 = arith.constant 0 : i32
    %c0_i32_0 = arith.constant 0 : i32
    %c0_i32_1 = arith.constant 0 : i32
    return %c0_i32, %c0_i32_0 : i32, i32
  }
  func.func @transform_6(%arg0: i32) -> (i32, i32) {
    %c0_i32 = arith.constant 0 : i32
    %c0_i32_0 = arith.constant 0 : i32
    return %arg0, %c0_i32 : i32, i32
  }
}

</mosaic_0001>

<sc_bundles>
// kernel: kernel.10.cloned.1.call-start
scs
__scs_entry_jumppad:
0x0: {  	(pc) =	sbr.rel $0x88, $3  }
0x1: {  	(tag) =	ssettag $0x0;
	lr =	simm.s32 $0x1  }
0x2: {  	[smem:$0x3F94] =	sst lr;
	_ =	strace $0xD0000000  }
0x3: {  	_ = 	snop  }
0x4: {  	_ = 	snop  }
0x5: {  	_ = 	snop  }
0x6: {  	_ = 	snop  }
0x7: {  	_ = 	snop  }
__scs_overlays_trampoline_lowered:
0x8: {  	[smem:$0x3FA3] =	sst s0  }
0x9: {  	[smem:$0x3FA4] =	sst s1  }
0xa: {  	[smem:$0x3FA5] =	sst s2  }
0xb: {  	[smem:$0x3FA6] =	sst s3  }
0xc: {  	[smem:$0x3FA7] =	sst s4  }
0xd: {  	[smem:$0x3FA8] =	sst s5  }
0xe: {  	[smem:$0x3FA9] =	sst s6  }
0xf: {  	[smem:$0x3FAA] =	sst s7  }
0x10: {  	[smem:$0x3FAB] =	sst s8  }
0x11: {  	[smem:$0x3FAC] =	sst s9;
	s0 =	simm.s32 @!p0 $0x0  }
0x12: {  	s1 =	sld [smem:$0x3F92];
	s0 =	simm.s32 @p0 $0x1  }
0x13: {  	[smem:$0x3FAD] =	sst s0;
	s0 =	simm.s32 @!p1 $0x0  }
0x14: {  	s2 =	sld [smem:$0x3F91];
	s0 =	simm.s32 @p1 $0x1  }
0x15: {  	[smem:$0x3FAE] =	sst s0;
	s0 =	simm.s32 @!p2 $0x0  }
0x16: {  	s3 =	sld [smem:$0x3FDB];
	s0 =	simm.s32 @p2 $0x1  }
0x17: {  	s4 =	simm.s32 $0x1BF5;
	[smem:$0x3FB0] =	sst s0  }
0x18: {  	s0 =	sld [smem:$0x3F93];
	_ =	swait.ge [sflag:s4], $0x0  }
0x19: {  	s7 =	sld [smem:$0x3F94]  }
0x1a: {  	s8 =	sadd.s32 $0xFFFFE003, lr  }
0x1b: {  	s9 =	sadd.s32 $0xFFFFFEF7, lr;
	s5 =	simm.s32 $0xFFFFFFFF;
	p2 =	slt.u32 s8, $0xFFFFF086  }
0x1c: {  	p1 =	slt.u32 s9, $0xF7A;
	s5 =	simm.s32 @!p2 $0x0  }
0x1d: {  	s5 =	simm.s32 @p1 $0x1;
	p0 =	seq.s32 s7, s2  }
0x1e: {  	s7 =	smul.u32 @!p0 $0xF7A, s2;
	p2 =	seq.s32 @!p0 s5, $0x0  }
0x1f: {  	s9 =	smul.u32 $0xF7A, s1;
	s8 =	simm.s32 @!p0 $0x1BF5;
	p2 =	por !p2, p0  }
0x20: {  	[sflag:s8] =	ssyncset.s32 @!p0 $0xFFFFF086;
	s6 =	sadd.s32 @!p0 s3, s7;
	s7 =	simm.s32 @!p0 $0x108  }
0x21: {  	s3 =	sadd.s32 s3, s9;
	s6 =	sadd.s32 @!p0 $0x88, s6;
	s7 =	simm.s32 @p2 $0x1082  }
0x22: {  	[simem:s7], [sflag:s8] =	dma.local @!p0 [hbm:s6], $0xF7A  }
0x23: {  	s9 =	sor.u32 $0xD0000000, s2;
	s6 =	simm.s32 $0x108;
	_ =	swait.ge @!p0 [sflag:s8], $0x0  }
0x24: {  	s3 =	sadd.s32 $0x88, s3;
	s6 =	simm.s32 @!p1 $0x1082;
	[sflag:s4] =	ssyncset.s32 $0xFFFFF086  }
0x25: {  	[simem:s6], [sflag:s4] =	dma.local [hbm:s3], $0xF7A  }
0x26: {  	[smem:$0x3F94] =	sst s1;
	(tag) =	ssettag s2;
	_ =	strace s9  }
0x27: {  	s1 =	sld [smem:$0x3FA4]  }
0x28: {  	s2 =	sld [smem:$0x3FA5]  }
0x29: {  	s4 =	sld [smem:$0x3FA7]  }
0x2a: {  	p0 =	seq.s32 s5, $0x0;
	s5 =	sld [smem:$0x3FA8]  }
0x2b: {  	s6 =	sld [smem:$0x3FA9]  }
0x2c: {  	s7 =	sld [smem:$0x3FAA]  }
0x2d: {  	s3 =	simm.s32 $0x108;
	s8 =	sld [smem:$0x3FAB]  }
0x2e: {  	s3 =	simm.s32 @!p0 $0x1082;
	s9 =	sld [smem:$0x3FAC]  }
0x2f: {  	lr =	sadd.s32 s0, s3;
	s0 =	sld [smem:$0x3FA3]  }
0x30: {  	s3 =	sld [smem:$0x3FA6]  }
0x31: {  	[smem:$0x3FAF] =	sst s10  }
0x32: {  	s10 =	sld [smem:$0x3FAD];
	_ =	sdelay $0x3  }
0x33: {  	p0 =	seq.s32 s10, $0x1;
	s10 =	sld [smem:$0x3FAF];
	_ =	sdelay $0x3  }
0x34: {  	[smem:$0x3FAF] =	sst s10  }
0x35: {  	s10 =	sld [smem:$0x3FAE];
	_ =	sdelay $0x3  }
0x36: {  	p1 =	seq.s32 s10, $0x1;
	s10 =	sld [smem:$0x3FAF];
	_ =	sdelay $0x3  }
0x37: {  	[smem:$0x3FAF] =	sst s10  }
0x38: {  	s10 =	sld [smem:$0x3FB0]  }
0x39: {  	_ = 	snop;
	(pc) =	sbr.ind lr, $3  }
0x3a: {  	_ = 	snop  }
0x3b: {  	_ = 	snop  }
0x3c: {  	p2 =	seq.s32 s10, $0x1;
	s10 =	sld [smem:$0x3FAF]  }
0x3d: {  	_ =	shalt  }
0x3e: {  	_ =	shalt  }
0x3f: {  	_ =	shalt  }
0x40: {  	_ =	shalt  }
0x41: {  	_ =	shalt  }
0x42: {  	_ =	shalt  }
0x43: {  	_ =	shalt  }
0x44: {  	_ =	shalt  }
0x45: {  	_ =	shalt  }
0x46: {  	_ =	shalt  }
0x47: {  	_ =	shalt  }
0x48: {  	_ =	shalt  }
0x49: {  	_ =	shalt  }
0x4a: {  	_ =	shalt  }
0x4b: {  	_ =	shalt  }
0x4c: {  	_ =	shalt  }
0x4d: {  	_ =	shalt  }
0x4e: {  	_ =	shalt  }
0x4f: {  	_ =	shalt  }
0x50: {  	_ =	shalt  }
0x51: {  	_ =	shalt  }
0x52: {  	_ =	shalt  }
0x53: {  	_ =	shalt  }
0x54: {  	_ =	shalt  }
0x55: {  	_ =	shalt  }
0x56: {  	_ =	shalt  }
0x57: {  	_ =	shalt  }
0x58: {  	_ =	shalt  }
0x59: {  	_ =	shalt  }
0x5a: {  	_ =	shalt  }
0x5b: {  	_ =	shalt  }
0x5c: {  	_ =	shalt  }
0x5d: {  	_ =	shalt  }
0x5e: {  	_ =	shalt  }
0x5f: {  	_ =	shalt  }
0x60: {  	_ =	shalt  }
0x61: {  	_ =	shalt  }
0x62: {  	_ =	shalt  }
0x63: {  	_ =	shalt  }
0x64: {  	_ =	shalt  }
0x65: {  	_ =	shalt  }
0x66: {  	_ =	shalt  }
0x67: {  	_ =	shalt  }
0x68: {  	_ =	shalt  }
0x69: {  	_ =	shalt  }
0x6a: {  	_ =	shalt  }
0x6b: {  	_ =	shalt  }
0x6c: {  	_ =	shalt  }
0x6d: {  	_ =	shalt  }
0x6e: {  	_ =	shalt  }
0x6f: {  	_ =	shalt  }
0x70: {  	_ =	shalt  }
0x71: {  	_ =	shalt  }
0x72: {  	_ =	shalt  }
0x73: {  	_ =	shalt  }
0x74: {  	_ =	shalt  }
0x75: {  	_ =	shalt  }
0x76: {  	_ =	shalt  }
0x77: {  	_ =	shalt  }
0x78: {  	_ =	shalt  }
0x79: {  	_ =	shalt  }
0x7a: {  	_ =	shalt  }
0x7b: {  	_ =	shalt  }
0x7c: {  	_ =	shalt  }
0x7d: {  	_ =	shalt  }
0x7e: {  	_ =	shalt  }
0x7f: {  	_ =	shalt  }
0x80: {  	_ =	shalt  }
0x81: {  	_ =	shalt  }
0x82: {  	_ =	shalt  }
0x83: {  	_ =	shalt  }
0x84: {  	_ =	shalt  }
0x85: {  	_ =	shalt  }
0x86: {  	_ =	shalt  }
0x87: {  	_ =	shalt  }
.Lfunc_end0:
.L_simem_size_0:
called_computation_lowered:
.L_overlay_start_0:
0x88: {  	s2 =	sld [smem:$0x3FD9]  }
0x89: {  	s3 =	sld [smem:$0x3FFE];
	_ =	sdelay $0x1  }
0x8a: {  	s1 =	srdreg.scid  }
0x8b: {  	s0 =	sand.u32 $0x1, s1  }
0x8c: {  	s17 =	sshll.u32 s0, $0xA;
	s2 =	sadd.s32 s3, s2  }
0x8d: {  	s2 =	sadd.s32 s2, s17  }
0x8e: {  	[smem:$0x3FBB] =	sst s2  }
0x8f: {  	_ = 	snop  }
0x90: {  	s2 =	sld [smem:$0x3FD0];
	(tm) =	ssettm $0x1  }
0x91: {  	s18 =	sld [smem:$0x3FFB];
	_ =	sdelay $0x3  }
0x92: {  	_ =	strace s18  }
0x93: {  	s3 =	sld [smem:$0x3FFC];
	_ =	sdelay $0x3  }
0x94: {  	_ =	strace s3  }
0x95: {  	s3 =	sld [smem:$0x3FFD];
	_ =	sdelay $0x3  }
0x96: {  	_ =	strace s3  }
0x97: {  	_ =	strace $0x8FFFFFFF  }
0x98: {  	s19 =	sld [smem:$0x3FDB];
	_ =	sdelay $0x1  }
0x99: {  	s4 =	simm.s32 $_scs_section_size  }
0x9a: {  	s5 =	simm.s32 $_size__tile_overlayer_lowered;
	s6 =	simm.s32 $_tile_overlayer_lowered  }
0x9b: {  	s22 =	simm.s32 $0x1BFF;
	s21 =	sshll.u32 s6, $0x1;
	s3 =	sadd.s32 s4, s19  }
0x9c: {  	s7 =	simm.s32 $0x0;
	s20 =	sshll.u32 s5, $0x1;
	s5 =	sadd.s32 s21, s3  }
0x9d: {  	[timem:s7], [sflag:s22] =	dma.local [hbm:s5], s20  }
0x9e: {  	_ =	swait.ge [sflag:s22], s20  }
0x9f: {  	s4 =	ssub.s32 $0x0, s20;
	[sflag:s22] =	ssyncset.done $0x0  }
0xa0: {  	[sflag:s22] =	ssyncadd.s32 s4;
	_ =	sdelay $0x1  }
0xa1: {  	s23 =	simm.s32 $0x1B8B  }
0xa2: {  	_ =	swait.ge [sflag:s23], $0x1  }
0xa3: {  	[sflag:s23] =	ssyncset.done $0x0  }
0xa4: {  	s25 =	simm.s32 $0x1B8E;
	s24 =	sld [smem:$0x3FFE];
	[sflag:s23] =	ssyncadd.s32 $0xFFFFFFFF  }
0xa5: {  	s26 =	simm.s32 $execute0_lowered;
	[smem:$0x3FD2] =	sst s25  }
0xa6: {  	s5 =	sshll.u32 s26, $0x1;
	_ =	strace $0x80000046;
	[dreg:$0x1] =	wrdreg $0xFFFFFFFF  }
0xa7: {  	s28 =	simm.s32 $_size_execute0_lowered;
	s3 =	sadd.s32 s3, s5;
	[dreg:$0x0] =	wrdreg $0x0  }
0xa8: {  	s5 =	sshll.u32 s28, $0x1;
	[dreg:$0x2] =	wrdreg s3  }
0xa9: {  	[dreg:$0x3] =	wrdreg s5  }
0xaa: {  	[dreg:$0x4] =	wrdreg $0xC0  }
0xab: {  	_ =	task [dreg:s7], $0x5FFFF  }
0xac: {  	[dreg:$0x1] =	wrdreg $0xFFFFFFFF  }
0xad: {  	[dreg:$0x0] =	wrdreg $0x60  }
0xae: {  	[dreg:$0x2] =	wrdreg s24  }
0xaf: {  	[dreg:$0x3] =	wrdreg s2  }
0xb0: {  	[dreg:$0x4] =	wrdreg $0x90000  }
0xb1: {  	[dreg:$0x5] =	wrdreg $0x1D0800  }
0xb2: {  	[dreg:$0x6] =	wrdreg $0x9  }
0xb3: {  	_ =	task.clear_ibuf [dreg:s7], $0x7FFFF;
	_ =	strace $0x90000046  }
0xb4: {  	s29 =	simm.s32 $0x9;
	_ =	strace $0x80000048  }
0xb5: {  	_ =	swait.ge [sflag:s29], $0x1  }
0xb6: {  	[sflag:s29] =	ssyncadd.s32 $0xFFFFFFFF  }
0xb7: {  	_ =	strace $0x90000048  }
0xb8: {  	_ =	sfence  }
0xb9: {  	s30 =	sld [smem:$0x0];
	_ =	sdelay $0x2  }
0xba: {  	s31 =	sshll.u32 s1, $0xD;
	s1 =	sshrl.u32 s1, $0x2  }
0xbb: {  	s3 =	sand.u32 $0x4000, s31;
	s1 =	sadd.s32 s1, s30  }
0xbc: {  	s0 =	sor.u32 s3, s0;
	s1 =	sshll.u32 s1, $0x11  }
0xbd: {  	s0 =	sor.u32 s1, s0  }
0xbe: {  	s0 =	sadd.s32 $0x8F2B, s0  }
0xbf: {  	[sflag:s0] =	ssyncadd.remote.s32 $0x1  }
0xc0: {  	_ =	sfence.sel $0xFFFF  }
0xc1: {  	[dreg:$0x0] =	wrdreg $0xFFFFFFFF;
	(pc) =	sbr.abs _section_cstart, $3  }
0xc2: {  	[dreg:$0x1] =	wrdreg $0xFFFFFFFF  }
0xc3: {  	_ =	task.clear_ibuf [dreg:s7], $0x2FFFF;
	_ =	strace $0x9FFFFFFF  }
0xc4: {  	(tm) =	ssettm $0x7FFFFFFF  }
0xc5: {  	_ =	shalt  }
tec
execute0_lowered:
.L_overlay_start_1:
0x0: {  	(tag) =	ssettag $0x1  }
0x1: {  	s0 =	rddreg [dreg:$0x0]  }
0x2: {  	s6 =	rddreg [dreg:$0x1]  }
0x3: {  	s1 =	rddreg [dreg:$0x2]  }
0x4: {  	s2 =	rddreg [dreg:$0x3];
	s3 =	simm.s32 $0x0  }
0x5: {  	s8 =	srdreg.scid;
	s12 =	stileid.u32;
	s19 =	simm.s32 $0x3  }
0x6: {  	s20 =	simm.s32 $0x80;
	s28 =	simm.s32 $0x2;
	s29 =	simm.s32 $0x4  }
0x7: {  	s30 =	simm.s32 $0x0;
	[smem:$0x7FF] =	sst s3;
	s4 =	sadd.s32 $0x1800, s0  }
0x8: {  	s5 =	sadd.s32 $0x33800, s0;
	s7 =	sadd.s32 $0x29800, s0;
	s9 =	sadd.s32 $0x3D800, s0  }
0x9: {  	s8 =	sand.u32 $0x1, s8;
	s21 =	sadd.s32 $0x40000, s0;
	s10 =	sshll.u32 s12, $0x1  }
0xa: {  	s14 =	smul.u32 $0x14000, s12;
	_ =	strace $0x80000047;
	[dreg:$0x5] =	wrdreg s9  }
0xb: {  	s15 =	smul.u32 $0x280, s12;
	s24 =	sshll.u32 s12, $0x6;
	[dreg:$0x6] =	wrdreg s21  }
0xc: {  	s22 =	smul.u32 $0x28000, s8;
	s11 =	ssub.s32 $0x2, s8;
	s10 =	sor.u32 s8, s10  }
0xd: {  	s8 =	smul.u32 $0x500, s8;
	s21 =	simm.s32 $0x1000;
	s23 =	sshrl.u32 s11, $0x1  }
0xe: {  	s10 =	smul.u32 $0x2800, s10;
	s16 =	sadd.s32 s14, s1;
	s17 =	sadd.s32 s15, s2  }
0xf: {  	s18 =	sshrl.u32 s14, $0x3;
	s31 =	sshrl.u32 s15, $0x3;
	s0 =	sadd.s32 s22, s0  }
0x10: {  	s9 =	ssub.s32 s11, s23;
	s11 =	sor.u32 $0x1C05, s24;
	s6 =	sadd.s32 s6, s8  }
0x11: {  	s15 =	sshrl.u32 s16, $0x3;
	s16 =	simm.s32 $0x5;
	s17 =	sshrl.u32 s17, $0x3  }
0x12: {  	s23 =	simm.s32 $0x1;
	s13 =	sshrl.u32 s10, $0x3;
	s0 =	sadd.s32 $0x40200, s0  }
0x13: {  	s14 =	smax.u32 s9, $0x1;
	s24 =	sadd.s32 s31, s6;
	s25 =	sadd.s32 s5, s13  }
0x14: {  	s26 =	sadd.s32 s7, s13;
	s22 =	sadd.s32 s18, s0;
	[dreg:$0x7] =	wrdreg s25  }
0x15: {  	v0 =	vimm.f32 $1.000000000e+00;
	[dreg:$0x8] =	wrdreg s26;
	s25 =	simm.s32 $0x5000;
	s26 =	simm.s32 $0x1D000  }
.LBB2_1:
0x16: {  	s0 =	rddreg [dreg:$0x5]  }
0x17: {  	[spmem:s15], [sflag:s11] =	dma.local [hbm:s0], $0x2800  }
0x18: {  	_ =	swait.ge [sflag:s16], $0x2800  }
0x19: {  	[sflag:s16] =	ssyncset.done $0x0  }
0x1a: {  	s9 =	rddreg [dreg:$0x6];
	[sflag:s16] =	ssyncadd.s32 $0xFFFFD800  }
0x1b: {  	[spmem:s17], [sflag:s11] =	dma.local [hbm:s9], $0x50  }
0x1c: {  	_ =	swait.ge [sflag:s16], $0x50  }
0x1d: {  	[sflag:s16] =	ssyncset.done $0x0  }
0x1e: {  	[sflag:s16] =	ssyncadd.s32 $0xFFFFFFB0  }
0x1f: {  	[tilespmem:$0x1D000] =	vst v0  }
0x20: {  	[tilespmem:$0x1D010] =	vst v0  }
0x21: {  	[tilespmem:$0x1D020] =	vst v0  }
0x22: {  	[tilespmem:$0x1D030] =	vst v0  }
0x23: {  	[tilespmem:$0x1D040] =	vst v0  }
0x24: {  	[tilespmem:$0x1D050] =	vst v0  }
0x25: {  	[tilespmem:$0x1D060] =	vst v0  }
0x26: {  	[tilespmem:$0x1D070] =	vst v0  }
0x27: {  	[bflag:$0x0] =	sbarrier.arrive $0xFFFF  }
0x28: {  	s12 =	rddreg [dreg:$0x7]  }
0x29: {  	[tilespmem:s3], [sflag:$0x3] =	stream.linear.gather [hbm4b:s12+s3], $0x400, $0x38;
	[tilespmem:$0x1D300] =	vst v63  }
0x2a: {  	s6 =	simm.s32 $0x800;
	s13 =	rddreg [dreg:$0x8]  }
0x2b: {  	[tilespmem:s6], [sflag:$0x3] =	stream.linear.gather [hbm4b:s13+s3], $0x400, $0x38;
	[tilespmem:$0x1D300] =	vst v63  }
0x2c: {  	_ =	swait.ge [sflag:s19], $0x400  }
0x2d: {  	[sflag:s19] =	ssyncset.done $0x0  }
0x2e: {  	p0 =	por $0x0, $0x0;
	s0 =	simm.s32 $0x400;
	[sflag:s19] =	ssyncadd.s32 $0xFFFFFC00  }
0x2f: {  	s0 =	simm.s32 @p0 $0x0;
	_ =	swait.ge [sflag:s19], $0x400  }
0x30: {  	s31 =	simm.s32 $0x1000;
	s0 =	sadd.s32 s10, s0;
	[sflag:s19] =	ssyncset.done $0x0  }
0x31: {  	s8 =	sand.u32 $0x1000, s31;
	s18 =	sshrl.u32 s0, $0x3;
	[sflag:s19] =	ssyncadd.s32 $0xFFFFFC00  }
0x32: {  	[tilespmem:s21], [sflag:$0x1] =	stream.indirect.gather [hbm4b:s4+s20], $0x80, s3, s20, $0xb8;
	[tilespmem:$0x1D300] =	vst v63  }
0x33: {  	s0 =	sshrl.u32 s8, $0x2;
	s8 =	sadd.s32 s5, s18  }
0x34: {  	[tilespmem:s0], [sflag:$0x3] =	stream.linear.gather [hbm4b:s8+s3], $0x400, $0x38;
	[tilespmem:$0x1D300] =	vst v63  }
0x35: {  	s9 =	sor.u32 $0x800, s0;
	s6 =	sadd.s32 s7, s18  }
0x36: {  	[tilespmem:s9], [sflag:$0x3] =	stream.linear.gather [hbm4b:s6+s3], $0x400, $0x38;
	[tilespmem:$0x1D300] =	vst v63  }
0x37: {  	s12 =	simm.s32 $0x0;
	_ =	swait.ge [sflag:s23], $0x4000  }
0x38: {  	s8 =	sand.u32 $0x400, s12;
	[sflag:s23] =	ssyncset.done $0x0  }
0x39: {  	s6 =	sor.u32 $0x80, s8;
	[sflag:s23] =	ssyncadd.s32 $0xFFFFC000  }
0x3a: {  	[tilespmem:s25], [sflag:$0x2] =	stream.indirect.gather [hbm4b:s4+s20], $0x80, s6, s20, $0xb8;
	[tilespmem:$0x1D300] =	vst v63  }
0x3b: {  	s13 =	sor.u32 $0x800, s8  }
0x3c: {  	[spmem:s1] =	stream.indirect.scatter.add.f32 [tilespmem:s21], [sflag:$0x5], $0x80, s13, s20, $0xb8;
	[tilespmem:$0x1D300] =	vst v63  }
0x3d: {  	_ =	swait.ge [sflag:s16], $0x4000  }
0x3e: {  	[sflag:s16] =	ssyncset.done $0x0  }
0x3f: {  	[sflag:s16] =	ssyncadd.s32 $0xFFFFC000  }
0x40: {  	[spmem:s2] =	stream.indirect.scatter.add.f32 [tilespmem:s26], [sflag:$0x4], $0x1, s13, s20, $0xb8;
	[tilespmem:$0x1D300] =	vst v63  }
0x41: {  	_ =	swait.ge [sflag:s28], $0x4000  }
0x42: {  	[sflag:s28] =	ssyncset.done $0x0  }
0x43: {  	s18 =	sor.u32 $0x100, s8;
	[sflag:s28] =	ssyncadd.s32 $0xFFFFC000  }
0x44: {  	[tilespmem:s21], [sflag:$0x1] =	stream.indirect.gather [hbm4b:s4+s20], $0x80, s18, s20, $0xb8;
	[tilespmem:$0x1D300] =	vst v63  }
0x45: {  	s9 =	sor.u32 $0x880, s8  }
0x46: {  	[spmem:s1] =	stream.indirect.scatter.add.f32 [tilespmem:s25], [sflag:$0x5], $0x80, s9, s20, $0xb8;
	[tilespmem:$0x1D300] =	vst v63  }
0x47: {  	_ =	swait.ge [sflag:s16], $0x4000  }
0x48: {  	[sflag:s16] =	ssyncset.done $0x0  }
0x49: {  	[sflag:s16] =	ssyncadd.s32 $0xFFFFC000  }
0x4a: {  	[spmem:s2] =	stream.indirect.scatter.add.f32 [tilespmem:s26], [sflag:$0x4], $0x1, s9, s20, $0xb8;
	[tilespmem:$0x1D300] =	vst v63  }
0x4b: {  	_ =	swait.ge [sflag:s23], $0x4000  }
0x4c: {  	[sflag:s23] =	ssyncset.done $0x0  }
0x4d: {  	s12 =	sor.u32 $0x180, s8;
	[sflag:s23] =	ssyncadd.s32 $0xFFFFC000  }
0x4e: {  	[tilespmem:s25], [sflag:$0x2] =	stream.indirect.gather [hbm4b:s4+s20], $0x80, s12, s20, $0xb8;
	[tilespmem:$0x1D300] =	vst v63  }
0x4f: {  	s13 =	sor.u32 $0x900, s8  }
0x50: {  	[spmem:s1] =	stream.indirect.scatter.add.f32 [tilespmem:s21], [sflag:$0x5], $0x80, s13, s20, $0xb8;
	[tilespmem:$0x1D300] =	vst v63  }
0x51: {  	_ =	swait.ge [sflag:s16], $0x4000  }
0x52: {  	[sflag:s16] =	ssyncset.done $0x0  }
0x53: {  	[sflag:s16] =	ssyncadd.s32 $0xFFFFC000  }
0x54: {  	[spmem:s2] =	stream.indirect.scatter.add.f32 [tilespmem:s26], [sflag:$0x4], $0x1, s13, s20, $0xb8;
	[tilespmem:$0x1D300] =	vst v63  }
0x55: {  	_ =	swait.ge [sflag:s28], $0x4000  }
0x56: {  	[sflag:s28] =	ssyncset.done $0x0  }
0x57: {  	s18 =	sor.u32 $0x200, s8;
	[sflag:s28] =	ssyncadd.s32 $0xFFFFC000  }
0x58: {  	[tilespmem:s21], [sflag:$0x1] =	stream.indirect.gather [hbm4b:s4+s20], $0x80, s18, s20, $0xb8;
	[tilespmem:$0x1D300] =	vst v63  }
0x59: {  	s9 =	sor.u32 $0x980, s8  }
0x5a: {  	[spmem:s1] =	stream.indirect.scatter.add.f32 [tilespmem:s25], [sflag:$0x5], $0x80, s9, s20, $0xb8;
	[tilespmem:$0x1D300] =	vst v63  }
0x5b: {  	_ =	swait.ge [sflag:s16], $0x4000  }
0x5c: {  	[sflag:s16] =	ssyncset.done $0x0  }
0x5d: {  	[sflag:s16] =	ssyncadd.s32 $0xFFFFC000  }
0x5e: {  	[spmem:s2] =	stream.indirect.scatter.add.f32 [tilespmem:s26], [sflag:$0x4], $0x1, s9, s20, $0xb8;
	[tilespmem:$0x1D300] =	vst v63  }
0x5f: {  	_ =	swait.ge [sflag:s23], $0x4000  }
0x60: {  	[sflag:s23] =	ssyncset.done $0x0  }
0x61: {  	s12 =	sor.u32 $0x280, s8;
	[sflag:s23] =	ssyncadd.s32 $0xFFFFC000  }
0x62: {  	[tilespmem:s25], [sflag:$0x2] =	stream.indirect.gather [hbm4b:s4+s20], $0x80, s12, s20, $0xb8;
	[tilespmem:$0x1D300] =	vst v63  }
0x63: {  	s13 =	sor.u32 $0xA00, s8  }
0x64: {  	[spmem:s1] =	stream.indirect.scatter.add.f32 [tilespmem:s21], [sflag:$0x5], $0x80, s13, s20, $0xb8;
	[tilespmem:$0x1D300] =	vst v63  }
0x65: {  	_ =	swait.ge [sflag:s16], $0x4000  }
0x66: {  	[sflag:s16] =	ssyncset.done $0x0  }
0x67: {  	[sflag:s16] =	ssyncadd.s32 $0xFFFFC000  }
0x68: {  	[spmem:s2] =	stream.indirect.scatter.add.f32 [tilespmem:s26], [sflag:$0x4], $0x1, s13, s20, $0xb8;
	[tilespmem:$0x1D300] =	vst v63  }
0x69: {  	_ =	swait.ge [sflag:s28], $0x4000  }
0x6a: {  	[sflag:s28] =	ssyncset.done $0x0  }
0x6b: {  	s18 =	sor.u32 $0x300, s8;
	[sflag:s28] =	ssyncadd.s32 $0xFFFFC000  }
0x6c: {  	[tilespmem:s21], [sflag:$0x1] =	stream.indirect.gather [hbm4b:s4+s20], $0x80, s18, s20, $0xb8;
	[tilespmem:$0x1D300] =	vst v63  }
0x6d: {  	s9 =	sor.u32 $0xA80, s8  }
0x6e: {  	[spmem:s1] =	stream.indirect.scatter.add.f32 [tilespmem:s25], [sflag:$0x5], $0x80, s9, s20, $0xb8;
	[tilespmem:$0x1D300] =	vst v63  }
0x6f: {  	_ =	swait.ge [sflag:s16], $0x4000  }
0x70: {  	[sflag:s16] =	ssyncset.done $0x0  }
0x71: {  	[sflag:s16] =	ssyncadd.s32 $0xFFFFC000  }
0x72: {  	[spmem:s2] =	stream.indirect.scatter.add.f32 [tilespmem:s26], [sflag:$0x4], $0x1, s9, s20, $0xb8;
	[tilespmem:$0x1D300] =	vst v63  }
0x73: {  	_ =	swait.ge [sflag:s23], $0x4000  }
0x74: {  	[sflag:s23] =	ssyncset.done $0x0  }
0x75: {  	s12 =	sor.u32 $0x380, s8;
	[sflag:s23] =	ssyncadd.s32 $0xFFFFC000  }
0x76: {  	[tilespmem:s25], [sflag:$0x2] =	stream.indirect.gather [hbm4b:s4+s20], $0x80, s12, s20, $0xb8;
	[tilespmem:$0x1D300] =	vst v63  }
0x77: {  	s13 =	sor.u32 $0xB00, s8  }
0x78: {  	[spmem:s1] =	stream.indirect.scatter.add.f32 [tilespmem:s21], [sflag:$0x5], $0x80, s13, s20, $0xb8;
	[tilespmem:$0x1D300] =	vst v63  }
0x79: {  	_ =	swait.ge [sflag:s16], $0x4000  }
0x7a: {  	[sflag:s16] =	ssyncset.done $0x0  }
0x7b: {  	[sflag:s16] =	ssyncadd.s32 $0xFFFFC000  }
0x7c: {  	[spmem:s2] =	stream.indirect.scatter.add.f32 [tilespmem:s26], [sflag:$0x4], $0x1, s13, s20, $0xb8;
	[tilespmem:$0x1D300] =	vst v63  }
0x7d: {  	_ =	swait.ge [sflag:s28], $0x4000  }
0x7e: {  	[sflag:s28] =	ssyncset.done $0x0  }
0x7f: {  	[sflag:s28] =	ssyncadd.s32 $0xFFFFC000  }
0x80: {  	_ =	swait.ge [sflag:s19], $0x400  }
0x81: {  	[sflag:s19] =	ssyncset.done $0x0  }
0x82: {  	[sflag:s19] =	ssyncadd.s32 $0xFFFFFC00  }
0x83: {  	_ =	swait.ge [sflag:s19], $0x400  }
0x84: {  	[sflag:s19] =	ssyncset.done $0x0  }
0x85: {  	p0 =	por $0x0, $0x0;
	s6 =	simm.s32 $0x800;
	[sflag:s19] =	ssyncadd.s32 $0xFFFFFC00  }
0x86: {  	[tilespmem:s21], [sflag:$0x1] =	stream.indirect.gather [hbm4b:s4+s20], $0x80, s0, s20, $0xb8;
	[tilespmem:$0x1D300] =	vst v63  }
0x87: {  	s6 =	simm.s32 @p0 $0x0;
	s18 =	simm.s32 $0x400;
	s9 =	sor.u32 $0xB80, s8  }
0x88: {  	[spmem:s1] =	stream.indirect.scatter.add.f32 [tilespmem:s25], [sflag:$0x5], $0x80, s9, s20, $0xb8;
	[tilespmem:$0x1D300] =	vst v63  }
0x89: {  	s8 =	simm.s32 $0xC00;
	s0 =	sand.u32 $0x400, s18;
	_ =	swait.ge [sflag:s16], $0x4000  }
.LBB2_2:
0x8a: {  	s12 =	sadd.s32 s10, s6  }
0x8b: {  	[sflag:s16] =	ssyncset.done $0x0;
	s6 =	smov.u32 s8;
	s18 =	sadd.s32 $0x400, s8  }
0x8c: {  	s31 =	sadd.s32 $0x1000, s31;
	s12 =	sshrl.u32 s12, $0x3;
	[sflag:s16] =	ssyncadd.s32 $0xFFFFC000  }
0x8d: {  	p0 =	sne.s32 s8, $0x2800;
	s8 =	sshrl.u32 s31, $0x2;
	s13 =	sand.u32 $0x1000, s31  }
0x8e: {  	[spmem:s2] =	stream.indirect.scatter.add.f32 [tilespmem:s26], [sflag:$0x4], $0x1, s9, s20, $0xb8;
	[tilespmem:$0x1D300] =	vst v63  }
0x8f: {  	s8 =	sand.u32 $0x400, s8;
	s9 =	sshrl.u32 s13, $0x2;
	s13 =	sadd.s32 s5, s12  }
0x90: {  	[tilespmem:s9], [sflag:$0x3] =	stream.linear.gather [hbm4b:s13+s3], $0x400, $0x38;
	[tilespmem:$0x1D300] =	vst v63  }
0x91: {  	s12 =	sadd.s32 s7, s12;
	s13 =	sor.u32 $0x800, s9  }
0x92: {  	[tilespmem:s13], [sflag:$0x3] =	stream.linear.gather [hbm4b:s12+s3], $0x400, $0x38;
	[tilespmem:$0x1D300] =	vst v63  }
0x93: {  	_ =	swait.ge [sflag:s23], $0x4000  }
0x94: {  	[sflag:s23] =	ssyncset.done $0x0  }
0x95: {  	s12 =	sor.u32 $0x80, s0;
	[sflag:s23] =	ssyncadd.s32 $0xFFFFC000  }
0x96: {  	[tilespmem:s25], [sflag:$0x2] =	stream.indirect.gather [hbm4b:s4+s20], $0x80, s12, s20, $0xb8;
	[tilespmem:$0x1D300] =	vst v63  }
0x97: {  	s12 =	sor.u32 $0x800, s0  }
0x98: {  	[spmem:s1] =	stream.indirect.scatter.add.f32 [tilespmem:s21], [sflag:$0x5], $0x80, s12, s20, $0xb8;
	[tilespmem:$0x1D300] =	vst v63  }
0x99: {  	_ =	swait.ge [sflag:s16], $0x4000  }
0x9a: {  	[sflag:s16] =	ssyncset.done $0x0  }
0x9b: {  	[sflag:s16] =	ssyncadd.s32 $0xFFFFC000  }
0x9c: {  	[spmem:s2] =	stream.indirect.scatter.add.f32 [tilespmem:s26], [sflag:$0x4], $0x1, s12, s20, $0xb8;
	[tilespmem:$0x1D300] =	vst v63  }
0x9d: {  	_ =	swait.ge [sflag:s28], $0x4000  }
0x9e: {  	[sflag:s28] =	ssyncset.done $0x0  }
0x9f: {  	s12 =	sor.u32 $0x100, s0;
	[sflag:s28] =	ssyncadd.s32 $0xFFFFC000  }
0xa0: {  	[tilespmem:s21], [sflag:$0x1] =	stream.indirect.gather [hbm4b:s4+s20], $0x80, s12, s20, $0xb8;
	[tilespmem:$0x1D300] =	vst v63  }
0xa1: {  	s12 =	sor.u32 $0x880, s0  }
0xa2: {  	[spmem:s1] =	stream.indirect.scatter.add.f32 [tilespmem:s25], [sflag:$0x5], $0x80, s12, s20, $0xb8;
	[tilespmem:$0x1D300] =	vst v63  }
0xa3: {  	_ =	swait.ge [sflag:s16], $0x4000  }
0xa4: {  	[sflag:s16] =	ssyncset.done $0x0  }
0xa5: {  	[sflag:s16] =	ssyncadd.s32 $0xFFFFC000  }
0xa6: {  	[spmem:s2] =	stream.indirect.scatter.add.f32 [tilespmem:s26], [sflag:$0x4], $0x1, s12, s20, $0xb8;
	[tilespmem:$0x1D300] =	vst v63  }
0xa7: {  	_ =	swait.ge [sflag:s23], $0x4000  }
0xa8: {  	[sflag:s23] =	ssyncset.done $0x0  }
0xa9: {  	s12 =	sor.u32 $0x180, s0;
	[sflag:s23] =	ssyncadd.s32 $0xFFFFC000  }
0xaa: {  	[tilespmem:s25], [sflag:$0x2] =	stream.indirect.gather [hbm4b:s4+s20], $0x80, s12, s20, $0xb8;
	[tilespmem:$0x1D300] =	vst v63  }
0xab: {  	s12 =	sor.u32 $0x900, s0  }
0xac: {  	[spmem:s1] =	stream.indirect.scatter.add.f32 [tilespmem:s21], [sflag:$0x5], $0x80, s12, s20, $0xb8;
	[tilespmem:$0x1D300] =	vst v63  }
0xad: {  	_ =	swait.ge [sflag:s16], $0x4000  }
0xae: {  	[sflag:s16] =	ssyncset.done $0x0  }
0xaf: {  	[sflag:s16] =	ssyncadd.s32 $0xFFFFC000  }
0xb0: {  	[spmem:s2] =	stream.indirect.scatter.add.f32 [tilespmem:s26], [sflag:$0x4], $0x1, s12, s20, $0xb8;
	[tilespmem:$0x1D300] =	vst v63  }
0xb1: {  	_ =	swait.ge [sflag:s28], $0x4000  }
0xb2: {  	[sflag:s28] =	ssyncset.done $0x0  }
0xb3: {  	s12 =	sor.u32 $0x200, s0;
	[sflag:s28] =	ssyncadd.s32 $0xFFFFC000  }
0xb4: {  	[tilespmem:s21], [sflag:$0x1] =	stream.indirect.gather [hbm4b:s4+s20], $0x80, s12, s20, $0xb8;
	[tilespmem:$0x1D300] =	vst v63  }
0xb5: {  	s12 =	sor.u32 $0x980, s0  }
0xb6: {  	[spmem:s1] =	stream.indirect.scatter.add.f32 [tilespmem:s25], [sflag:$0x5], $0x80, s12, s20, $0xb8;
	[tilespmem:$0x1D300] =	vst v63  }
0xb7: {  	_ =	swait.ge [sflag:s16], $0x4000  }
0xb8: {  	[sflag:s16] =	ssyncset.done $0x0  }
0xb9: {  	[sflag:s16] =	ssyncadd.s32 $0xFFFFC000  }
0xba: {  	[spmem:s2] =	stream.indirect.scatter.add.f32 [tilespmem:s26], [sflag:$0x4], $0x1, s12, s20, $0xb8;
	[tilespmem:$0x1D300] =	vst v63  }
0xbb: {  	_ =	swait.ge [sflag:s23], $0x4000  }
0xbc: {  	[sflag:s23] =	ssyncset.done $0x0  }
0xbd: {  	s12 =	sor.u32 $0x280, s0;
	[sflag:s23] =	ssyncadd.s32 $0xFFFFC000  }
0xbe: {  	[tilespmem:s25], [sflag:$0x2] =	stream.indirect.gather [hbm4b:s4+s20], $0x80, s12, s20, $0xb8;
	[tilespmem:$0x1D300] =	vst v63  }
0xbf: {  	s12 =	sor.u32 $0xA00, s0  }
0xc0: {  	[spmem:s1] =	stream.indirect.scatter.add.f32 [tilespmem:s21], [sflag:$0x5], $0x80, s12, s20, $0xb8;
	[tilespmem:$0x1D300] =	vst v63  }
0xc1: {  	_ =	swait.ge [sflag:s16], $0x4000  }
0xc2: {  	[sflag:s16] =	ssyncset.done $0x0  }
0xc3: {  	[sflag:s16] =	ssyncadd.s32 $0xFFFFC000  }
0xc4: {  	[spmem:s2] =	stream.indirect.scatter.add.f32 [tilespmem:s26], [sflag:$0x4], $0x1, s12, s20, $0xb8;
	[tilespmem:$0x1D300] =	vst v63  }
0xc5: {  	_ =	swait.ge [sflag:s28], $0x4000  }
0xc6: {  	[sflag:s28] =	ssyncset.done $0x0  }
0xc7: {  	s12 =	sor.u32 $0x300, s0;
	[sflag:s28] =	ssyncadd.s32 $0xFFFFC000  }
0xc8: {  	[tilespmem:s21], [sflag:$0x1] =	stream.indirect.gather [hbm4b:s4+s20], $0x80, s12, s20, $0xb8;
	[tilespmem:$0x1D300] =	vst v63  }
0xc9: {  	s12 =	sor.u32 $0xA80, s0  }
0xca: {  	[spmem:s1] =	stream.indirect.scatter.add.f32 [tilespmem:s25], [sflag:$0x5], $0x80, s12, s20, $0xb8;
	[tilespmem:$0x1D300] =	vst v63  }
0xcb: {  	_ =	swait.ge [sflag:s16], $0x4000  }
0xcc: {  	[sflag:s16] =	ssyncset.done $0x0  }
0xcd: {  	[sflag:s16] =	ssyncadd.s32 $0xFFFFC000  }
0xce: {  	[spmem:s2] =	stream.indirect.scatter.add.f32 [tilespmem:s26], [sflag:$0x4], $0x1, s12, s20, $0xb8;
	[tilespmem:$0x1D300] =	vst v63  }
0xcf: {  	_ =	swait.ge [sflag:s23], $0x4000  }
0xd0: {  	[sflag:s23] =	ssyncset.done $0x0  }
0xd1: {  	s12 =	sor.u32 $0x380, s0;
	[sflag:s23] =	ssyncadd.s32 $0xFFFFC000  }
0xd2: {  	[tilespmem:s25], [sflag:$0x2] =	stream.indirect.gather [hbm4b:s4+s20], $0x80, s12, s20, $0xb8;
	[tilespmem:$0x1D300] =	vst v63  }
0xd3: {  	s12 =	sor.u32 $0xB00, s0  }
0xd4: {  	[spmem:s1] =	stream.indirect.scatter.add.f32 [tilespmem:s21], [sflag:$0x5], $0x80, s12, s20, $0xb8;
	[tilespmem:$0x1D300] =	vst v63  }
0xd5: {  	_ =	swait.ge [sflag:s16], $0x4000  }
0xd6: {  	[sflag:s16] =	ssyncset.done $0x0  }
0xd7: {  	[sflag:s16] =	ssyncadd.s32 $0xFFFFC000  }
0xd8: {  	[spmem:s2] =	stream.indirect.scatter.add.f32 [tilespmem:s26], [sflag:$0x4], $0x1, s12, s20, $0xb8;
	[tilespmem:$0x1D300] =	vst v63  }
0xd9: {  	_ =	swait.ge [sflag:s28], $0x4000  }
0xda: {  	[sflag:s28] =	ssyncset.done $0x0  }
0xdb: {  	[sflag:s28] =	ssyncadd.s32 $0xFFFFC000  }
0xdc: {  	_ =	swait.ge [sflag:s19], $0x400  }
0xdd: {  	[sflag:s19] =	ssyncset.done $0x0  }
0xde: {  	[sflag:s19] =	ssyncadd.s32 $0xFFFFFC00  }
0xdf: {  	_ =	swait.ge [sflag:s19], $0x400  }
0xe0: {  	[sflag:s19] =	ssyncset.done $0x0  }
.Ltmp0:
0xe1: {  	[sflag:s19] =	ssyncadd.s32 $0xFFFFFC00;
	(pc) =	sbr.rel @p0 .LBB2_2-.Ltmp0, $4  }
0xe2: {  	[tilespmem:s21], [sflag:$0x1] =	stream.indirect.gather [hbm4b:s4+s20], $0x80, s9, s20, $0xb8;
	[tilespmem:$0x1D300] =	vst v63  }
0xe3: {  	p1 =	seq.s32 s6, $0x2800;
	s9 =	sor.u32 $0xB80, s0;
	s0 =	smov.u32 s8  }
0xe4: {  	[spmem:s1] =	stream.indirect.scatter.add.f32 [tilespmem:s25], [sflag:$0x5], $0x80, s9, s20, $0xb8;
	[tilespmem:$0x1D300] =	vst v63  }
0xe5: {  	s6 =	simm.s32 @p1 $0x0;
	s8 =	smov.u32 s18;
	_ =	swait.ge [sflag:s16], $0x4000  }
0xe6: {  	s6 =	sadd.s32 s10, s6;
	[sflag:s16] =	ssyncset.done $0x0;
	s8 =	sadd.s32 $0x1000, s31  }
0xe7: {  	s12 =	sshrl.u32 s6, $0x3;
	[sflag:s16] =	ssyncadd.s32 $0xFFFFC000;
	s8 =	sand.u32 $0x1000, s8  }
0xe8: {  	[spmem:s2] =	stream.indirect.scatter.add.f32 [tilespmem:s26], [sflag:$0x4], $0x1, s9, s20, $0xb8;
	[tilespmem:$0x1D300] =	vst v63  }
0xe9: {  	s6 =	sshrl.u32 s8, $0x2;
	s13 =	sadd.s32 s5, s12  }
0xea: {  	[tilespmem:s6], [sflag:$0x3] =	stream.linear.gather [hbm4b:s13+s3], $0x400, $0x38;
	[tilespmem:$0x1D300] =	vst v63  }
0xeb: {  	s31 =	sadd.s32 s7, s12;
	s18 =	sor.u32 $0x800, s6  }
0xec: {  	[tilespmem:s18], [sflag:$0x3] =	stream.linear.gather [hbm4b:s31+s3], $0x400, $0x38;
	[tilespmem:$0x1D300] =	vst v63  }
0xed: {  	_ =	swait.ge [sflag:s23], $0x4000  }
0xee: {  	[sflag:s23] =	ssyncset.done $0x0  }
0xef: {  	s9 =	sor.u32 $0x80, s0;
	[sflag:s23] =	ssyncadd.s32 $0xFFFFC000  }
0xf0: {  	[tilespmem:s25], [sflag:$0x2] =	stream.indirect.gather [hbm4b:s4+s20], $0x80, s9, s20, $0xb8;
	[tilespmem:$0x1D300] =	vst v63  }
0xf1: {  	s12 =	sor.u32 $0x800, s0  }
0xf2: {  	[spmem:s1] =	stream.indirect.scatter.add.f32 [tilespmem:s21], [sflag:$0x5], $0x80, s12, s20, $0xb8;
	[tilespmem:$0x1D300] =	vst v63  }
0xf3: {  	_ =	swait.ge [sflag:s16], $0x4000  }
0xf4: {  	[sflag:s16] =	ssyncset.done $0x0  }
0xf5: {  	[sflag:s16] =	ssyncadd.s32 $0xFFFFC000  }
0xf6: {  	[spmem:s2] =	stream.indirect.scatter.add.f32 [tilespmem:s26], [sflag:$0x4], $0x1, s12, s20, $0xb8;
	[tilespmem:$0x1D300] =	vst v63  }
0xf7: {  	_ =	swait.ge [sflag:s28], $0x4000  }
0xf8: {  	[sflag:s28] =	ssyncset.done $0x0  }
0xf9: {  	s13 =	sor.u32 $0x100, s0;
	[sflag:s28] =	ssyncadd.s32 $0xFFFFC000  }
0xfa: {  	[tilespmem:s21], [sflag:$0x1] =	stream.indirect.gather [hbm4b:s4+s20], $0x80, s13, s20, $0xb8;
	[tilespmem:$0x1D300] =	vst v63  }
0xfb: {  	s18 =	sor.u32 $0x880, s0  }
0xfc: {  	[spmem:s1] =	stream.indirect.scatter.add.f32 [tilespmem:s25], [sflag:$0x5], $0x80, s18, s20, $0xb8;
	[tilespmem:$0x1D300] =	vst v63  }
0xfd: {  	_ =	swait.ge [sflag:s16], $0x4000  }
0xfe: {  	[sflag:s16] =	ssyncset.done $0x0  }
0xff: {  	[sflag:s16] =	ssyncadd.s32 $0xFFFFC000  }
0x100: {  	[spmem:s2] =	stream.indirect.scatter.add.f32 [tilespmem:s26], [sflag:$0x4], $0x1, s18, s20, $0xb8;
	[tilespmem:$0x1D300] =	vst v63  }
0x101: {  	_ =	swait.ge [sflag:s23], $0x4000  }
0x102: {  	[sflag:s23] =	ssyncset.done $0x0  }
0x103: {  	s31 =	sor.u32 $0x180, s0;
	[sflag:s23] =	ssyncadd.s32 $0xFFFFC000  }
0x104: {  	[tilespmem:s25], [sflag:$0x2] =	stream.indirect.gather [hbm4b:s4+s20], $0x80, s31, s20, $0xb8;
	[tilespmem:$0x1D300] =	vst v63  }
0x105: {  	s9 =	sor.u32 $0x900, s0  }
0x106: {  	[spmem:s1] =	stream.indirect.scatter.add.f32 [tilespmem:s21], [sflag:$0x5], $0x80, s9, s20, $0xb8;
	[tilespmem:$0x1D300] =	vst v63  }
0x107: {  	_ =	swait.ge [sflag:s16], $0x4000  }
0x108: {  	[sflag:s16] =	ssyncset.done $0x0  }
0x109: {  	[sflag:s16] =	ssyncadd.s32 $0xFFFFC000  }
0x10a: {  	[spmem:s2] =	stream.indirect.scatter.add.f32 [tilespmem:s26], [sflag:$0x4], $0x1, s9, s20, $0xb8;
	[tilespmem:$0x1D300] =	vst v63  }
0x10b: {  	_ =	swait.ge [sflag:s28], $0x4000  }
0x10c: {  	[sflag:s28] =	ssyncset.done $0x0  }
0x10d: {  	s12 =	sor.u32 $0x200, s0;
	[sflag:s28] =	ssyncadd.s32 $0xFFFFC000  }
0x10e: {  	[tilespmem:s21], [sflag:$0x1] =	stream.indirect.gather [hbm4b:s4+s20], $0x80, s12, s20, $0xb8;
	[tilespmem:$0x1D300] =	vst v63  }
0x10f: {  	s13 =	sor.u32 $0x980, s0  }
0x110: {  	[spmem:s1] =	stream.indirect.scatter.add.f32 [tilespmem:s25], [sflag:$0x5], $0x80, s13, s20, $0xb8;
	[tilespmem:$0x1D300] =	vst v63  }
0x111: {  	_ =	swait.ge [sflag:s16], $0x4000  }
0x112: {  	[sflag:s16] =	ssyncset.done $0x0  }
0x113: {  	[sflag:s16] =	ssyncadd.s32 $0xFFFFC000  }
0x114: {  	[spmem:s2] =	stream.indirect.scatter.add.f32 [tilespmem:s26], [sflag:$0x4], $0x1, s13, s20, $0xb8;
	[tilespmem:$0x1D300] =	vst v63  }
0x115: {  	_ =	swait.ge [sflag:s23], $0x4000  }
0x116: {  	[sflag:s23] =	ssyncset.done $0x0  }
0x117: {  	s18 =	sor.u32 $0x280, s0;
	[sflag:s23] =	ssyncadd.s32 $0xFFFFC000  }
0x118: {  	[tilespmem:s25], [sflag:$0x2] =	stream.indirect.gather [hbm4b:s4+s20], $0x80, s18, s20, $0xb8;
	[tilespmem:$0x1D300] =	vst v63  }
0x119: {  	s31 =	sor.u32 $0xA00, s0  }
0x11a: {  	[spmem:s1] =	stream.indirect.scatter.add.f32 [tilespmem:s21], [sflag:$0x5], $0x80, s31, s20, $0xb8;
	[tilespmem:$0x1D300] =	vst v63  }
0x11b: {  	_ =	swait.ge [sflag:s16], $0x4000  }
0x11c: {  	[sflag:s16] =	ssyncset.done $0x0  }
0x11d: {  	[sflag:s16] =	ssyncadd.s32 $0xFFFFC000  }
0x11e: {  	[spmem:s2] =	stream.indirect.scatter.add.f32 [tilespmem:s26], [sflag:$0x4], $0x1, s31, s20, $0xb8;
	[tilespmem:$0x1D300] =	vst v63  }
0x11f: {  	_ =	swait.ge [sflag:s28], $0x4000  }
0x120: {  	[sflag:s28] =	ssyncset.done $0x0  }
0x121: {  	s9 =	sor.u32 $0x300, s0;
	[sflag:s28] =	ssyncadd.s32 $0xFFFFC000  }
0x122: {  	[tilespmem:s21], [sflag:$0x1] =	stream.indirect.gather [hbm4b:s4+s20], $0x80, s9, s20, $0xb8;
	[tilespmem:$0x1D300] =	vst v63  }
0x123: {  	s12 =	sor.u32 $0xA80, s0  }
0x124: {  	[spmem:s1] =	stream.indirect.scatter.add.f32 [tilespmem:s25], [sflag:$0x5], $0x80, s12, s20, $0xb8;
	[tilespmem:$0x1D300] =	vst v63  }
0x125: {  	_ =	swait.ge [sflag:s16], $0x4000  }
0x126: {  	[sflag:s16] =	ssyncset.done $0x0  }
0x127: {  	[sflag:s16] =	ssyncadd.s32 $0xFFFFC000  }
0x128: {  	[spmem:s2] =	stream.indirect.scatter.add.f32 [tilespmem:s26], [sflag:$0x4], $0x1, s12, s20, $0xb8;
	[tilespmem:$0x1D300] =	vst v63  }
0x129: {  	_ =	swait.ge [sflag:s23], $0x4000  }
0x12a: {  	[sflag:s23] =	ssyncset.done $0x0  }
0x12b: {  	s13 =	sor.u32 $0x380, s0;
	[sflag:s23] =	ssyncadd.s32 $0xFFFFC000  }
0x12c: {  	[tilespmem:s25], [sflag:$0x2] =	stream.indirect.gather [hbm4b:s4+s20], $0x80, s13, s20, $0xb8;
	[tilespmem:$0x1D300] =	vst v63  }
0x12d: {  	s18 =	sor.u32 $0xB00, s0  }
0x12e: {  	[spmem:s1] =	stream.indirect.scatter.add.f32 [tilespmem:s21], [sflag:$0x5], $0x80, s18, s20, $0xb8;
	[tilespmem:$0x1D300] =	vst v63  }
0x12f: {  	_ =	swait.ge [sflag:s16], $0x4000  }
0x130: {  	[sflag:s16] =	ssyncset.done $0x0  }
0x131: {  	[sflag:s16] =	ssyncadd.s32 $0xFFFFC000  }
0x132: {  	[spmem:s2] =	stream.indirect.scatter.add.f32 [tilespmem:s26], [sflag:$0x4], $0x1, s18, s20, $0xb8;
	[tilespmem:$0x1D300] =	vst v63  }
0x133: {  	_ =	swait.ge [sflag:s28], $0x4000  }
0x134: {  	[sflag:s28] =	ssyncset.done $0x0  }
0x135: {  	[sflag:s28] =	ssyncadd.s32 $0xFFFFC000  }
0x136: {  	_ =	swait.ge [sflag:s19], $0x400  }
0x137: {  	[sflag:s19] =	ssyncset.done $0x0  }
0x138: {  	[sflag:s19] =	ssyncadd.s32 $0xFFFFFC00  }
0x139: {  	_ =	swait.ge [sflag:s19], $0x400  }
0x13a: {  	[sflag:s19] =	ssyncset.done $0x0  }
0x13b: {  	[sflag:s19] =	ssyncadd.s32 $0xFFFFFC00  }
0x13c: {  	[tilespmem:s21], [sflag:$0x1] =	stream.indirect.gather [hbm4b:s4+s20], $0x80, s6, s20, $0xb8;
	[tilespmem:$0x1D300] =	vst v63  }
0x13d: {  	s31 =	sor.u32 $0xB80, s0  }
0x13e: {  	[spmem:s1] =	stream.indirect.scatter.add.f32 [tilespmem:s25], [sflag:$0x5], $0x80, s31, s20, $0xb8;
	[tilespmem:$0x1D300] =	vst v63  }
0x13f: {  	_ =	swait.ge [sflag:s16], $0x4000  }
0x140: {  	[sflag:s16] =	ssyncset.done $0x0  }
0x141: {  	[sflag:s16] =	ssyncadd.s32 $0xFFFFC000  }
0x142: {  	[spmem:s2] =	stream.indirect.scatter.add.f32 [tilespmem:s26], [sflag:$0x4], $0x1, s31, s20, $0xb8;
	[tilespmem:$0x1D300] =	vst v63  }
0x143: {  	_ =	swait.ge [sflag:s23], $0x4000  }
0x144: {  	[sflag:s23] =	ssyncset.done $0x0  }
0x145: {  	[sflag:s23] =	ssyncadd.s32 $0xFFFFC000  }
0x146: {  	_ =	swait.ge [sflag:s29], $0x80  }
0x147: {  	s0 =	simm.s32 $0x4F;
	[sflag:s29] =	ssyncset.done $0x0  }
.LBB2_4:
0x148: {  	p0 =	sne.s32 s0, $0x1;
	s0 =	sadd.s32 $0xFFFFFFFF, s0;
	[sflag:s29] =	ssyncadd.s32 $0xFFFFFF80  }
.Ltmp1:
0x149: {  	(pc) =	sbr.rel @p0 .LBB2_4-.Ltmp1, $3  }
0x14a: {  	_ =	sdelay $0x1  }
0x14b: {  	_ =	swait.ge [sflag:s29], $0x80  }
0x14c: {  	[sflag:s29] =	ssyncset.done $0x0  }
0x14d: {  	[sflag:s29] =	ssyncadd.s32 $0xFFFFFF80  }
0x14e: {  	[bflag:$0x0] =	sbarrier.arrive $0xFFFF  }
0x14f: {  	[hbm:s22], [sflag:s11] =	dma.local [spmem:s15], $0x2800  }
0x150: {  	s30 =	sadd.s32 $0x1, s30;
	_ =	swait.ge [sflag:s16], $0x2800  }
0x151: {  	p0 =	sne.s32 s30, s14;
	[sflag:s16] =	ssyncset.done $0x0  }
.Ltmp2:
0x152: {  	[sflag:s16] =	ssyncadd.s32 $0xFFFFD800;
	(pc) =	sbr.rel @p0 .LBB2_1-.Ltmp2, $4  }
0x153: {  	[hbm:s24], [sflag:s11] =	dma.local [spmem:s17], $0x50  }
0x154: {  	_ =	swait.ge [sflag:s16], $0x50  }
0x155: {  	[sflag:s16] =	ssyncset.done $0x0  }
0x156: {  	[sflag:s16] =	ssyncadd.s32 $0xFFFFFFB0  }
0x157: {  	_ =	sfence.sel $0x180000  }
0x158: {  	[bflag:$0x0] =	sbarrier.arrive $0xFFFF  }
0x159: {  	_ =	strace $0x90000047  }
0x15a: {  	s0 =	stileid.u32;
	[bflag:$0x2] =	sbarrier.arrive $0xFFFF  }
0x15b: {  	p0 =	sne.s32 s0, $0x0;
	s0 =	rddreg [dreg:$0x4]  }
0x15c: {  	s0 =	sadd.s32 @!p0 $0x100000, s0  }
0x15d: {  	[sflag:s0] =	ssyncadd.tile.s32 @!p0 $0x1;
	_ =	shalt  }
.Lfunc_end2:
_tile_overlayer_lowered:
.L_overlay_start_2:
0x15e: {  	(tag) =	ssettag $0x2  }
0x15f: {  	s0 =	rddreg [dreg:$0x0];
	s2 =	stileid.u32  }
0x160: {  	s1 =	rddreg [dreg:$0x1];
	p0 =	sne.s32 s2, $0x0  }
0x161: {  	s3 =	rddreg [dreg:$0x2];
	[bflag:$0x3] =	sbarrier.arrive $0xFFFF;
	s2 =	simm.s32 @!p0 $0x1C05  }
0x162: {  	[timem:s3], [sflag:s2] =	dma.local @!p0 [hbm:s0], s1  }
0x163: {  	s0 =	simm.s32 @!p0 $0x5  }
0x164: {  	_ =	swait.ge @!p0 [sflag:s0], s1  }
0x165: {  	s1 =	ssub.s32 @!p0 $0x0, s1;
	[sflag:s0] =	ssyncset.done @!p0 $0x0  }
0x166: {  	[sflag:s0] =	ssyncadd.s32 @!p0 s1  }
0x167: {  	[bflag:$0x3] =	sbarrier.arrive $0xFFFF  }
0x168: {  	_ =	shalt  }

// kernel: kernel.13.cloned.1.call-start
scs
__scs_entry_jumppad:
0x0: {  	(pc) =	sbr.rel $0x88, $3  }
0x1: {  	(tag) =	ssettag $0x0;
	lr =	simm.s32 $0x1  }
0x2: {  	[smem:$0x3F94] =	sst lr;
	_ =	strace $0xD0000000  }
0x3: {  	_ = 	snop  }
0x4: {  	_ = 	snop  }
0x5: {  	_ = 	snop  }
0x6: {  	_ = 	snop  }
0x7: {  	_ = 	snop  }
__scs_overlays_trampoline_lowered:
0x8: {  	[smem:$0x3FA3] =	sst s0  }
0x9: {  	[smem:$0x3FA4] =	sst s1  }
0xa: {  	[smem:$0x3FA5] =	sst s2  }
0xb: {  	[smem:$0x3FA6] =	sst s3  }
0xc: {  	[smem:$0x3FA7] =	sst s4  }
0xd: {  	[smem:$0x3FA8] =	sst s5  }
0xe: {  	[smem:$0x3FA9] =	sst s6  }
0xf: {  	[smem:$0x3FAA] =	sst s7  }
0x10: {  	[smem:$0x3FAB] =	sst s8  }
0x11: {  	[smem:$0x3FAC] =	sst s9;
	s0 =	simm.s32 @!p0 $0x0  }
0x12: {  	s1 =	sld [smem:$0x3F92];
	s0 =	simm.s32 @p0 $0x1  }
0x13: {  	[smem:$0x3FAD] =	sst s0;
	s0 =	simm.s32 @!p1 $0x0  }
0x14: {  	s2 =	sld [smem:$0x3F91];
	s0 =	simm.s32 @p1 $0x1  }
0x15: {  	[smem:$0x3FAE] =	sst s0;
	s0 =	simm.s32 @!p2 $0x0  }
0x16: {  	s3 =	sld [smem:$0x3FDB];
	s0 =	simm.s32 @p2 $0x1  }
0x17: {  	s4 =	simm.s32 $0x1BF5;
	[smem:$0x3FB0] =	sst s0  }
0x18: {  	s0 =	sld [smem:$0x3F93];
	_ =	swait.ge [sflag:s4], $0x0  }
0x19: {  	s7 =	sld [smem:$0x3F94]  }
0x1a: {  	s8 =	sadd.s32 $0xFFFFE003, lr  }
0x1b: {  	s9 =	sadd.s32 $0xFFFFFEF7, lr;
	s5 =	simm.s32 $0xFFFFFFFF;
	p2 =	slt.u32 s8, $0xFFFFF086  }
0x1c: {  	p1 =	slt.u32 s9, $0xF7A;
	s5 =	simm.s32 @!p2 $0x0  }
0x1d: {  	s5 =	simm.s32 @p1 $0x1;
	p0 =	seq.s32 s7, s2  }
0x1e: {  	s7 =	smul.u32 @!p0 $0xF7A, s2;
	p2 =	seq.s32 @!p0 s5, $0x0  }
0x1f: {  	s9 =	smul.u32 $0xF7A, s1;
	s8 =	simm.s32 @!p0 $0x1BF5;
	p2 =	por !p2, p0  }
0x20: {  	[sflag:s8] =	ssyncset.s32 @!p0 $0xFFFFF086;
	s6 =	sadd.s32 @!p0 s3, s7;
	s7 =	simm.s32 @!p0 $0x108  }
0x21: {  	s3 =	sadd.s32 s3, s9;
	s6 =	sadd.s32 @!p0 $0x88, s6;
	s7 =	simm.s32 @p2 $0x1082  }
0x22: {  	[simem:s7], [sflag:s8] =	dma.local @!p0 [hbm:s6], $0xF7A  }
0x23: {  	s9 =	sor.u32 $0xD0000000, s2;
	s6 =	simm.s32 $0x108;
	_ =	swait.ge @!p0 [sflag:s8], $0x0  }
0x24: {  	s3 =	sadd.s32 $0x88, s3;
	s6 =	simm.s32 @!p1 $0x1082;
	[sflag:s4] =	ssyncset.s32 $0xFFFFF086  }
0x25: {  	[simem:s6], [sflag:s4] =	dma.local [hbm:s3], $0xF7A  }
0x26: {  	[smem:$0x3F94] =	sst s1;
	(tag) =	ssettag s2;
	_ =	strace s9  }
0x27: {  	s1 =	sld [smem:$0x3FA4]  }
0x28: {  	s2 =	sld [smem:$0x3FA5]  }
0x29: {  	s4 =	sld [smem:$0x3FA7]  }
0x2a: {  	p0 =	seq.s32 s5, $0x0;
	s5 =	sld [smem:$0x3FA8]  }
0x2b: {  	s6 =	sld [smem:$0x3FA9]  }
0x2c: {  	s7 =	sld [smem:$0x3FAA]  }
0x2d: {  	s3 =	simm.s32 $0x108;
	s8 =	sld [smem:$0x3FAB]  }
0x2e: {  	s3 =	simm.s32 @!p0 $0x1082;
	s9 =	sld [smem:$0x3FAC]  }
0x2f: {  	lr =	sadd.s32 s0, s3;
	s0 =	sld [smem:$0x3FA3]  }
0x30: {  	s3 =	sld [smem:$0x3FA6]  }
0x31: {  	[smem:$0x3FAF] =	sst s10  }
0x32: {  	s10 =	sld [smem:$0x3FAD];
	_ =	sdelay $0x3  }
0x33: {  	p0 =	seq.s32 s10, $0x1;
	s10 =	sld [smem:$0x3FAF];
	_ =	sdelay $0x3  }
0x34: {  	[smem:$0x3FAF] =	sst s10  }
0x35: {  	s10 =	sld [smem:$0x3FAE];
	_ =	sdelay $0x3  }
0x36: {  	p1 =	seq.s32 s10, $0x1;
	s10 =	sld [smem:$0x3FAF];
	_ =	sdelay $0x3  }
0x37: {  	[smem:$0x3FAF] =	sst s10  }
0x38: {  	s10 =	sld [smem:$0x3FB0]  }
0x39: {  	_ = 	snop;
	(pc) =	sbr.ind lr, $3  }
0x3a: {  	_ = 	snop  }
0x3b: {  	_ = 	snop  }
0x3c: {  	p2 =	seq.s32 s10, $0x1;
	s10 =	sld [smem:$0x3FAF]  }
0x3d: {  	_ =	shalt  }
0x3e: {  	_ =	shalt  }
0x3f: {  	_ =	shalt  }
0x40: {  	_ =	shalt  }
0x41: {  	_ =	shalt  }
0x42: {  	_ =	shalt  }
0x43: {  	_ =	shalt  }
0x44: {  	_ =	shalt  }
0x45: {  	_ =	shalt  }
0x46: {  	_ =	shalt  }
0x47: {  	_ =	shalt  }
0x48: {  	_ =	shalt  }
0x49: {  	_ =	shalt  }
0x4a: {  	_ =	shalt  }
0x4b: {  	_ =	shalt  }
0x4c: {  	_ =	shalt  }
0x4d: {  	_ =	shalt  }
0x4e: {  	_ =	shalt  }
0x4f: {  	_ =	shalt  }
0x50: {  	_ =	shalt  }
0x51: {  	_ =	shalt  }
0x52: {  	_ =	shalt  }
0x53: {  	_ =	shalt  }
0x54: {  	_ =	shalt  }
0x55: {  	_ =	shalt  }
0x56: {  	_ =	shalt  }
0x57: {  	_ =	shalt  }
0x58: {  	_ =	shalt  }
0x59: {  	_ =	shalt  }
0x5a: {  	_ =	shalt  }
0x5b: {  	_ =	shalt  }
0x5c: {  	_ =	shalt  }
0x5d: {  	_ =	shalt  }
0x5e: {  	_ =	shalt  }
0x5f: {  	_ =	shalt  }
0x60: {  	_ =	shalt  }
0x61: {  	_ =	shalt  }
0x62: {  	_ =	shalt  }
0x63: {  	_ =	shalt  }
0x64: {  	_ =	shalt  }
0x65: {  	_ =	shalt  }
0x66: {  	_ =	shalt  }
0x67: {  	_ =	shalt  }
0x68: {  	_ =	shalt  }
0x69: {  	_ =	shalt  }
0x6a: {  	_ =	shalt  }
0x6b: {  	_ =	shalt  }
0x6c: {  	_ =	shalt  }
0x6d: {  	_ =	shalt  }
0x6e: {  	_ =	shalt  }
0x6f: {  	_ =	shalt  }
0x70: {  	_ =	shalt  }
0x71: {  	_ =	shalt  }
0x72: {  	_ =	shalt  }
0x73: {  	_ =	shalt  }
0x74: {  	_ =	shalt  }
0x75: {  	_ =	shalt  }
0x76: {  	_ =	shalt  }
0x77: {  	_ =	shalt  }
0x78: {  	_ =	shalt  }
0x79: {  	_ =	shalt  }
0x7a: {  	_ =	shalt  }
0x7b: {  	_ =	shalt  }
0x7c: {  	_ =	shalt  }
0x7d: {  	_ =	shalt  }
0x7e: {  	_ =	shalt  }
0x7f: {  	_ =	shalt  }
0x80: {  	_ =	shalt  }
0x81: {  	_ =	shalt  }
0x82: {  	_ =	shalt  }
0x83: {  	_ =	shalt  }
0x84: {  	_ =	shalt  }
0x85: {  	_ =	shalt  }
0x86: {  	_ =	shalt  }
0x87: {  	_ =	shalt  }
.Lfunc_end0:
.L_simem_size_0:
called_computation.1_lowered:
.L_overlay_start_0:
0x88: {  	s2 =	sld [smem:$0x3FD9]  }
0x89: {  	s3 =	sld [smem:$0x3FFE];
	_ =	sdelay $0x1  }
0x8a: {  	s1 =	srdreg.scid  }
0x8b: {  	s0 =	sand.u32 $0x1, s1  }
0x8c: {  	s17 =	sshll.u32 s0, $0xA;
	s2 =	sadd.s32 s3, s2  }
0x8d: {  	s2 =	sadd.s32 s2, s17  }
0x8e: {  	[smem:$0x3FBB] =	sst s2  }
0x8f: {  	_ = 	snop  }
0x90: {  	s2 =	sld [smem:$0x3FD0];
	(tm) =	ssettm $0x1  }
0x91: {  	s18 =	sld [smem:$0x3FFB];
	_ =	sdelay $0x3  }
0x92: {  	_ =	strace s18  }
0x93: {  	s3 =	sld [smem:$0x3FFC];
	_ =	sdelay $0x3  }
0x94: {  	_ =	strace s3  }
0x95: {  	s3 =	sld [smem:$0x3FFD];
	_ =	sdelay $0x3  }
0x96: {  	_ =	strace s3  }
0x97: {  	_ =	strace $0x8FFFFFFF  }
0x98: {  	s19 =	sld [smem:$0x3FDB];
	_ =	sdelay $0x1  }
0x99: {  	s4 =	simm.s32 $_scs_section_size  }
0x9a: {  	s5 =	simm.s32 $_size__tile_overlayer_lowered;
	s6 =	simm.s32 $_tile_overlayer_lowered  }
0x9b: {  	s22 =	simm.s32 $0x1BFF;
	s21 =	sshll.u32 s6, $0x1;
	s3 =	sadd.s32 s4, s19  }
0x9c: {  	s7 =	simm.s32 $0x0;
	s20 =	sshll.u32 s5, $0x1;
	s5 =	sadd.s32 s21, s3  }
0x9d: {  	[timem:s7], [sflag:s22] =	dma.local [hbm:s5], s20  }
0x9e: {  	_ =	swait.ge [sflag:s22], s20  }
0x9f: {  	s4 =	ssub.s32 $0x0, s20;
	[sflag:s22] =	ssyncset.done $0x0  }
0xa0: {  	[sflag:s22] =	ssyncadd.s32 s4;
	_ =	sdelay $0x1  }
0xa1: {  	s23 =	simm.s32 $0x1B8B  }
0xa2: {  	_ =	swait.ge [sflag:s23], $0x1  }
0xa3: {  	[sflag:s23] =	ssyncset.done $0x0  }
0xa4: {  	s25 =	simm.s32 $0x1B8E;
	s24 =	sld [smem:$0x3FFE];
	[sflag:s23] =	ssyncadd.s32 $0xFFFFFFFF  }
0xa5: {  	s26 =	simm.s32 $execute0_lowered;
	[smem:$0x3FD2] =	sst s25  }
0xa6: {  	s5 =	sshll.u32 s26, $0x1;
	_ =	strace $0x80000049;
	[dreg:$0x1] =	wrdreg $0xFFFFFFFF  }
0xa7: {  	s28 =	simm.s32 $_size_execute0_lowered;
	s3 =	sadd.s32 s3, s5;
	[dreg:$0x0] =	wrdreg $0x0  }
0xa8: {  	s5 =	sshll.u32 s28, $0x1;
	[dreg:$0x2] =	wrdreg s3  }
0xa9: {  	[dreg:$0x3] =	wrdreg s5  }
0xaa: {  	[dreg:$0x4] =	wrdreg $0xC0  }
0xab: {  	_ =	task [dreg:s7], $0x5FFFF  }
0xac: {  	[dreg:$0x1] =	wrdreg $0xFFFFFFFF  }
0xad: {  	[dreg:$0x0] =	wrdreg $0x60  }
0xae: {  	[dreg:$0x2] =	wrdreg s24  }
0xaf: {  	[dreg:$0x3] =	wrdreg s2  }
0xb0: {  	[dreg:$0x4] =	wrdreg $0x120000  }
0xb1: {  	[dreg:$0x5] =	wrdreg $0x9  }
0xb2: {  	_ =	task.clear_ibuf [dreg:s7], $0x6FFFF;
	_ =	strace $0x90000049  }
0xb3: {  	s29 =	simm.s32 $0x9;
	_ =	strace $0x8000004B  }
0xb4: {  	_ =	swait.ge [sflag:s29], $0x1  }
0xb5: {  	[sflag:s29] =	ssyncadd.s32 $0xFFFFFFFF  }
0xb6: {  	_ =	strace $0x9000004B  }
0xb7: {  	_ =	sfence  }
0xb8: {  	s30 =	sld [smem:$0x0];
	_ =	sdelay $0x2  }
0xb9: {  	s31 =	sshll.u32 s1, $0xD;
	s1 =	sshrl.u32 s1, $0x2  }
0xba: {  	s3 =	sand.u32 $0x4000, s31;
	s1 =	sadd.s32 s1, s30  }
0xbb: {  	s0 =	sor.u32 s3, s0;
	s1 =	sshll.u32 s1, $0x11  }
0xbc: {  	s0 =	sor.u32 s1, s0  }
0xbd: {  	s0 =	sadd.s32 $0x8F2B, s0  }
0xbe: {  	[sflag:s0] =	ssyncadd.remote.s32 $0x1  }
0xbf: {  	_ =	sfence.sel $0xFFFF  }
0xc0: {  	[dreg:$0x0] =	wrdreg $0xFFFFFFFF;
	(pc) =	sbr.abs _section_cstart, $3  }
0xc1: {  	[dreg:$0x1] =	wrdreg $0xFFFFFFFF  }
0xc2: {  	_ =	task.clear_ibuf [dreg:s7], $0x2FFFF;
	_ =	strace $0x9FFFFFFF  }
0xc3: {  	(tm) =	ssettm $0x7FFFFFFF  }
tec
execute0_lowered:
.L_overlay_start_1:
0x0: {  	(tag) =	ssettag $0x1  }
0x1: {  	s0 =	rddreg [dreg:$0x0]  }
0x2: {  	s2 =	rddreg [dreg:$0x2]  }
0x3: {  	s3 =	simm.s32 $0x0;
	s1 =	srdreg.scid;
	s12 =	stileid.u32  }
0x4: {  	s14 =	simm.s32 $0x4;
	s16 =	simm.s32 $0x3;
	s17 =	simm.s32 $0x200  }
0x5: {  	s18 =	simm.s32 $0x2000;
	s19 =	simm.s32 $0x1;
	s20 =	simm.s32 $0xA000  }
0x6: {  	s21 =	simm.s32 $0x80;
	s28 =	simm.s32 $0xC000;
	s29 =	simm.s32 $0xE000  }
0x7: {  	s30 =	simm.s32 $0x10000;
	s31 =	simm.s32 $0x0;
	[smem:$0x7FF] =	sst s3  }
0x8: {  	s1 =	sand.u32 $0x1, s1;
	s5 =	sadd.s32 $0x1800, s0;
	s6 =	sshll.u32 s12, $0x1  }
0x9: {  	s10 =	smul.u32 $0xA000, s12;
	s8 =	sadd.s32 $0x29800, s0;
	s24 =	sshll.u32 s12, $0x6  }
0xa: {  	_ =	strace $0x8000004A;
	s4 =	smul.u32 $0x14000, s1;
	s9 =	ssub.s32 $0x2, s1  }
0xb: {  	s1 =	sor.u32 s1, s6;
	s6 =	sadd.s32 $0x33800, s0;
	s11 =	sshrl.u32 s9, $0x1  }
0xc: {  	s7 =	smul.u32 $0x2800, s1;
	s23 =	sadd.s32 s10, s2;
	s10 =	sshrl.u32 s10, $0x3  }
0xd: {  	s0 =	sadd.s32 s4, s0;
	s22 =	ssub.s32 s9, s11;
	s9 =	sor.u32 $0x1C04, s24  }
0xe: {  	s13 =	sshrl.u32 s23, $0x3;
	s25 =	sshrl.u32 s7, $0x3;
	s1 =	smax.u32 s22, $0x1  }
0xf: {  	s23 =	simm.s32 $0x6000;
	s26 =	sadd.s32 s6, s25;
	[dreg:$0x6] =	wrdreg s1  }
0x10: {  	s0 =	sadd.s32 $0x3D800, s0;
	s11 =	sadd.s32 s8, s25;
	[dreg:$0x4] =	wrdreg s26  }
0x11: {  	s22 =	simm.s32 $0x4000;
	s0 =	sadd.s32 s10, s0;
	[dreg:$0x5] =	wrdreg s11  }
0x12: {  	s25 =	simm.s32 $0x8000;
	[dreg:$0x7] =	wrdreg s0;
	s26 =	simm.s32 $0x2  }
.LBB2_1:
0x13: {  	s0 =	rddreg [dreg:$0x1]  }
0x14: {  	[spmem:s13], [sflag:s9] =	dma.local [hbm:s0], $0x1400  }
0x15: {  	_ =	swait.ge [sflag:s14], $0x1400  }
0x16: {  	[sflag:s14] =	ssyncset.done $0x0  }
0x17: {  	[sflag:s14] =	ssyncadd.s32 $0xFFFFEC00  }
0x18: {  	[bflag:$0x0] =	sbarrier.arrive $0xFFFF  }
0x19: {  	s1 =	rddreg [dreg:$0x4]  }
0x1a: {  	[tilespmem:s3], [sflag:$0x3] =	stream.linear.gather [hbm4b:s1+s3], $0x800, $0x38;
	[tilespmem:$0x1C000] =	vst v63  }
0x1b: {  	s4 =	rddreg [dreg:$0x5];
	s1 =	simm.s32 $0x1000  }
0x1c: {  	[tilespmem:s1], [sflag:$0x3] =	stream.linear.gather [hbm4b:s4+s3], $0x800, $0x38;
	[tilespmem:$0x1C000] =	vst v63  }
0x1d: {  	_ =	swait.ge [sflag:s16], $0x800  }
0x1e: {  	[sflag:s16] =	ssyncset.done $0x0  }
0x1f: {  	p0 =	por $0x0, $0x0;
	s0 =	simm.s32 $0x800;
	[sflag:s16] =	ssyncadd.s32 $0xFFFFF800  }
0x20: {  	s0 =	simm.s32 @p0 $0x5;
	_ =	swait.ge [sflag:s16], $0x800  }
0x21: {  	s10 =	sadd.s32 s7, s0;
	s0 =	simm.s32 $0x2000;
	[sflag:s16] =	ssyncset.done $0x0  }
0x22: {  	s4 =	sand.u32 $0x2000, s0;
	s1 =	sshrl.u32 s10, $0x3;
	[sflag:s16] =	ssyncadd.s32 $0xFFFFF800  }
0x23: {  	[tilespmem:s18], [sflag:$0x1] =	stream.indirect.gather [hbm4b:s5+s17], $0x40, s3, s17, $0xb8;
	[tilespmem:$0x1C000] =	vst v63  }
0x24: {  	s4 =	sshrl.u32 s4, $0x2;
	s10 =	sadd.s32 s6, s1  }
0x25: {  	[tilespmem:s4], [sflag:$0x3] =	stream.linear.gather [hbm4b:s10+s3], $0x800, $0x38;
	[tilespmem:$0x1C000] =	vst v63  }
0x26: {  	s1 =	sadd.s32 s8, s1;
	s11 =	sor.u32 $0x1000, s4  }
0x27: {  	[tilespmem:s11], [sflag:$0x3] =	stream.linear.gather [hbm4b:s1+s3], $0x800, $0x38;
	[tilespmem:$0x1C000] =	vst v63  }
0x28: {  	s12 =	simm.s32 $0x0;
	_ =	swait.ge [sflag:s19], $0x8000  }
0x29: {  	s1 =	sand.u32 $0x800, s12;
	[sflag:s19] =	ssyncset.done $0x0  }
0x2a: {  	s15 =	sor.u32 $0x200, s1;
	[sflag:s19] =	ssyncadd.s32 $0xFFFF8000  }
0x2b: {  	[tilespmem:s20], [sflag:$0x2] =	stream.indirect.gather [hbm4b:s5+s17], $0x40, s15, s17, $0xb8;
	[tilespmem:$0x1C000] =	vst v63  }
0x2c: {  	s24 =	sor.u32 $0x1000, s1  }
0x2d: {  	[spmem:s2] =	stream.indirect.scatter.add.f32 [tilespmem:s18], [sflag:$0x4], $0x40, s24, s21, $0xb8;
	[tilespmem:$0x1C000] =	vst v63  }
0x2e: {  	_ =	swait.ge [sflag:s14], $0x2000  }
0x2f: {  	[sflag:s14] =	ssyncset.done $0x0  }
0x30: {  	s11 =	sor.u32 $0x1080, s1;
	[sflag:s14] =	ssyncadd.s32 $0xFFFFE000  }
0x31: {  	[spmem:s2] =	stream.indirect.scatter.add.f32 [tilespmem:s22], [sflag:$0x4], $0x40, s11, s21, $0xb8;
	[tilespmem:$0x1C000] =	vst v63  }
0x32: {  	_ =	swait.ge [sflag:s14], $0x2000  }
0x33: {  	[sflag:s14] =	ssyncset.done $0x0  }
0x34: {  	s12 =	sor.u32 $0x1100, s1;
	[sflag:s14] =	ssyncadd.s32 $0xFFFFE000  }
0x35: {  	[spmem:s2] =	stream.indirect.scatter.add.f32 [tilespmem:s23], [sflag:$0x4], $0x40, s12, s21, $0xb8;
	[tilespmem:$0x1C000] =	vst v63  }
0x36: {  	_ =	swait.ge [sflag:s14], $0x2000  }
0x37: {  	[sflag:s14] =	ssyncset.done $0x0  }
0x38: {  	s15 =	sor.u32 $0x1180, s1;
	[sflag:s14] =	ssyncadd.s32 $0xFFFFE000  }
0x39: {  	[spmem:s2] =	stream.indirect.scatter.add.f32 [tilespmem:s25], [sflag:$0x4], $0x40, s15, s21, $0xb8;
	[tilespmem:$0x1C000] =	vst v63  }
0x3a: {  	_ =	swait.ge [sflag:s14], $0x2000  }
0x3b: {  	[sflag:s14] =	ssyncset.done $0x0  }
0x3c: {  	[sflag:s14] =	ssyncadd.s32 $0xFFFFE000  }
0x3d: {  	_ =	swait.ge [sflag:s26], $0x8000  }
0x3e: {  	[sflag:s26] =	ssyncset.done $0x0  }
0x3f: {  	s24 =	sor.u32 $0x400, s1;
	[sflag:s26] =	ssyncadd.s32 $0xFFFF8000  }
0x40: {  	[tilespmem:s18], [sflag:$0x1] =	stream.indirect.gather [hbm4b:s5+s17], $0x40, s24, s17, $0xb8;
	[tilespmem:$0x1C000] =	vst v63  }
0x41: {  	s11 =	sor.u32 $0x1200, s1  }
0x42: {  	[spmem:s2] =	stream.indirect.scatter.add.f32 [tilespmem:s20], [sflag:$0x4], $0x40, s11, s21, $0xb8;
	[tilespmem:$0x1C000] =	vst v63  }
0x43: {  	_ =	swait.ge [sflag:s14], $0x2000  }
0x44: {  	[sflag:s14] =	ssyncset.done $0x0  }
0x45: {  	s12 =	sor.u32 $0x1280, s1;
	[sflag:s14] =	ssyncadd.s32 $0xFFFFE000  }
0x46: {  	[spmem:s2] =	stream.indirect.scatter.add.f32 [tilespmem:s28], [sflag:$0x4], $0x40, s12, s21, $0xb8;
	[tilespmem:$0x1C000] =	vst v63  }
0x47: {  	_ =	swait.ge [sflag:s14], $0x2000  }
0x48: {  	[sflag:s14] =	ssyncset.done $0x0  }
0x49: {  	s15 =	sor.u32 $0x1300, s1;
	[sflag:s14] =	ssyncadd.s32 $0xFFFFE000  }
0x4a: {  	[spmem:s2] =	stream.indirect.scatter.add.f32 [tilespmem:s29], [sflag:$0x4], $0x40, s15, s21, $0xb8;
	[tilespmem:$0x1C000] =	vst v63  }
0x4b: {  	_ =	swait.ge [sflag:s14], $0x2000  }
0x4c: {  	[sflag:s14] =	ssyncset.done $0x0  }
0x4d: {  	s24 =	sor.u32 $0x1380, s1;
	[sflag:s14] =	ssyncadd.s32 $0xFFFFE000  }
0x4e: {  	[spmem:s2] =	stream.indirect.scatter.add.f32 [tilespmem:s30], [sflag:$0x4], $0x40, s24, s21, $0xb8;
	[tilespmem:$0x1C000] =	vst v63  }
0x4f: {  	_ =	swait.ge [sflag:s14], $0x2000  }
0x50: {  	[sflag:s14] =	ssyncset.done $0x0  }
0x51: {  	[sflag:s14] =	ssyncadd.s32 $0xFFFFE000  }
0x52: {  	_ =	swait.ge [sflag:s19], $0x8000  }
0x53: {  	[sflag:s19] =	ssyncset.done $0x0  }
0x54: {  	s11 =	sor.u32 $0x600, s1;
	[sflag:s19] =	ssyncadd.s32 $0xFFFF8000  }
0x55: {  	[tilespmem:s20], [sflag:$0x2] =	stream.indirect.gather [hbm4b:s5+s17], $0x40, s11, s17, $0xb8;
	[tilespmem:$0x1C000] =	vst v63  }
0x56: {  	s12 =	sor.u32 $0x1400, s1  }
0x57: {  	[spmem:s2] =	stream.indirect.scatter.add.f32 [tilespmem:s18], [sflag:$0x4], $0x40, s12, s21, $0xb8;
	[tilespmem:$0x1C000] =	vst v63  }
0x58: {  	_ =	swait.ge [sflag:s14], $0x2000  }
0x59: {  	[sflag:s14] =	ssyncset.done $0x0  }
0x5a: {  	s15 =	sor.u32 $0x1480, s1;
	[sflag:s14] =	ssyncadd.s32 $0xFFFFE000  }
0x5b: {  	[spmem:s2] =	stream.indirect.scatter.add.f32 [tilespmem:s22], [sflag:$0x4], $0x40, s15, s21, $0xb8;
	[tilespmem:$0x1C000] =	vst v63  }
0x5c: {  	_ =	swait.ge [sflag:s14], $0x2000  }
0x5d: {  	[sflag:s14] =	ssyncset.done $0x0  }
0x5e: {  	s24 =	sor.u32 $0x1500, s1;
	[sflag:s14] =	ssyncadd.s32 $0xFFFFE000  }
0x5f: {  	[spmem:s2] =	stream.indirect.scatter.add.f32 [tilespmem:s23], [sflag:$0x4], $0x40, s24, s21, $0xb8;
	[tilespmem:$0x1C000] =	vst v63  }
0x60: {  	_ =	swait.ge [sflag:s14], $0x2000  }
0x61: {  	[sflag:s14] =	ssyncset.done $0x0  }
0x62: {  	s11 =	sor.u32 $0x1580, s1;
	[sflag:s14] =	ssyncadd.s32 $0xFFFFE000  }
0x63: {  	[spmem:s2] =	stream.indirect.scatter.add.f32 [tilespmem:s25], [sflag:$0x4], $0x40, s11, s21, $0xb8;
	[tilespmem:$0x1C000] =	vst v63  }
0x64: {  	_ =	swait.ge [sflag:s14], $0x2000  }
0x65: {  	[sflag:s14] =	ssyncset.done $0x0  }
0x66: {  	[sflag:s14] =	ssyncadd.s32 $0xFFFFE000  }
0x67: {  	_ =	swait.ge [sflag:s26], $0x8000  }
0x68: {  	[sflag:s26] =	ssyncset.done $0x0  }
0x69: {  	[sflag:s26] =	ssyncadd.s32 $0xFFFF8000  }
0x6a: {  	_ =	swait.ge [sflag:s16], $0x800  }
0x6b: {  	[sflag:s16] =	ssyncset.done $0x0  }
0x6c: {  	[sflag:s16] =	ssyncadd.s32 $0xFFFFF800  }
0x6d: {  	_ =	swait.ge [sflag:s16], $0x800  }
0x6e: {  	[sflag:s16] =	ssyncset.done $0x0  }
0x6f: {  	[sflag:s16] =	ssyncadd.s32 $0xFFFFF800  }
0x70: {  	[tilespmem:s18], [sflag:$0x1] =	stream.indirect.gather [hbm4b:s5+s17], $0x40, s4, s17, $0xb8;
	[tilespmem:$0x1C000] =	vst v63  }
0x71: {  	s12 =	sor.u32 $0x1600, s1  }
0x72: {  	[spmem:s2] =	stream.indirect.scatter.add.f32 [tilespmem:s20], [sflag:$0x4], $0x40, s12, s21, $0xb8;
	[tilespmem:$0x1C000] =	vst v63  }
0x73: {  	_ =	swait.ge [sflag:s14], $0x2000  }
0x74: {  	[sflag:s14] =	ssyncset.done $0x0  }
0x75: {  	s15 =	sor.u32 $0x1680, s1;
	[sflag:s14] =	ssyncadd.s32 $0xFFFFE000  }
0x76: {  	[spmem:s2] =	stream.indirect.scatter.add.f32 [tilespmem:s28], [sflag:$0x4], $0x40, s15, s21, $0xb8;
	[tilespmem:$0x1C000] =	vst v63  }
0x77: {  	_ =	swait.ge [sflag:s14], $0x2000  }
0x78: {  	[sflag:s14] =	ssyncset.done $0x0  }
0x79: {  	s24 =	sor.u32 $0x1700, s1;
	[sflag:s14] =	ssyncadd.s32 $0xFFFFE000  }
0x7a: {  	[spmem:s2] =	stream.indirect.scatter.add.f32 [tilespmem:s29], [sflag:$0x4], $0x40, s24, s21, $0xb8;
	[tilespmem:$0x1C000] =	vst v63  }
0x7b: {  	_ =	swait.ge [sflag:s14], $0x2000  }
0x7c: {  	p0 =	por $0x0, $0x0;
	[sflag:s14] =	ssyncset.done $0x0  }
0x7d: {  	s1 =	sor.u32 $0x1780, s1;
	s4 =	simm.s32 $0x1000;
	[sflag:s14] =	ssyncadd.s32 $0xFFFFE000  }
0x7e: {  	[spmem:s2] =	stream.indirect.scatter.add.f32 [tilespmem:s30], [sflag:$0x4], $0x40, s1, s21, $0xb8;
	[tilespmem:$0x1C000] =	vst v63  }
0x7f: {  	s10 =	simm.s32 $0x1800;
	s4 =	simm.s32 @p0 $0x5;
	_ =	swait.ge [sflag:s14], $0x2000  }
0x80: {  	s11 =	sadd.s32 s7, s4;
	s4 =	simm.s32 $0x4000;
	[sflag:s14] =	ssyncset.done $0x0  }
.LBB2_2:
0x81: {  	s12 =	sand.u32 $0x2000, s4  }
0x82: {  	s24 =	sshrl.u32 s11, $0x3;
	[sflag:s14] =	ssyncadd.s32 $0xFFFFE000;
	s15 =	smov.u32 s10  }
0x83: {  	s1 =	sadd.s32 $0x800, s10;
	s11 =	sshrl.u32 s12, $0x2;
	s12 =	sadd.s32 s6, s24  }
0x84: {  	[tilespmem:s11], [sflag:$0x3] =	stream.linear.gather [hbm4b:s12+s3], $0x800, $0x38;
	[tilespmem:$0x1C000] =	vst v63  }
0x85: {  	p0 =	sne.s32 s10, $0x2800;
	s10 =	sor.u32 $0x1000, s11;
	s12 =	sadd.s32 s8, s24  }
0x86: {  	[tilespmem:s10], [sflag:$0x3] =	stream.linear.gather [hbm4b:s12+s3], $0x800, $0x38;
	[tilespmem:$0x1C000] =	vst v63  }
0x87: {  	s10 =	sshrl.u32 s0, $0x2;
	s0 =	smov.u32 s4;
	_ =	swait.ge [sflag:s19], $0x8000  }
0x88: {  	s10 =	sand.u32 $0x800, s10;
	[sflag:s19] =	ssyncset.done $0x0  }
0x89: {  	s12 =	sor.u32 $0x200, s10;
	[sflag:s19] =	ssyncadd.s32 $0xFFFF8000  }
0x8a: {  	[tilespmem:s20], [sflag:$0x2] =	stream.indirect.gather [hbm4b:s5+s17], $0x40, s12, s17, $0xb8;
	[tilespmem:$0x1C000] =	vst v63  }
0x8b: {  	s12 =	sor.u32 $0x1000, s10  }
0x8c: {  	[spmem:s2] =	stream.indirect.scatter.add.f32 [tilespmem:s18], [sflag:$0x4], $0x40, s12, s21, $0xb8;
	[tilespmem:$0x1C000] =	vst v63  }
0x8d: {  	_ =	swait.ge [sflag:s14], $0x2000  }
0x8e: {  	[sflag:s14] =	ssyncset.done $0x0  }
0x8f: {  	s12 =	sor.u32 $0x1080, s10;
	[sflag:s14] =	ssyncadd.s32 $0xFFFFE000  }
0x90: {  	[spmem:s2] =	stream.indirect.scatter.add.f32 [tilespmem:s22], [sflag:$0x4], $0x40, s12, s21, $0xb8;
	[tilespmem:$0x1C000] =	vst v63  }
0x91: {  	_ =	swait.ge [sflag:s14], $0x2000  }
0x92: {  	[sflag:s14] =	ssyncset.done $0x0  }
0x93: {  	s12 =	sor.u32 $0x1100, s10;
	[sflag:s14] =	ssyncadd.s32 $0xFFFFE000  }
0x94: {  	[spmem:s2] =	stream.indirect.scatter.add.f32 [tilespmem:s23], [sflag:$0x4], $0x40, s12, s21, $0xb8;
	[tilespmem:$0x1C000] =	vst v63  }
0x95: {  	_ =	swait.ge [sflag:s14], $0x2000  }
0x96: {  	[sflag:s14] =	ssyncset.done $0x0  }
0x97: {  	s12 =	sor.u32 $0x1180, s10;
	[sflag:s14] =	ssyncadd.s32 $0xFFFFE000  }
0x98: {  	[spmem:s2] =	stream.indirect.scatter.add.f32 [tilespmem:s25], [sflag:$0x4], $0x40, s12, s21, $0xb8;
	[tilespmem:$0x1C000] =	vst v63  }
0x99: {  	_ =	swait.ge [sflag:s14], $0x2000  }
0x9a: {  	[sflag:s14] =	ssyncset.done $0x0  }
0x9b: {  	[sflag:s14] =	ssyncadd.s32 $0xFFFFE000  }
0x9c: {  	_ =	swait.ge [sflag:s26], $0x8000  }
0x9d: {  	[sflag:s26] =	ssyncset.done $0x0  }
0x9e: {  	s12 =	sor.u32 $0x400, s10;
	[sflag:s26] =	ssyncadd.s32 $0xFFFF8000  }
0x9f: {  	[tilespmem:s18], [sflag:$0x1] =	stream.indirect.gather [hbm4b:s5+s17], $0x40, s12, s17, $0xb8;
	[tilespmem:$0x1C000] =	vst v63  }
0xa0: {  	s12 =	sor.u32 $0x1200, s10  }
0xa1: {  	[spmem:s2] =	stream.indirect.scatter.add.f32 [tilespmem:s20], [sflag:$0x4], $0x40, s12, s21, $0xb8;
	[tilespmem:$0x1C000] =	vst v63  }
0xa2: {  	_ =	swait.ge [sflag:s14], $0x2000  }
0xa3: {  	[sflag:s14] =	ssyncset.done $0x0  }
0xa4: {  	s12 =	sor.u32 $0x1280, s10;
	[sflag:s14] =	ssyncadd.s32 $0xFFFFE000  }
0xa5: {  	[spmem:s2] =	stream.indirect.scatter.add.f32 [tilespmem:s28], [sflag:$0x4], $0x40, s12, s21, $0xb8;
	[tilespmem:$0x1C000] =	vst v63  }
0xa6: {  	_ =	swait.ge [sflag:s14], $0x2000  }
0xa7: {  	[sflag:s14] =	ssyncset.done $0x0  }
0xa8: {  	s12 =	sor.u32 $0x1300, s10;
	[sflag:s14] =	ssyncadd.s32 $0xFFFFE000  }
0xa9: {  	[spmem:s2] =	stream.indirect.scatter.add.f32 [tilespmem:s29], [sflag:$0x4], $0x40, s12, s21, $0xb8;
	[tilespmem:$0x1C000] =	vst v63  }
0xaa: {  	_ =	swait.ge [sflag:s14], $0x2000  }
0xab: {  	[sflag:s14] =	ssyncset.done $0x0  }
0xac: {  	s12 =	sor.u32 $0x1380, s10;
	[sflag:s14] =	ssyncadd.s32 $0xFFFFE000  }
0xad: {  	[spmem:s2] =	stream.indirect.scatter.add.f32 [tilespmem:s30], [sflag:$0x4], $0x40, s12, s21, $0xb8;
	[tilespmem:$0x1C000] =	vst v63  }
0xae: {  	_ =	swait.ge [sflag:s14], $0x2000  }
0xaf: {  	[sflag:s14] =	ssyncset.done $0x0  }
0xb0: {  	[sflag:s14] =	ssyncadd.s32 $0xFFFFE000  }
0xb1: {  	_ =	swait.ge [sflag:s19], $0x8000  }
0xb2: {  	[sflag:s19] =	ssyncset.done $0x0  }
0xb3: {  	s12 =	sor.u32 $0x600, s10;
	[sflag:s19] =	ssyncadd.s32 $0xFFFF8000  }
0xb4: {  	[tilespmem:s20], [sflag:$0x2] =	stream.indirect.gather [hbm4b:s5+s17], $0x40, s12, s17, $0xb8;
	[tilespmem:$0x1C000] =	vst v63  }
0xb5: {  	s12 =	sor.u32 $0x1400, s10  }
0xb6: {  	[spmem:s2] =	stream.indirect.scatter.add.f32 [tilespmem:s18], [sflag:$0x4], $0x40, s12, s21, $0xb8;
	[tilespmem:$0x1C000] =	vst v63  }
0xb7: {  	_ =	swait.ge [sflag:s14], $0x2000  }
0xb8: {  	[sflag:s14] =	ssyncset.done $0x0  }
0xb9: {  	s12 =	sor.u32 $0x1480, s10;
	[sflag:s14] =	ssyncadd.s32 $0xFFFFE000  }
0xba: {  	[spmem:s2] =	stream.indirect.scatter.add.f32 [tilespmem:s22], [sflag:$0x4], $0x40, s12, s21, $0xb8;
	[tilespmem:$0x1C000] =	vst v63  }
0xbb: {  	_ =	swait.ge [sflag:s14], $0x2000  }
0xbc: {  	[sflag:s14] =	ssyncset.done $0x0  }
0xbd: {  	s12 =	sor.u32 $0x1500, s10;
	[sflag:s14] =	ssyncadd.s32 $0xFFFFE000  }
0xbe: {  	[spmem:s2] =	stream.indirect.scatter.add.f32 [tilespmem:s23], [sflag:$0x4], $0x40, s12, s21, $0xb8;
	[tilespmem:$0x1C000] =	vst v63  }
0xbf: {  	_ =	swait.ge [sflag:s14], $0x2000  }
0xc0: {  	[sflag:s14] =	ssyncset.done $0x0  }
0xc1: {  	s12 =	sor.u32 $0x1580, s10;
	[sflag:s14] =	ssyncadd.s32 $0xFFFFE000  }
0xc2: {  	[spmem:s2] =	stream.indirect.scatter.add.f32 [tilespmem:s25], [sflag:$0x4], $0x40, s12, s21, $0xb8;
	[tilespmem:$0x1C000] =	vst v63  }
0xc3: {  	_ =	swait.ge [sflag:s14], $0x2000  }
0xc4: {  	[sflag:s14] =	ssyncset.done $0x0  }
0xc5: {  	[sflag:s14] =	ssyncadd.s32 $0xFFFFE000  }
0xc6: {  	_ =	swait.ge [sflag:s26], $0x8000  }
0xc7: {  	[sflag:s26] =	ssyncset.done $0x0  }
0xc8: {  	[sflag:s26] =	ssyncadd.s32 $0xFFFF8000  }
0xc9: {  	_ =	swait.ge [sflag:s16], $0x800  }
0xca: {  	[sflag:s16] =	ssyncset.done $0x0  }
0xcb: {  	[sflag:s16] =	ssyncadd.s32 $0xFFFFF800  }
0xcc: {  	_ =	swait.ge [sflag:s16], $0x800  }
0xcd: {  	[sflag:s16] =	ssyncset.done $0x0  }
0xce: {  	[sflag:s16] =	ssyncadd.s32 $0xFFFFF800  }
0xcf: {  	[tilespmem:s18], [sflag:$0x1] =	stream.indirect.gather [hbm4b:s5+s17], $0x40, s11, s17, $0xb8;
	[tilespmem:$0x1C000] =	vst v63  }
0xd0: {  	s11 =	sor.u32 $0x1600, s10  }
0xd1: {  	[spmem:s2] =	stream.indirect.scatter.add.f32 [tilespmem:s20], [sflag:$0x4], $0x40, s11, s21, $0xb8;
	[tilespmem:$0x1C000] =	vst v63  }
0xd2: {  	_ =	swait.ge [sflag:s14], $0x2000  }
0xd3: {  	[sflag:s14] =	ssyncset.done $0x0  }
0xd4: {  	s11 =	sor.u32 $0x1680, s10;
	[sflag:s14] =	ssyncadd.s32 $0xFFFFE000  }
0xd5: {  	[spmem:s2] =	stream.indirect.scatter.add.f32 [tilespmem:s28], [sflag:$0x4], $0x40, s11, s21, $0xb8;
	[tilespmem:$0x1C000] =	vst v63  }
0xd6: {  	_ =	swait.ge [sflag:s14], $0x2000  }
0xd7: {  	[sflag:s14] =	ssyncset.done $0x0  }
0xd8: {  	s11 =	sor.u32 $0x1700, s10;
	[sflag:s14] =	ssyncadd.s32 $0xFFFFE000  }
0xd9: {  	[spmem:s2] =	stream.indirect.scatter.add.f32 [tilespmem:s29], [sflag:$0x4], $0x40, s11, s21, $0xb8;
	[tilespmem:$0x1C000] =	vst v63  }
0xda: {  	_ =	swait.ge [sflag:s14], $0x2000  }
.Ltmp0:
0xdb: {  	[sflag:s14] =	ssyncset.done $0x0;
	(pc) =	sbr.rel @p0 .LBB2_2-.Ltmp0, $4  }
0xdc: {  	p1 =	seq.s32 s15, $0x2800;
	s10 =	sor.u32 $0x1780, s10;
	[sflag:s14] =	ssyncadd.s32 $0xFFFFE000  }
0xdd: {  	[spmem:s2] =	stream.indirect.scatter.add.f32 [tilespmem:s30], [sflag:$0x4], $0x40, s10, s21, $0xb8;
	[tilespmem:$0x1C000] =	vst v63  }
0xde: {  	s15 =	simm.s32 @p1 $0x5;
	s4 =	sadd.s32 $0x2000, s4;
	_ =	swait.ge [sflag:s14], $0x2000  }
0xdf: {  	s11 =	sadd.s32 s7, s15;
	s10 =	smov.u32 s1;
	[sflag:s14] =	ssyncset.done $0x0  }
0xe0: {  	s1 =	sand.u32 $0x2000, s4;
	s15 =	sshrl.u32 s11, $0x3  }
0xe1: {  	[sflag:s14] =	ssyncadd.s32 $0xFFFFE000;
	s1 =	sshrl.u32 s1, $0x2;
	s10 =	sadd.s32 s6, s15  }
0xe2: {  	[tilespmem:s1], [sflag:$0x3] =	stream.linear.gather [hbm4b:s10+s3], $0x800, $0x38;
	[tilespmem:$0x1C000] =	vst v63  }
0xe3: {  	s4 =	sadd.s32 s8, s15;
	s24 =	sor.u32 $0x1000, s1  }
0xe4: {  	[tilespmem:s24], [sflag:$0x3] =	stream.linear.gather [hbm4b:s4+s3], $0x800, $0x38;
	[tilespmem:$0x1C000] =	vst v63  }
0xe5: {  	s0 =	sshrl.u32 s0, $0x2;
	_ =	swait.ge [sflag:s19], $0x8000  }
0xe6: {  	s0 =	sand.u32 $0x800, s0;
	[sflag:s19] =	ssyncset.done $0x0  }
0xe7: {  	s10 =	sor.u32 $0x200, s0;
	[sflag:s19] =	ssyncadd.s32 $0xFFFF8000  }
0xe8: {  	[tilespmem:s20], [sflag:$0x2] =	stream.indirect.gather [hbm4b:s5+s17], $0x40, s10, s17, $0xb8;
	[tilespmem:$0x1C000] =	vst v63  }
0xe9: {  	s11 =	sor.u32 $0x1000, s0  }
0xea: {  	[spmem:s2] =	stream.indirect.scatter.add.f32 [tilespmem:s18], [sflag:$0x4], $0x40, s11, s21, $0xb8;
	[tilespmem:$0x1C000] =	vst v63  }
0xeb: {  	_ =	swait.ge [sflag:s14], $0x2000  }
0xec: {  	[sflag:s14] =	ssyncset.done $0x0  }
0xed: {  	s12 =	sor.u32 $0x1080, s0;
	[sflag:s14] =	ssyncadd.s32 $0xFFFFE000  }
0xee: {  	[spmem:s2] =	stream.indirect.scatter.add.f32 [tilespmem:s22], [sflag:$0x4], $0x40, s12, s21, $0xb8;
	[tilespmem:$0x1C000] =	vst v63  }
0xef: {  	_ =	swait.ge [sflag:s14], $0x2000  }
0xf0: {  	[sflag:s14] =	ssyncset.done $0x0  }
0xf1: {  	s15 =	sor.u32 $0x1100, s0;
	[sflag:s14] =	ssyncadd.s32 $0xFFFFE000  }
0xf2: {  	[spmem:s2] =	stream.indirect.scatter.add.f32 [tilespmem:s23], [sflag:$0x4], $0x40, s15, s21, $0xb8;
	[tilespmem:$0x1C000] =	vst v63  }
0xf3: {  	_ =	swait.ge [sflag:s14], $0x2000  }
0xf4: {  	[sflag:s14] =	ssyncset.done $0x0  }
0xf5: {  	s24 =	sor.u32 $0x1180, s0;
	[sflag:s14] =	ssyncadd.s32 $0xFFFFE000  }
0xf6: {  	[spmem:s2] =	stream.indirect.scatter.add.f32 [tilespmem:s25], [sflag:$0x4], $0x40, s24, s21, $0xb8;
	[tilespmem:$0x1C000] =	vst v63  }
0xf7: {  	_ =	swait.ge [sflag:s14], $0x2000  }
0xf8: {  	[sflag:s14] =	ssyncset.done $0x0  }
0xf9: {  	[sflag:s14] =	ssyncadd.s32 $0xFFFFE000  }
0xfa: {  	_ =	swait.ge [sflag:s26], $0x8000  }
0xfb: {  	[sflag:s26] =	ssyncset.done $0x0  }
0xfc: {  	s10 =	sor.u32 $0x400, s0;
	[sflag:s26] =	ssyncadd.s32 $0xFFFF8000  }
0xfd: {  	[tilespmem:s18], [sflag:$0x1] =	stream.indirect.gather [hbm4b:s5+s17], $0x40, s10, s17, $0xb8;
	[tilespmem:$0x1C000] =	vst v63  }
0xfe: {  	s11 =	sor.u32 $0x1200, s0  }
0xff: {  	[spmem:s2] =	stream.indirect.scatter.add.f32 [tilespmem:s20], [sflag:$0x4], $0x40, s11, s21, $0xb8;
	[tilespmem:$0x1C000] =	vst v63  }
0x100: {  	_ =	swait.ge [sflag:s14], $0x2000  }
0x101: {  	[sflag:s14] =	ssyncset.done $0x0  }
0x102: {  	s12 =	sor.u32 $0x1280, s0;
	[sflag:s14] =	ssyncadd.s32 $0xFFFFE000  }
0x103: {  	[spmem:s2] =	stream.indirect.scatter.add.f32 [tilespmem:s28], [sflag:$0x4], $0x40, s12, s21, $0xb8;
	[tilespmem:$0x1C000] =	vst v63  }
0x104: {  	_ =	swait.ge [sflag:s14], $0x2000  }
0x105: {  	[sflag:s14] =	ssyncset.done $0x0  }
0x106: {  	s15 =	sor.u32 $0x1300, s0;
	[sflag:s14] =	ssyncadd.s32 $0xFFFFE000  }
0x107: {  	[spmem:s2] =	stream.indirect.scatter.add.f32 [tilespmem:s29], [sflag:$0x4], $0x40, s15, s21, $0xb8;
	[tilespmem:$0x1C000] =	vst v63  }
0x108: {  	_ =	swait.ge [sflag:s14], $0x2000  }
0x109: {  	[sflag:s14] =	ssyncset.done $0x0  }
0x10a: {  	s24 =	sor.u32 $0x1380, s0;
	[sflag:s14] =	ssyncadd.s32 $0xFFFFE000  }
0x10b: {  	[spmem:s2] =	stream.indirect.scatter.add.f32 [tilespmem:s30], [sflag:$0x4], $0x40, s24, s21, $0xb8;
	[tilespmem:$0x1C000] =	vst v63  }
0x10c: {  	_ =	swait.ge [sflag:s14], $0x2000  }
0x10d: {  	[sflag:s14] =	ssyncset.done $0x0  }
0x10e: {  	[sflag:s14] =	ssyncadd.s32 $0xFFFFE000  }
0x10f: {  	_ =	swait.ge [sflag:s19], $0x8000  }
0x110: {  	[sflag:s19] =	ssyncset.done $0x0  }
0x111: {  	s10 =	sor.u32 $0x600, s0;
	[sflag:s19] =	ssyncadd.s32 $0xFFFF8000  }
0x112: {  	[tilespmem:s20], [sflag:$0x2] =	stream.indirect.gather [hbm4b:s5+s17], $0x40, s10, s17, $0xb8;
	[tilespmem:$0x1C000] =	vst v63  }
0x113: {  	s11 =	sor.u32 $0x1400, s0  }
0x114: {  	[spmem:s2] =	stream.indirect.scatter.add.f32 [tilespmem:s18], [sflag:$0x4], $0x40, s11, s21, $0xb8;
	[tilespmem:$0x1C000] =	vst v63  }
0x115: {  	_ =	swait.ge [sflag:s14], $0x2000  }
0x116: {  	[sflag:s14] =	ssyncset.done $0x0  }
0x117: {  	s12 =	sor.u32 $0x1480, s0;
	[sflag:s14] =	ssyncadd.s32 $0xFFFFE000  }
0x118: {  	[spmem:s2] =	stream.indirect.scatter.add.f32 [tilespmem:s22], [sflag:$0x4], $0x40, s12, s21, $0xb8;
	[tilespmem:$0x1C000] =	vst v63  }
0x119: {  	_ =	swait.ge [sflag:s14], $0x2000  }
0x11a: {  	[sflag:s14] =	ssyncset.done $0x0  }
0x11b: {  	s15 =	sor.u32 $0x1500, s0;
	[sflag:s14] =	ssyncadd.s32 $0xFFFFE000  }
0x11c: {  	[spmem:s2] =	stream.indirect.scatter.add.f32 [tilespmem:s23], [sflag:$0x4], $0x40, s15, s21, $0xb8;
	[tilespmem:$0x1C000] =	vst v63  }
0x11d: {  	_ =	swait.ge [sflag:s14], $0x2000  }
0x11e: {  	[sflag:s14] =	ssyncset.done $0x0  }
0x11f: {  	s24 =	sor.u32 $0x1580, s0;
	[sflag:s14] =	ssyncadd.s32 $0xFFFFE000  }
0x120: {  	[spmem:s2] =	stream.indirect.scatter.add.f32 [tilespmem:s25], [sflag:$0x4], $0x40, s24, s21, $0xb8;
	[tilespmem:$0x1C000] =	vst v63  }
0x121: {  	_ =	swait.ge [sflag:s14], $0x2000  }
0x122: {  	[sflag:s14] =	ssyncset.done $0x0  }
0x123: {  	[sflag:s14] =	ssyncadd.s32 $0xFFFFE000  }
0x124: {  	_ =	swait.ge [sflag:s26], $0x8000  }
0x125: {  	[sflag:s26] =	ssyncset.done $0x0  }
0x126: {  	[sflag:s26] =	ssyncadd.s32 $0xFFFF8000  }
0x127: {  	_ =	swait.ge [sflag:s16], $0x800  }
0x128: {  	[sflag:s16] =	ssyncset.done $0x0  }
0x129: {  	[sflag:s16] =	ssyncadd.s32 $0xFFFFF800  }
0x12a: {  	_ =	swait.ge [sflag:s16], $0x800  }
0x12b: {  	[sflag:s16] =	ssyncset.done $0x0  }
0x12c: {  	[sflag:s16] =	ssyncadd.s32 $0xFFFFF800  }
0x12d: {  	[tilespmem:s18], [sflag:$0x1] =	stream.indirect.gather [hbm4b:s5+s17], $0x40, s1, s17, $0xb8;
	[tilespmem:$0x1C000] =	vst v63  }
0x12e: {  	s10 =	sor.u32 $0x1600, s0  }
0x12f: {  	[spmem:s2] =	stream.indirect.scatter.add.f32 [tilespmem:s20], [sflag:$0x4], $0x40, s10, s21, $0xb8;
	[tilespmem:$0x1C000] =	vst v63  }
0x130: {  	_ =	swait.ge [sflag:s14], $0x2000  }
0x131: {  	[sflag:s14] =	ssyncset.done $0x0  }
0x132: {  	s11 =	sor.u32 $0x1680, s0;
	[sflag:s14] =	ssyncadd.s32 $0xFFFFE000  }
0x133: {  	[spmem:s2] =	stream.indirect.scatter.add.f32 [tilespmem:s28], [sflag:$0x4], $0x40, s11, s21, $0xb8;
	[tilespmem:$0x1C000] =	vst v63  }
0x134: {  	_ =	swait.ge [sflag:s14], $0x2000  }
0x135: {  	[sflag:s14] =	ssyncset.done $0x0  }
0x136: {  	s12 =	sor.u32 $0x1700, s0;
	[sflag:s14] =	ssyncadd.s32 $0xFFFFE000  }
0x137: {  	[spmem:s2] =	stream.indirect.scatter.add.f32 [tilespmem:s29], [sflag:$0x4], $0x40, s12, s21, $0xb8;
	[tilespmem:$0x1C000] =	vst v63  }
0x138: {  	_ =	swait.ge [sflag:s14], $0x2000  }
0x139: {  	[sflag:s14] =	ssyncset.done $0x0  }
0x13a: {  	s0 =	sor.u32 $0x1780, s0;
	[sflag:s14] =	ssyncadd.s32 $0xFFFFE000  }
0x13b: {  	[spmem:s2] =	stream.indirect.scatter.add.f32 [tilespmem:s30], [sflag:$0x4], $0x40, s0, s21, $0xb8;
	[tilespmem:$0x1C000] =	vst v63  }
0x13c: {  	_ =	swait.ge [sflag:s14], $0x2000  }
0x13d: {  	[sflag:s14] =	ssyncset.done $0x0  }
0x13e: {  	[sflag:s14] =	ssyncadd.s32 $0xFFFFE000  }
0x13f: {  	_ =	swait.ge [sflag:s19], $0x8000  }
0x140: {  	[sflag:s19] =	ssyncset.done $0x0  }
0x141: {  	[sflag:s19] =	ssyncadd.s32 $0xFFFF8000  }
0x142: {  	[bflag:$0x0] =	sbarrier.arrive $0xFFFF  }
0x143: {  	s15 =	rddreg [dreg:$0x7]  }
0x144: {  	[hbm:s15], [sflag:s9] =	dma.local [spmem:s13], $0x1400  }
0x145: {  	_ =	swait.ge [sflag:s14], $0x1400  }
0x146: {  	s31 =	sadd.s32 $0x1, s31;
	s24 =	rddreg [dreg:$0x6]  }
0x147: {  	p0 =	sne.s32 s31, s24  }
.Ltmp1:
0x148: {  	_ = 	snop;
	(pc) =	sbr.rel @p0 .LBB2_1-.Ltmp1, $3  }
0x149: {  	_ =	sdelay $0x1  }
0x14a: {  	[sflag:s14] =	ssyncset.done $0x0  }
0x14b: {  	[sflag:s14] =	ssyncadd.s32 $0xFFFFEC00  }
0x14c: {  	_ =	sfence.sel $0x180000  }
0x14d: {  	[bflag:$0x0] =	sbarrier.arrive $0xFFFF  }
0x14e: {  	_ =	strace $0x9000004A  }
0x14f: {  	s0 =	stileid.u32;
	[bflag:$0x2] =	sbarrier.arrive $0xFFFF  }
0x150: {  	p0 =	sne.s32 s0, $0x0;
	s0 =	rddreg [dreg:$0x3]  }
0x151: {  	s0 =	sadd.s32 @!p0 $0x100000, s0  }
0x152: {  	[sflag:s0] =	ssyncadd.tile.s32 @!p0 $0x1;
	_ =	shalt  }
.Lfunc_end2:
_tile_overlayer_lowered:
.L_overlay_start_2:
0x153: {  	(tag) =	ssettag $0x2  }
0x154: {  	s0 =	rddreg [dreg:$0x0];
	s2 =	stileid.u32  }
0x155: {  	s1 =	rddreg [dreg:$0x1];
	p0 =	sne.s32 s2, $0x0  }
0x156: {  	s3 =	rddreg [dreg:$0x2];
	[bflag:$0x3] =	sbarrier.arrive $0xFFFF;
	s2 =	simm.s32 @!p0 $0x1C04  }
0x157: {  	[timem:s3], [sflag:s2] =	dma.local @!p0 [hbm:s0], s1  }
0x158: {  	s0 =	simm.s32 @!p0 $0x4  }
0x159: {  	_ =	swait.ge @!p0 [sflag:s0], s1  }
0x15a: {  	s1 =	ssub.s32 @!p0 $0x0, s1;
	[sflag:s0] =	ssyncset.done @!p0 $0x0  }
0x15b: {  	[sflag:s0] =	ssyncadd.s32 @!p0 s1  }
0x15c: {  	[bflag:$0x3] =	sbarrier.arrive $0xFFFF  }
0x15d: {  	_ =	shalt  }

// kernel: kernel.16.cloned.1.call-start
scs
__scs_entry_jumppad:
0x0: {  	(pc) =	sbr.rel $0x88, $3  }
0x1: {  	(tag) =	ssettag $0x0;
	lr =	simm.s32 $0x1  }
0x2: {  	[smem:$0x3F94] =	sst lr;
	_ =	strace $0xD0000000  }
0x3: {  	_ = 	snop  }
0x4: {  	_ = 	snop  }
0x5: {  	_ = 	snop  }
0x6: {  	_ = 	snop  }
0x7: {  	_ = 	snop  }
__scs_overlays_trampoline_lowered:
0x8: {  	[smem:$0x3FA3] =	sst s0  }
0x9: {  	[smem:$0x3FA4] =	sst s1  }
0xa: {  	[smem:$0x3FA5] =	sst s2  }
0xb: {  	[smem:$0x3FA6] =	sst s3  }
0xc: {  	[smem:$0x3FA7] =	sst s4  }
0xd: {  	[smem:$0x3FA8] =	sst s5  }
0xe: {  	[smem:$0x3FA9] =	sst s6  }
0xf: {  	[smem:$0x3FAA] =	sst s7  }
0x10: {  	[smem:$0x3FAB] =	sst s8  }
0x11: {  	[smem:$0x3FAC] =	sst s9;
	s0 =	simm.s32 @!p0 $0x0  }
0x12: {  	s1 =	sld [smem:$0x3F92];
	s0 =	simm.s32 @p0 $0x1  }
0x13: {  	[smem:$0x3FAD] =	sst s0;
	s0 =	simm.s32 @!p1 $0x0  }
0x14: {  	s2 =	sld [smem:$0x3F91];
	s0 =	simm.s32 @p1 $0x1  }
0x15: {  	[smem:$0x3FAE] =	sst s0;
	s0 =	simm.s32 @!p2 $0x0  }
0x16: {  	s3 =	sld [smem:$0x3FDB];
	s0 =	simm.s32 @p2 $0x1  }
0x17: {  	s4 =	simm.s32 $0x1BF5;
	[smem:$0x3FB0] =	sst s0  }
0x18: {  	s0 =	sld [smem:$0x3F93];
	_ =	swait.ge [sflag:s4], $0x0  }
0x19: {  	s7 =	sld [smem:$0x3F94]  }
0x1a: {  	s8 =	sadd.s32 $0xFFFFE003, lr  }
0x1b: {  	s9 =	sadd.s32 $0xFFFFFEF7, lr;
	s5 =	simm.s32 $0xFFFFFFFF;
	p2 =	slt.u32 s8, $0xFFFFF086  }
0x1c: {  	p1 =	slt.u32 s9, $0xF7A;
	s5 =	simm.s32 @!p2 $0x0  }
0x1d: {  	s5 =	simm.s32 @p1 $0x1;
	p0 =	seq.s32 s7, s2  }
0x1e: {  	s7 =	smul.u32 @!p0 $0xF7A, s2;
	p2 =	seq.s32 @!p0 s5, $0x0  }
0x1f: {  	s9 =	smul.u32 $0xF7A, s1;
	s8 =	simm.s32 @!p0 $0x1BF5;
	p2 =	por !p2, p0  }
0x20: {  	[sflag:s8] =	ssyncset.s32 @!p0 $0xFFFFF086;
	s6 =	sadd.s32 @!p0 s3, s7;
	s7 =	simm.s32 @!p0 $0x108  }
0x21: {  	s3 =	sadd.s32 s3, s9;
	s6 =	sadd.s32 @!p0 $0x88, s6;
	s7 =	simm.s32 @p2 $0x1082  }
0x22: {  	[simem:s7], [sflag:s8] =	dma.local @!p0 [hbm:s6], $0xF7A  }
0x23: {  	s9 =	sor.u32 $0xD0000000, s2;
	s6 =	simm.s32 $0x108;
	_ =	swait.ge @!p0 [sflag:s8], $0x0  }
0x24: {  	s3 =	sadd.s32 $0x88, s3;
	s6 =	simm.s32 @!p1 $0x1082;
	[sflag:s4] =	ssyncset.s32 $0xFFFFF086  }
0x25: {  	[simem:s6], [sflag:s4] =	dma.local [hbm:s3], $0xF7A  }
0x26: {  	[smem:$0x3F94] =	sst s1;
	(tag) =	ssettag s2;
	_ =	strace s9  }
0x27: {  	s1 =	sld [smem:$0x3FA4]  }
0x28: {  	s2 =	sld [smem:$0x3FA5]  }
0x29: {  	s4 =	sld [smem:$0x3FA7]  }
0x2a: {  	p0 =	seq.s32 s5, $0x0;
	s5 =	sld [smem:$0x3FA8]  }
0x2b: {  	s6 =	sld [smem:$0x3FA9]  }
0x2c: {  	s7 =	sld [smem:$0x3FAA]  }
0x2d: {  	s3 =	simm.s32 $0x108;
	s8 =	sld [smem:$0x3FAB]  }
0x2e: {  	s3 =	simm.s32 @!p0 $0x1082;
	s9 =	sld [smem:$0x3FAC]  }
0x2f: {  	lr =	sadd.s32 s0, s3;
	s0 =	sld [smem:$0x3FA3]  }
0x30: {  	s3 =	sld [smem:$0x3FA6]  }
0x31: {  	[smem:$0x3FAF] =	sst s10  }
0x32: {  	s10 =	sld [smem:$0x3FAD];
	_ =	sdelay $0x3  }
0x33: {  	p0 =	seq.s32 s10, $0x1;
	s10 =	sld [smem:$0x3FAF];
	_ =	sdelay $0x3  }
0x34: {  	[smem:$0x3FAF] =	sst s10  }
0x35: {  	s10 =	sld [smem:$0x3FAE];
	_ =	sdelay $0x3  }
0x36: {  	p1 =	seq.s32 s10, $0x1;
	s10 =	sld [smem:$0x3FAF];
	_ =	sdelay $0x3  }
0x37: {  	[smem:$0x3FAF] =	sst s10  }
0x38: {  	s10 =	sld [smem:$0x3FB0]  }
0x39: {  	_ = 	snop;
	(pc) =	sbr.ind lr, $3  }
0x3a: {  	_ = 	snop  }
0x3b: {  	_ = 	snop  }
0x3c: {  	p2 =	seq.s32 s10, $0x1;
	s10 =	sld [smem:$0x3FAF]  }
0x3d: {  	_ =	shalt  }
0x3e: {  	_ =	shalt  }
0x3f: {  	_ =	shalt  }
0x40: {  	_ =	shalt  }
0x41: {  	_ =	shalt  }
0x42: {  	_ =	shalt  }
0x43: {  	_ =	shalt  }
0x44: {  	_ =	shalt  }
0x45: {  	_ =	shalt  }
0x46: {  	_ =	shalt  }
0x47: {  	_ =	shalt  }
0x48: {  	_ =	shalt  }
0x49: {  	_ =	shalt  }
0x4a: {  	_ =	shalt  }
0x4b: {  	_ =	shalt  }
0x4c: {  	_ =	shalt  }
0x4d: {  	_ =	shalt  }
0x4e: {  	_ =	shalt  }
0x4f: {  	_ =	shalt  }
0x50: {  	_ =	shalt  }
0x51: {  	_ =	shalt  }
0x52: {  	_ =	shalt  }
0x53: {  	_ =	shalt  }
0x54: {  	_ =	shalt  }
0x55: {  	_ =	shalt  }
0x56: {  	_ =	shalt  }
0x57: {  	_ =	shalt  }
0x58: {  	_ =	shalt  }
0x59: {  	_ =	shalt  }
0x5a: {  	_ =	shalt  }
0x5b: {  	_ =	shalt  }
0x5c: {  	_ =	shalt  }
0x5d: {  	_ =	shalt  }
0x5e: {  	_ =	shalt  }
0x5f: {  	_ =	shalt  }
0x60: {  	_ =	shalt  }
0x61: {  	_ =	shalt  }
0x62: {  	_ =	shalt  }
0x63: {  	_ =	shalt  }
0x64: {  	_ =	shalt  }
0x65: {  	_ =	shalt  }
0x66: {  	_ =	shalt  }
0x67: {  	_ =	shalt  }
0x68: {  	_ =	shalt  }
0x69: {  	_ =	shalt  }
0x6a: {  	_ =	shalt  }
0x6b: {  	_ =	shalt  }
0x6c: {  	_ =	shalt  }
0x6d: {  	_ =	shalt  }
0x6e: {  	_ =	shalt  }
0x6f: {  	_ =	shalt  }
0x70: {  	_ =	shalt  }
0x71: {  	_ =	shalt  }
0x72: {  	_ =	shalt  }
0x73: {  	_ =	shalt  }
0x74: {  	_ =	shalt  }
0x75: {  	_ =	shalt  }
0x76: {  	_ =	shalt  }
0x77: {  	_ =	shalt  }
0x78: {  	_ =	shalt  }
0x79: {  	_ =	shalt  }
0x7a: {  	_ =	shalt  }
0x7b: {  	_ =	shalt  }
0x7c: {  	_ =	shalt  }
0x7d: {  	_ =	shalt  }
0x7e: {  	_ =	shalt  }
0x7f: {  	_ =	shalt  }
0x80: {  	_ =	shalt  }
0x81: {  	_ =	shalt  }
0x82: {  	_ =	shalt  }
0x83: {  	_ =	shalt  }
0x84: {  	_ =	shalt  }
0x85: {  	_ =	shalt  }
0x86: {  	_ =	shalt  }
0x87: {  	_ =	shalt  }
.Lfunc_end0:
.L_simem_size_0:
called_computation.2_lowered:
.L_overlay_start_0:
0x88: {  	s2 =	sld [smem:$0x3FD9]  }
0x89: {  	s3 =	sld [smem:$0x3FFE];
	_ =	sdelay $0x1  }
0x8a: {  	s1 =	srdreg.scid  }
0x8b: {  	s0 =	sand.u32 $0x1, s1  }
0x8c: {  	s17 =	sshll.u32 s0, $0xA;
	s2 =	sadd.s32 s3, s2  }
0x8d: {  	s2 =	sadd.s32 s2, s17  }
0x8e: {  	[smem:$0x3FBB] =	sst s2  }
0x8f: {  	_ = 	snop  }
0x90: {  	s2 =	sld [smem:$0x3FD0];
	(tm) =	ssettm $0x1  }
0x91: {  	s18 =	sld [smem:$0x3FFB];
	_ =	sdelay $0x3  }
0x92: {  	_ =	strace s18  }
0x93: {  	s3 =	sld [smem:$0x3FFC];
	_ =	sdelay $0x3  }
0x94: {  	_ =	strace s3  }
0x95: {  	s3 =	sld [smem:$0x3FFD];
	_ =	sdelay $0x3  }
0x96: {  	_ =	strace s3  }
0x97: {  	_ =	strace $0x8FFFFFFF  }
0x98: {  	s19 =	sld [smem:$0x3FDB];
	_ =	sdelay $0x1  }
0x99: {  	s4 =	simm.s32 $_scs_section_size  }
0x9a: {  	s5 =	simm.s32 $_size__tile_overlayer_lowered;
	s6 =	simm.s32 $_tile_overlayer_lowered  }
0x9b: {  	s22 =	simm.s32 $0x1BFF;
	s21 =	sshll.u32 s6, $0x1;
	s3 =	sadd.s32 s4, s19  }
0x9c: {  	s7 =	simm.s32 $0x0;
	s20 =	sshll.u32 s5, $0x1;
	s5 =	sadd.s32 s21, s3  }
0x9d: {  	[timem:s7], [sflag:s22] =	dma.local [hbm:s5], s20  }
0x9e: {  	_ =	swait.ge [sflag:s22], s20  }
0x9f: {  	s4 =	ssub.s32 $0x0, s20;
	[sflag:s22] =	ssyncset.done $0x0  }
0xa0: {  	[sflag:s22] =	ssyncadd.s32 s4;
	_ =	sdelay $0x1  }
0xa1: {  	s23 =	simm.s32 $0x1B8B  }
0xa2: {  	_ =	swait.ge [sflag:s23], $0x1  }
0xa3: {  	[sflag:s23] =	ssyncset.done $0x0  }
0xa4: {  	s25 =	simm.s32 $0x1B8E;
	s24 =	sld [smem:$0x3FFE];
	[sflag:s23] =	ssyncadd.s32 $0xFFFFFFFF  }
0xa5: {  	s26 =	simm.s32 $execute0_lowered;
	[smem:$0x3FD2] =	sst s25  }
0xa6: {  	s5 =	sshll.u32 s26, $0x1;
	_ =	strace $0x8000004C;
	[dreg:$0x1] =	wrdreg $0xFFFFFFFF  }
0xa7: {  	s28 =	simm.s32 $_size_execute0_lowered;
	s3 =	sadd.s32 s3, s5;
	[dreg:$0x0] =	wrdreg $0x0  }
0xa8: {  	s5 =	sshll.u32 s28, $0x1;
	[dreg:$0x2] =	wrdreg s3  }
0xa9: {  	[dreg:$0x3] =	wrdreg s5  }
0xaa: {  	[dreg:$0x4] =	wrdreg $0xC0  }
0xab: {  	_ =	task [dreg:s7], $0x5FFFF  }
0xac: {  	[dreg:$0x1] =	wrdreg $0xFFFFFFFF  }
0xad: {  	[dreg:$0x0] =	wrdreg $0x60  }
0xae: {  	[dreg:$0x2] =	wrdreg s24  }
0xaf: {  	[dreg:$0x3] =	wrdreg s2  }
0xb0: {  	[dreg:$0x4] =	wrdreg $0xA0000  }
0xb1: {  	[dreg:$0x5] =	wrdreg $0x9  }
0xb2: {  	_ =	task.clear_ibuf [dreg:s7], $0x6FFFF;
	_ =	strace $0x9000004C  }
0xb3: {  	s29 =	simm.s32 $0x9;
	_ =	strace $0x8000004E  }
0xb4: {  	_ =	swait.ge [sflag:s29], $0x1  }
0xb5: {  	[sflag:s29] =	ssyncadd.s32 $0xFFFFFFFF  }
0xb6: {  	_ =	strace $0x9000004E  }
0xb7: {  	_ =	sfence  }
0xb8: {  	s30 =	sld [smem:$0x0];
	_ =	sdelay $0x2  }
0xb9: {  	s31 =	sshll.u32 s1, $0xD;
	s1 =	sshrl.u32 s1, $0x2  }
0xba: {  	s3 =	sand.u32 $0x4000, s31;
	s1 =	sadd.s32 s1, s30  }
0xbb: {  	s0 =	sor.u32 s3, s0;
	s1 =	sshll.u32 s1, $0x11  }
0xbc: {  	s0 =	sor.u32 s1, s0  }
0xbd: {  	s0 =	sadd.s32 $0x8F2B, s0  }
0xbe: {  	[sflag:s0] =	ssyncadd.remote.s32 $0x1  }
0xbf: {  	_ =	sfence.sel $0xFFFF  }
0xc0: {  	[dreg:$0x0] =	wrdreg $0xFFFFFFFF;
	(pc) =	sbr.abs _section_cstart, $3  }
0xc1: {  	[dreg:$0x1] =	wrdreg $0xFFFFFFFF  }
0xc2: {  	_ =	task.clear_ibuf [dreg:s7], $0x2FFFF;
	_ =	strace $0x9FFFFFFF  }
0xc3: {  	(tm) =	ssettm $0x7FFFFFFF  }
tec
execute0_lowered:
.L_overlay_start_1:
0x0: {  	(tag) =	ssettag $0x1  }
0x1: {  	s0 =	rddreg [dreg:$0x0]  }
0x2: {  	s2 =	rddreg [dreg:$0x2]  }
0x3: {  	s3 =	simm.s32 $0x0;
	s1 =	srdreg.scid;
	s12 =	stileid.u32  }
0x4: {  	s14 =	simm.s32 $0x4;
	s16 =	simm.s32 $0x3;
	s17 =	simm.s32 $0x200  }
0x5: {  	s18 =	simm.s32 $0x2000;
	s19 =	simm.s32 $0x1;
	s20 =	simm.s32 $0x6000  }
0x6: {  	s21 =	simm.s32 $0x80;
	s28 =	simm.s32 $0x7000;
	s29 =	simm.s32 $0x8000  }
0x7: {  	s30 =	simm.s32 $0x9000;
	s31 =	simm.s32 $0x0;
	[smem:$0x7FF] =	sst s3  }
0x8: {  	s1 =	sand.u32 $0x1, s1;
	s5 =	sadd.s32 $0x1800, s0;
	s6 =	sshll.u32 s12, $0x1  }
0x9: {  	s10 =	smul.u32 $0x5000, s12;
	s8 =	sadd.s32 $0x29800, s0;
	s24 =	sshll.u32 s12, $0x6  }
0xa: {  	_ =	strace $0x8000004D;
	s4 =	smul.u32 $0xA000, s1;
	s9 =	ssub.s32 $0x2, s1  }
0xb: {  	s1 =	sor.u32 s1, s6;
	s6 =	sadd.s32 $0x33800, s0;
	s11 =	sshrl.u32 s9, $0x1  }
0xc: {  	s7 =	smul.u32 $0x2800, s1;
	s23 =	sadd.s32 s10, s2;
	s10 =	sshrl.u32 s10, $0x3  }
0xd: {  	s0 =	sadd.s32 s4, s0;
	s22 =	ssub.s32 s9, s11;
	s9 =	sor.u32 $0x1C04, s24  }
0xe: {  	s13 =	sshrl.u32 s23, $0x3;
	s25 =	sshrl.u32 s7, $0x3;
	s1 =	smax.u32 s22, $0x1  }
0xf: {  	s23 =	simm.s32 $0x4000;
	s26 =	sadd.s32 s6, s25;
	[dreg:$0x6] =	wrdreg s1  }
0x10: {  	s0 =	sadd.s32 $0xB800, s0;
	s11 =	sadd.s32 s8, s25;
	[dreg:$0x4] =	wrdreg s26  }
0x11: {  	s22 =	simm.s32 $0x3000;
	s0 =	sadd.s32 s10, s0;
	[dreg:$0x5] =	wrdreg s11  }
0x12: {  	s25 =	simm.s32 $0x5000;
	[dreg:$0x7] =	wrdreg s0;
	s26 =	simm.s32 $0x2  }
.LBB2_1:
0x13: {  	s0 =	rddreg [dreg:$0x1]  }
0x14: {  	[spmem:s13], [sflag:s9] =	dma.local [hbm:s0], $0xA00  }
0x15: {  	_ =	swait.ge [sflag:s14], $0xA00  }
0x16: {  	[sflag:s14] =	ssyncset.done $0x0  }
0x17: {  	[sflag:s14] =	ssyncadd.s32 $0xFFFFF600  }
0x18: {  	[bflag:$0x0] =	sbarrier.arrive $0xFFFF  }
0x19: {  	s1 =	rddreg [dreg:$0x4]  }
0x1a: {  	[tilespmem:s3], [sflag:$0x3] =	stream.linear.gather [hbm4b:s1+s3], $0x800, $0x38;
	[tilespmem:$0xF000] =	vst v63  }
0x1b: {  	s4 =	rddreg [dreg:$0x5];
	s1 =	simm.s32 $0x1000  }
0x1c: {  	[tilespmem:s1], [sflag:$0x3] =	stream.linear.gather [hbm4b:s4+s3], $0x800, $0x38;
	[tilespmem:$0xF000] =	vst v63  }
0x1d: {  	_ =	swait.ge [sflag:s16], $0x800  }
0x1e: {  	[sflag:s16] =	ssyncset.done $0x0  }
0x1f: {  	p0 =	por $0x0, $0x0;
	s0 =	simm.s32 $0x800;
	[sflag:s16] =	ssyncadd.s32 $0xFFFFF800  }
0x20: {  	s0 =	simm.s32 @p0 $0x5;
	_ =	swait.ge [sflag:s16], $0x800  }
0x21: {  	s10 =	sadd.s32 s7, s0;
	s0 =	simm.s32 $0x2000;
	[sflag:s16] =	ssyncset.done $0x0  }
0x22: {  	s4 =	sand.u32 $0x2000, s0;
	s1 =	sshrl.u32 s10, $0x3;
	[sflag:s16] =	ssyncadd.s32 $0xFFFFF800  }
0x23: {  	[tilespmem:s18], [sflag:$0x1] =	stream.indirect.gather [hbm4b:s5+s17], $0x20, s3, s17, $0xb8;
	[tilespmem:$0xF000] =	vst v63  }
0x24: {  	s4 =	sshrl.u32 s4, $0x2;
	s10 =	sadd.s32 s6, s1  }
0x25: {  	[tilespmem:s4], [sflag:$0x3] =	stream.linear.gather [hbm4b:s10+s3], $0x800, $0x38;
	[tilespmem:$0xF000] =	vst v63  }
0x26: {  	s1 =	sadd.s32 s8, s1;
	s11 =	sor.u32 $0x1000, s4  }
0x27: {  	[tilespmem:s11], [sflag:$0x3] =	stream.linear.gather [hbm4b:s1+s3], $0x800, $0x38;
	[tilespmem:$0xF000] =	vst v63  }
0x28: {  	s12 =	simm.s32 $0x0;
	_ =	swait.ge [sflag:s19], $0x4000  }
0x29: {  	s1 =	sand.u32 $0x800, s12;
	[sflag:s19] =	ssyncset.done $0x0  }
0x2a: {  	s15 =	sor.u32 $0x200, s1;
	[sflag:s19] =	ssyncadd.s32 $0xFFFFC000  }
0x2b: {  	[tilespmem:s20], [sflag:$0x2] =	stream.indirect.gather [hbm4b:s5+s17], $0x20, s15, s17, $0xb8;
	[tilespmem:$0xF000] =	vst v63  }
0x2c: {  	s24 =	sor.u32 $0x1000, s1  }
0x2d: {  	[spmem:s2] =	stream.indirect.scatter.add.f32 [tilespmem:s18], [sflag:$0x4], $0x20, s24, s21, $0xb8;
	[tilespmem:$0xF000] =	vst v63  }
0x2e: {  	_ =	swait.ge [sflag:s14], $0x1000  }
0x2f: {  	[sflag:s14] =	ssyncset.done $0x0  }
0x30: {  	s11 =	sor.u32 $0x1080, s1;
	[sflag:s14] =	ssyncadd.s32 $0xFFFFF000  }
0x31: {  	[spmem:s2] =	stream.indirect.scatter.add.f32 [tilespmem:s22], [sflag:$0x4], $0x20, s11, s21, $0xb8;
	[tilespmem:$0xF000] =	vst v63  }
0x32: {  	_ =	swait.ge [sflag:s14], $0x1000  }
0x33: {  	[sflag:s14] =	ssyncset.done $0x0  }
0x34: {  	s12 =	sor.u32 $0x1100, s1;
	[sflag:s14] =	ssyncadd.s32 $0xFFFFF000  }
0x35: {  	[spmem:s2] =	stream.indirect.scatter.add.f32 [tilespmem:s23], [sflag:$0x4], $0x20, s12, s21, $0xb8;
	[tilespmem:$0xF000] =	vst v63  }
0x36: {  	_ =	swait.ge [sflag:s14], $0x1000  }
0x37: {  	[sflag:s14] =	ssyncset.done $0x0  }
0x38: {  	s15 =	sor.u32 $0x1180, s1;
	[sflag:s14] =	ssyncadd.s32 $0xFFFFF000  }
0x39: {  	[spmem:s2] =	stream.indirect.scatter.add.f32 [tilespmem:s25], [sflag:$0x4], $0x20, s15, s21, $0xb8;
	[tilespmem:$0xF000] =	vst v63  }
0x3a: {  	_ =	swait.ge [sflag:s14], $0x1000  }
0x3b: {  	[sflag:s14] =	ssyncset.done $0x0  }
0x3c: {  	[sflag:s14] =	ssyncadd.s32 $0xFFFFF000  }
0x3d: {  	_ =	swait.ge [sflag:s26], $0x4000  }
0x3e: {  	[sflag:s26] =	ssyncset.done $0x0  }
0x3f: {  	s24 =	sor.u32 $0x400, s1;
	[sflag:s26] =	ssyncadd.s32 $0xFFFFC000  }
0x40: {  	[tilespmem:s18], [sflag:$0x1] =	stream.indirect.gather [hbm4b:s5+s17], $0x20, s24, s17, $0xb8;
	[tilespmem:$0xF000] =	vst v63  }
0x41: {  	s11 =	sor.u32 $0x1200, s1  }
0x42: {  	[spmem:s2] =	stream.indirect.scatter.add.f32 [tilespmem:s20], [sflag:$0x4], $0x20, s11, s21, $0xb8;
	[tilespmem:$0xF000] =	vst v63  }
0x43: {  	_ =	swait.ge [sflag:s14], $0x1000  }
0x44: {  	[sflag:s14] =	ssyncset.done $0x0  }
0x45: {  	s12 =	sor.u32 $0x1280, s1;
	[sflag:s14] =	ssyncadd.s32 $0xFFFFF000  }
0x46: {  	[spmem:s2] =	stream.indirect.scatter.add.f32 [tilespmem:s28], [sflag:$0x4], $0x20, s12, s21, $0xb8;
	[tilespmem:$0xF000] =	vst v63  }
0x47: {  	_ =	swait.ge [sflag:s14], $0x1000  }
0x48: {  	[sflag:s14] =	ssyncset.done $0x0  }
0x49: {  	s15 =	sor.u32 $0x1300, s1;
	[sflag:s14] =	ssyncadd.s32 $0xFFFFF000  }
0x4a: {  	[spmem:s2] =	stream.indirect.scatter.add.f32 [tilespmem:s29], [sflag:$0x4], $0x20, s15, s21, $0xb8;
	[tilespmem:$0xF000] =	vst v63  }
0x4b: {  	_ =	swait.ge [sflag:s14], $0x1000  }
0x4c: {  	[sflag:s14] =	ssyncset.done $0x0  }
0x4d: {  	s24 =	sor.u32 $0x1380, s1;
	[sflag:s14] =	ssyncadd.s32 $0xFFFFF000  }
0x4e: {  	[spmem:s2] =	stream.indirect.scatter.add.f32 [tilespmem:s30], [sflag:$0x4], $0x20, s24, s21, $0xb8;
	[tilespmem:$0xF000] =	vst v63  }
0x4f: {  	_ =	swait.ge [sflag:s14], $0x1000  }
0x50: {  	[sflag:s14] =	ssyncset.done $0x0  }
0x51: {  	[sflag:s14] =	ssyncadd.s32 $0xFFFFF000  }
0x52: {  	_ =	swait.ge [sflag:s19], $0x4000  }
0x53: {  	[sflag:s19] =	ssyncset.done $0x0  }
0x54: {  	s11 =	sor.u32 $0x600, s1;
	[sflag:s19] =	ssyncadd.s32 $0xFFFFC000  }
0x55: {  	[tilespmem:s20], [sflag:$0x2] =	stream.indirect.gather [hbm4b:s5+s17], $0x20, s11, s17, $0xb8;
	[tilespmem:$0xF000] =	vst v63  }
0x56: {  	s12 =	sor.u32 $0x1400, s1  }
0x57: {  	[spmem:s2] =	stream.indirect.scatter.add.f32 [tilespmem:s18], [sflag:$0x4], $0x20, s12, s21, $0xb8;
	[tilespmem:$0xF000] =	vst v63  }
0x58: {  	_ =	swait.ge [sflag:s14], $0x1000  }
0x59: {  	[sflag:s14] =	ssyncset.done $0x0  }
0x5a: {  	s15 =	sor.u32 $0x1480, s1;
	[sflag:s14] =	ssyncadd.s32 $0xFFFFF000  }
0x5b: {  	[spmem:s2] =	stream.indirect.scatter.add.f32 [tilespmem:s22], [sflag:$0x4], $0x20, s15, s21, $0xb8;
	[tilespmem:$0xF000] =	vst v63  }
0x5c: {  	_ =	swait.ge [sflag:s14], $0x1000  }
0x5d: {  	[sflag:s14] =	ssyncset.done $0x0  }
0x5e: {  	s24 =	sor.u32 $0x1500, s1;
	[sflag:s14] =	ssyncadd.s32 $0xFFFFF000  }
0x5f: {  	[spmem:s2] =	stream.indirect.scatter.add.f32 [tilespmem:s23], [sflag:$0x4], $0x20, s24, s21, $0xb8;
	[tilespmem:$0xF000] =	vst v63  }
0x60: {  	_ =	swait.ge [sflag:s14], $0x1000  }
0x61: {  	[sflag:s14] =	ssyncset.done $0x0  }
0x62: {  	s11 =	sor.u32 $0x1580, s1;
	[sflag:s14] =	ssyncadd.s32 $0xFFFFF000  }
0x63: {  	[spmem:s2] =	stream.indirect.scatter.add.f32 [tilespmem:s25], [sflag:$0x4], $0x20, s11, s21, $0xb8;
	[tilespmem:$0xF000] =	vst v63  }
0x64: {  	_ =	swait.ge [sflag:s14], $0x1000  }
0x65: {  	[sflag:s14] =	ssyncset.done $0x0  }
0x66: {  	[sflag:s14] =	ssyncadd.s32 $0xFFFFF000  }
0x67: {  	_ =	swait.ge [sflag:s26], $0x4000  }
0x68: {  	[sflag:s26] =	ssyncset.done $0x0  }
0x69: {  	[sflag:s26] =	ssyncadd.s32 $0xFFFFC000  }
0x6a: {  	_ =	swait.ge [sflag:s16], $0x800  }
0x6b: {  	[sflag:s16] =	ssyncset.done $0x0  }
0x6c: {  	[sflag:s16] =	ssyncadd.s32 $0xFFFFF800  }
0x6d: {  	_ =	swait.ge [sflag:s16], $0x800  }
0x6e: {  	[sflag:s16] =	ssyncset.done $0x0  }
0x6f: {  	[sflag:s16] =	ssyncadd.s32 $0xFFFFF800  }
0x70: {  	[tilespmem:s18], [sflag:$0x1] =	stream.indirect.gather [hbm4b:s5+s17], $0x20, s4, s17, $0xb8;
	[tilespmem:$0xF000] =	vst v63  }
0x71: {  	s12 =	sor.u32 $0x1600, s1  }
0x72: {  	[spmem:s2] =	stream.indirect.scatter.add.f32 [tilespmem:s20], [sflag:$0x4], $0x20, s12, s21, $0xb8;
	[tilespmem:$0xF000] =	vst v63  }
0x73: {  	_ =	swait.ge [sflag:s14], $0x1000  }
0x74: {  	[sflag:s14] =	ssyncset.done $0x0  }
0x75: {  	s15 =	sor.u32 $0x1680, s1;
	[sflag:s14] =	ssyncadd.s32 $0xFFFFF000  }
0x76: {  	[spmem:s2] =	stream.indirect.scatter.add.f32 [tilespmem:s28], [sflag:$0x4], $0x20, s15, s21, $0xb8;
	[tilespmem:$0xF000] =	vst v63  }
0x77: {  	_ =	swait.ge [sflag:s14], $0x1000  }
0x78: {  	[sflag:s14] =	ssyncset.done $0x0  }
0x79: {  	s24 =	sor.u32 $0x1700, s1;
	[sflag:s14] =	ssyncadd.s32 $0xFFFFF000  }
0x7a: {  	[spmem:s2] =	stream.indirect.scatter.add.f32 [tilespmem:s29], [sflag:$0x4], $0x20, s24, s21, $0xb8;
	[tilespmem:$0xF000] =	vst v63  }
0x7b: {  	_ =	swait.ge [sflag:s14], $0x1000  }
0x7c: {  	p0 =	por $0x0, $0x0;
	[sflag:s14] =	ssyncset.done $0x0  }
0x7d: {  	s1 =	sor.u32 $0x1780, s1;
	s4 =	simm.s32 $0x1000;
	[sflag:s14] =	ssyncadd.s32 $0xFFFFF000  }
0x7e: {  	[spmem:s2] =	stream.indirect.scatter.add.f32 [tilespmem:s30], [sflag:$0x4], $0x20, s1, s21, $0xb8;
	[tilespmem:$0xF000] =	vst v63  }
0x7f: {  	s10 =	simm.s32 $0x1800;
	s4 =	simm.s32 @p0 $0x5;
	_ =	swait.ge [sflag:s14], $0x1000  }
0x80: {  	s11 =	sadd.s32 s7, s4;
	s4 =	simm.s32 $0x4000;
	[sflag:s14] =	ssyncset.done $0x0  }
.LBB2_2:
0x81: {  	s12 =	sand.u32 $0x2000, s4  }
0x82: {  	s24 =	sshrl.u32 s11, $0x3;
	[sflag:s14] =	ssyncadd.s32 $0xFFFFF000;
	s15 =	smov.u32 s10  }
0x83: {  	s1 =	sadd.s32 $0x800, s10;
	s11 =	sshrl.u32 s12, $0x2;
	s12 =	sadd.s32 s6, s24  }
0x84: {  	[tilespmem:s11], [sflag:$0x3] =	stream.linear.gather [hbm4b:s12+s3], $0x800, $0x38;
	[tilespmem:$0xF000] =	vst v63  }
0x85: {  	p0 =	sne.s32 s10, $0x2800;
	s10 =	sor.u32 $0x1000, s11;
	s12 =	sadd.s32 s8, s24  }
0x86: {  	[tilespmem:s10], [sflag:$0x3] =	stream.linear.gather [hbm4b:s12+s3], $0x800, $0x38;
	[tilespmem:$0xF000] =	vst v63  }
0x87: {  	s10 =	sshrl.u32 s0, $0x2;
	s0 =	smov.u32 s4;
	_ =	swait.ge [sflag:s19], $0x4000  }
0x88: {  	s10 =	sand.u32 $0x800, s10;
	[sflag:s19] =	ssyncset.done $0x0  }
0x89: {  	s12 =	sor.u32 $0x200, s10;
	[sflag:s19] =	ssyncadd.s32 $0xFFFFC000  }
0x8a: {  	[tilespmem:s20], [sflag:$0x2] =	stream.indirect.gather [hbm4b:s5+s17], $0x20, s12, s17, $0xb8;
	[tilespmem:$0xF000] =	vst v63  }
0x8b: {  	s12 =	sor.u32 $0x1000, s10  }
0x8c: {  	[spmem:s2] =	stream.indirect.scatter.add.f32 [tilespmem:s18], [sflag:$0x4], $0x20, s12, s21, $0xb8;
	[tilespmem:$0xF000] =	vst v63  }
0x8d: {  	_ =	swait.ge [sflag:s14], $0x1000  }
0x8e: {  	[sflag:s14] =	ssyncset.done $0x0  }
0x8f: {  	s12 =	sor.u32 $0x1080, s10;
	[sflag:s14] =	ssyncadd.s32 $0xFFFFF000  }
0x90: {  	[spmem:s2] =	stream.indirect.scatter.add.f32 [tilespmem:s22], [sflag:$0x4], $0x20, s12, s21, $0xb8;
	[tilespmem:$0xF000] =	vst v63  }
0x91: {  	_ =	swait.ge [sflag:s14], $0x1000  }
0x92: {  	[sflag:s14] =	ssyncset.done $0x0  }
0x93: {  	s12 =	sor.u32 $0x1100, s10;
	[sflag:s14] =	ssyncadd.s32 $0xFFFFF000  }
0x94: {  	[spmem:s2] =	stream.indirect.scatter.add.f32 [tilespmem:s23], [sflag:$0x4], $0x20, s12, s21, $0xb8;
	[tilespmem:$0xF000] =	vst v63  }
0x95: {  	_ =	swait.ge [sflag:s14], $0x1000  }
0x96: {  	[sflag:s14] =	ssyncset.done $0x0  }
0x97: {  	s12 =	sor.u32 $0x1180, s10;
	[sflag:s14] =	ssyncadd.s32 $0xFFFFF000  }
0x98: {  	[spmem:s2] =	stream.indirect.scatter.add.f32 [tilespmem:s25], [sflag:$0x4], $0x20, s12, s21, $0xb8;
	[tilespmem:$0xF000] =	vst v63  }
0x99: {  	_ =	swait.ge [sflag:s14], $0x1000  }
0x9a: {  	[sflag:s14] =	ssyncset.done $0x0  }
0x9b: {  	[sflag:s14] =	ssyncadd.s32 $0xFFFFF000  }
0x9c: {  	_ =	swait.ge [sflag:s26], $0x4000  }
0x9d: {  	[sflag:s26] =	ssyncset.done $0x0  }
0x9e: {  	s12 =	sor.u32 $0x400, s10;
	[sflag:s26] =	ssyncadd.s32 $0xFFFFC000  }
0x9f: {  	[tilespmem:s18], [sflag:$0x1] =	stream.indirect.gather [hbm4b:s5+s17], $0x20, s12, s17, $0xb8;
	[tilespmem:$0xF000] =	vst v63  }
0xa0: {  	s12 =	sor.u32 $0x1200, s10  }
0xa1: {  	[spmem:s2] =	stream.indirect.scatter.add.f32 [tilespmem:s20], [sflag:$0x4], $0x20, s12, s21, $0xb8;
	[tilespmem:$0xF000] =	vst v63  }
0xa2: {  	_ =	swait.ge [sflag:s14], $0x1000  }
0xa3: {  	[sflag:s14] =	ssyncset.done $0x0  }
0xa4: {  	s12 =	sor.u32 $0x1280, s10;
	[sflag:s14] =	ssyncadd.s32 $0xFFFFF000  }
0xa5: {  	[spmem:s2] =	stream.indirect.scatter.add.f32 [tilespmem:s28], [sflag:$0x4], $0x20, s12, s21, $0xb8;
	[tilespmem:$0xF000] =	vst v63  }
0xa6: {  	_ =	swait.ge [sflag:s14], $0x1000  }
0xa7: {  	[sflag:s14] =	ssyncset.done $0x0  }
0xa8: {  	s12 =	sor.u32 $0x1300, s10;
	[sflag:s14] =	ssyncadd.s32 $0xFFFFF000  }
0xa9: {  	[spmem:s2] =	stream.indirect.scatter.add.f32 [tilespmem:s29], [sflag:$0x4], $0x20, s12, s21, $0xb8;
	[tilespmem:$0xF000] =	vst v63  }
0xaa: {  	_ =	swait.ge [sflag:s14], $0x1000  }
0xab: {  	[sflag:s14] =	ssyncset.done $0x0  }
0xac: {  	s12 =	sor.u32 $0x1380, s10;
	[sflag:s14] =	ssyncadd.s32 $0xFFFFF000  }
0xad: {  	[spmem:s2] =	stream.indirect.scatter.add.f32 [tilespmem:s30], [sflag:$0x4], $0x20, s12, s21, $0xb8;
	[tilespmem:$0xF000] =	vst v63  }
0xae: {  	_ =	swait.ge [sflag:s14], $0x1000  }
0xaf: {  	[sflag:s14] =	ssyncset.done $0x0  }
0xb0: {  	[sflag:s14] =	ssyncadd.s32 $0xFFFFF000  }
0xb1: {  	_ =	swait.ge [sflag:s19], $0x4000  }
0xb2: {  	[sflag:s19] =	ssyncset.done $0x0  }
0xb3: {  	s12 =	sor.u32 $0x600, s10;
	[sflag:s19] =	ssyncadd.s32 $0xFFFFC000  }
0xb4: {  	[tilespmem:s20], [sflag:$0x2] =	stream.indirect.gather [hbm4b:s5+s17], $0x20, s12, s17, $0xb8;
	[tilespmem:$0xF000] =	vst v63  }
0xb5: {  	s12 =	sor.u32 $0x1400, s10  }
0xb6: {  	[spmem:s2] =	stream.indirect.scatter.add.f32 [tilespmem:s18], [sflag:$0x4], $0x20, s12, s21, $0xb8;
	[tilespmem:$0xF000] =	vst v63  }
0xb7: {  	_ =	swait.ge [sflag:s14], $0x1000  }
0xb8: {  	[sflag:s14] =	ssyncset.done $0x0  }
0xb9: {  	s12 =	sor.u32 $0x1480, s10;
	[sflag:s14] =	ssyncadd.s32 $0xFFFFF000  }
0xba: {  	[spmem:s2] =	stream.indirect.scatter.add.f32 [tilespmem:s22], [sflag:$0x4], $0x20, s12, s21, $0xb8;
	[tilespmem:$0xF000] =	vst v63  }
0xbb: {  	_ =	swait.ge [sflag:s14], $0x1000  }
0xbc: {  	[sflag:s14] =	ssyncset.done $0x0  }
0xbd: {  	s12 =	sor.u32 $0x1500, s10;
	[sflag:s14] =	ssyncadd.s32 $0xFFFFF000  }
0xbe: {  	[spmem:s2] =	stream.indirect.scatter.add.f32 [tilespmem:s23], [sflag:$0x4], $0x20, s12, s21, $0xb8;
	[tilespmem:$0xF000] =	vst v63  }
0xbf: {  	_ =	swait.ge [sflag:s14], $0x1000  }
0xc0: {  	[sflag:s14] =	ssyncset.done $0x0  }
0xc1: {  	s12 =	sor.u32 $0x1580, s10;
	[sflag:s14] =	ssyncadd.s32 $0xFFFFF000  }
0xc2: {  	[spmem:s2] =	stream.indirect.scatter.add.f32 [tilespmem:s25], [sflag:$0x4], $0x20, s12, s21, $0xb8;
	[tilespmem:$0xF000] =	vst v63  }
0xc3: {  	_ =	swait.ge [sflag:s14], $0x1000  }
0xc4: {  	[sflag:s14] =	ssyncset.done $0x0  }
0xc5: {  	[sflag:s14] =	ssyncadd.s32 $0xFFFFF000  }
0xc6: {  	_ =	swait.ge [sflag:s26], $0x4000  }
0xc7: {  	[sflag:s26] =	ssyncset.done $0x0  }
0xc8: {  	[sflag:s26] =	ssyncadd.s32 $0xFFFFC000  }
0xc9: {  	_ =	swait.ge [sflag:s16], $0x800  }
0xca: {  	[sflag:s16] =	ssyncset.done $0x0  }
0xcb: {  	[sflag:s16] =	ssyncadd.s32 $0xFFFFF800  }
0xcc: {  	_ =	swait.ge [sflag:s16], $0x800  }
0xcd: {  	[sflag:s16] =	ssyncset.done $0x0  }
0xce: {  	[sflag:s16] =	ssyncadd.s32 $0xFFFFF800  }
0xcf: {  	[tilespmem:s18], [sflag:$0x1] =	stream.indirect.gather [hbm4b:s5+s17], $0x20, s11, s17, $0xb8;
	[tilespmem:$0xF000] =	vst v63  }
0xd0: {  	s11 =	sor.u32 $0x1600, s10  }
0xd1: {  	[spmem:s2] =	stream.indirect.scatter.add.f32 [tilespmem:s20], [sflag:$0x4], $0x20, s11, s21, $0xb8;
	[tilespmem:$0xF000] =	vst v63  }
0xd2: {  	_ =	swait.ge [sflag:s14], $0x1000  }
0xd3: {  	[sflag:s14] =	ssyncset.done $0x0  }
0xd4: {  	s11 =	sor.u32 $0x1680, s10;
	[sflag:s14] =	ssyncadd.s32 $0xFFFFF000  }
0xd5: {  	[spmem:s2] =	stream.indirect.scatter.add.f32 [tilespmem:s28], [sflag:$0x4], $0x20, s11, s21, $0xb8;
	[tilespmem:$0xF000] =	vst v63  }
0xd6: {  	_ =	swait.ge [sflag:s14], $0x1000  }
0xd7: {  	[sflag:s14] =	ssyncset.done $0x0  }
0xd8: {  	s11 =	sor.u32 $0x1700, s10;
	[sflag:s14] =	ssyncadd.s32 $0xFFFFF000  }
0xd9: {  	[spmem:s2] =	stream.indirect.scatter.add.f32 [tilespmem:s29], [sflag:$0x4], $0x20, s11, s21, $0xb8;
	[tilespmem:$0xF000] =	vst v63  }
0xda: {  	_ =	swait.ge [sflag:s14], $0x1000  }
.Ltmp0:
0xdb: {  	[sflag:s14] =	ssyncset.done $0x0;
	(pc) =	sbr.rel @p0 .LBB2_2-.Ltmp0, $4  }
0xdc: {  	p1 =	seq.s32 s15, $0x2800;
	s10 =	sor.u32 $0x1780, s10;
	[sflag:s14] =	ssyncadd.s32 $0xFFFFF000  }
0xdd: {  	[spmem:s2] =	stream.indirect.scatter.add.f32 [tilespmem:s30], [sflag:$0x4], $0x20, s10, s21, $0xb8;
	[tilespmem:$0xF000] =	vst v63  }
0xde: {  	s15 =	simm.s32 @p1 $0x5;
	s4 =	sadd.s32 $0x2000, s4;
	_ =	swait.ge [sflag:s14], $0x1000  }
0xdf: {  	s11 =	sadd.s32 s7, s15;
	s10 =	smov.u32 s1;
	[sflag:s14] =	ssyncset.done $0x0  }
0xe0: {  	s1 =	sand.u32 $0x2000, s4;
	s15 =	sshrl.u32 s11, $0x3  }
0xe1: {  	[sflag:s14] =	ssyncadd.s32 $0xFFFFF000;
	s1 =	sshrl.u32 s1, $0x2;
	s10 =	sadd.s32 s6, s15  }
0xe2: {  	[tilespmem:s1], [sflag:$0x3] =	stream.linear.gather [hbm4b:s10+s3], $0x800, $0x38;
	[tilespmem:$0xF000] =	vst v63  }
0xe3: {  	s4 =	sadd.s32 s8, s15;
	s24 =	sor.u32 $0x1000, s1  }
0xe4: {  	[tilespmem:s24], [sflag:$0x3] =	stream.linear.gather [hbm4b:s4+s3], $0x800, $0x38;
	[tilespmem:$0xF000] =	vst v63  }
0xe5: {  	s0 =	sshrl.u32 s0, $0x2;
	_ =	swait.ge [sflag:s19], $0x4000  }
0xe6: {  	s0 =	sand.u32 $0x800, s0;
	[sflag:s19] =	ssyncset.done $0x0  }
0xe7: {  	s10 =	sor.u32 $0x200, s0;
	[sflag:s19] =	ssyncadd.s32 $0xFFFFC000  }
0xe8: {  	[tilespmem:s20], [sflag:$0x2] =	stream.indirect.gather [hbm4b:s5+s17], $0x20, s10, s17, $0xb8;
	[tilespmem:$0xF000] =	vst v63  }
0xe9: {  	s11 =	sor.u32 $0x1000, s0  }
0xea: {  	[spmem:s2] =	stream.indirect.scatter.add.f32 [tilespmem:s18], [sflag:$0x4], $0x20, s11, s21, $0xb8;
	[tilespmem:$0xF000] =	vst v63  }
0xeb: {  	_ =	swait.ge [sflag:s14], $0x1000  }
0xec: {  	[sflag:s14] =	ssyncset.done $0x0  }
0xed: {  	s12 =	sor.u32 $0x1080, s0;
	[sflag:s14] =	ssyncadd.s32 $0xFFFFF000  }
0xee: {  	[spmem:s2] =	stream.indirect.scatter.add.f32 [tilespmem:s22], [sflag:$0x4], $0x20, s12, s21, $0xb8;
	[tilespmem:$0xF000] =	vst v63  }
0xef: {  	_ =	swait.ge [sflag:s14], $0x1000  }
0xf0: {  	[sflag:s14] =	ssyncset.done $0x0  }
0xf1: {  	s15 =	sor.u32 $0x1100, s0;
	[sflag:s14] =	ssyncadd.s32 $0xFFFFF000  }
0xf2: {  	[spmem:s2] =	stream.indirect.scatter.add.f32 [tilespmem:s23], [sflag:$0x4], $0x20, s15, s21, $0xb8;
	[tilespmem:$0xF000] =	vst v63  }
0xf3: {  	_ =	swait.ge [sflag:s14], $0x1000  }
0xf4: {  	[sflag:s14] =	ssyncset.done $0x0  }
0xf5: {  	s24 =	sor.u32 $0x1180, s0;
	[sflag:s14] =	ssyncadd.s32 $0xFFFFF000  }
0xf6: {  	[spmem:s2] =	stream.indirect.scatter.add.f32 [tilespmem:s25], [sflag:$0x4], $0x20, s24, s21, $0xb8;
	[tilespmem:$0xF000] =	vst v63  }
0xf7: {  	_ =	swait.ge [sflag:s14], $0x1000  }
0xf8: {  	[sflag:s14] =	ssyncset.done $0x0  }
0xf9: {  	[sflag:s14] =	ssyncadd.s32 $0xFFFFF000  }
0xfa: {  	_ =	swait.ge [sflag:s26], $0x4000  }
0xfb: {  	[sflag:s26] =	ssyncset.done $0x0  }
0xfc: {  	s10 =	sor.u32 $0x400, s0;
	[sflag:s26] =	ssyncadd.s32 $0xFFFFC000  }
0xfd: {  	[tilespmem:s18], [sflag:$0x1] =	stream.indirect.gather [hbm4b:s5+s17], $0x20, s10, s17, $0xb8;
	[tilespmem:$0xF000] =	vst v63  }
0xfe: {  	s11 =	sor.u32 $0x1200, s0  }
0xff: {  	[spmem:s2] =	stream.indirect.scatter.add.f32 [tilespmem:s20], [sflag:$0x4], $0x20, s11, s21, $0xb8;
	[tilespmem:$0xF000] =	vst v63  }
0x100: {  	_ =	swait.ge [sflag:s14], $0x1000  }
0x101: {  	[sflag:s14] =	ssyncset.done $0x0  }
0x102: {  	s12 =	sor.u32 $0x1280, s0;
	[sflag:s14] =	ssyncadd.s32 $0xFFFFF000  }
0x103: {  	[spmem:s2] =	stream.indirect.scatter.add.f32 [tilespmem:s28], [sflag:$0x4], $0x20, s12, s21, $0xb8;
	[tilespmem:$0xF000] =	vst v63  }
0x104: {  	_ =	swait.ge [sflag:s14], $0x1000  }
0x105: {  	[sflag:s14] =	ssyncset.done $0x0  }
0x106: {  	s15 =	sor.u32 $0x1300, s0;
	[sflag:s14] =	ssyncadd.s32 $0xFFFFF000  }
0x107: {  	[spmem:s2] =	stream.indirect.scatter.add.f32 [tilespmem:s29], [sflag:$0x4], $0x20, s15, s21, $0xb8;
	[tilespmem:$0xF000] =	vst v63  }
0x108: {  	_ =	swait.ge [sflag:s14], $0x1000  }
0x109: {  	[sflag:s14] =	ssyncset.done $0x0  }
0x10a: {  	s24 =	sor.u32 $0x1380, s0;
	[sflag:s14] =	ssyncadd.s32 $0xFFFFF000  }
0x10b: {  	[spmem:s2] =	stream.indirect.scatter.add.f32 [tilespmem:s30], [sflag:$0x4], $0x20, s24, s21, $0xb8;
	[tilespmem:$0xF000] =	vst v63  }
0x10c: {  	_ =	swait.ge [sflag:s14], $0x1000  }
0x10d: {  	[sflag:s14] =	ssyncset.done $0x0  }
0x10e: {  	[sflag:s14] =	ssyncadd.s32 $0xFFFFF000  }
0x10f: {  	_ =	swait.ge [sflag:s19], $0x4000  }
0x110: {  	[sflag:s19] =	ssyncset.done $0x0  }
0x111: {  	s10 =	sor.u32 $0x600, s0;
	[sflag:s19] =	ssyncadd.s32 $0xFFFFC000  }
0x112: {  	[tilespmem:s20], [sflag:$0x2] =	stream.indirect.gather [hbm4b:s5+s17], $0x20, s10, s17, $0xb8;
	[tilespmem:$0xF000] =	vst v63  }
0x113: {  	s11 =	sor.u32 $0x1400, s0  }
0x114: {  	[spmem:s2] =	stream.indirect.scatter.add.f32 [tilespmem:s18], [sflag:$0x4], $0x20, s11, s21, $0xb8;
	[tilespmem:$0xF000] =	vst v63  }
0x115: {  	_ =	swait.ge [sflag:s14], $0x1000  }
0x116: {  	[sflag:s14] =	ssyncset.done $0x0  }
0x117: {  	s12 =	sor.u32 $0x1480, s0;
	[sflag:s14] =	ssyncadd.s32 $0xFFFFF000  }
0x118: {  	[spmem:s2] =	stream.indirect.scatter.add.f32 [tilespmem:s22], [sflag:$0x4], $0x20, s12, s21, $0xb8;
	[tilespmem:$0xF000] =	vst v63  }
0x119: {  	_ =	swait.ge [sflag:s14], $0x1000  }
0x11a: {  	[sflag:s14] =	ssyncset.done $0x0  }
0x11b: {  	s15 =	sor.u32 $0x1500, s0;
	[sflag:s14] =	ssyncadd.s32 $0xFFFFF000  }
0x11c: {  	[spmem:s2] =	stream.indirect.scatter.add.f32 [tilespmem:s23], [sflag:$0x4], $0x20, s15, s21, $0xb8;
	[tilespmem:$0xF000] =	vst v63  }
0x11d: {  	_ =	swait.ge [sflag:s14], $0x1000  }
0x11e: {  	[sflag:s14] =	ssyncset.done $0x0  }
0x11f: {  	s24 =	sor.u32 $0x1580, s0;
	[sflag:s14] =	ssyncadd.s32 $0xFFFFF000  }
0x120: {  	[spmem:s2] =	stream.indirect.scatter.add.f32 [tilespmem:s25], [sflag:$0x4], $0x20, s24, s21, $0xb8;
	[tilespmem:$0xF000] =	vst v63  }
0x121: {  	_ =	swait.ge [sflag:s14], $0x1000  }
0x122: {  	[sflag:s14] =	ssyncset.done $0x0  }
0x123: {  	[sflag:s14] =	ssyncadd.s32 $0xFFFFF000  }
0x124: {  	_ =	swait.ge [sflag:s26], $0x4000  }
0x125: {  	[sflag:s26] =	ssyncset.done $0x0  }
0x126: {  	[sflag:s26] =	ssyncadd.s32 $0xFFFFC000  }
0x127: {  	_ =	swait.ge [sflag:s16], $0x800  }
0x128: {  	[sflag:s16] =	ssyncset.done $0x0  }
0x129: {  	[sflag:s16] =	ssyncadd.s32 $0xFFFFF800  }
0x12a: {  	_ =	swait.ge [sflag:s16], $0x800  }
0x12b: {  	[sflag:s16] =	ssyncset.done $0x0  }
0x12c: {  	[sflag:s16] =	ssyncadd.s32 $0xFFFFF800  }
0x12d: {  	[tilespmem:s18], [sflag:$0x1] =	stream.indirect.gather [hbm4b:s5+s17], $0x20, s1, s17, $0xb8;
	[tilespmem:$0xF000] =	vst v63  }
0x12e: {  	s10 =	sor.u32 $0x1600, s0  }
0x12f: {  	[spmem:s2] =	stream.indirect.scatter.add.f32 [tilespmem:s20], [sflag:$0x4], $0x20, s10, s21, $0xb8;
	[tilespmem:$0xF000] =	vst v63  }
0x130: {  	_ =	swait.ge [sflag:s14], $0x1000  }
0x131: {  	[sflag:s14] =	ssyncset.done $0x0  }
0x132: {  	s11 =	sor.u32 $0x1680, s0;
	[sflag:s14] =	ssyncadd.s32 $0xFFFFF000  }
0x133: {  	[spmem:s2] =	stream.indirect.scatter.add.f32 [tilespmem:s28], [sflag:$0x4], $0x20, s11, s21, $0xb8;
	[tilespmem:$0xF000] =	vst v63  }
0x134: {  	_ =	swait.ge [sflag:s14], $0x1000  }
0x135: {  	[sflag:s14] =	ssyncset.done $0x0  }
0x136: {  	s12 =	sor.u32 $0x1700, s0;
	[sflag:s14] =	ssyncadd.s32 $0xFFFFF000  }
0x137: {  	[spmem:s2] =	stream.indirect.scatter.add.f32 [tilespmem:s29], [sflag:$0x4], $0x20, s12, s21, $0xb8;
	[tilespmem:$0xF000] =	vst v63  }
0x138: {  	_ =	swait.ge [sflag:s14], $0x1000  }
0x139: {  	[sflag:s14] =	ssyncset.done $0x0  }
0x13a: {  	s0 =	sor.u32 $0x1780, s0;
	[sflag:s14] =	ssyncadd.s32 $0xFFFFF000  }
0x13b: {  	[spmem:s2] =	stream.indirect.scatter.add.f32 [tilespmem:s30], [sflag:$0x4], $0x20, s0, s21, $0xb8;
	[tilespmem:$0xF000] =	vst v63  }
0x13c: {  	_ =	swait.ge [sflag:s14], $0x1000  }
0x13d: {  	[sflag:s14] =	ssyncset.done $0x0  }
0x13e: {  	[sflag:s14] =	ssyncadd.s32 $0xFFFFF000  }
0x13f: {  	_ =	swait.ge [sflag:s19], $0x4000  }
0x140: {  	[sflag:s19] =	ssyncset.done $0x0  }
0x141: {  	[sflag:s19] =	ssyncadd.s32 $0xFFFFC000  }
0x142: {  	[bflag:$0x0] =	sbarrier.arrive $0xFFFF  }
0x143: {  	s15 =	rddreg [dreg:$0x7]  }
0x144: {  	[hbm:s15], [sflag:s9] =	dma.local [spmem:s13], $0xA00  }
0x145: {  	_ =	swait.ge [sflag:s14], $0xA00  }
0x146: {  	s31 =	sadd.s32 $0x1, s31;
	s24 =	rddreg [dreg:$0x6]  }
0x147: {  	p0 =	sne.s32 s31, s24  }
.Ltmp1:
0x148: {  	_ = 	snop;
	(pc) =	sbr.rel @p0 .LBB2_1-.Ltmp1, $3  }
0x149: {  	_ =	sdelay $0x1  }
0x14a: {  	[sflag:s14] =	ssyncset.done $0x0  }
0x14b: {  	[sflag:s14] =	ssyncadd.s32 $0xFFFFF600  }
0x14c: {  	_ =	sfence.sel $0x180000  }
0x14d: {  	[bflag:$0x0] =	sbarrier.arrive $0xFFFF  }
0x14e: {  	_ =	strace $0x9000004D  }
0x14f: {  	s0 =	stileid.u32;
	[bflag:$0x2] =	sbarrier.arrive $0xFFFF  }
0x150: {  	p0 =	sne.s32 s0, $0x0;
	s0 =	rddreg [dreg:$0x3]  }
0x151: {  	s0 =	sadd.s32 @!p0 $0x100000, s0  }
0x152: {  	[sflag:s0] =	ssyncadd.tile.s32 @!p0 $0x1;
	_ =	shalt  }
.Lfunc_end2:
_tile_overlayer_lowered:
.L_overlay_start_2:
0x153: {  	(tag) =	ssettag $0x2  }
0x154: {  	s0 =	rddreg [dreg:$0x0];
	s2 =	stileid.u32  }
0x155: {  	s1 =	rddreg [dreg:$0x1];
	p0 =	sne.s32 s2, $0x0  }
0x156: {  	s3 =	rddreg [dreg:$0x2];
	[bflag:$0x3] =	sbarrier.arrive $0xFFFF;
	s2 =	simm.s32 @!p0 $0x1C04  }
0x157: {  	[timem:s3], [sflag:s2] =	dma.local @!p0 [hbm:s0], s1  }
0x158: {  	s0 =	simm.s32 @!p0 $0x4  }
0x159: {  	_ =	swait.ge @!p0 [sflag:s0], s1  }
0x15a: {  	s1 =	ssub.s32 @!p0 $0x0, s1;
	[sflag:s0] =	ssyncset.done @!p0 $0x0  }
0x15b: {  	[sflag:s0] =	ssyncadd.s32 @!p0 s1  }
0x15c: {  	[bflag:$0x3] =	sbarrier.arrive $0xFFFF  }
0x15d: {  	_ =	shalt  }

// kernel: kernel.19.cloned.1.call-start
scs
__scs_entry_jumppad:
0x0: {  	(pc) =	sbr.rel $0x88, $3  }
0x1: {  	(tag) =	ssettag $0x0;
	lr =	simm.s32 $0x1  }
0x2: {  	[smem:$0x3F94] =	sst lr;
	_ =	strace $0xD0000000  }
0x3: {  	_ = 	snop  }
0x4: {  	_ = 	snop  }
0x5: {  	_ = 	snop  }
0x6: {  	_ = 	snop  }
0x7: {  	_ = 	snop  }
__scs_overlays_trampoline_lowered:
0x8: {  	[smem:$0x3FA3] =	sst s0  }
0x9: {  	[smem:$0x3FA4] =	sst s1  }
0xa: {  	[smem:$0x3FA5] =	sst s2  }
0xb: {  	[smem:$0x3FA6] =	sst s3  }
0xc: {  	[smem:$0x3FA7] =	sst s4  }
0xd: {  	[smem:$0x3FA8] =	sst s5  }
0xe: {  	[smem:$0x3FA9] =	sst s6  }
0xf: {  	[smem:$0x3FAA] =	sst s7  }
0x10: {  	[smem:$0x3FAB] =	sst s8  }
0x11: {  	[smem:$0x3FAC] =	sst s9;
	s0 =	simm.s32 @!p0 $0x0  }
0x12: {  	s1 =	sld [smem:$0x3F92];
	s0 =	simm.s32 @p0 $0x1  }
0x13: {  	[smem:$0x3FAD] =	sst s0;
	s0 =	simm.s32 @!p1 $0x0  }
0x14: {  	s2 =	sld [smem:$0x3F91];
	s0 =	simm.s32 @p1 $0x1  }
0x15: {  	[smem:$0x3FAE] =	sst s0;
	s0 =	simm.s32 @!p2 $0x0  }
0x16: {  	s3 =	sld [smem:$0x3FDB];
	s0 =	simm.s32 @p2 $0x1  }
0x17: {  	s4 =	simm.s32 $0x1BF5;
	[smem:$0x3FB0] =	sst s0  }
0x18: {  	s0 =	sld [smem:$0x3F93];
	_ =	swait.ge [sflag:s4], $0x0  }
0x19: {  	s7 =	sld [smem:$0x3F94]  }
0x1a: {  	s8 =	sadd.s32 $0xFFFFE003, lr  }
0x1b: {  	s9 =	sadd.s32 $0xFFFFFEF7, lr;
	s5 =	simm.s32 $0xFFFFFFFF;
	p2 =	slt.u32 s8, $0xFFFFF086  }
0x1c: {  	p1 =	slt.u32 s9, $0xF7A;
	s5 =	simm.s32 @!p2 $0x0  }
0x1d: {  	s5 =	simm.s32 @p1 $0x1;
	p0 =	seq.s32 s7, s2  }
0x1e: {  	s7 =	smul.u32 @!p0 $0xF7A, s2;
	p2 =	seq.s32 @!p0 s5, $0x0  }
0x1f: {  	s9 =	smul.u32 $0xF7A, s1;
	s8 =	simm.s32 @!p0 $0x1BF5;
	p2 =	por !p2, p0  }
0x20: {  	[sflag:s8] =	ssyncset.s32 @!p0 $0xFFFFF086;
	s6 =	sadd.s32 @!p0 s3, s7;
	s7 =	simm.s32 @!p0 $0x108  }
0x21: {  	s3 =	sadd.s32 s3, s9;
	s6 =	sadd.s32 @!p0 $0x88, s6;
	s7 =	simm.s32 @p2 $0x1082  }
0x22: {  	[simem:s7], [sflag:s8] =	dma.local @!p0 [hbm:s6], $0xF7A  }
0x23: {  	s9 =	sor.u32 $0xD0000000, s2;
	s6 =	simm.s32 $0x108;
	_ =	swait.ge @!p0 [sflag:s8], $0x0  }
0x24: {  	s3 =	sadd.s32 $0x88, s3;
	s6 =	simm.s32 @!p1 $0x1082;
	[sflag:s4] =	ssyncset.s32 $0xFFFFF086  }
0x25: {  	[simem:s6], [sflag:s4] =	dma.local [hbm:s3], $0xF7A  }
0x26: {  	[smem:$0x3F94] =	sst s1;
	(tag) =	ssettag s2;
	_ =	strace s9  }
0x27: {  	s1 =	sld [smem:$0x3FA4]  }
0x28: {  	s2 =	sld [smem:$0x3FA5]  }
0x29: {  	s4 =	sld [smem:$0x3FA7]  }
0x2a: {  	p0 =	seq.s32 s5, $0x0;
	s5 =	sld [smem:$0x3FA8]  }
0x2b: {  	s6 =	sld [smem:$0x3FA9]  }
0x2c: {  	s7 =	sld [smem:$0x3FAA]  }
0x2d: {  	s3 =	simm.s32 $0x108;
	s8 =	sld [smem:$0x3FAB]  }
0x2e: {  	s3 =	simm.s32 @!p0 $0x1082;
	s9 =	sld [smem:$0x3FAC]  }
0x2f: {  	lr =	sadd.s32 s0, s3;
	s0 =	sld [smem:$0x3FA3]  }
0x30: {  	s3 =	sld [smem:$0x3FA6]  }
0x31: {  	[smem:$0x3FAF] =	sst s10  }
0x32: {  	s10 =	sld [smem:$0x3FAD];
	_ =	sdelay $0x3  }
0x33: {  	p0 =	seq.s32 s10, $0x1;
	s10 =	sld [smem:$0x3FAF];
	_ =	sdelay $0x3  }
0x34: {  	[smem:$0x3FAF] =	sst s10  }
0x35: {  	s10 =	sld [smem:$0x3FAE];
	_ =	sdelay $0x3  }
0x36: {  	p1 =	seq.s32 s10, $0x1;
	s10 =	sld [smem:$0x3FAF];
	_ =	sdelay $0x3  }
0x37: {  	[smem:$0x3FAF] =	sst s10  }
0x38: {  	s10 =	sld [smem:$0x3FB0]  }
0x39: {  	_ = 	snop;
	(pc) =	sbr.ind lr, $3  }
0x3a: {  	_ = 	snop  }
0x3b: {  	_ = 	snop  }
0x3c: {  	p2 =	seq.s32 s10, $0x1;
	s10 =	sld [smem:$0x3FAF]  }
0x3d: {  	_ =	shalt  }
0x3e: {  	_ =	shalt  }
0x3f: {  	_ =	shalt  }
0x40: {  	_ =	shalt  }
0x41: {  	_ =	shalt  }
0x42: {  	_ =	shalt  }
0x43: {  	_ =	shalt  }
0x44: {  	_ =	shalt  }
0x45: {  	_ =	shalt  }
0x46: {  	_ =	shalt  }
0x47: {  	_ =	shalt  }
0x48: {  	_ =	shalt  }
0x49: {  	_ =	shalt  }
0x4a: {  	_ =	shalt  }
0x4b: {  	_ =	shalt  }
0x4c: {  	_ =	shalt  }
0x4d: {  	_ =	shalt  }
0x4e: {  	_ =	shalt  }
0x4f: {  	_ =	shalt  }
0x50: {  	_ =	shalt  }
0x51: {  	_ =	shalt  }
0x52: {  	_ =	shalt  }
0x53: {  	_ =	shalt  }
0x54: {  	_ =	shalt  }
0x55: {  	_ =	shalt  }
0x56: {  	_ =	shalt  }
0x57: {  	_ =	shalt  }
0x58: {  	_ =	shalt  }
0x59: {  	_ =	shalt  }
0x5a: {  	_ =	shalt  }
0x5b: {  	_ =	shalt  }
0x5c: {  	_ =	shalt  }
0x5d: {  	_ =	shalt  }
0x5e: {  	_ =	shalt  }
0x5f: {  	_ =	shalt  }
0x60: {  	_ =	shalt  }
0x61: {  	_ =	shalt  }
0x62: {  	_ =	shalt  }
0x63: {  	_ =	shalt  }
0x64: {  	_ =	shalt  }
0x65: {  	_ =	shalt  }
0x66: {  	_ =	shalt  }
0x67: {  	_ =	shalt  }
0x68: {  	_ =	shalt  }
0x69: {  	_ =	shalt  }
0x6a: {  	_ =	shalt  }
0x6b: {  	_ =	shalt  }
0x6c: {  	_ =	shalt  }
0x6d: {  	_ =	shalt  }
0x6e: {  	_ =	shalt  }
0x6f: {  	_ =	shalt  }
0x70: {  	_ =	shalt  }
0x71: {  	_ =	shalt  }
0x72: {  	_ =	shalt  }
0x73: {  	_ =	shalt  }
0x74: {  	_ =	shalt  }
0x75: {  	_ =	shalt  }
0x76: {  	_ =	shalt  }
0x77: {  	_ =	shalt  }
0x78: {  	_ =	shalt  }
0x79: {  	_ =	shalt  }
0x7a: {  	_ =	shalt  }
0x7b: {  	_ =	shalt  }
0x7c: {  	_ =	shalt  }
0x7d: {  	_ =	shalt  }
0x7e: {  	_ =	shalt  }
0x7f: {  	_ =	shalt  }
0x80: {  	_ =	shalt  }
0x81: {  	_ =	shalt  }
0x82: {  	_ =	shalt  }
0x83: {  	_ =	shalt  }
0x84: {  	_ =	shalt  }
0x85: {  	_ =	shalt  }
0x86: {  	_ =	shalt  }
0x87: {  	_ =	shalt  }
.Lfunc_end0:
.L_simem_size_0:
called_computation.3_lowered:
.L_overlay_start_0:
0x88: {  	s2 =	sld [smem:$0x3FD9]  }
0x89: {  	s3 =	sld [smem:$0x3FFE];
	_ =	sdelay $0x1  }
0x8a: {  	s1 =	srdreg.scid  }
0x8b: {  	s0 =	sand.u32 $0x1, s1  }
0x8c: {  	s16 =	sshll.u32 s0, $0xA;
	s2 =	sadd.s32 s3, s2  }
0x8d: {  	s2 =	sadd.s32 s2, s16  }
0x8e: {  	[smem:$0x3FBB] =	sst s2  }
0x8f: {  	_ = 	snop  }
0x90: {  	(tm) =	ssettm $0x1  }
0x91: {  	s17 =	sld [smem:$0x3FFB];
	_ =	sdelay $0x3  }
0x92: {  	_ =	strace s17  }
0x93: {  	s2 =	sld [smem:$0x3FFC];
	_ =	sdelay $0x3  }
0x94: {  	_ =	strace s2  }
0x95: {  	s2 =	sld [smem:$0x3FFD];
	_ =	sdelay $0x3  }
0x96: {  	_ =	strace s2  }
0x97: {  	_ =	strace $0x8FFFFFFF  }
0x98: {  	s18 =	sld [smem:$0x3FDB];
	_ =	sdelay $0x1  }
0x99: {  	s19 =	simm.s32 $_scs_section_size  }
0x9a: {  	s4 =	simm.s32 $_size__tile_overlayer_lowered;
	s5 =	simm.s32 $_tile_overlayer_lowered  }
0x9b: {  	s22 =	simm.s32 $0x1BFF;
	s21 =	sshll.u32 s5, $0x1;
	s2 =	sadd.s32 s19, s18  }
0x9c: {  	s6 =	simm.s32 $0x0;
	s20 =	sshll.u32 s4, $0x1;
	s4 =	sadd.s32 s21, s2  }
0x9d: {  	[timem:s6], [sflag:s22] =	dma.local [hbm:s4], s20  }
0x9e: {  	_ =	swait.ge [sflag:s22], s20  }
0x9f: {  	s3 =	ssub.s32 $0x0, s20;
	[sflag:s22] =	ssyncset.done $0x0  }
0xa0: {  	[sflag:s22] =	ssyncadd.s32 s3;
	_ =	sdelay $0x1  }
0xa1: {  	s23 =	simm.s32 $0x1B8B  }
0xa2: {  	_ =	swait.ge [sflag:s23], $0x1  }
0xa3: {  	[sflag:s23] =	ssyncset.done $0x0  }
0xa4: {  	s25 =	simm.s32 $0x1B8E;
	s24 =	sld [smem:$0x3FFE];
	[sflag:s23] =	ssyncadd.s32 $0xFFFFFFFF  }
0xa5: {  	s26 =	simm.s32 $execute0_lowered;
	[smem:$0x3FD2] =	sst s25  }
0xa6: {  	s4 =	sshll.u32 s26, $0x1;
	_ =	strace $0x8000004F;
	[dreg:$0x1] =	wrdreg $0xFFFFFFFF  }
0xa7: {  	s28 =	simm.s32 $_size_execute0_lowered;
	s2 =	sadd.s32 s2, s4;
	[dreg:$0x0] =	wrdreg $0x0  }
0xa8: {  	s4 =	sshll.u32 s28, $0x1;
	[dreg:$0x2] =	wrdreg s2  }
0xa9: {  	[dreg:$0x3] =	wrdreg s4  }
0xaa: {  	[dreg:$0x4] =	wrdreg $0xC0  }
0xab: {  	_ =	task [dreg:s6], $0x5FFFF  }
0xac: {  	[dreg:$0x1] =	wrdreg $0xFFFFFFFF  }
0xad: {  	[dreg:$0x0] =	wrdreg $0x60  }
0xae: {  	[dreg:$0x2] =	wrdreg s24  }
0xaf: {  	[dreg:$0x3] =	wrdreg $0x9  }
0xb0: {  	_ =	task.clear_ibuf [dreg:s6], $0x4FFFF;
	_ =	strace $0x9000004F  }
0xb1: {  	s29 =	simm.s32 $0x9;
	_ =	strace $0x80000051  }
0xb2: {  	_ =	swait.ge [sflag:s29], $0x1  }
0xb3: {  	[sflag:s29] =	ssyncadd.s32 $0xFFFFFFFF  }
0xb4: {  	_ =	strace $0x90000051  }
0xb5: {  	_ =	sfence  }
0xb6: {  	s30 =	sld [smem:$0x0];
	_ =	sdelay $0x2  }
0xb7: {  	s31 =	sshll.u32 s1, $0xD;
	s1 =	sshrl.u32 s1, $0x2  }
0xb8: {  	s3 =	sand.u32 $0x4000, s31;
	s1 =	sadd.s32 s1, s30  }
0xb9: {  	s0 =	sor.u32 s3, s0;
	s1 =	sshll.u32 s1, $0x11  }
0xba: {  	s0 =	sor.u32 s1, s0  }
0xbb: {  	s0 =	sadd.s32 $0x8F2B, s0  }
0xbc: {  	[sflag:s0] =	ssyncadd.remote.s32 $0x1  }
0xbd: {  	_ =	sfence.sel $0xFFFF  }
0xbe: {  	[dreg:$0x0] =	wrdreg $0xFFFFFFFF;
	(pc) =	sbr.abs _section_cstart, $3  }
0xbf: {  	[dreg:$0x1] =	wrdreg $0xFFFFFFFF  }
0xc0: {  	_ =	task.clear_ibuf [dreg:s6], $0x2FFFF;
	_ =	strace $0x9FFFFFFF  }
0xc1: {  	(tm) =	ssettm $0x7FFFFFFF  }
tec
execute0_lowered:
.L_overlay_start_1:
0x0: {  	(tag) =	ssettag $0x1  }
0x1: {  	s1 =	srdreg.scid;
	s0 =	stileid.u32  }
0x2: {  	s1 =	sand.u32 $0x1, s1;
	s2 =	sshll.u32 s0, $0x1  }
0x3: {  	s10 =	sor.u32 s1, s2  }
0x4: {  	s3 =	smul.u32 $0x1A0, s10  }
0x5: {  	s5 =	rddreg [dreg:$0x0];
	s4 =	smul.u32 $0xD000, s10  }
0x6: {  	s12 =	sadd.s32 $0x22C00, s5  }
0x7: {  	s2 =	simm.s32 $0x0;
	s3 =	sadd.s32 s3, s5;
	s4 =	sshrl.u32 s4, $0x3  }
0x8: {  	[smem:$0x7FF] =	sst s2;
	s6 =	sadd.s32 $0x1F800, s3;
	s3 =	sadd.s32 s12, s4  }
0x9: {  	_ =	strace $0x80000050;
	[dreg:$0x2] =	wrdreg s6;
	s4 =	sadd.s32 $0x1400, s3  }
0xa: {  	[dreg:$0x3] =	wrdreg s4  }
0xb: {  	s25 =	sadd.s32 $0x1600, s3;
	s6 =	rddreg [dreg:$0x2]  }
0xc: {  	s26 =	sadd.s32 $0x1800, s3;
	[dreg:$0x4] =	wrdreg s25  }
0xd: {  	[dreg:$0x5] =	wrdreg s26;
	s4 =	simm.s32 $0x3  }
0xe: {  	[tilespmem:s2], [sflag:$0x3] =	stream.linear.gather [hbm4b:s6+s2], $0xD00, $0x38;
	[tilespmem:$0x2D00] =	vst v63  }
0xf: {  	_ =	swait.ge [sflag:s4], $0xD00  }
0x10: {  	s7 =	simm.s32 $0xD00;
	[sflag:s4] =	ssyncset.done $0x0  }
0x11: {  	s5 =	sadd.s32 $0x1800, s5;
	s6 =	simm.s32 $0x100;
	[sflag:s4] =	ssyncadd.s32 $0xFFFFF300  }
0x12: {  	[tilespmem:s7], [sflag:$0x1] =	stream.indirect.gather [hbm4b:s5+s6], $0x10, s2, s6, $0xb8;
	[tilespmem:$0x2D00] =	vst v63  }
0x13: {  	s8 =	simm.s32 $0x1D00;
	s9 =	simm.s32 $0x1  }
0x14: {  	[tilespmem:s8], [sflag:$0x2] =	stream.indirect.gather [hbm4b:s5+s6], $0x10, s6, s6, $0xb8;
	[tilespmem:$0x2D00] =	vst v63  }
0x15: {  	_ =	swait.ge [sflag:s9], $0x1000  }
0x16: {  	[sflag:s9] =	ssyncset.done $0x0  }
0x17: {  	[sflag:s9] =	ssyncadd.s32 $0xFFFFF000  }
0x18: {  	[hbm4b:s3+s2] =	stream.linear.scatter [tilespmem:s7], [sflag:$0x3], $0x1000, $0x38;
	[tilespmem:$0x2D00] =	vst v63  }
0x19: {  	_ =	swait.ge [sflag:s4], $0x1000  }
0x1a: {  	s11 =	simm.s32 $0x2;
	[sflag:s4] =	ssyncset.done $0x0  }
0x1b: {  	s13 =	smul.u32 $0x1A00, s10;
	s10 =	simm.s32 $0x200;
	[sflag:s4] =	ssyncadd.s32 $0xFFFFF000  }
0x1c: {  	[tilespmem:s7], [sflag:$0x1] =	stream.indirect.gather [hbm4b:s5+s6], $0x10, s10, s6, $0xb8;
	[tilespmem:$0x2D00] =	vst v63  }
0x1d: {  	_ =	swait.ge [sflag:s11], $0x1000  }
0x1e: {  	s29 =	sadd.s32 s12, s13;
	[sflag:s11] =	ssyncset.done $0x0  }
0x1f: {  	s12 =	sadd.s32 $0x200, s29;
	[sflag:s11] =	ssyncadd.s32 $0xFFFFF000  }
0x20: {  	[hbm4b:s12+s2] =	stream.linear.scatter [tilespmem:s8], [sflag:$0x3], $0x1000, $0x38;
	[tilespmem:$0x2D00] =	vst v63  }
0x21: {  	_ =	swait.ge [sflag:s4], $0x1000  }
0x22: {  	[sflag:s4] =	ssyncset.done $0x0  }
0x23: {  	s13 =	simm.s32 $0x300;
	[sflag:s4] =	ssyncadd.s32 $0xFFFFF000  }
0x24: {  	[tilespmem:s8], [sflag:$0x2] =	stream.indirect.gather [hbm4b:s5+s6], $0x10, s13, s6, $0xb8;
	[tilespmem:$0x2D00] =	vst v63  }
0x25: {  	_ =	swait.ge [sflag:s9], $0x1000  }
0x26: {  	[sflag:s9] =	ssyncset.done $0x0  }
0x27: {  	s14 =	sadd.s32 $0x400, s3;
	[sflag:s9] =	ssyncadd.s32 $0xFFFFF000  }
0x28: {  	[hbm4b:s14+s2] =	stream.linear.scatter [tilespmem:s7], [sflag:$0x3], $0x1000, $0x38;
	[tilespmem:$0x2D00] =	vst v63  }
0x29: {  	_ =	swait.ge [sflag:s4], $0x1000  }
0x2a: {  	[sflag:s4] =	ssyncset.done $0x0  }
0x2b: {  	s15 =	simm.s32 $0x400;
	[sflag:s4] =	ssyncadd.s32 $0xFFFFF000  }
0x2c: {  	[tilespmem:s7], [sflag:$0x1] =	stream.indirect.gather [hbm4b:s5+s6], $0x10, s15, s6, $0xb8;
	[tilespmem:$0x2D00] =	vst v63  }
0x2d: {  	_ =	swait.ge [sflag:s11], $0x1000  }
0x2e: {  	[sflag:s11] =	ssyncset.done $0x0  }
0x2f: {  	s16 =	sadd.s32 $0x600, s29;
	[sflag:s11] =	ssyncadd.s32 $0xFFFFF000  }
0x30: {  	[hbm4b:s16+s2] =	stream.linear.scatter [tilespmem:s8], [sflag:$0x3], $0x1000, $0x38;
	[tilespmem:$0x2D00] =	vst v63  }
0x31: {  	_ =	swait.ge [sflag:s4], $0x1000  }
0x32: {  	[sflag:s4] =	ssyncset.done $0x0  }
0x33: {  	s17 =	simm.s32 $0x500;
	[sflag:s4] =	ssyncadd.s32 $0xFFFFF000  }
0x34: {  	[tilespmem:s8], [sflag:$0x2] =	stream.indirect.gather [hbm4b:s5+s6], $0x10, s17, s6, $0xb8;
	[tilespmem:$0x2D00] =	vst v63  }
0x35: {  	_ =	swait.ge [sflag:s9], $0x1000  }
0x36: {  	[sflag:s9] =	ssyncset.done $0x0  }
0x37: {  	s18 =	sadd.s32 $0x800, s3;
	[sflag:s9] =	ssyncadd.s32 $0xFFFFF000  }
0x38: {  	[hbm4b:s18+s2] =	stream.linear.scatter [tilespmem:s7], [sflag:$0x3], $0x1000, $0x38;
	[tilespmem:$0x2D00] =	vst v63  }
0x39: {  	_ =	swait.ge [sflag:s4], $0x1000  }
0x3a: {  	[sflag:s4] =	ssyncset.done $0x0  }
0x3b: {  	s19 =	simm.s32 $0x600;
	[sflag:s4] =	ssyncadd.s32 $0xFFFFF000  }
0x3c: {  	[tilespmem:s7], [sflag:$0x1] =	stream.indirect.gather [hbm4b:s5+s6], $0x10, s19, s6, $0xb8;
	[tilespmem:$0x2D00] =	vst v63  }
0x3d: {  	_ =	swait.ge [sflag:s11], $0x1000  }
0x3e: {  	[sflag:s11] =	ssyncset.done $0x0  }
0x3f: {  	s20 =	sadd.s32 $0xA00, s29;
	[sflag:s11] =	ssyncadd.s32 $0xFFFFF000  }
0x40: {  	[hbm4b:s20+s2] =	stream.linear.scatter [tilespmem:s8], [sflag:$0x3], $0x1000, $0x38;
	[tilespmem:$0x2D00] =	vst v63  }
0x41: {  	_ =	swait.ge [sflag:s4], $0x1000  }
0x42: {  	[sflag:s4] =	ssyncset.done $0x0  }
0x43: {  	s21 =	simm.s32 $0x700;
	[sflag:s4] =	ssyncadd.s32 $0xFFFFF000  }
0x44: {  	[tilespmem:s8], [sflag:$0x2] =	stream.indirect.gather [hbm4b:s5+s6], $0x10, s21, s6, $0xb8;
	[tilespmem:$0x2D00] =	vst v63  }
0x45: {  	_ =	swait.ge [sflag:s9], $0x1000  }
0x46: {  	[sflag:s9] =	ssyncset.done $0x0  }
0x47: {  	s22 =	sadd.s32 $0xC00, s3;
	[sflag:s9] =	ssyncadd.s32 $0xFFFFF000  }
0x48: {  	[hbm4b:s22+s2] =	stream.linear.scatter [tilespmem:s7], [sflag:$0x3], $0x1000, $0x38;
	[tilespmem:$0x2D00] =	vst v63  }
0x49: {  	_ =	swait.ge [sflag:s4], $0x1000  }
0x4a: {  	[sflag:s4] =	ssyncset.done $0x0  }
0x4b: {  	s23 =	simm.s32 $0x800;
	[sflag:s4] =	ssyncadd.s32 $0xFFFFF000  }
0x4c: {  	[tilespmem:s7], [sflag:$0x1] =	stream.indirect.gather [hbm4b:s5+s6], $0x10, s23, s6, $0xb8;
	[tilespmem:$0x2D00] =	vst v63  }
0x4d: {  	_ =	swait.ge [sflag:s11], $0x1000  }
0x4e: {  	[sflag:s11] =	ssyncset.done $0x0  }
0x4f: {  	s24 =	sadd.s32 $0xE00, s29;
	[sflag:s11] =	ssyncadd.s32 $0xFFFFF000  }
0x50: {  	[hbm4b:s24+s2] =	stream.linear.scatter [tilespmem:s8], [sflag:$0x3], $0x1000, $0x38;
	[tilespmem:$0x2D00] =	vst v63  }
0x51: {  	_ =	swait.ge [sflag:s4], $0x1000  }
0x52: {  	[sflag:s4] =	ssyncset.done $0x0  }
0x53: {  	s25 =	simm.s32 $0x900;
	[sflag:s4] =	ssyncadd.s32 $0xFFFFF000  }
0x54: {  	[tilespmem:s8], [sflag:$0x2] =	stream.indirect.gather [hbm4b:s5+s6], $0x10, s25, s6, $0xb8;
	[tilespmem:$0x2D00] =	vst v63  }
0x55: {  	_ =	swait.ge [sflag:s9], $0x1000  }
0x56: {  	[sflag:s9] =	ssyncset.done $0x0  }
0x57: {  	s26 =	sadd.s32 $0x1000, s3;
	[sflag:s9] =	ssyncadd.s32 $0xFFFFF000  }
0x58: {  	[hbm4b:s26+s2] =	stream.linear.scatter [tilespmem:s7], [sflag:$0x3], $0x1000, $0x38;
	[tilespmem:$0x2D00] =	vst v63  }
0x59: {  	_ =	swait.ge [sflag:s4], $0x1000  }
0x5a: {  	[sflag:s4] =	ssyncset.done $0x0  }
0x5b: {  	s28 =	simm.s32 $0xA00;
	[sflag:s4] =	ssyncadd.s32 $0xFFFFF000  }
0x5c: {  	[tilespmem:s7], [sflag:$0x1] =	stream.indirect.gather [hbm4b:s5+s6], $0x10, s28, s6, $0xb8;
	[tilespmem:$0x2D00] =	vst v63  }
0x5d: {  	_ =	swait.ge [sflag:s11], $0x1000  }
0x5e: {  	[sflag:s11] =	ssyncset.done $0x0  }
0x5f: {  	s29 =	sadd.s32 $0x1200, s29;
	[sflag:s11] =	ssyncadd.s32 $0xFFFFF000  }
0x60: {  	[hbm4b:s29+s2] =	stream.linear.scatter [tilespmem:s8], [sflag:$0x3], $0x1000, $0x38;
	[tilespmem:$0x2D00] =	vst v63  }
0x61: {  	_ =	swait.ge [sflag:s4], $0x1000  }
0x62: {  	[sflag:s4] =	ssyncset.done $0x0  }
0x63: {  	s30 =	simm.s32 $0xB00;
	[sflag:s4] =	ssyncadd.s32 $0xFFFFF000  }
0x64: {  	[tilespmem:s8], [sflag:$0x2] =	stream.indirect.gather [hbm4b:s5+s6], $0x10, s30, s6, $0xb8;
	[tilespmem:$0x2D00] =	vst v63  }
0x65: {  	_ =	swait.ge [sflag:s9], $0x1000  }
0x66: {  	[sflag:s9] =	ssyncset.done $0x0  }
0x67: {  	s31 =	rddreg [dreg:$0x3];
	[sflag:s9] =	ssyncadd.s32 $0xFFFFF000  }
0x68: {  	[hbm4b:s31+s2] =	stream.linear.scatter [tilespmem:s7], [sflag:$0x3], $0x1000, $0x38;
	[tilespmem:$0x2D00] =	vst v63  }
0x69: {  	_ =	swait.ge [sflag:s4], $0x1000  }
0x6a: {  	[sflag:s4] =	ssyncset.done $0x0  }
0x6b: {  	s31 =	simm.s32 $0xC00;
	[sflag:s4] =	ssyncadd.s32 $0xFFFFF000  }
0x6c: {  	[tilespmem:s7], [sflag:$0x1] =	stream.indirect.gather [hbm4b:s5+s6], $0x10, s31, s6, $0xb8;
	[tilespmem:$0x2D00] =	vst v63  }
0x6d: {  	_ =	swait.ge [sflag:s11], $0x1000  }
0x6e: {  	[sflag:s11] =	ssyncset.done $0x0  }
0x6f: {  	s0 =	rddreg [dreg:$0x4];
	[sflag:s11] =	ssyncadd.s32 $0xFFFFF000  }
0x70: {  	[hbm4b:s0+s2] =	stream.linear.scatter [tilespmem:s8], [sflag:$0x3], $0x1000, $0x38;
	[tilespmem:$0x2D00] =	vst v63  }
0x71: {  	_ =	swait.ge [sflag:s4], $0x1000  }
0x72: {  	[sflag:s4] =	ssyncset.done $0x0  }
0x73: {  	[sflag:s4] =	ssyncadd.s32 $0xFFFFF000  }
0x74: {  	_ =	swait.ge [sflag:s9], $0x1000  }
0x75: {  	s0 =	ssub.s32 $0x2, s1;
	s1 =	rddreg [dreg:$0x5]  }
0x76: {  	[dreg:$0x6] =	wrdreg s1;
	s1 =	sshrl.u32 s0, $0x1  }
0x77: {  	s0 =	ssub.s32 s0, s1  }
0x78: {  	s0 =	smax.u32 s0, $0x1  }
0x79: {  	p0 =	sne.s32 s0, $0x1  }
.Ltmp0:
0x7a: {  	_ = 	snop;
	(pc) =	sbr.rel @!p0 .LBB2_2-.Ltmp0, $4  }
0x7b: {  	[sflag:s9] =	ssyncset.done $0x0  }
0x7c: {  	[sflag:s9] =	ssyncadd.s32 $0xFFFFF000;
	s1 =	rddreg [dreg:$0x6]  }
0x7d: {  	[hbm4b:s1+s2] =	stream.linear.scatter [tilespmem:s7], [sflag:$0x3], $0x1000, $0x38;
	[tilespmem:$0x2D00] =	vst v63  }
0x7e: {  	s1 =	sadd.s32 $0xFFFFFFFF, s0;
	_ =	swait.ge [sflag:s4], $0x1000  }
.LBB2_1:
0x7f: {  	[sflag:s4] =	ssyncset.done $0x0  }
0x80: {  	s0 =	rddreg [dreg:$0x2];
	[sflag:s4] =	ssyncadd.s32 $0xFFFFF000  }
0x81: {  	[tilespmem:s2], [sflag:$0x3] =	stream.linear.gather [hbm4b:s0+s2], $0xD00, $0x38;
	[tilespmem:$0x2D00] =	vst v63  }
0x82: {  	_ =	swait.ge [sflag:s4], $0xD00  }
0x83: {  	[sflag:s4] =	ssyncset.done $0x0  }
0x84: {  	[sflag:s4] =	ssyncadd.s32 $0xFFFFF300  }
0x85: {  	[tilespmem:s7], [sflag:$0x1] =	stream.indirect.gather [hbm4b:s5+s6], $0x10, s2, s6, $0xb8;
	[tilespmem:$0x2D00] =	vst v63  }
0x86: {  	_ = 	snop  }
0x87: {  	[tilespmem:s8], [sflag:$0x2] =	stream.indirect.gather [hbm4b:s5+s6], $0x10, s6, s6, $0xb8;
	[tilespmem:$0x2D00] =	vst v63  }
0x88: {  	_ =	swait.ge [sflag:s9], $0x1000  }
0x89: {  	[sflag:s9] =	ssyncset.done $0x0  }
0x8a: {  	[sflag:s9] =	ssyncadd.s32 $0xFFFFF000  }
0x8b: {  	[hbm4b:s3+s2] =	stream.linear.scatter [tilespmem:s7], [sflag:$0x3], $0x1000, $0x38;
	[tilespmem:$0x2D00] =	vst v63  }
0x8c: {  	_ =	swait.ge [sflag:s4], $0x1000  }
0x8d: {  	[sflag:s4] =	ssyncset.done $0x0  }
0x8e: {  	[sflag:s4] =	ssyncadd.s32 $0xFFFFF000  }
0x8f: {  	[tilespmem:s7], [sflag:$0x1] =	stream.indirect.gather [hbm4b:s5+s6], $0x10, s10, s6, $0xb8;
	[tilespmem:$0x2D00] =	vst v63  }
0x90: {  	_ =	swait.ge [sflag:s11], $0x1000  }
0x91: {  	[sflag:s11] =	ssyncset.done $0x0  }
0x92: {  	[sflag:s11] =	ssyncadd.s32 $0xFFFFF000  }
0x93: {  	[hbm4b:s12+s2] =	stream.linear.scatter [tilespmem:s8], [sflag:$0x3], $0x1000, $0x38;
	[tilespmem:$0x2D00] =	vst v63  }
0x94: {  	_ =	swait.ge [sflag:s4], $0x1000  }
0x95: {  	[sflag:s4] =	ssyncset.done $0x0  }
0x96: {  	[sflag:s4] =	ssyncadd.s32 $0xFFFFF000  }
0x97: {  	[tilespmem:s8], [sflag:$0x2] =	stream.indirect.gather [hbm4b:s5+s6], $0x10, s13, s6, $0xb8;
	[tilespmem:$0x2D00] =	vst v63  }
0x98: {  	_ =	swait.ge [sflag:s9], $0x1000  }
0x99: {  	[sflag:s9] =	ssyncset.done $0x0  }
0x9a: {  	[sflag:s9] =	ssyncadd.s32 $0xFFFFF000  }
0x9b: {  	[hbm4b:s14+s2] =	stream.linear.scatter [tilespmem:s7], [sflag:$0x3], $0x1000, $0x38;
	[tilespmem:$0x2D00] =	vst v63  }
0x9c: {  	_ =	swait.ge [sflag:s4], $0x1000  }
0x9d: {  	[sflag:s4] =	ssyncset.done $0x0  }
0x9e: {  	[sflag:s4] =	ssyncadd.s32 $0xFFFFF000  }
0x9f: {  	[tilespmem:s7], [sflag:$0x1] =	stream.indirect.gather [hbm4b:s5+s6], $0x10, s15, s6, $0xb8;
	[tilespmem:$0x2D00] =	vst v63  }
0xa0: {  	_ =	swait.ge [sflag:s11], $0x1000  }
0xa1: {  	[sflag:s11] =	ssyncset.done $0x0  }
0xa2: {  	[sflag:s11] =	ssyncadd.s32 $0xFFFFF000  }
0xa3: {  	[hbm4b:s16+s2] =	stream.linear.scatter [tilespmem:s8], [sflag:$0x3], $0x1000, $0x38;
	[tilespmem:$0x2D00] =	vst v63  }
0xa4: {  	_ =	swait.ge [sflag:s4], $0x1000  }
0xa5: {  	[sflag:s4] =	ssyncset.done $0x0  }
0xa6: {  	[sflag:s4] =	ssyncadd.s32 $0xFFFFF000  }
0xa7: {  	[tilespmem:s8], [sflag:$0x2] =	stream.indirect.gather [hbm4b:s5+s6], $0x10, s17, s6, $0xb8;
	[tilespmem:$0x2D00] =	vst v63  }
0xa8: {  	_ =	swait.ge [sflag:s9], $0x1000  }
0xa9: {  	[sflag:s9] =	ssyncset.done $0x0  }
0xaa: {  	[sflag:s9] =	ssyncadd.s32 $0xFFFFF000  }
0xab: {  	[hbm4b:s18+s2] =	stream.linear.scatter [tilespmem:s7], [sflag:$0x3], $0x1000, $0x38;
	[tilespmem:$0x2D00] =	vst v63  }
0xac: {  	_ =	swait.ge [sflag:s4], $0x1000  }
0xad: {  	[sflag:s4] =	ssyncset.done $0x0  }
0xae: {  	[sflag:s4] =	ssyncadd.s32 $0xFFFFF000  }
0xaf: {  	[tilespmem:s7], [sflag:$0x1] =	stream.indirect.gather [hbm4b:s5+s6], $0x10, s19, s6, $0xb8;
	[tilespmem:$0x2D00] =	vst v63  }
0xb0: {  	_ =	swait.ge [sflag:s11], $0x1000  }
0xb1: {  	[sflag:s11] =	ssyncset.done $0x0  }
0xb2: {  	[sflag:s11] =	ssyncadd.s32 $0xFFFFF000  }
0xb3: {  	[hbm4b:s20+s2] =	stream.linear.scatter [tilespmem:s8], [sflag:$0x3], $0x1000, $0x38;
	[tilespmem:$0x2D00] =	vst v63  }
0xb4: {  	_ =	swait.ge [sflag:s4], $0x1000  }
0xb5: {  	[sflag:s4] =	ssyncset.done $0x0  }
0xb6: {  	[sflag:s4] =	ssyncadd.s32 $0xFFFFF000  }
0xb7: {  	[tilespmem:s8], [sflag:$0x2] =	stream.indirect.gather [hbm4b:s5+s6], $0x10, s21, s6, $0xb8;
	[tilespmem:$0x2D00] =	vst v63  }
0xb8: {  	_ =	swait.ge [sflag:s9], $0x1000  }
0xb9: {  	[sflag:s9] =	ssyncset.done $0x0  }
0xba: {  	[sflag:s9] =	ssyncadd.s32 $0xFFFFF000  }
0xbb: {  	[hbm4b:s22+s2] =	stream.linear.scatter [tilespmem:s7], [sflag:$0x3], $0x1000, $0x38;
	[tilespmem:$0x2D00] =	vst v63  }
0xbc: {  	_ =	swait.ge [sflag:s4], $0x1000  }
0xbd: {  	[sflag:s4] =	ssyncset.done $0x0  }
0xbe: {  	[sflag:s4] =	ssyncadd.s32 $0xFFFFF000  }
0xbf: {  	[tilespmem:s7], [sflag:$0x1] =	stream.indirect.gather [hbm4b:s5+s6], $0x10, s23, s6, $0xb8;
	[tilespmem:$0x2D00] =	vst v63  }
0xc0: {  	_ =	swait.ge [sflag:s11], $0x1000  }
0xc1: {  	[sflag:s11] =	ssyncset.done $0x0  }
0xc2: {  	[sflag:s11] =	ssyncadd.s32 $0xFFFFF000  }
0xc3: {  	[hbm4b:s24+s2] =	stream.linear.scatter [tilespmem:s8], [sflag:$0x3], $0x1000, $0x38;
	[tilespmem:$0x2D00] =	vst v63  }
0xc4: {  	_ =	swait.ge [sflag:s4], $0x1000  }
0xc5: {  	[sflag:s4] =	ssyncset.done $0x0  }
0xc6: {  	[sflag:s4] =	ssyncadd.s32 $0xFFFFF000  }
0xc7: {  	[tilespmem:s8], [sflag:$0x2] =	stream.indirect.gather [hbm4b:s5+s6], $0x10, s25, s6, $0xb8;
	[tilespmem:$0x2D00] =	vst v63  }
0xc8: {  	_ =	swait.ge [sflag:s9], $0x1000  }
0xc9: {  	[sflag:s9] =	ssyncset.done $0x0  }
0xca: {  	[sflag:s9] =	ssyncadd.s32 $0xFFFFF000  }
0xcb: {  	[hbm4b:s26+s2] =	stream.linear.scatter [tilespmem:s7], [sflag:$0x3], $0x1000, $0x38;
	[tilespmem:$0x2D00] =	vst v63  }
0xcc: {  	_ =	swait.ge [sflag:s4], $0x1000  }
0xcd: {  	[sflag:s4] =	ssyncset.done $0x0  }
0xce: {  	[sflag:s4] =	ssyncadd.s32 $0xFFFFF000  }
0xcf: {  	[tilespmem:s7], [sflag:$0x1] =	stream.indirect.gather [hbm4b:s5+s6], $0x10, s28, s6, $0xb8;
	[tilespmem:$0x2D00] =	vst v63  }
0xd0: {  	_ =	swait.ge [sflag:s11], $0x1000  }
0xd1: {  	[sflag:s11] =	ssyncset.done $0x0  }
0xd2: {  	[sflag:s11] =	ssyncadd.s32 $0xFFFFF000  }
0xd3: {  	[hbm4b:s29+s2] =	stream.linear.scatter [tilespmem:s8], [sflag:$0x3], $0x1000, $0x38;
	[tilespmem:$0x2D00] =	vst v63  }
0xd4: {  	_ =	swait.ge [sflag:s4], $0x1000  }
0xd5: {  	[sflag:s4] =	ssyncset.done $0x0  }
0xd6: {  	[sflag:s4] =	ssyncadd.s32 $0xFFFFF000  }
0xd7: {  	[tilespmem:s8], [sflag:$0x2] =	stream.indirect.gather [hbm4b:s5+s6], $0x10, s30, s6, $0xb8;
	[tilespmem:$0x2D00] =	vst v63  }
0xd8: {  	_ =	swait.ge [sflag:s9], $0x1000  }
0xd9: {  	[sflag:s9] =	ssyncset.done $0x0  }
0xda: {  	s0 =	rddreg [dreg:$0x3];
	[sflag:s9] =	ssyncadd.s32 $0xFFFFF000  }
0xdb: {  	[hbm4b:s0+s2] =	stream.linear.scatter [tilespmem:s7], [sflag:$0x3], $0x1000, $0x38;
	[tilespmem:$0x2D00] =	vst v63  }
0xdc: {  	_ =	swait.ge [sflag:s4], $0x1000  }
0xdd: {  	[sflag:s4] =	ssyncset.done $0x0  }
0xde: {  	[sflag:s4] =	ssyncadd.s32 $0xFFFFF000  }
0xdf: {  	[tilespmem:s7], [sflag:$0x1] =	stream.indirect.gather [hbm4b:s5+s6], $0x10, s31, s6, $0xb8;
	[tilespmem:$0x2D00] =	vst v63  }
0xe0: {  	_ =	swait.ge [sflag:s11], $0x1000  }
0xe1: {  	[sflag:s11] =	ssyncset.done $0x0  }
0xe2: {  	s0 =	rddreg [dreg:$0x4];
	[sflag:s11] =	ssyncadd.s32 $0xFFFFF000  }
0xe3: {  	[hbm4b:s0+s2] =	stream.linear.scatter [tilespmem:s8], [sflag:$0x3], $0x1000, $0x38;
	[tilespmem:$0x2D00] =	vst v63  }
0xe4: {  	_ =	swait.ge [sflag:s4], $0x1000  }
0xe5: {  	[sflag:s4] =	ssyncset.done $0x0  }
0xe6: {  	p0 =	sne.s32 s1, $0x1;
	[sflag:s4] =	ssyncadd.s32 $0xFFFFF000  }
.Ltmp1:
0xe7: {  	_ =	swait.ge [sflag:s9], $0x1000;
	(pc) =	sbr.rel @p0 .LBB2_1-.Ltmp1, $4  }
0xe8: {  	[sflag:s9] =	ssyncset.done $0x0  }
0xe9: {  	s0 =	rddreg [dreg:$0x5];
	[sflag:s9] =	ssyncadd.s32 $0xFFFFF000  }
0xea: {  	[hbm4b:s0+s2] =	stream.linear.scatter [tilespmem:s7], [sflag:$0x3], $0x1000, $0x38;
	[tilespmem:$0x2D00] =	vst v63  }
0xeb: {  	s1 =	sadd.s32 $0xFFFFFFFF, s1;
	_ =	swait.ge [sflag:s4], $0x1000  }
.LBB2_2:
0xec: {  	[sflag:s4] =	ssyncset.done $0x0  }
0xed: {  	[sflag:s4] =	ssyncadd.s32 $0xFFFFF000  }
0xee: {  	_ =	sfence.sel $0x180000  }
0xef: {  	[bflag:$0x0] =	sbarrier.arrive $0xFFFF  }
0xf0: {  	_ =	strace $0x90000050  }
0xf1: {  	s0 =	stileid.u32;
	[bflag:$0x2] =	sbarrier.arrive $0xFFFF  }
0xf2: {  	p0 =	sne.s32 s0, $0x0;
	s0 =	rddreg [dreg:$0x1]  }
0xf3: {  	s0 =	sadd.s32 @!p0 $0x100000, s0  }
0xf4: {  	[sflag:s0] =	ssyncadd.tile.s32 @!p0 $0x1;
	_ =	shalt  }
.Lfunc_end2:
_tile_overlayer_lowered:
.L_overlay_start_2:
0xf5: {  	(tag) =	ssettag $0x2  }
0xf6: {  	s0 =	rddreg [dreg:$0x0];
	s2 =	stileid.u32  }
0xf7: {  	s1 =	rddreg [dreg:$0x1];
	p0 =	sne.s32 s2, $0x0  }
0xf8: {  	s3 =	rddreg [dreg:$0x2];
	[bflag:$0x3] =	sbarrier.arrive $0xFFFF;
	s2 =	simm.s32 @!p0 $0x1C03  }
0xf9: {  	[timem:s3], [sflag:s2] =	dma.local @!p0 [hbm:s0], s1  }
0xfa: {  	s0 =	simm.s32 @!p0 $0x3  }
0xfb: {  	_ =	swait.ge @!p0 [sflag:s0], s1  }
0xfc: {  	s1 =	ssub.s32 @!p0 $0x0, s1;
	[sflag:s0] =	ssyncset.done @!p0 $0x0  }
0xfd: {  	[sflag:s0] =	ssyncadd.s32 @!p0 s1  }
0xfe: {  	[bflag:$0x3] =	sbarrier.arrive $0xFFFF  }
0xff: {  	_ =	shalt  }

</sc_bundles>
